<compile_context>
chip_gen: v7x
topology: tpu7x:2x2x1
jax: 0.10.2.dev20260603
libtpu: 0.0.44.dev20260713+nightly
codegen_flags: <defaults>
</compile_context>

<pallas_src>
import functools

import jax
import jax.numpy as jnp
from jax import lax
from jax.experimental import pallas as pl
from jax.experimental.pallas import tpu as pltpu
from jax.experimental.pallas import tpu_sc as plsc

NC = 2
NS = 16
L = 16
NW = NC * NS

BATCH = 16384
H_FEAT = 64
N_CLASSES = 2
BPW = BATCH // NW
NNODE = 1_000_000
SLABW = 512
NDC = 1953
TAIL0 = NDC * SLABW
NSLAB = 62
CAP = 1280
WIN = 128
DUMMY = 2 * BATCH
VROWS = 2 * BATCH + 8
SENTINEL = 1 << 29

_mesh = plsc.VectorSubcoreMesh(core_axis_name="c", subcore_axis_name="s")
_cparams = pltpu.CompilerParams(
    needs_layout_passes=False, use_tc_tiling_on_sc=True)


def _phase_a_body(embT_hbm, tail_hbm, ids_hbm, slots_hbm, starts_hbm,
                  out_hbm, ids_v, slots_v, tail_v, slab_v, colbuf, slotw,
                  starts_v, sem):
    wid = lax.axis_index("s") * NC + lax.axis_index("c")
    pltpu.sync_copy(starts_hbm, starts_v)
    pltpu.sync_copy(tail_hbm, tail_v)

    lane = lax.iota(jnp.int32, L)
    dummyvec = jnp.full((L,), DUMMY, jnp.int32)
    stc = (wid * NDC) // NW

    svec = jnp.where(lane == (wid % L),
                     starts_v[pl.ds((wid // L) * L, L)], 0)
    start = jnp.sum(svec)
    sa = pl.multiple_of((start // 8) * 8, 8)
    pltpu.sync_copy(ids_hbm.at[pl.ds(sa, CAP + 24)], ids_v)
    pltpu.sync_copy(slots_hbm.at[pl.ds(sa, CAP + 24)], slots_v)

    def initw(i, carry):
        slotw[0, pl.ds(i * L, L)] = dummyvec
        slotw[1, pl.ds(i * L, L)] = dummyvec
        return carry

    lax.fori_loop(0, WIN // L, initw, 0)

    def fire(c, slot):
        dc = jnp.minimum(stc + c, NDC - 1)
        for tr in range(8):
            pltpu.async_copy(
                embT_hbm.at[pl.ds(tr * 8, 8), pl.ds(dc * SLABW, SLABW)],
                slab_v.at[slot, pl.ds(tr * 8, 8), pl.ds(0, SLABW)], sem)

    def drain(slot):
        for tr in range(8):
            pltpu.make_async_copy(
                embT_hbm.at[pl.ds(0, 8), pl.ds(0, SLABW)],
                slab_v.at[slot, pl.ds(tr * 8, 8), pl.ds(0, SLABW)],
                sem).wait()

    def read_id(p):
        pa = (p // L) * L
        vec = ids_v[pl.ds(pa, L)]
        return jnp.sum(jnp.where(lane == (p % L), vec, 0))

    def note_slot(pp):
        pa = (pp // L) * L
        svals = slots_v[pl.ds(pa, L)]
        pr = pp % (2 * WIN)
        plsc.store_scatter(
            slotw,
            [jnp.full((L,), pr // WIN, jnp.int32),
             jnp.full((L,), pr % WIN, jnp.int32)],
            svals,
            mask=lane == (pp % L))

    def flush(pfx):
        win = pfx % (2 * WIN)
        pltpu.sync_copy(
            colbuf.at[pl.ds(pl.multiple_of(win, WIN), WIN)],
            out_hbm.at[slotw.at[win // WIN]])

        def rst(i, carry):
            plsc.store_scatter(
                slotw,
                [jnp.full((L,), win // WIN, jnp.int32), i * L + lane],
                dummyvec)
            return carry

        lax.fori_loop(0, WIN // L, rst, 0)

    def skcond(st):
        pp, idv = st
        return idv < stc * SLABW

    def skbody(st):
        pp, _ = st
        return pp + 1, read_id(pp + 1)

    p0, idv0 = lax.while_loop(skcond, skbody, (start - sa, read_id(start - sa)))
    pf0 = (p0 // WIN) * WIN

    def slab_join(c, carry):
        p, idv, pf = carry
        slot = c % 2
        fire(c + 1, (c + 1) % 2)
        drain(slot)
        slab_end = jnp.minimum(stc + c + 1, NDC) * SLABW

        def cond(st):
            pp, iv = st
            return iv < slab_end

        def body(st):
            pp, iv = st
            l = iv - (stc + c) * SLABW
            row = pp % (2 * WIN)
            for k in range(H_FEAT // L):
                ch = plsc.load_gather(
                    slab_v, [jnp.full((L,), slot, jnp.int32),
                             k * L + lane,
                             jnp.full((L,), l, jnp.int32)])
                colbuf[row, pl.ds(k * L, L)] = ch
            note_slot(pp)
            return pp + 1, read_id(pp + 1)

        p, idv = lax.while_loop(cond, body, (p, idv))

        def fcond(st):
            pp, pfx = st
            return pfx + WIN <= pp

        def fbody(st):
            pp, pfx = st
            flush(pfx)
            return pp, pfx + WIN

        p, pf = lax.while_loop(fcond, fbody, (p, pf))
        return p, idv, pf

    fire(0, 0)
    p, idv, pf = lax.fori_loop(0, NSLAB, slab_join, (p0, idv0, pf0))
    drain(NSLAB % 2)

    def tcond(st):
        pp, iv = st
        return jnp.logical_and(iv >= TAIL0, iv < SENTINEL)

    def tbody(st):
        pp, iv = st
        r = iv - TAIL0
        row = pp % (2 * WIN)
        for k in range(H_FEAT // L):
            ch = plsc.load_gather(
                tail_v, [jnp.full((L,), r, jnp.int32), k * L + lane])
            colbuf[row, pl.ds(k * L, L)] = ch
        note_slot(pp)
        return pp + 1, read_id(pp + 1)

    p, idv = lax.while_loop(tcond, tbody, (p, idv))

    @pl.when(pf < p)
    def _():
        flush(pf)

    @pl.when(pf + WIN < p)
    def _():
        flush(pf + WIN)


_phase_a = functools.partial(
    pl.kernel,
    out_type=jax.ShapeDtypeStruct((VROWS, 128), jnp.float32),
    mesh=_mesh,
    compiler_params=_cparams,
    scratch_types=[
        pltpu.VMEM((CAP + 24,), jnp.int32),
        pltpu.VMEM((CAP + 24,), jnp.int32),
        pltpu.VMEM((64, H_FEAT), jnp.float32),
        pltpu.VMEM((2, H_FEAT, SLABW + 1), jnp.float32),
        pltpu.VMEM((2 * WIN, 128), jnp.float32),
        pltpu.VMEM((2, WIN), jnp.int32),
        pltpu.VMEM((NW,), jnp.int32),
        pltpu.SemaphoreType.DMA,
    ],
)(_phase_a_body)


def _phase_b_body(vals_hbm, w_hbm, b_hbm, out_hbm,
                  chunk_v, wv, bv, outv, sem):
    wid = lax.axis_index("s") * NC + lax.axis_index("c")
    pltpu.sync_copy(w_hbm, wv)
    pltpu.sync_copy(b_hbm, bv)

    bvec = bv[...]
    nck = H_FEAT // L
    w0c = [wv[0, pl.ds(k * L, L)] for k in range(nck)]
    w1c = [wv[1, pl.ds(k * L, L)] for k in range(nck)]
    b0vec = jnp.full((L,), bvec[0], jnp.float32)
    b1vec = jnp.full((L,), bvec[1], jnp.float32)
    lane = lax.iota(jnp.int32, L)
    mask_hi = lane == (L - 1)

    NED = 128
    NCH = BPW // NED

    def fire(c, slot):
        cc = jnp.minimum(c, NCH - 1)
        pltpu.async_copy(
            vals_hbm.at[pl.ds(wid * 2 * BPW + cc * 2 * NED, 2 * NED)],
            chunk_v.at[slot], sem)

    def drain(slot):
        pltpu.make_async_copy(vals_hbm.at[pl.ds(0, 2 * NED)],
                              chunk_v.at[slot], sem).wait()

    def chunk(c, carry):
        slot = c % 2
        fire(c + 1, (c + 1) % 2)
        drain(slot)

        def grp(g, carry2):
            e0 = g * L
            for ln in range(L):
                r = 2 * (e0 + ln)
                t0 = None
                t1 = None
                for k in range(nck):
                    cd = (chunk_v[slot, r, pl.ds(k * L, L)]
                          * chunk_v[slot, r + 1, pl.ds(k * L, L)])
                    p0 = cd * w0c[k]
                    p1 = cd * w1c[k]
                    t0 = p0 if t0 is None else t0 + p0
                    t1 = p1 if t1 is None else t1 + p1
                cs0 = plsc.cumsum(t0) + b0vec
                cs1 = plsc.cumsum(t1) + b1vec
                oidx = jnp.full((L,), c * NED + e0 + ln, jnp.int32)
                plsc.store_scatter(outv, [oidx], cs0, mask=mask_hi)
                plsc.store_scatter(outv, [oidx + BPW], cs1, mask=mask_hi)
            return carry2

        lax.fori_loop(0, NED // L, grp, 0)
        return carry

    fire(0, 0)
    lax.fori_loop(0, NCH, chunk, 0)
    drain(NCH % 2)
    pltpu.sync_copy(outv.at[pl.ds(0, BPW)],
                    out_hbm.at[0, pl.ds(wid * BPW, BPW)])
    pltpu.sync_copy(outv.at[pl.ds(BPW, BPW)],
                    out_hbm.at[1, pl.ds(wid * BPW, BPW)])


_phase_b = functools.partial(
    pl.kernel,
    out_type=jax.ShapeDtypeStruct((N_CLASSES, BATCH), jnp.float32),
    mesh=_mesh,
    compiler_params=_cparams,
    scratch_types=[
        pltpu.VMEM((2, 256, 128), jnp.float32),
        pltpu.VMEM((N_CLASSES, H_FEAT), jnp.float32),
        pltpu.VMEM((L,), jnp.float32),
        pltpu.VMEM((BATCH * N_CLASSES // NW,), jnp.float32),
        pltpu.SemaphoreType.DMA,
    ],
)(_phase_b_body)


def kernel(src_id, dst_id, embedding, W, b):
    src_id = src_id.astype(jnp.int32)
    dst_id = dst_id.astype(jnp.int32)
    ar = jnp.arange(BATCH, dtype=jnp.int32)
    ids_all = jnp.concatenate([src_id, dst_id])
    slots_all = jnp.concatenate([2 * ar, 2 * ar + 1])
    ids_s, slots_s = lax.sort([ids_all, slots_all], num_keys=1)

    ids_ext = jnp.concatenate(
        [ids_s, jnp.full((CAP + 24,), SENTINEL, jnp.int32)])
    slots_ext = jnp.concatenate(
        [slots_s, jnp.full((CAP + 24,), DUMMY, jnp.int32)])

    bounds = ((jnp.arange(NW, dtype=jnp.int32) * NDC) // NW) * SLABW
    starts = jnp.searchsorted(
        ids_s, bounds, method="compare_all").astype(jnp.int32)

    tail_rows = lax.slice(embedding, (TAIL0, 0), (NNODE, H_FEAT))
    vals = _phase_a(embedding.T, tail_rows, ids_ext, slots_ext, starts)
    b_pad = jnp.zeros((L,), jnp.float32).at[:N_CLASSES].set(b)
    out_cm = _phase_b(vals, W, b_pad)
    return out_cm.T

# --- scband reference (transcript-rebuilt; emitter-appended) ---
"""Pipeline reference for scband-model-22582938043142 (READ-ONLY COPY).

The authoritative reference and input builder live on the scoring server;
editing this copy changes nothing except your own understanding.
"""

import jax, jax.numpy as jnp
import numpy as np

N_NODES = 1000000
H_FEAT = 64
N_CLASSES = 2
BATCH = 16384

def setup_inputs(seed: int = 0) -> dict:
    key = jax.random.key(seed)
    k1, k2, k3, k4, k5 = jax.random.split(key, 5)
    src_id = jax.random.randint(k1, (BATCH,), 0, N_NODES, dtype=jnp.int64 if jax.config.jax_enable_x64 else jnp.int32)
    dst_id = jax.random.randint(k2, (BATCH,), 0, N_NODES, dtype=jnp.int64 if jax.config.jax_enable_x64 else jnp.int32)
    embedding = jax.random.normal(k3, (N_NODES, H_FEAT), dtype=jnp.float32) * 0.1
    W = jax.random.normal(k4, (N_CLASSES, H_FEAT), dtype=jnp.float32) * (1.0 / np.sqrt(H_FEAT))
    b = jax.random.normal(k5, (N_CLASSES,), dtype=jnp.float32) * 0.01
    return {"src_id": src_id, "dst_id": dst_id, "embedding": embedding, "W": W, "b": b}

def reference(src_id, dst_id, embedding, W, b):
    # edge_encoder: gather node embeddings for src/dst endpoints of each edge
    src = jnp.take(embedding, src_id, axis=0)
    dst = jnp.take(embedding, dst_id, axis=0)
    # encoding_method == 'Hadamard'
    codes = src * dst
    # self.pred: nn.Linear(h_feat, n_classes)
    logits = codes @ W.T + b
    return logits

if __name__ == "__main__":
    import jax
    _d = setup_inputs()
    print(jax.jit(kernel)(*tuple(_d.values())))

</pallas_src>

<mosaic_0001>
#map = affine_map<(d0, d1) -> (0, 0)>
#map1 = affine_map<(d0, d1) -> (0)>
module attributes {stable_mosaic.version = 14 : i64} {
  func.func @_phase_a_body(%arg0: i32, %arg1: i32, %arg2: memref<64x1000000xf32, #tpu.memory_space<hbm>>, %arg3: memref<64x64xf32, #tpu.memory_space<hbm>>, %arg4: memref<34072xi32, #tpu.memory_space<hbm>>, %arg5: memref<34072xi32, #tpu.memory_space<hbm>>, %arg6: memref<32xi32, #tpu.memory_space<hbm>>, %arg7: memref<32776x128xf32, #tpu.memory_space<hbm>>, %arg8: memref<1304xi32, #tpu.memory_space<vmem>>, %arg9: memref<1304xi32, #tpu.memory_space<vmem>>, %arg10: memref<64x64xf32, #tpu.memory_space<vmem>>, %arg11: memref<2x64x513xf32, #tpu.memory_space<vmem>>, %arg12: memref<256x128xf32, #tpu.memory_space<vmem>>, %arg13: memref<2x128xi32, #tpu.memory_space<vmem>>, %arg14: memref<32xi32, #tpu.memory_space<vmem>>, %arg15: memref<!tpu.dma_semaphore, #tpu.memory_space<semaphore_mem>>) attributes {dimension_semantics = [#tpu.dimension_semantics<core_parallel>, #tpu.dimension_semantics<subcore_parallel>], iteration_bounds = array<i64: 2, 16>, scalar_prefetch = 0 : i64, scratch_operands = 8 : i64, tpu.core_type = #tpu.core_type<sc_vector_subcore>, window_params = [{transform_indices = #map}, {transform_indices = #map}, {transform_indices = #map1}, {transform_indices = #map1}, {transform_indices = #map1}, {transform_indices = #map}]} {
    %mul3A = arith.constant 2 : i32
    %mul3A_0 = arith.muli %arg1, %mul3A : i32
    %add3A = arith.addi %mul3A_0, %arg0 : i32
    "tpu.region"() ({
      %run_scoped3A = tpu.sem_alloc : memref<!tpu.dma_semaphore, #tpu.memory_space<semaphore_mem>>
      tpu.enqueue_dma source(%arg6 : memref<32xi32, #tpu.memory_space<hbm>>) target(%arg14 : memref<32xi32, #tpu.memory_space<vmem>>) target_semaphore(%run_scoped3A : memref<!tpu.dma_semaphore, #tpu.memory_space<semaphore_mem>>)
      tpu.wait_dma2 semaphore(%run_scoped3A : memref<!tpu.dma_semaphore, #tpu.memory_space<semaphore_mem>>) src(%arg6 : memref<32xi32, #tpu.memory_space<hbm>>) dst(%arg14 : memref<32xi32, #tpu.memory_space<vmem>>)
      tpu.yield
    }) : () -> ()
    "tpu.region"() ({
      %run_scoped3A = tpu.sem_alloc : memref<!tpu.dma_semaphore, #tpu.memory_space<semaphore_mem>>
      tpu.enqueue_dma source(%arg3 : memref<64x64xf32, #tpu.memory_space<hbm>>) target(%arg10 : memref<64x64xf32, #tpu.memory_space<vmem>>) target_semaphore(%run_scoped3A : memref<!tpu.dma_semaphore, #tpu.memory_space<semaphore_mem>>)
      tpu.wait_dma2 semaphore(%run_scoped3A : memref<!tpu.dma_semaphore, #tpu.memory_space<semaphore_mem>>) src(%arg3 : memref<64x64xf32, #tpu.memory_space<hbm>>) dst(%arg10 : memref<64x64xf32, #tpu.memory_space<vmem>>)
      tpu.yield
    }) : () -> ()
    %iota3A = tpu.iota {dimensions = array<i32: 0>} : vector<16xi32>
    %broadcast_in_dim3A = arith.constant 32768 : i32
    %broadcast_in_dim3A_1 = vector.broadcast %broadcast_in_dim3A : i32 to vector<16xi32>
    %mul3A_2 = arith.constant 1953 : i32
    %mul3A_3 = arith.muli %add3A, %mul3A_2 : i32
    %jit3A = arith.constant 32 : i32
    %div3A = arith.divsi %mul3A_3, %jit3A : i32
    %sign3A = arith.constant 0 : i32
    %sign3A_4 = arith.cmpi sgt, %mul3A_3, %sign3A : i32
    %sign3A_5 = arith.extui %sign3A_4 : i1 to i32
    %sign3A_6 = arith.constant 0 : i32
    %sign3A_7 = arith.cmpi slt, %mul3A_3, %sign3A_6 : i32
    %sign3A_8 = arith.extui %sign3A_7 : i1 to i32
    %sign3A_9 = arith.subi %sign3A_5, %sign3A_8 : i32
    %sign3A_10 = arith.constant 0 : i32
    %sign3A_11 = arith.cmpi sgt, %jit3A, %sign3A_10 : i32
    %sign3A_12 = arith.extui %sign3A_11 : i1 to i32
    %sign3A_13 = arith.constant 0 : i32
    %sign3A_14 = arith.cmpi slt, %jit3A, %sign3A_13 : i32
    %sign3A_15 = arith.extui %sign3A_14 : i1 to i32
    %sign3A_16 = arith.subi %sign3A_12, %sign3A_15 : i32
    %ne3A = arith.cmpi ne, %sign3A_9, %sign3A_16 : i32
    %rem3A = arith.remsi %mul3A_3, %jit3A : i32
    %ne3A_17 = arith.constant 0 : i32
    %ne3A_18 = arith.cmpi ne, %rem3A, %ne3A_17 : i32
    %and3A = arith.andi %ne3A, %ne3A_18 : i1
    %sub3A = arith.constant 1 : i32
    %sub3A_19 = arith.subi %div3A, %sub3A : i32
    %select_n3A = arith.select %and3A, %sub3A_19, %div3A : i32
    %jit3A_20 = arith.constant 16 : i32
    %eq3A = arith.constant 0 : i32
    %eq3A_21 = arith.cmpi eq, %jit3A_20, %eq3A : i32
    %jit3A_22 = arith.constant 1 : i32
    %select_n3A_23 = arith.select %eq3A_21, %jit3A_22, %jit3A_20 : i32
    %rem3A_24 = arith.remsi %add3A, %select_n3A_23 : i32
    %ne3A_25 = arith.constant 0 : i32
    %ne3A_26 = arith.cmpi ne, %rem3A_24, %ne3A_25 : i32
    %lt3A = arith.constant 0 : i32
    %lt3A_27 = arith.cmpi slt, %rem3A_24, %lt3A : i32
    %lt3A_28 = arith.constant 0 : i32
    %lt3A_29 = arith.cmpi slt, %select_n3A_23, %lt3A_28 : i32
    %ne3A_30 = arith.xori %lt3A_27, %lt3A_29 : i1
    %and3A_31 = arith.andi %ne3A_30, %ne3A_26 : i1
    %add3A_32 = arith.addi %rem3A_24, %select_n3A_23 : i32
    %select_n3A_33 = arith.select %and3A_31, %add3A_32, %rem3A_24 : i32
    %eq3A_34 = vector.broadcast %select_n3A_33 : i32 to vector<16xi32>
    %eq3A_35 = arith.cmpi eq, %iota3A, %eq3A_34 : vector<16xi32>
    %jit3A_36 = arith.constant 16 : i32
    %div3A_37 = arith.divsi %add3A, %jit3A_36 : i32
    %sign3A_38 = arith.constant 0 : i32
    %sign3A_39 = arith.cmpi sgt, %add3A, %sign3A_38 : i32
    %sign3A_40 = arith.extui %sign3A_39 : i1 to i32
    %sign3A_41 = arith.constant 0 : i32
    %sign3A_42 = arith.cmpi slt, %add3A, %sign3A_41 : i32
    %sign3A_43 = arith.extui %sign3A_42 : i1 to i32
    %sign3A_44 = arith.subi %sign3A_40, %sign3A_43 : i32
    %sign3A_45 = arith.constant 0 : i32
    %sign3A_46 = arith.cmpi sgt, %jit3A_36, %sign3A_45 : i32
    %sign3A_47 = arith.extui %sign3A_46 : i1 to i32
    %sign3A_48 = arith.constant 0 : i32
    %sign3A_49 = arith.cmpi slt, %jit3A_36, %sign3A_48 : i32
    %sign3A_50 = arith.extui %sign3A_49 : i1 to i32
    %sign3A_51 = arith.subi %sign3A_47, %sign3A_50 : i32
    %ne3A_52 = arith.cmpi ne, %sign3A_44, %sign3A_51 : i32
    %rem3A_53 = arith.remsi %add3A, %jit3A_36 : i32
    %ne3A_54 = arith.constant 0 : i32
    %ne3A_55 = arith.cmpi ne, %rem3A_53, %ne3A_54 : i32
    %and3A_56 = arith.andi %ne3A_52, %ne3A_55 : i1
    %sub3A_57 = arith.constant 1 : i32
    %sub3A_58 = arith.subi %div3A_37, %sub3A_57 : i32
    %select_n3A_59 = arith.select %and3A_56, %sub3A_58, %div3A_37 : i32
    %mul3A_60 = arith.constant 16 : i32
    %mul3A_61 = arith.muli %select_n3A_59, %mul3A_60 : i32
    %get3A = arith.index_cast %mul3A_61 : i32 to index
    %get3A_62 = tpu.vector_load %arg14[%get3A] {strides = array<i32>} : memref<32xi32, #tpu.memory_space<vmem>>, vector<16xi32>,
    %jit3A_63 = arith.constant 0 : i32
    %broadcast_in_dim3A_64 = vector.broadcast %jit3A_63 : i32 to vector<16xi32>
    %select_n3A_65 = arith.select %eq3A_35, %get3A_62, %broadcast_in_dim3A_64 : vector<16xi1>, vector<16xi32>
    %reduce_sum3A = arith.constant true
    %reduce_sum3A_66 = vector.broadcast %reduce_sum3A : i1 to vector<16xi1>
    %reduce_sum3A_67 = tpu.scan <sum>, %select_n3A_65 masked %reduce_sum3A_66 : vector<16xi32>, vector<16xi1> -> vector<16xi32>
    %reduce_sum3A_68 = vector.extract %reduce_sum3A_67[15] : i32 from vector<16xi32>
    %jit3A_69 = arith.constant 8 : i32
    %div3A_70 = arith.divsi %reduce_sum3A_68, %jit3A_69 : i32
    %sign3A_71 = arith.constant 0 : i32
    %sign3A_72 = arith.cmpi sgt, %reduce_sum3A_68, %sign3A_71 : i32
    %sign3A_73 = arith.extui %sign3A_72 : i1 to i32
    %sign3A_74 = arith.constant 0 : i32
    %sign3A_75 = arith.cmpi slt, %reduce_sum3A_68, %sign3A_74 : i32
    %sign3A_76 = arith.extui %sign3A_75 : i1 to i32
    %sign3A_77 = arith.subi %sign3A_73, %sign3A_76 : i32
    %sign3A_78 = arith.constant 0 : i32
    %sign3A_79 = arith.cmpi sgt, %jit3A_69, %sign3A_78 : i32
    %sign3A_80 = arith.extui %sign3A_79 : i1 to i32
    %sign3A_81 = arith.constant 0 : i32
    %sign3A_82 = arith.cmpi slt, %jit3A_69, %sign3A_81 : i32
    %sign3A_83 = arith.extui %sign3A_82 : i1 to i32
    %sign3A_84 = arith.subi %sign3A_80, %sign3A_83 : i32
    %ne3A_85 = arith.cmpi ne, %sign3A_77, %sign3A_84 : i32
    %rem3A_86 = arith.remsi %reduce_sum3A_68, %jit3A_69 : i32
    %ne3A_87 = arith.constant 0 : i32
    %ne3A_88 = arith.cmpi ne, %rem3A_86, %ne3A_87 : i32
    %and3A_89 = arith.andi %ne3A_85, %ne3A_88 : i1
    %sub3A_90 = arith.constant 1 : i32
    %sub3A_91 = arith.subi %div3A_70, %sub3A_90 : i32
    %select_n3A_92 = arith.select %and3A_89, %sub3A_91, %div3A_70 : i32
    %mul3A_93 = arith.constant 8 : i32
    %mul3A_94 = arith.muli %select_n3A_92, %mul3A_93 : i32
    %multiple_of3A = tpu.assume_multiple %mul3A_94, 8 : i32
    "tpu.region"() ({
      %run_scoped3A = tpu.sem_alloc : memref<!tpu.dma_semaphore, #tpu.memory_space<semaphore_mem>>
      %dma_start3A_437 = tpu.memref_slice %arg4[%multiple_of3A] : memref<34072xi32, #tpu.memory_space<hbm>> -> memref<1304xi32, #tpu.memory_space<hbm>>
      %dma_start3A_438 = tpu.memref_slice %arg4[%multiple_of3A] : memref<34072xi32, #tpu.memory_space<hbm>> -> memref<1304xi32, #tpu.memory_space<hbm>>
      tpu.enqueue_dma source(%dma_start3A_438 : memref<1304xi32, #tpu.memory_space<hbm>>) target(%arg8 : memref<1304xi32, #tpu.memory_space<vmem>>) target_semaphore(%run_scoped3A : memref<!tpu.dma_semaphore, #tpu.memory_space<semaphore_mem>>)
      %dma_wait3A_439 = tpu.memref_slice %arg4[%multiple_of3A] : memref<34072xi32, #tpu.memory_space<hbm>> -> memref<1304xi32, #tpu.memory_space<hbm>>
      %dma_wait3A_440 = tpu.memref_slice %arg4[%multiple_of3A] : memref<34072xi32, #tpu.memory_space<hbm>> -> memref<1304xi32, #tpu.memory_space<hbm>>
      tpu.wait_dma2 semaphore(%run_scoped3A : memref<!tpu.dma_semaphore, #tpu.memory_space<semaphore_mem>>) src(%dma_wait3A_440 : memref<1304xi32, #tpu.memory_space<hbm>>) dst(%arg8 : memref<1304xi32, #tpu.memory_space<vmem>>)
      tpu.yield
    }) : () -> ()
    "tpu.region"() ({
      %run_scoped3A = tpu.sem_alloc : memref<!tpu.dma_semaphore, #tpu.memory_space<semaphore_mem>>
      %dma_start3A_437 = tpu.memref_slice %arg5[%multiple_of3A] : memref<34072xi32, #tpu.memory_space<hbm>> -> memref<1304xi32, #tpu.memory_space<hbm>>
      %dma_start3A_438 = tpu.memref_slice %arg5[%multiple_of3A] : memref<34072xi32, #tpu.memory_space<hbm>> -> memref<1304xi32, #tpu.memory_space<hbm>>
      tpu.enqueue_dma source(%dma_start3A_438 : memref<1304xi32, #tpu.memory_space<hbm>>) target(%arg9 : memref<1304xi32, #tpu.memory_space<vmem>>) target_semaphore(%run_scoped3A : memref<!tpu.dma_semaphore, #tpu.memory_space<semaphore_mem>>)
      %dma_wait3A_439 = tpu.memref_slice %arg5[%multiple_of3A] : memref<34072xi32, #tpu.memory_space<hbm>> -> memref<1304xi32, #tpu.memory_space<hbm>>
      %dma_wait3A_440 = tpu.memref_slice %arg5[%multiple_of3A] : memref<34072xi32, #tpu.memory_space<hbm>> -> memref<1304xi32, #tpu.memory_space<hbm>>
      tpu.wait_dma2 semaphore(%run_scoped3A : memref<!tpu.dma_semaphore, #tpu.memory_space<semaphore_mem>>) src(%dma_wait3A_440 : memref<1304xi32, #tpu.memory_space<hbm>>) dst(%arg9 : memref<1304xi32, #tpu.memory_space<vmem>>)
      tpu.yield
    }) : () -> ()
    %scan3A = arith.constant 0 : i32
    %scan3A_95 = arith.constant 0 : i32
    %scan3A_96 = arith.constant 8 : i32
    %scan3A_97 = arith.addi %scan3A_95, %scan3A_96 : i32
    %scan3A_98 = arith.constant 1 : i32
    scf.for %scan3A_437 = %scan3A_95 to %scan3A_97 step %scan3A_98  : i32 {
      %mul3A_438 = arith.constant 16 : i32
      %mul3A_439 = arith.muli %scan3A_437, %mul3A_438 : i32
      %swap3A = arith.constant 0 : i32
      %swap3A_440 = arith.index_cast %swap3A : i32 to index
      %swap3A_441 = arith.index_cast %mul3A_439 : i32 to index
      %swap3A_442 = tpu.vector_load %arg13[%swap3A_440, %swap3A_441] {strides = array<i32>} : memref<2x128xi32, #tpu.memory_space<vmem>>, vector<16xi32>,
      tpu.vector_store %arg13[%swap3A_440, %swap3A_441], %broadcast_in_dim3A_1 {strides = array<i32>} : memref<2x128xi32, #tpu.memory_space<vmem>>, vector<16xi32>,
      %mul3A_443 = arith.constant 16 : i32
      %mul3A_444 = arith.muli %scan3A_437, %mul3A_443 : i32
      %swap3A_445 = arith.constant 1 : i32
      %swap3A_446 = arith.index_cast %swap3A_445 : i32 to index
      %swap3A_447 = arith.index_cast %mul3A_444 : i32 to index
      %swap3A_448 = tpu.vector_load %arg13[%swap3A_446, %swap3A_447] {strides = array<i32>} : memref<2x128xi32, #tpu.memory_space<vmem>>, vector<16xi32>,
      tpu.vector_store %arg13[%swap3A_446, %swap3A_447], %broadcast_in_dim3A_1 {strides = array<i32>} : memref<2x128xi32, #tpu.memory_space<vmem>>, vector<16xi32>,
    }
    %scan3A_99 = arith.constant 8 : i32
    %sub3A_100 = arith.subi %reduce_sum3A_68, %multiple_of3A : i32
    %sub3A_101 = arith.subi %reduce_sum3A_68, %multiple_of3A : i32
    %jit3A_102 = arith.constant 16 : i32
    %div3A_103 = arith.divsi %sub3A_101, %jit3A_102 : i32
    %sign3A_104 = arith.constant 0 : i32
    %sign3A_105 = arith.cmpi sgt, %sub3A_101, %sign3A_104 : i32
    %sign3A_106 = arith.extui %sign3A_105 : i1 to i32
    %sign3A_107 = arith.constant 0 : i32
    %sign3A_108 = arith.cmpi slt, %sub3A_101, %sign3A_107 : i32
    %sign3A_109 = arith.extui %sign3A_108 : i1 to i32
    %sign3A_110 = arith.subi %sign3A_106, %sign3A_109 : i32
    %sign3A_111 = arith.constant 0 : i32
    %sign3A_112 = arith.cmpi sgt, %jit3A_102, %sign3A_111 : i32
    %sign3A_113 = arith.extui %sign3A_112 : i1 to i32
    %sign3A_114 = arith.constant 0 : i32
    %sign3A_115 = arith.cmpi slt, %jit3A_102, %sign3A_114 : i32
    %sign3A_116 = arith.extui %sign3A_115 : i1 to i32
    %sign3A_117 = arith.subi %sign3A_113, %sign3A_116 : i32
    %ne3A_118 = arith.cmpi ne, %sign3A_110, %sign3A_117 : i32
    %rem3A_119 = arith.remsi %sub3A_101, %jit3A_102 : i32
    %ne3A_120 = arith.constant 0 : i32
    %ne3A_121 = arith.cmpi ne, %rem3A_119, %ne3A_120 : i32
    %and3A_122 = arith.andi %ne3A_118, %ne3A_121 : i1
    %sub3A_123 = arith.constant 1 : i32
    %sub3A_124 = arith.subi %div3A_103, %sub3A_123 : i32
    %select_n3A_125 = arith.select %and3A_122, %sub3A_124, %div3A_103 : i32
    %mul3A_126 = arith.constant 16 : i32
    %mul3A_127 = arith.muli %select_n3A_125, %mul3A_126 : i32
    %get3A_128 = arith.index_cast %mul3A_127 : i32 to index
    %get3A_129 = tpu.vector_load %arg8[%get3A_128] {strides = array<i32>} : memref<1304xi32, #tpu.memory_space<vmem>>, vector<16xi32>,
    %jit3A_130 = arith.constant 16 : i32
    %eq3A_131 = arith.constant 0 : i32
    %eq3A_132 = arith.cmpi eq, %jit3A_130, %eq3A_131 : i32
    %jit3A_133 = arith.constant 1 : i32
    %select_n3A_134 = arith.select %eq3A_132, %jit3A_133, %jit3A_130 : i32
    %rem3A_135 = arith.remsi %sub3A_101, %select_n3A_134 : i32
    %ne3A_136 = arith.constant 0 : i32
    %ne3A_137 = arith.cmpi ne, %rem3A_135, %ne3A_136 : i32
    %lt3A_138 = arith.constant 0 : i32
    %lt3A_139 = arith.cmpi slt, %rem3A_135, %lt3A_138 : i32
    %lt3A_140 = arith.constant 0 : i32
    %lt3A_141 = arith.cmpi slt, %select_n3A_134, %lt3A_140 : i32
    %ne3A_142 = arith.xori %lt3A_139, %lt3A_141 : i1
    %and3A_143 = arith.andi %ne3A_142, %ne3A_137 : i1
    %add3A_144 = arith.addi %rem3A_135, %select_n3A_134 : i32
    %select_n3A_145 = arith.select %and3A_143, %add3A_144, %rem3A_135 : i32
    %eq3A_146 = vector.broadcast %select_n3A_145 : i32 to vector<16xi32>
    %eq3A_147 = arith.cmpi eq, %iota3A, %eq3A_146 : vector<16xi32>
    %jit3A_148 = arith.constant 0 : i32
    %broadcast_in_dim3A_149 = vector.broadcast %jit3A_148 : i32 to vector<16xi32>
    %select_n3A_150 = arith.select %eq3A_147, %get3A_129, %broadcast_in_dim3A_149 : vector<16xi1>, vector<16xi32>
    %reduce_sum3A_151 = arith.constant true
    %reduce_sum3A_152 = vector.broadcast %reduce_sum3A_151 : i1 to vector<16xi1>
    %reduce_sum3A_153 = tpu.scan <sum>, %select_n3A_150 masked %reduce_sum3A_152 : vector<16xi32>, vector<16xi1> -> vector<16xi32>
    %reduce_sum3A_154 = vector.extract %reduce_sum3A_153[15] : i32 from vector<16xi32>
    %while3A:2 = scf.while (%while3A_437 = %sub3A_100, %while3A_438 = %reduce_sum3A_154) : (i32, i32) -> (i32, i32) {
      %mul3A_439 = arith.constant 512 : i32
      %mul3A_440 = arith.muli %select_n3A, %mul3A_439 : i32
      %lt3A_441 = arith.cmpi slt, %while3A_438, %mul3A_440 : i32
      scf.condition(%lt3A_441) %while3A_437, %while3A_438 : i32, i32
    } do {
    ^bb0(%while3A_437: i32, %while3A_438: i32):
      %add3A_439 = arith.constant 1 : i32
      %add3A_440 = arith.addi %while3A_437, %add3A_439 : i32
      %add3A_441 = arith.constant 1 : i32
      %add3A_442 = arith.addi %while3A_437, %add3A_441 : i32
      %jit3A_443 = arith.constant 16 : i32
      %div3A_444 = arith.divsi %add3A_442, %jit3A_443 : i32
      %sign3A_445 = arith.constant 0 : i32
      %sign3A_446 = arith.cmpi sgt, %add3A_442, %sign3A_445 : i32
      %sign3A_447 = arith.extui %sign3A_446 : i1 to i32
      %sign3A_448 = arith.constant 0 : i32
      %sign3A_449 = arith.cmpi slt, %add3A_442, %sign3A_448 : i32
      %sign3A_450 = arith.extui %sign3A_449 : i1 to i32
      %sign3A_451 = arith.subi %sign3A_447, %sign3A_450 : i32
      %sign3A_452 = arith.constant 0 : i32
      %sign3A_453 = arith.cmpi sgt, %jit3A_443, %sign3A_452 : i32
      %sign3A_454 = arith.extui %sign3A_453 : i1 to i32
      %sign3A_455 = arith.constant 0 : i32
      %sign3A_456 = arith.cmpi slt, %jit3A_443, %sign3A_455 : i32
      %sign3A_457 = arith.extui %sign3A_456 : i1 to i32
      %sign3A_458 = arith.subi %sign3A_454, %sign3A_457 : i32
      %ne3A_459 = arith.cmpi ne, %sign3A_451, %sign3A_458 : i32
      %rem3A_460 = arith.remsi %add3A_442, %jit3A_443 : i32
      %ne3A_461 = arith.constant 0 : i32
      %ne3A_462 = arith.cmpi ne, %rem3A_460, %ne3A_461 : i32
      %and3A_463 = arith.andi %ne3A_459, %ne3A_462 : i1
      %sub3A_464 = arith.constant 1 : i32
      %sub3A_465 = arith.subi %div3A_444, %sub3A_464 : i32
      %select_n3A_466 = arith.select %and3A_463, %sub3A_465, %div3A_444 : i32
      %mul3A_467 = arith.constant 16 : i32
      %mul3A_468 = arith.muli %select_n3A_466, %mul3A_467 : i32
      %get3A_469 = arith.index_cast %mul3A_468 : i32 to index
      %get3A_470 = tpu.vector_load %arg8[%get3A_469] {strides = array<i32>} : memref<1304xi32, #tpu.memory_space<vmem>>, vector<16xi32>,
      %jit3A_471 = arith.constant 16 : i32
      %eq3A_472 = arith.constant 0 : i32
      %eq3A_473 = arith.cmpi eq, %jit3A_471, %eq3A_472 : i32
      %jit3A_474 = arith.constant 1 : i32
      %select_n3A_475 = arith.select %eq3A_473, %jit3A_474, %jit3A_471 : i32
      %rem3A_476 = arith.remsi %add3A_442, %select_n3A_475 : i32
      %ne3A_477 = arith.constant 0 : i32
      %ne3A_478 = arith.cmpi ne, %rem3A_476, %ne3A_477 : i32
      %lt3A_479 = arith.constant 0 : i32
      %lt3A_480 = arith.cmpi slt, %rem3A_476, %lt3A_479 : i32
      %lt3A_481 = arith.constant 0 : i32
      %lt3A_482 = arith.cmpi slt, %select_n3A_475, %lt3A_481 : i32
      %ne3A_483 = arith.xori %lt3A_480, %lt3A_482 : i1
      %and3A_484 = arith.andi %ne3A_483, %ne3A_478 : i1
      %add3A_485 = arith.addi %rem3A_476, %select_n3A_475 : i32
      %select_n3A_486 = arith.select %and3A_484, %add3A_485, %rem3A_476 : i32
      %eq3A_487 = vector.broadcast %select_n3A_486 : i32 to vector<16xi32>
      %eq3A_488 = arith.cmpi eq, %iota3A, %eq3A_487 : vector<16xi32>
      %jit3A_489 = arith.constant 0 : i32
      %broadcast_in_dim3A_490 = vector.broadcast %jit3A_489 : i32 to vector<16xi32>
      %select_n3A_491 = arith.select %eq3A_488, %get3A_470, %broadcast_in_dim3A_490 : vector<16xi1>, vector<16xi32>
      %reduce_sum3A_492 = arith.constant true
      %reduce_sum3A_493 = vector.broadcast %reduce_sum3A_492 : i1 to vector<16xi1>
      %reduce_sum3A_494 = tpu.scan <sum>, %select_n3A_491 masked %reduce_sum3A_493 : vector<16xi32>, vector<16xi1> -> vector<16xi32>
      %reduce_sum3A_495 = vector.extract %reduce_sum3A_494[15] : i32 from vector<16xi32>
      scf.yield %add3A_440, %reduce_sum3A_495 : i32, i32
    }
    %jit3A_155 = arith.constant 128 : i32
    %div3A_156 = arith.divsi %while3A#0, %jit3A_155 : i32
    %sign3A_157 = arith.constant 0 : i32
    %sign3A_158 = arith.cmpi sgt, %while3A#0, %sign3A_157 : i32
    %sign3A_159 = arith.extui %sign3A_158 : i1 to i32
    %sign3A_160 = arith.constant 0 : i32
    %sign3A_161 = arith.cmpi slt, %while3A#0, %sign3A_160 : i32
    %sign3A_162 = arith.extui %sign3A_161 : i1 to i32
    %sign3A_163 = arith.subi %sign3A_159, %sign3A_162 : i32
    %sign3A_164 = arith.constant 0 : i32
    %sign3A_165 = arith.cmpi sgt, %jit3A_155, %sign3A_164 : i32
    %sign3A_166 = arith.extui %sign3A_165 : i1 to i32
    %sign3A_167 = arith.constant 0 : i32
    %sign3A_168 = arith.cmpi slt, %jit3A_155, %sign3A_167 : i32
    %sign3A_169 = arith.extui %sign3A_168 : i1 to i32
    %sign3A_170 = arith.subi %sign3A_166, %sign3A_169 : i32
    %ne3A_171 = arith.cmpi ne, %sign3A_163, %sign3A_170 : i32
    %rem3A_172 = arith.remsi %while3A#0, %jit3A_155 : i32
    %ne3A_173 = arith.constant 0 : i32
    %ne3A_174 = arith.cmpi ne, %rem3A_172, %ne3A_173 : i32
    %and3A_175 = arith.andi %ne3A_171, %ne3A_174 : i1
    %sub3A_176 = arith.constant 1 : i32
    %sub3A_177 = arith.subi %div3A_156, %sub3A_176 : i32
    %select_n3A_178 = arith.select %and3A_175, %sub3A_177, %div3A_156 : i32
    %mul3A_179 = arith.constant 128 : i32
    %mul3A_180 = arith.muli %select_n3A_178, %mul3A_179 : i32
    %add3A_181 = arith.constant 0 : i32
    %add3A_182 = arith.addi %select_n3A, %add3A_181 : i32
    %min3A = arith.constant 1952 : i32
    %min3A_183 = arith.minsi %add3A_182, %min3A : i32
    %mul3A_184 = arith.constant 512 : i32
    %mul3A_185 = arith.muli %min3A_183, %mul3A_184 : i32
    %dma_start3A = arith.constant 0 : i32
    %dma_start3A_186 = arith.constant 0 : i32
    %dma_start3A_187 = arith.constant 0 : i32
    %dma_start3A_188 = tpu.memref_slice %arg11[%dma_start3A, %dma_start3A_186, %dma_start3A_187] : memref<2x64x513xf32, #tpu.memory_space<vmem>> -> memref<1x8x512xf32, #tpu.memory_space<vmem>>
    %dma_start3A_189 = tpu.memref_squeeze %dma_start3A_188 : memref<1x8x512xf32, #tpu.memory_space<vmem>> -> memref<8x512xf32, #tpu.memory_space<vmem>>
    %dma_start3A_190 = arith.constant 0 : i32
    %dma_start3A_191 = tpu.memref_slice %arg2[%dma_start3A_190, %mul3A_185] : memref<64x1000000xf32, #tpu.memory_space<hbm>> -> memref<8x512xf32, #tpu.memory_space<hbm>>
    %dma_start3A_192 = arith.constant 0 : i32
    %dma_start3A_193 = arith.constant 0 : i32
    %dma_start3A_194 = tpu.memref_slice %arg11[%dma_start3A, %dma_start3A_192, %dma_start3A_193] : memref<2x64x513xf32, #tpu.memory_space<vmem>> -> memref<1x8x512xf32, #tpu.memory_space<vmem>>
    %dma_start3A_195 = tpu.memref_squeeze %dma_start3A_194 : memref<1x8x512xf32, #tpu.memory_space<vmem>> -> memref<8x512xf32, #tpu.memory_space<vmem>>
    %dma_start3A_196 = arith.constant 0 : i32
    %dma_start3A_197 = tpu.memref_slice %arg2[%dma_start3A_196, %mul3A_185] : memref<64x1000000xf32, #tpu.memory_space<hbm>> -> memref<8x512xf32, #tpu.memory_space<hbm>>
    tpu.enqueue_dma source(%dma_start3A_197 : memref<8x512xf32, #tpu.memory_space<hbm>>) target(%dma_start3A_195 : memref<8x512xf32, #tpu.memory_space<vmem>>) target_semaphore(%arg15 : memref<!tpu.dma_semaphore, #tpu.memory_space<semaphore_mem>>)
    %mul3A_198 = arith.constant 512 : i32
    %mul3A_199 = arith.muli %min3A_183, %mul3A_198 : i32
    %dma_start3A_200 = arith.constant 0 : i32
    %dma_start3A_201 = arith.constant 8 : i32
    %dma_start3A_202 = arith.constant 0 : i32
    %dma_start3A_203 = tpu.memref_slice %arg11[%dma_start3A_200, %dma_start3A_201, %dma_start3A_202] : memref<2x64x513xf32, #tpu.memory_space<vmem>> -> memref<1x8x512xf32, #tpu.memory_space<vmem>>
    %dma_start3A_204 = tpu.memref_squeeze %dma_start3A_203 : memref<1x8x512xf32, #tpu.memory_space<vmem>> -> memref<8x512xf32, #tpu.memory_space<vmem>>
    %dma_start3A_205 = arith.constant 8 : i32
    %dma_start3A_206 = tpu.memref_slice %arg2[%dma_start3A_205, %mul3A_199] : memref<64x1000000xf32, #tpu.memory_space<hbm>> -> memref<8x512xf32, #tpu.memory_space<hbm>>
    %dma_start3A_207 = arith.constant 8 : i32
    %dma_start3A_208 = arith.constant 0 : i32
    %dma_start3A_209 = tpu.memref_slice %arg11[%dma_start3A_200, %dma_start3A_207, %dma_start3A_208] : memref<2x64x513xf32, #tpu.memory_space<vmem>> -> memref<1x8x512xf32, #tpu.memory_space<vmem>>
    %dma_start3A_210 = tpu.memref_squeeze %dma_start3A_209 : memref<1x8x512xf32, #tpu.memory_space<vmem>> -> memref<8x512xf32, #tpu.memory_space<vmem>>
    %dma_start3A_211 = arith.constant 8 : i32
    %dma_start3A_212 = tpu.memref_slice %arg2[%dma_start3A_211, %mul3A_199] : memref<64x1000000xf32, #tpu.memory_space<hbm>> -> memref<8x512xf32, #tpu.memory_space<hbm>>
    tpu.enqueue_dma source(%dma_start3A_212 : memref<8x512xf32, #tpu.memory_space<hbm>>) target(%dma_start3A_210 : memref<8x512xf32, #tpu.memory_space<vmem>>) target_semaphore(%arg15 : memref<!tpu.dma_semaphore, #tpu.memory_space<semaphore_mem>>)
    %mul3A_213 = arith.constant 512 : i32
    %mul3A_214 = arith.muli %min3A_183, %mul3A_213 : i32
    %dma_start3A_215 = arith.constant 0 : i32
    %dma_start3A_216 = arith.constant 16 : i32
    %dma_start3A_217 = arith.constant 0 : i32
    %dma_start3A_218 = tpu.memref_slice %arg11[%dma_start3A_215, %dma_start3A_216, %dma_start3A_217] : memref<2x64x513xf32, #tpu.memory_space<vmem>> -> memref<1x8x512xf32, #tpu.memory_space<vmem>>
    %dma_start3A_219 = tpu.memref_squeeze %dma_start3A_218 : memref<1x8x512xf32, #tpu.memory_space<vmem>> -> memref<8x512xf32, #tpu.memory_space<vmem>>
    %dma_start3A_220 = arith.constant 16 : i32
    %dma_start3A_221 = tpu.memref_slice %arg2[%dma_start3A_220, %mul3A_214] : memref<64x1000000xf32, #tpu.memory_space<hbm>> -> memref<8x512xf32, #tpu.memory_space<hbm>>
    %dma_start3A_222 = arith.constant 16 : i32
    %dma_start3A_223 = arith.constant 0 : i32
    %dma_start3A_224 = tpu.memref_slice %arg11[%dma_start3A_215, %dma_start3A_222, %dma_start3A_223] : memref<2x64x513xf32, #tpu.memory_space<vmem>> -> memref<1x8x512xf32, #tpu.memory_space<vmem>>
    %dma_start3A_225 = tpu.memref_squeeze %dma_start3A_224 : memref<1x8x512xf32, #tpu.memory_space<vmem>> -> memref<8x512xf32, #tpu.memory_space<vmem>>
    %dma_start3A_226 = arith.constant 16 : i32
    %dma_start3A_227 = tpu.memref_slice %arg2[%dma_start3A_226, %mul3A_214] : memref<64x1000000xf32, #tpu.memory_space<hbm>> -> memref<8x512xf32, #tpu.memory_space<hbm>>
    tpu.enqueue_dma source(%dma_start3A_227 : memref<8x512xf32, #tpu.memory_space<hbm>>) target(%dma_start3A_225 : memref<8x512xf32, #tpu.memory_space<vmem>>) target_semaphore(%arg15 : memref<!tpu.dma_semaphore, #tpu.memory_space<semaphore_mem>>)
    %mul3A_228 = arith.constant 512 : i32
    %mul3A_229 = arith.muli %min3A_183, %mul3A_228 : i32
    %dma_start3A_230 = arith.constant 0 : i32
    %dma_start3A_231 = arith.constant 24 : i32
    %dma_start3A_232 = arith.constant 0 : i32
    %dma_start3A_233 = tpu.memref_slice %arg11[%dma_start3A_230, %dma_start3A_231, %dma_start3A_232] : memref<2x64x513xf32, #tpu.memory_space<vmem>> -> memref<1x8x512xf32, #tpu.memory_space<vmem>>
    %dma_start3A_234 = tpu.memref_squeeze %dma_start3A_233 : memref<1x8x512xf32, #tpu.memory_space<vmem>> -> memref<8x512xf32, #tpu.memory_space<vmem>>
    %dma_start3A_235 = arith.constant 24 : i32
    %dma_start3A_236 = tpu.memref_slice %arg2[%dma_start3A_235, %mul3A_229] : memref<64x1000000xf32, #tpu.memory_space<hbm>> -> memref<8x512xf32, #tpu.memory_space<hbm>>
    %dma_start3A_237 = arith.constant 24 : i32
    %dma_start3A_238 = arith.constant 0 : i32
    %dma_start3A_239 = tpu.memref_slice %arg11[%dma_start3A_230, %dma_start3A_237, %dma_start3A_238] : memref<2x64x513xf32, #tpu.memory_space<vmem>> -> memref<1x8x512xf32, #tpu.memory_space<vmem>>
    %dma_start3A_240 = tpu.memref_squeeze %dma_start3A_239 : memref<1x8x512xf32, #tpu.memory_space<vmem>> -> memref<8x512xf32, #tpu.memory_space<vmem>>
    %dma_start3A_241 = arith.constant 24 : i32
    %dma_start3A_242 = tpu.memref_slice %arg2[%dma_start3A_241, %mul3A_229] : memref<64x1000000xf32, #tpu.memory_space<hbm>> -> memref<8x512xf32, #tpu.memory_space<hbm>>
    tpu.enqueue_dma source(%dma_start3A_242 : memref<8x512xf32, #tpu.memory_space<hbm>>) target(%dma_start3A_240 : memref<8x512xf32, #tpu.memory_space<vmem>>) target_semaphore(%arg15 : memref<!tpu.dma_semaphore, #tpu.memory_space<semaphore_mem>>)
    %mul3A_243 = arith.constant 512 : i32
    %mul3A_244 = arith.muli %min3A_183, %mul3A_243 : i32
    %dma_start3A_245 = arith.constant 0 : i32
    %dma_start3A_246 = arith.constant 32 : i32
    %dma_start3A_247 = arith.constant 0 : i32
    %dma_start3A_248 = tpu.memref_slice %arg11[%dma_start3A_245, %dma_start3A_246, %dma_start3A_247] : memref<2x64x513xf32, #tpu.memory_space<vmem>> -> memref<1x8x512xf32, #tpu.memory_space<vmem>>
    %dma_start3A_249 = tpu.memref_squeeze %dma_start3A_248 : memref<1x8x512xf32, #tpu.memory_space<vmem>> -> memref<8x512xf32, #tpu.memory_space<vmem>>
    %dma_start3A_250 = arith.constant 32 : i32
    %dma_start3A_251 = tpu.memref_slice %arg2[%dma_start3A_250, %mul3A_244] : memref<64x1000000xf32, #tpu.memory_space<hbm>> -> memref<8x512xf32, #tpu.memory_space<hbm>>
    %dma_start3A_252 = arith.constant 32 : i32
    %dma_start3A_253 = arith.constant 0 : i32
    %dma_start3A_254 = tpu.memref_slice %arg11[%dma_start3A_245, %dma_start3A_252, %dma_start3A_253] : memref<2x64x513xf32, #tpu.memory_space<vmem>> -> memref<1x8x512xf32, #tpu.memory_space<vmem>>
    %dma_start3A_255 = tpu.memref_squeeze %dma_start3A_254 : memref<1x8x512xf32, #tpu.memory_space<vmem>> -> memref<8x512xf32, #tpu.memory_space<vmem>>
    %dma_start3A_256 = arith.constant 32 : i32
    %dma_start3A_257 = tpu.memref_slice %arg2[%dma_start3A_256, %mul3A_244] : memref<64x1000000xf32, #tpu.memory_space<hbm>> -> memref<8x512xf32, #tpu.memory_space<hbm>>
    tpu.enqueue_dma source(%dma_start3A_257 : memref<8x512xf32, #tpu.memory_space<hbm>>) target(%dma_start3A_255 : memref<8x512xf32, #tpu.memory_space<vmem>>) target_semaphore(%arg15 : memref<!tpu.dma_semaphore, #tpu.memory_space<semaphore_mem>>)
    %mul3A_258 = arith.constant 512 : i32
    %mul3A_259 = arith.muli %min3A_183, %mul3A_258 : i32
    %dma_start3A_260 = arith.constant 0 : i32
    %dma_start3A_261 = arith.constant 40 : i32
    %dma_start3A_262 = arith.constant 0 : i32
    %dma_start3A_263 = tpu.memref_slice %arg11[%dma_start3A_260, %dma_start3A_261, %dma_start3A_262] : memref<2x64x513xf32, #tpu.memory_space<vmem>> -> memref<1x8x512xf32, #tpu.memory_space<vmem>>
    %dma_start3A_264 = tpu.memref_squeeze %dma_start3A_263 : memref<1x8x512xf32, #tpu.memory_space<vmem>> -> memref<8x512xf32, #tpu.memory_space<vmem>>
    %dma_start3A_265 = arith.constant 40 : i32
    %dma_start3A_266 = tpu.memref_slice %arg2[%dma_start3A_265, %mul3A_259] : memref<64x1000000xf32, #tpu.memory_space<hbm>> -> memref<8x512xf32, #tpu.memory_space<hbm>>
    %dma_start3A_267 = arith.constant 40 : i32
    %dma_start3A_268 = arith.constant 0 : i32
    %dma_start3A_269 = tpu.memref_slice %arg11[%dma_start3A_260, %dma_start3A_267, %dma_start3A_268] : memref<2x64x513xf32, #tpu.memory_space<vmem>> -> memref<1x8x512xf32, #tpu.memory_space<vmem>>
    %dma_start3A_270 = tpu.memref_squeeze %dma_start3A_269 : memref<1x8x512xf32, #tpu.memory_space<vmem>> -> memref<8x512xf32, #tpu.memory_space<vmem>>
    %dma_start3A_271 = arith.constant 40 : i32
    %dma_start3A_272 = tpu.memref_slice %arg2[%dma_start3A_271, %mul3A_259] : memref<64x1000000xf32, #tpu.memory_space<hbm>> -> memref<8x512xf32, #tpu.memory_space<hbm>>
    tpu.enqueue_dma source(%dma_start3A_272 : memref<8x512xf32, #tpu.memory_space<hbm>>) target(%dma_start3A_270 : memref<8x512xf32, #tpu.memory_space<vmem>>) target_semaphore(%arg15 : memref<!tpu.dma_semaphore, #tpu.memory_space<semaphore_mem>>)
    %mul3A_273 = arith.constant 512 : i32
    %mul3A_274 = arith.muli %min3A_183, %mul3A_273 : i32
    %dma_start3A_275 = arith.constant 0 : i32
    %dma_start3A_276 = arith.constant 48 : i32
    %dma_start3A_277 = arith.constant 0 : i32
    %dma_start3A_278 = tpu.memref_slice %arg11[%dma_start3A_275, %dma_start3A_276, %dma_start3A_277] : memref<2x64x513xf32, #tpu.memory_space<vmem>> -> memref<1x8x512xf32, #tpu.memory_space<vmem>>
    %dma_start3A_279 = tpu.memref_squeeze %dma_start3A_278 : memref<1x8x512xf32, #tpu.memory_space<vmem>> -> memref<8x512xf32, #tpu.memory_space<vmem>>
    %dma_start3A_280 = arith.constant 48 : i32
    %dma_start3A_281 = tpu.memref_slice %arg2[%dma_start3A_280, %mul3A_274] : memref<64x1000000xf32, #tpu.memory_space<hbm>> -> memref<8x512xf32, #tpu.memory_space<hbm>>
    %dma_start3A_282 = arith.constant 48 : i32
    %dma_start3A_283 = arith.constant 0 : i32
    %dma_start3A_284 = tpu.memref_slice %arg11[%dma_start3A_275, %dma_start3A_282, %dma_start3A_283] : memref<2x64x513xf32, #tpu.memory_space<vmem>> -> memref<1x8x512xf32, #tpu.memory_space<vmem>>
    %dma_start3A_285 = tpu.memref_squeeze %dma_start3A_284 : memref<1x8x512xf32, #tpu.memory_space<vmem>> -> memref<8x512xf32, #tpu.memory_space<vmem>>
    %dma_start3A_286 = arith.constant 48 : i32
    %dma_start3A_287 = tpu.memref_slice %arg2[%dma_start3A_286, %mul3A_274] : memref<64x1000000xf32, #tpu.memory_space<hbm>> -> memref<8x512xf32, #tpu.memory_space<hbm>>
    tpu.enqueue_dma source(%dma_start3A_287 : memref<8x512xf32, #tpu.memory_space<hbm>>) target(%dma_start3A_285 : memref<8x512xf32, #tpu.memory_space<vmem>>) target_semaphore(%arg15 : memref<!tpu.dma_semaphore, #tpu.memory_space<semaphore_mem>>)
    %mul3A_288 = arith.constant 512 : i32
    %mul3A_289 = arith.muli %min3A_183, %mul3A_288 : i32
    %dma_start3A_290 = arith.constant 0 : i32
    %dma_start3A_291 = arith.constant 56 : i32
    %dma_start3A_292 = arith.constant 0 : i32
    %dma_start3A_293 = tpu.memref_slice %arg11[%dma_start3A_290, %dma_start3A_291, %dma_start3A_292] : memref<2x64x513xf32, #tpu.memory_space<vmem>> -> memref<1x8x512xf32, #tpu.memory_space<vmem>>
    %dma_start3A_294 = tpu.memref_squeeze %dma_start3A_293 : memref<1x8x512xf32, #tpu.memory_space<vmem>> -> memref<8x512xf32, #tpu.memory_space<vmem>>
    %dma_start3A_295 = arith.constant 56 : i32
    %dma_start3A_296 = tpu.memref_slice %arg2[%dma_start3A_295, %mul3A_289] : memref<64x1000000xf32, #tpu.memory_space<hbm>> -> memref<8x512xf32, #tpu.memory_space<hbm>>
    %dma_start3A_297 = arith.constant 56 : i32
    %dma_start3A_298 = arith.constant 0 : i32
    %dma_start3A_299 = tpu.memref_slice %arg11[%dma_start3A_290, %dma_start3A_297, %dma_start3A_298] : memref<2x64x513xf32, #tpu.memory_space<vmem>> -> memref<1x8x512xf32, #tpu.memory_space<vmem>>
    %dma_start3A_300 = tpu.memref_squeeze %dma_start3A_299 : memref<1x8x512xf32, #tpu.memory_space<vmem>> -> memref<8x512xf32, #tpu.memory_space<vmem>>
    %dma_start3A_301 = arith.constant 56 : i32
    %dma_start3A_302 = tpu.memref_slice %arg2[%dma_start3A_301, %mul3A_289] : memref<64x1000000xf32, #tpu.memory_space<hbm>> -> memref<8x512xf32, #tpu.memory_space<hbm>>
    tpu.enqueue_dma source(%dma_start3A_302 : memref<8x512xf32, #tpu.memory_space<hbm>>) target(%dma_start3A_300 : memref<8x512xf32, #tpu.memory_space<vmem>>) target_semaphore(%arg15 : memref<!tpu.dma_semaphore, #tpu.memory_space<semaphore_mem>>)
    %scan3A_303 = arith.constant 0 : i32
    %scan3A_304 = arith.constant 62 : i32
    %scan3A_305 = arith.addi %scan3A_303, %scan3A_304 : i32
    %scan3A_306 = arith.constant 1 : i32
    %scan3A_307:3 = scf.for %scan3A_437 = %scan3A_303 to %scan3A_305 step %scan3A_306 iter_args(%scan3A_438 = %while3A#0, %scan3A_439 = %while3A#1, %scan3A_440 = %mul3A_180) -> (i32, i32, i32)  : i32 {
      %jit3A_441 = arith.constant 2 : i32
      %eq3A_442 = arith.constant 0 : i32
      %eq3A_443 = arith.cmpi eq, %jit3A_441, %eq3A_442 : i32
      %jit3A_444 = arith.constant 1 : i32
      %select_n3A_445 = arith.select %eq3A_443, %jit3A_444, %jit3A_441 : i32
      %rem3A_446 = arith.remsi %scan3A_437, %select_n3A_445 : i32
      %ne3A_447 = arith.constant 0 : i32
      %ne3A_448 = arith.cmpi ne, %rem3A_446, %ne3A_447 : i32
      %lt3A_449 = arith.constant 0 : i32
      %lt3A_450 = arith.cmpi slt, %rem3A_446, %lt3A_449 : i32
      %lt3A_451 = arith.constant 0 : i32
      %lt3A_452 = arith.cmpi slt, %select_n3A_445, %lt3A_451 : i32
      %ne3A_453 = arith.xori %lt3A_450, %lt3A_452 : i1
      %and3A_454 = arith.andi %ne3A_453, %ne3A_448 : i1
      %add3A_455 = arith.addi %rem3A_446, %select_n3A_445 : i32
      %select_n3A_456 = arith.select %and3A_454, %add3A_455, %rem3A_446 : i32
      %add3A_457 = arith.constant 1 : i32
      %add3A_458 = arith.addi %scan3A_437, %add3A_457 : i32
      %add3A_459 = arith.constant 1 : i32
      %add3A_460 = arith.addi %scan3A_437, %add3A_459 : i32
      %jit3A_461 = arith.constant 2 : i32
      %eq3A_462 = arith.constant 0 : i32
      %eq3A_463 = arith.cmpi eq, %jit3A_461, %eq3A_462 : i32
      %jit3A_464 = arith.constant 1 : i32
      %select_n3A_465 = arith.select %eq3A_463, %jit3A_464, %jit3A_461 : i32
      %rem3A_466 = arith.remsi %add3A_460, %select_n3A_465 : i32
      %ne3A_467 = arith.constant 0 : i32
      %ne3A_468 = arith.cmpi ne, %rem3A_466, %ne3A_467 : i32
      %lt3A_469 = arith.constant 0 : i32
      %lt3A_470 = arith.cmpi slt, %rem3A_466, %lt3A_469 : i32
      %lt3A_471 = arith.constant 0 : i32
      %lt3A_472 = arith.cmpi slt, %select_n3A_465, %lt3A_471 : i32
      %ne3A_473 = arith.xori %lt3A_470, %lt3A_472 : i1
      %and3A_474 = arith.andi %ne3A_473, %ne3A_468 : i1
      %add3A_475 = arith.addi %rem3A_466, %select_n3A_465 : i32
      %select_n3A_476 = arith.select %and3A_474, %add3A_475, %rem3A_466 : i32
      %add3A_477 = arith.addi %select_n3A, %add3A_458 : i32
      %min3A_478 = arith.constant 1952 : i32
      %min3A_479 = arith.minsi %add3A_477, %min3A_478 : i32
      %mul3A_480 = arith.constant 512 : i32
      %mul3A_481 = arith.muli %min3A_479, %mul3A_480 : i32
      %dma_start3A_482 = arith.constant 0 : i32
      %dma_start3A_483 = arith.constant 0 : i32
      %dma_start3A_484 = tpu.memref_slice %arg11[%select_n3A_476, %dma_start3A_482, %dma_start3A_483] : memref<2x64x513xf32, #tpu.memory_space<vmem>> -> memref<1x8x512xf32, #tpu.memory_space<vmem>>
      %dma_start3A_485 = tpu.memref_squeeze %dma_start3A_484 : memref<1x8x512xf32, #tpu.memory_space<vmem>> -> memref<8x512xf32, #tpu.memory_space<vmem>>
      %dma_start3A_486 = arith.constant 0 : i32
      %dma_start3A_487 = tpu.memref_slice %arg2[%dma_start3A_486, %mul3A_481] : memref<64x1000000xf32, #tpu.memory_space<hbm>> -> memref<8x512xf32, #tpu.memory_space<hbm>>
      %dma_start3A_488 = arith.constant 0 : i32
      %dma_start3A_489 = arith.constant 0 : i32
      %dma_start3A_490 = tpu.memref_slice %arg11[%select_n3A_476, %dma_start3A_488, %dma_start3A_489] : memref<2x64x513xf32, #tpu.memory_space<vmem>> -> memref<1x8x512xf32, #tpu.memory_space<vmem>>
      %dma_start3A_491 = tpu.memref_squeeze %dma_start3A_490 : memref<1x8x512xf32, #tpu.memory_space<vmem>> -> memref<8x512xf32, #tpu.memory_space<vmem>>
      %dma_start3A_492 = arith.constant 0 : i32
      %dma_start3A_493 = tpu.memref_slice %arg2[%dma_start3A_492, %mul3A_481] : memref<64x1000000xf32, #tpu.memory_space<hbm>> -> memref<8x512xf32, #tpu.memory_space<hbm>>
      tpu.enqueue_dma source(%dma_start3A_493 : memref<8x512xf32, #tpu.memory_space<hbm>>) target(%dma_start3A_491 : memref<8x512xf32, #tpu.memory_space<vmem>>) target_semaphore(%arg15 : memref<!tpu.dma_semaphore, #tpu.memory_space<semaphore_mem>>)
      %mul3A_494 = arith.constant 512 : i32
      %mul3A_495 = arith.muli %min3A_479, %mul3A_494 : i32
      %dma_start3A_496 = arith.constant 8 : i32
      %dma_start3A_497 = arith.constant 0 : i32
      %dma_start3A_498 = tpu.memref_slice %arg11[%select_n3A_476, %dma_start3A_496, %dma_start3A_497] : memref<2x64x513xf32, #tpu.memory_space<vmem>> -> memref<1x8x512xf32, #tpu.memory_space<vmem>>
      %dma_start3A_499 = tpu.memref_squeeze %dma_start3A_498 : memref<1x8x512xf32, #tpu.memory_space<vmem>> -> memref<8x512xf32, #tpu.memory_space<vmem>>
      %dma_start3A_500 = arith.constant 8 : i32
      %dma_start3A_501 = tpu.memref_slice %arg2[%dma_start3A_500, %mul3A_495] : memref<64x1000000xf32, #tpu.memory_space<hbm>> -> memref<8x512xf32, #tpu.memory_space<hbm>>
      %dma_start3A_502 = arith.constant 8 : i32
      %dma_start3A_503 = arith.constant 0 : i32
      %dma_start3A_504 = tpu.memref_slice %arg11[%select_n3A_476, %dma_start3A_502, %dma_start3A_503] : memref<2x64x513xf32, #tpu.memory_space<vmem>> -> memref<1x8x512xf32, #tpu.memory_space<vmem>>
      %dma_start3A_505 = tpu.memref_squeeze %dma_start3A_504 : memref<1x8x512xf32, #tpu.memory_space<vmem>> -> memref<8x512xf32, #tpu.memory_space<vmem>>
      %dma_start3A_506 = arith.constant 8 : i32
      %dma_start3A_507 = tpu.memref_slice %arg2[%dma_start3A_506, %mul3A_495] : memref<64x1000000xf32, #tpu.memory_space<hbm>> -> memref<8x512xf32, #tpu.memory_space<hbm>>
      tpu.enqueue_dma source(%dma_start3A_507 : memref<8x512xf32, #tpu.memory_space<hbm>>) target(%dma_start3A_505 : memref<8x512xf32, #tpu.memory_space<vmem>>) target_semaphore(%arg15 : memref<!tpu.dma_semaphore, #tpu.memory_space<semaphore_mem>>)
      %mul3A_508 = arith.constant 512 : i32
      %mul3A_509 = arith.muli %min3A_479, %mul3A_508 : i32
      %dma_start3A_510 = arith.constant 16 : i32
      %dma_start3A_511 = arith.constant 0 : i32
      %dma_start3A_512 = tpu.memref_slice %arg11[%select_n3A_476, %dma_start3A_510, %dma_start3A_511] : memref<2x64x513xf32, #tpu.memory_space<vmem>> -> memref<1x8x512xf32, #tpu.memory_space<vmem>>
      %dma_start3A_513 = tpu.memref_squeeze %dma_start3A_512 : memref<1x8x512xf32, #tpu.memory_space<vmem>> -> memref<8x512xf32, #tpu.memory_space<vmem>>
      %dma_start3A_514 = arith.constant 16 : i32
      %dma_start3A_515 = tpu.memref_slice %arg2[%dma_start3A_514, %mul3A_509] : memref<64x1000000xf32, #tpu.memory_space<hbm>> -> memref<8x512xf32, #tpu.memory_space<hbm>>
      %dma_start3A_516 = arith.constant 16 : i32
      %dma_start3A_517 = arith.constant 0 : i32
      %dma_start3A_518 = tpu.memref_slice %arg11[%select_n3A_476, %dma_start3A_516, %dma_start3A_517] : memref<2x64x513xf32, #tpu.memory_space<vmem>> -> memref<1x8x512xf32, #tpu.memory_space<vmem>>
      %dma_start3A_519 = tpu.memref_squeeze %dma_start3A_518 : memref<1x8x512xf32, #tpu.memory_space<vmem>> -> memref<8x512xf32, #tpu.memory_space<vmem>>
      %dma_start3A_520 = arith.constant 16 : i32
      %dma_start3A_521 = tpu.memref_slice %arg2[%dma_start3A_520, %mul3A_509] : memref<64x1000000xf32, #tpu.memory_space<hbm>> -> memref<8x512xf32, #tpu.memory_space<hbm>>
      tpu.enqueue_dma source(%dma_start3A_521 : memref<8x512xf32, #tpu.memory_space<hbm>>) target(%dma_start3A_519 : memref<8x512xf32, #tpu.memory_space<vmem>>) target_semaphore(%arg15 : memref<!tpu.dma_semaphore, #tpu.memory_space<semaphore_mem>>)
      %mul3A_522 = arith.constant 512 : i32
      %mul3A_523 = arith.muli %min3A_479, %mul3A_522 : i32
      %dma_start3A_524 = arith.constant 24 : i32
      %dma_start3A_525 = arith.constant 0 : i32
      %dma_start3A_526 = tpu.memref_slice %arg11[%select_n3A_476, %dma_start3A_524, %dma_start3A_525] : memref<2x64x513xf32, #tpu.memory_space<vmem>> -> memref<1x8x512xf32, #tpu.memory_space<vmem>>
      %dma_start3A_527 = tpu.memref_squeeze %dma_start3A_526 : memref<1x8x512xf32, #tpu.memory_space<vmem>> -> memref<8x512xf32, #tpu.memory_space<vmem>>
      %dma_start3A_528 = arith.constant 24 : i32
      %dma_start3A_529 = tpu.memref_slice %arg2[%dma_start3A_528, %mul3A_523] : memref<64x1000000xf32, #tpu.memory_space<hbm>> -> memref<8x512xf32, #tpu.memory_space<hbm>>
      %dma_start3A_530 = arith.constant 24 : i32
      %dma_start3A_531 = arith.constant 0 : i32
      %dma_start3A_532 = tpu.memref_slice %arg11[%select_n3A_476, %dma_start3A_530, %dma_start3A_531] : memref<2x64x513xf32, #tpu.memory_space<vmem>> -> memref<1x8x512xf32, #tpu.memory_space<vmem>>
      %dma_start3A_533 = tpu.memref_squeeze %dma_start3A_532 : memref<1x8x512xf32, #tpu.memory_space<vmem>> -> memref<8x512xf32, #tpu.memory_space<vmem>>
      %dma_start3A_534 = arith.constant 24 : i32
      %dma_start3A_535 = tpu.memref_slice %arg2[%dma_start3A_534, %mul3A_523] : memref<64x1000000xf32, #tpu.memory_space<hbm>> -> memref<8x512xf32, #tpu.memory_space<hbm>>
      tpu.enqueue_dma source(%dma_start3A_535 : memref<8x512xf32, #tpu.memory_space<hbm>>) target(%dma_start3A_533 : memref<8x512xf32, #tpu.memory_space<vmem>>) target_semaphore(%arg15 : memref<!tpu.dma_semaphore, #tpu.memory_space<semaphore_mem>>)
      %mul3A_536 = arith.constant 512 : i32
      %mul3A_537 = arith.muli %min3A_479, %mul3A_536 : i32
      %dma_start3A_538 = arith.constant 32 : i32
      %dma_start3A_539 = arith.constant 0 : i32
      %dma_start3A_540 = tpu.memref_slice %arg11[%select_n3A_476, %dma_start3A_538, %dma_start3A_539] : memref<2x64x513xf32, #tpu.memory_space<vmem>> -> memref<1x8x512xf32, #tpu.memory_space<vmem>>
      %dma_start3A_541 = tpu.memref_squeeze %dma_start3A_540 : memref<1x8x512xf32, #tpu.memory_space<vmem>> -> memref<8x512xf32, #tpu.memory_space<vmem>>
      %dma_start3A_542 = arith.constant 32 : i32
      %dma_start3A_543 = tpu.memref_slice %arg2[%dma_start3A_542, %mul3A_537] : memref<64x1000000xf32, #tpu.memory_space<hbm>> -> memref<8x512xf32, #tpu.memory_space<hbm>>
      %dma_start3A_544 = arith.constant 32 : i32
      %dma_start3A_545 = arith.constant 0 : i32
      %dma_start3A_546 = tpu.memref_slice %arg11[%select_n3A_476, %dma_start3A_544, %dma_start3A_545] : memref<2x64x513xf32, #tpu.memory_space<vmem>> -> memref<1x8x512xf32, #tpu.memory_space<vmem>>
      %dma_start3A_547 = tpu.memref_squeeze %dma_start3A_546 : memref<1x8x512xf32, #tpu.memory_space<vmem>> -> memref<8x512xf32, #tpu.memory_space<vmem>>
      %dma_start3A_548 = arith.constant 32 : i32
      %dma_start3A_549 = tpu.memref_slice %arg2[%dma_start3A_548, %mul3A_537] : memref<64x1000000xf32, #tpu.memory_space<hbm>> -> memref<8x512xf32, #tpu.memory_space<hbm>>
      tpu.enqueue_dma source(%dma_start3A_549 : memref<8x512xf32, #tpu.memory_space<hbm>>) target(%dma_start3A_547 : memref<8x512xf32, #tpu.memory_space<vmem>>) target_semaphore(%arg15 : memref<!tpu.dma_semaphore, #tpu.memory_space<semaphore_mem>>)
      %mul3A_550 = arith.constant 512 : i32
      %mul3A_551 = arith.muli %min3A_479, %mul3A_550 : i32
      %dma_start3A_552 = arith.constant 40 : i32
      %dma_start3A_553 = arith.constant 0 : i32
      %dma_start3A_554 = tpu.memref_slice %arg11[%select_n3A_476, %dma_start3A_552, %dma_start3A_553] : memref<2x64x513xf32, #tpu.memory_space<vmem>> -> memref<1x8x512xf32, #tpu.memory_space<vmem>>
      %dma_start3A_555 = tpu.memref_squeeze %dma_start3A_554 : memref<1x8x512xf32, #tpu.memory_space<vmem>> -> memref<8x512xf32, #tpu.memory_space<vmem>>
      %dma_start3A_556 = arith.constant 40 : i32
      %dma_start3A_557 = tpu.memref_slice %arg2[%dma_start3A_556, %mul3A_551] : memref<64x1000000xf32, #tpu.memory_space<hbm>> -> memref<8x512xf32, #tpu.memory_space<hbm>>
      %dma_start3A_558 = arith.constant 40 : i32
      %dma_start3A_559 = arith.constant 0 : i32
      %dma_start3A_560 = tpu.memref_slice %arg11[%select_n3A_476, %dma_start3A_558, %dma_start3A_559] : memref<2x64x513xf32, #tpu.memory_space<vmem>> -> memref<1x8x512xf32, #tpu.memory_space<vmem>>
      %dma_start3A_561 = tpu.memref_squeeze %dma_start3A_560 : memref<1x8x512xf32, #tpu.memory_space<vmem>> -> memref<8x512xf32, #tpu.memory_space<vmem>>
      %dma_start3A_562 = arith.constant 40 : i32
      %dma_start3A_563 = tpu.memref_slice %arg2[%dma_start3A_562, %mul3A_551] : memref<64x1000000xf32, #tpu.memory_space<hbm>> -> memref<8x512xf32, #tpu.memory_space<hbm>>
      tpu.enqueue_dma source(%dma_start3A_563 : memref<8x512xf32, #tpu.memory_space<hbm>>) target(%dma_start3A_561 : memref<8x512xf32, #tpu.memory_space<vmem>>) target_semaphore(%arg15 : memref<!tpu.dma_semaphore, #tpu.memory_space<semaphore_mem>>)
      %mul3A_564 = arith.constant 512 : i32
      %mul3A_565 = arith.muli %min3A_479, %mul3A_564 : i32
      %dma_start3A_566 = arith.constant 48 : i32
      %dma_start3A_567 = arith.constant 0 : i32
      %dma_start3A_568 = tpu.memref_slice %arg11[%select_n3A_476, %dma_start3A_566, %dma_start3A_567] : memref<2x64x513xf32, #tpu.memory_space<vmem>> -> memref<1x8x512xf32, #tpu.memory_space<vmem>>
      %dma_start3A_569 = tpu.memref_squeeze %dma_start3A_568 : memref<1x8x512xf32, #tpu.memory_space<vmem>> -> memref<8x512xf32, #tpu.memory_space<vmem>>
      %dma_start3A_570 = arith.constant 48 : i32
      %dma_start3A_571 = tpu.memref_slice %arg2[%dma_start3A_570, %mul3A_565] : memref<64x1000000xf32, #tpu.memory_space<hbm>> -> memref<8x512xf32, #tpu.memory_space<hbm>>
      %dma_start3A_572 = arith.constant 48 : i32
      %dma_start3A_573 = arith.constant 0 : i32
      %dma_start3A_574 = tpu.memref_slice %arg11[%select_n3A_476, %dma_start3A_572, %dma_start3A_573] : memref<2x64x513xf32, #tpu.memory_space<vmem>> -> memref<1x8x512xf32, #tpu.memory_space<vmem>>
      %dma_start3A_575 = tpu.memref_squeeze %dma_start3A_574 : memref<1x8x512xf32, #tpu.memory_space<vmem>> -> memref<8x512xf32, #tpu.memory_space<vmem>>
      %dma_start3A_576 = arith.constant 48 : i32
      %dma_start3A_577 = tpu.memref_slice %arg2[%dma_start3A_576, %mul3A_565] : memref<64x1000000xf32, #tpu.memory_space<hbm>> -> memref<8x512xf32, #tpu.memory_space<hbm>>
      tpu.enqueue_dma source(%dma_start3A_577 : memref<8x512xf32, #tpu.memory_space<hbm>>) target(%dma_start3A_575 : memref<8x512xf32, #tpu.memory_space<vmem>>) target_semaphore(%arg15 : memref<!tpu.dma_semaphore, #tpu.memory_space<semaphore_mem>>)
      %mul3A_578 = arith.constant 512 : i32
      %mul3A_579 = arith.muli %min3A_479, %mul3A_578 : i32
      %dma_start3A_580 = arith.constant 56 : i32
      %dma_start3A_581 = arith.constant 0 : i32
      %dma_start3A_582 = tpu.memref_slice %arg11[%select_n3A_476, %dma_start3A_580, %dma_start3A_581] : memref<2x64x513xf32, #tpu.memory_space<vmem>> -> memref<1x8x512xf32, #tpu.memory_space<vmem>>
      %dma_start3A_583 = tpu.memref_squeeze %dma_start3A_582 : memref<1x8x512xf32, #tpu.memory_space<vmem>> -> memref<8x512xf32, #tpu.memory_space<vmem>>
      %dma_start3A_584 = arith.constant 56 : i32
      %dma_start3A_585 = tpu.memref_slice %arg2[%dma_start3A_584, %mul3A_579] : memref<64x1000000xf32, #tpu.memory_space<hbm>> -> memref<8x512xf32, #tpu.memory_space<hbm>>
      %dma_start3A_586 = arith.constant 56 : i32
      %dma_start3A_587 = arith.constant 0 : i32
      %dma_start3A_588 = tpu.memref_slice %arg11[%select_n3A_476, %dma_start3A_586, %dma_start3A_587] : memref<2x64x513xf32, #tpu.memory_space<vmem>> -> memref<1x8x512xf32, #tpu.memory_space<vmem>>
      %dma_start3A_589 = tpu.memref_squeeze %dma_start3A_588 : memref<1x8x512xf32, #tpu.memory_space<vmem>> -> memref<8x512xf32, #tpu.memory_space<vmem>>
      %dma_start3A_590 = arith.constant 56 : i32
      %dma_start3A_591 = tpu.memref_slice %arg2[%dma_start3A_590, %mul3A_579] : memref<64x1000000xf32, #tpu.memory_space<hbm>> -> memref<8x512xf32, #tpu.memory_space<hbm>>
      tpu.enqueue_dma source(%dma_start3A_591 : memref<8x512xf32, #tpu.memory_space<hbm>>) target(%dma_start3A_589 : memref<8x512xf32, #tpu.memory_space<vmem>>) target_semaphore(%arg15 : memref<!tpu.dma_semaphore, #tpu.memory_space<semaphore_mem>>)
      %dma_wait3A_592 = arith.constant 0 : i32
      %dma_wait3A_593 = arith.constant 0 : i32
      %dma_wait3A_594 = tpu.memref_slice %arg11[%select_n3A_456, %dma_wait3A_592, %dma_wait3A_593] : memref<2x64x513xf32, #tpu.memory_space<vmem>> -> memref<1x8x512xf32, #tpu.memory_space<vmem>>
      %dma_wait3A_595 = tpu.memref_squeeze %dma_wait3A_594 : memref<1x8x512xf32, #tpu.memory_space<vmem>> -> memref<8x512xf32, #tpu.memory_space<vmem>>
      %dma_wait3A_596 = arith.constant 0 : i32
      %dma_wait3A_597 = arith.constant 0 : i32
      %dma_wait3A_598 = tpu.memref_slice %arg2[%dma_wait3A_596, %dma_wait3A_597] : memref<64x1000000xf32, #tpu.memory_space<hbm>> -> memref<8x512xf32, #tpu.memory_space<hbm>>
      %dma_wait3A_599 = arith.constant 0 : i32
      %dma_wait3A_600 = arith.constant 0 : i32
      %dma_wait3A_601 = tpu.memref_slice %arg11[%select_n3A_456, %dma_wait3A_599, %dma_wait3A_600] : memref<2x64x513xf32, #tpu.memory_space<vmem>> -> memref<1x8x512xf32, #tpu.memory_space<vmem>>
      %dma_wait3A_602 = tpu.memref_squeeze %dma_wait3A_601 : memref<1x8x512xf32, #tpu.memory_space<vmem>> -> memref<8x512xf32, #tpu.memory_space<vmem>>
      %dma_wait3A_603 = arith.constant 0 : i32
      %dma_wait3A_604 = arith.constant 0 : i32
      %dma_wait3A_605 = tpu.memref_slice %arg2[%dma_wait3A_603, %dma_wait3A_604] : memref<64x1000000xf32, #tpu.memory_space<hbm>> -> memref<8x512xf32, #tpu.memory_space<hbm>>
      tpu.wait_dma2 semaphore(%arg15 : memref<!tpu.dma_semaphore, #tpu.memory_space<semaphore_mem>>) src(%dma_wait3A_605 : memref<8x512xf32, #tpu.memory_space<hbm>>) dst(%dma_wait3A_602 : memref<8x512xf32, #tpu.memory_space<vmem>>)
      %dma_wait3A_606 = arith.constant 8 : i32
      %dma_wait3A_607 = arith.constant 0 : i32
      %dma_wait3A_608 = tpu.memref_slice %arg11[%select_n3A_456, %dma_wait3A_606, %dma_wait3A_607] : memref<2x64x513xf32, #tpu.memory_space<vmem>> -> memref<1x8x512xf32, #tpu.memory_space<vmem>>
      %dma_wait3A_609 = tpu.memref_squeeze %dma_wait3A_608 : memref<1x8x512xf32, #tpu.memory_space<vmem>> -> memref<8x512xf32, #tpu.memory_space<vmem>>
      %dma_wait3A_610 = arith.constant 0 : i32
      %dma_wait3A_611 = arith.constant 0 : i32
      %dma_wait3A_612 = tpu.memref_slice %arg2[%dma_wait3A_610, %dma_wait3A_611] : memref<64x1000000xf32, #tpu.memory_space<hbm>> -> memref<8x512xf32, #tpu.memory_space<hbm>>
      %dma_wait3A_613 = arith.constant 8 : i32
      %dma_wait3A_614 = arith.constant 0 : i32
      %dma_wait3A_615 = tpu.memref_slice %arg11[%select_n3A_456, %dma_wait3A_613, %dma_wait3A_614] : memref<2x64x513xf32, #tpu.memory_space<vmem>> -> memref<1x8x512xf32, #tpu.memory_space<vmem>>
      %dma_wait3A_616 = tpu.memref_squeeze %dma_wait3A_615 : memref<1x8x512xf32, #tpu.memory_space<vmem>> -> memref<8x512xf32, #tpu.memory_space<vmem>>
      %dma_wait3A_617 = arith.constant 0 : i32
      %dma_wait3A_618 = arith.constant 0 : i32
      %dma_wait3A_619 = tpu.memref_slice %arg2[%dma_wait3A_617, %dma_wait3A_618] : memref<64x1000000xf32, #tpu.memory_space<hbm>> -> memref<8x512xf32, #tpu.memory_space<hbm>>
      tpu.wait_dma2 semaphore(%arg15 : memref<!tpu.dma_semaphore, #tpu.memory_space<semaphore_mem>>) src(%dma_wait3A_619 : memref<8x512xf32, #tpu.memory_space<hbm>>) dst(%dma_wait3A_616 : memref<8x512xf32, #tpu.memory_space<vmem>>)
      %dma_wait3A_620 = arith.constant 16 : i32
      %dma_wait3A_621 = arith.constant 0 : i32
      %dma_wait3A_622 = tpu.memref_slice %arg11[%select_n3A_456, %dma_wait3A_620, %dma_wait3A_621] : memref<2x64x513xf32, #tpu.memory_space<vmem>> -> memref<1x8x512xf32, #tpu.memory_space<vmem>>
      %dma_wait3A_623 = tpu.memref_squeeze %dma_wait3A_622 : memref<1x8x512xf32, #tpu.memory_space<vmem>> -> memref<8x512xf32, #tpu.memory_space<vmem>>
      %dma_wait3A_624 = arith.constant 0 : i32
      %dma_wait3A_625 = arith.constant 0 : i32
      %dma_wait3A_626 = tpu.memref_slice %arg2[%dma_wait3A_624, %dma_wait3A_625] : memref<64x1000000xf32, #tpu.memory_space<hbm>> -> memref<8x512xf32, #tpu.memory_space<hbm>>
      %dma_wait3A_627 = arith.constant 16 : i32
      %dma_wait3A_628 = arith.constant 0 : i32
      %dma_wait3A_629 = tpu.memref_slice %arg11[%select_n3A_456, %dma_wait3A_627, %dma_wait3A_628] : memref<2x64x513xf32, #tpu.memory_space<vmem>> -> memref<1x8x512xf32, #tpu.memory_space<vmem>>
      %dma_wait3A_630 = tpu.memref_squeeze %dma_wait3A_629 : memref<1x8x512xf32, #tpu.memory_space<vmem>> -> memref<8x512xf32, #tpu.memory_space<vmem>>
      %dma_wait3A_631 = arith.constant 0 : i32
      %dma_wait3A_632 = arith.constant 0 : i32
      %dma_wait3A_633 = tpu.memref_slice %arg2[%dma_wait3A_631, %dma_wait3A_632] : memref<64x1000000xf32, #tpu.memory_space<hbm>> -> memref<8x512xf32, #tpu.memory_space<hbm>>
      tpu.wait_dma2 semaphore(%arg15 : memref<!tpu.dma_semaphore, #tpu.memory_space<semaphore_mem>>) src(%dma_wait3A_633 : memref<8x512xf32, #tpu.memory_space<hbm>>) dst(%dma_wait3A_630 : memref<8x512xf32, #tpu.memory_space<vmem>>)
      %dma_wait3A_634 = arith.constant 24 : i32
      %dma_wait3A_635 = arith.constant 0 : i32
      %dma_wait3A_636 = tpu.memref_slice %arg11[%select_n3A_456, %dma_wait3A_634, %dma_wait3A_635] : memref<2x64x513xf32, #tpu.memory_space<vmem>> -> memref<1x8x512xf32, #tpu.memory_space<vmem>>
      %dma_wait3A_637 = tpu.memref_squeeze %dma_wait3A_636 : memref<1x8x512xf32, #tpu.memory_space<vmem>> -> memref<8x512xf32, #tpu.memory_space<vmem>>
      %dma_wait3A_638 = arith.constant 0 : i32
      %dma_wait3A_639 = arith.constant 0 : i32
      %dma_wait3A_640 = tpu.memref_slice %arg2[%dma_wait3A_638, %dma_wait3A_639] : memref<64x1000000xf32, #tpu.memory_space<hbm>> -> memref<8x512xf32, #tpu.memory_space<hbm>>
      %dma_wait3A_641 = arith.constant 24 : i32
      %dma_wait3A_642 = arith.constant 0 : i32
      %dma_wait3A_643 = tpu.memref_slice %arg11[%select_n3A_456, %dma_wait3A_641, %dma_wait3A_642] : memref<2x64x513xf32, #tpu.memory_space<vmem>> -> memref<1x8x512xf32, #tpu.memory_space<vmem>>
      %dma_wait3A_644 = tpu.memref_squeeze %dma_wait3A_643 : memref<1x8x512xf32, #tpu.memory_space<vmem>> -> memref<8x512xf32, #tpu.memory_space<vmem>>
      %dma_wait3A_645 = arith.constant 0 : i32
      %dma_wait3A_646 = arith.constant 0 : i32
      %dma_wait3A_647 = tpu.memref_slice %arg2[%dma_wait3A_645, %dma_wait3A_646] : memref<64x1000000xf32, #tpu.memory_space<hbm>> -> memref<8x512xf32, #tpu.memory_space<hbm>>
      tpu.wait_dma2 semaphore(%arg15 : memref<!tpu.dma_semaphore, #tpu.memory_space<semaphore_mem>>) src(%dma_wait3A_647 : memref<8x512xf32, #tpu.memory_space<hbm>>) dst(%dma_wait3A_644 : memref<8x512xf32, #tpu.memory_space<vmem>>)
      %dma_wait3A_648 = arith.constant 32 : i32
      %dma_wait3A_649 = arith.constant 0 : i32
      %dma_wait3A_650 = tpu.memref_slice %arg11[%select_n3A_456, %dma_wait3A_648, %dma_wait3A_649] : memref<2x64x513xf32, #tpu.memory_space<vmem>> -> memref<1x8x512xf32, #tpu.memory_space<vmem>>
      %dma_wait3A_651 = tpu.memref_squeeze %dma_wait3A_650 : memref<1x8x512xf32, #tpu.memory_space<vmem>> -> memref<8x512xf32, #tpu.memory_space<vmem>>
      %dma_wait3A_652 = arith.constant 0 : i32
      %dma_wait3A_653 = arith.constant 0 : i32
      %dma_wait3A_654 = tpu.memref_slice %arg2[%dma_wait3A_652, %dma_wait3A_653] : memref<64x1000000xf32, #tpu.memory_space<hbm>> -> memref<8x512xf32, #tpu.memory_space<hbm>>
      %dma_wait3A_655 = arith.constant 32 : i32
      %dma_wait3A_656 = arith.constant 0 : i32
      %dma_wait3A_657 = tpu.memref_slice %arg11[%select_n3A_456, %dma_wait3A_655, %dma_wait3A_656] : memref<2x64x513xf32, #tpu.memory_space<vmem>> -> memref<1x8x512xf32, #tpu.memory_space<vmem>>
      %dma_wait3A_658 = tpu.memref_squeeze %dma_wait3A_657 : memref<1x8x512xf32, #tpu.memory_space<vmem>> -> memref<8x512xf32, #tpu.memory_space<vmem>>
      %dma_wait3A_659 = arith.constant 0 : i32
      %dma_wait3A_660 = arith.constant 0 : i32
      %dma_wait3A_661 = tpu.memref_slice %arg2[%dma_wait3A_659, %dma_wait3A_660] : memref<64x1000000xf32, #tpu.memory_space<hbm>> -> memref<8x512xf32, #tpu.memory_space<hbm>>
      tpu.wait_dma2 semaphore(%arg15 : memref<!tpu.dma_semaphore, #tpu.memory_space<semaphore_mem>>) src(%dma_wait3A_661 : memref<8x512xf32, #tpu.memory_space<hbm>>) dst(%dma_wait3A_658 : memref<8x512xf32, #tpu.memory_space<vmem>>)
      %dma_wait3A_662 = arith.constant 40 : i32
      %dma_wait3A_663 = arith.constant 0 : i32
      %dma_wait3A_664 = tpu.memref_slice %arg11[%select_n3A_456, %dma_wait3A_662, %dma_wait3A_663] : memref<2x64x513xf32, #tpu.memory_space<vmem>> -> memref<1x8x512xf32, #tpu.memory_space<vmem>>
      %dma_wait3A_665 = tpu.memref_squeeze %dma_wait3A_664 : memref<1x8x512xf32, #tpu.memory_space<vmem>> -> memref<8x512xf32, #tpu.memory_space<vmem>>
      %dma_wait3A_666 = arith.constant 0 : i32
      %dma_wait3A_667 = arith.constant 0 : i32
      %dma_wait3A_668 = tpu.memref_slice %arg2[%dma_wait3A_666, %dma_wait3A_667] : memref<64x1000000xf32, #tpu.memory_space<hbm>> -> memref<8x512xf32, #tpu.memory_space<hbm>>
      %dma_wait3A_669 = arith.constant 40 : i32
      %dma_wait3A_670 = arith.constant 0 : i32
      %dma_wait3A_671 = tpu.memref_slice %arg11[%select_n3A_456, %dma_wait3A_669, %dma_wait3A_670] : memref<2x64x513xf32, #tpu.memory_space<vmem>> -> memref<1x8x512xf32, #tpu.memory_space<vmem>>
      %dma_wait3A_672 = tpu.memref_squeeze %dma_wait3A_671 : memref<1x8x512xf32, #tpu.memory_space<vmem>> -> memref<8x512xf32, #tpu.memory_space<vmem>>
      %dma_wait3A_673 = arith.constant 0 : i32
      %dma_wait3A_674 = arith.constant 0 : i32
      %dma_wait3A_675 = tpu.memref_slice %arg2[%dma_wait3A_673, %dma_wait3A_674] : memref<64x1000000xf32, #tpu.memory_space<hbm>> -> memref<8x512xf32, #tpu.memory_space<hbm>>
      tpu.wait_dma2 semaphore(%arg15 : memref<!tpu.dma_semaphore, #tpu.memory_space<semaphore_mem>>) src(%dma_wait3A_675 : memref<8x512xf32, #tpu.memory_space<hbm>>) dst(%dma_wait3A_672 : memref<8x512xf32, #tpu.memory_space<vmem>>)
      %dma_wait3A_676 = arith.constant 48 : i32
      %dma_wait3A_677 = arith.constant 0 : i32
      %dma_wait3A_678 = tpu.memref_slice %arg11[%select_n3A_456, %dma_wait3A_676, %dma_wait3A_677] : memref<2x64x513xf32, #tpu.memory_space<vmem>> -> memref<1x8x512xf32, #tpu.memory_space<vmem>>
      %dma_wait3A_679 = tpu.memref_squeeze %dma_wait3A_678 : memref<1x8x512xf32, #tpu.memory_space<vmem>> -> memref<8x512xf32, #tpu.memory_space<vmem>>
      %dma_wait3A_680 = arith.constant 0 : i32
      %dma_wait3A_681 = arith.constant 0 : i32
      %dma_wait3A_682 = tpu.memref_slice %arg2[%dma_wait3A_680, %dma_wait3A_681] : memref<64x1000000xf32, #tpu.memory_space<hbm>> -> memref<8x512xf32, #tpu.memory_space<hbm>>
      %dma_wait3A_683 = arith.constant 48 : i32
      %dma_wait3A_684 = arith.constant 0 : i32
      %dma_wait3A_685 = tpu.memref_slice %arg11[%select_n3A_456, %dma_wait3A_683, %dma_wait3A_684] : memref<2x64x513xf32, #tpu.memory_space<vmem>> -> memref<1x8x512xf32, #tpu.memory_space<vmem>>
      %dma_wait3A_686 = tpu.memref_squeeze %dma_wait3A_685 : memref<1x8x512xf32, #tpu.memory_space<vmem>> -> memref<8x512xf32, #tpu.memory_space<vmem>>
      %dma_wait3A_687 = arith.constant 0 : i32
      %dma_wait3A_688 = arith.constant 0 : i32
      %dma_wait3A_689 = tpu.memref_slice %arg2[%dma_wait3A_687, %dma_wait3A_688] : memref<64x1000000xf32, #tpu.memory_space<hbm>> -> memref<8x512xf32, #tpu.memory_space<hbm>>
      tpu.wait_dma2 semaphore(%arg15 : memref<!tpu.dma_semaphore, #tpu.memory_space<semaphore_mem>>) src(%dma_wait3A_689 : memref<8x512xf32, #tpu.memory_space<hbm>>) dst(%dma_wait3A_686 : memref<8x512xf32, #tpu.memory_space<vmem>>)
      %dma_wait3A_690 = arith.constant 56 : i32
      %dma_wait3A_691 = arith.constant 0 : i32
      %dma_wait3A_692 = tpu.memref_slice %arg11[%select_n3A_456, %dma_wait3A_690, %dma_wait3A_691] : memref<2x64x513xf32, #tpu.memory_space<vmem>> -> memref<1x8x512xf32, #tpu.memory_space<vmem>>
      %dma_wait3A_693 = tpu.memref_squeeze %dma_wait3A_692 : memref<1x8x512xf32, #tpu.memory_space<vmem>> -> memref<8x512xf32, #tpu.memory_space<vmem>>
      %dma_wait3A_694 = arith.constant 0 : i32
      %dma_wait3A_695 = arith.constant 0 : i32
      %dma_wait3A_696 = tpu.memref_slice %arg2[%dma_wait3A_694, %dma_wait3A_695] : memref<64x1000000xf32, #tpu.memory_space<hbm>> -> memref<8x512xf32, #tpu.memory_space<hbm>>
      %dma_wait3A_697 = arith.constant 56 : i32
      %dma_wait3A_698 = arith.constant 0 : i32
      %dma_wait3A_699 = tpu.memref_slice %arg11[%select_n3A_456, %dma_wait3A_697, %dma_wait3A_698] : memref<2x64x513xf32, #tpu.memory_space<vmem>> -> memref<1x8x512xf32, #tpu.memory_space<vmem>>
      %dma_wait3A_700 = tpu.memref_squeeze %dma_wait3A_699 : memref<1x8x512xf32, #tpu.memory_space<vmem>> -> memref<8x512xf32, #tpu.memory_space<vmem>>
      %dma_wait3A_701 = arith.constant 0 : i32
      %dma_wait3A_702 = arith.constant 0 : i32
      %dma_wait3A_703 = tpu.memref_slice %arg2[%dma_wait3A_701, %dma_wait3A_702] : memref<64x1000000xf32, #tpu.memory_space<hbm>> -> memref<8x512xf32, #tpu.memory_space<hbm>>
      tpu.wait_dma2 semaphore(%arg15 : memref<!tpu.dma_semaphore, #tpu.memory_space<semaphore_mem>>) src(%dma_wait3A_703 : memref<8x512xf32, #tpu.memory_space<hbm>>) dst(%dma_wait3A_700 : memref<8x512xf32, #tpu.memory_space<vmem>>)
      %add3A_704 = arith.addi %select_n3A, %scan3A_437 : i32
      %add3A_705 = arith.constant 1 : i32
      %add3A_706 = arith.addi %add3A_704, %add3A_705 : i32
      %min3A_707 = arith.constant 1953 : i32
      %min3A_708 = arith.minsi %add3A_706, %min3A_707 : i32
      %mul3A_709 = arith.constant 512 : i32
      %mul3A_710 = arith.muli %min3A_708, %mul3A_709 : i32
      %while3A_711:2 = scf.while (%while3A_713 = %scan3A_438, %while3A_714 = %scan3A_439) : (i32, i32) -> (i32, i32) {
        %lt3A_715 = arith.cmpi slt, %while3A_714, %mul3A_710 : i32
        scf.condition(%lt3A_715) %while3A_713, %while3A_714 : i32, i32
      } do {
      ^bb0(%while3A_713: i32, %while3A_714: i32):
        %add3A_715 = arith.addi %select_n3A, %scan3A_437 : i32
        %mul3A_716 = arith.constant 512 : i32
        %mul3A_717 = arith.muli %add3A_715, %mul3A_716 : i32
        %sub3A_718 = arith.subi %while3A_714, %mul3A_717 : i32
        %jit3A_719 = arith.constant 256 : i32
        %eq3A_720 = arith.constant 0 : i32
        %eq3A_721 = arith.cmpi eq, %jit3A_719, %eq3A_720 : i32
        %jit3A_722 = arith.constant 1 : i32
        %select_n3A_723 = arith.select %eq3A_721, %jit3A_722, %jit3A_719 : i32
        %rem3A_724 = arith.remsi %while3A_713, %select_n3A_723 : i32
        %ne3A_725 = arith.constant 0 : i32
        %ne3A_726 = arith.cmpi ne, %rem3A_724, %ne3A_725 : i32
        %lt3A_727 = arith.constant 0 : i32
        %lt3A_728 = arith.cmpi slt, %rem3A_724, %lt3A_727 : i32
        %lt3A_729 = arith.constant 0 : i32
        %lt3A_730 = arith.cmpi slt, %select_n3A_723, %lt3A_729 : i32
        %ne3A_731 = arith.xori %lt3A_728, %lt3A_730 : i1
        %and3A_732 = arith.andi %ne3A_731, %ne3A_726 : i1
        %add3A_733 = arith.addi %rem3A_724, %select_n3A_723 : i32
        %select_n3A_734 = arith.select %and3A_732, %add3A_733, %rem3A_724 : i32
        %broadcast_in_dim3A_735 = vector.broadcast %select_n3A_456 : i32 to vector<16xi32>
        %add3A_736 = arith.constant 0 : i32
        %add3A_737 = vector.broadcast %add3A_736 : i32 to vector<16xi32>
        %add3A_738 = arith.addi %add3A_737, %iota3A : vector<16xi32>
        %broadcast_in_dim3A_739 = vector.broadcast %sub3A_718 : i32 to vector<16xi32>
        %gather3A = tpu.vector_load_idx %arg11[%broadcast_in_dim3A_735, %add3A_738, %broadcast_in_dim3A_739] : memref<2x64x513xf32, #tpu.memory_space<vmem>>[vector<16xi32>, vector<16xi32>, vector<16xi32>], vector<16xf32>,
        %swap3A = arith.index_cast %select_n3A_734 : i32 to index
        %swap3A_740 = arith.constant 0 : index
        %swap3A_741 = tpu.vector_load %arg12[%swap3A, %swap3A_740] {strides = array<i32>} : memref<256x128xf32, #tpu.memory_space<vmem>>, vector<16xf32>,
        tpu.vector_store %arg12[%swap3A, %swap3A_740], %gather3A {strides = array<i32>} : memref<256x128xf32, #tpu.memory_space<vmem>>, vector<16xf32>,
        %broadcast_in_dim3A_742 = vector.broadcast %select_n3A_456 : i32 to vector<16xi32>
        %add3A_743 = arith.constant 16 : i32
        %add3A_744 = vector.broadcast %add3A_743 : i32 to vector<16xi32>
        %add3A_745 = arith.addi %add3A_744, %iota3A : vector<16xi32>
        %broadcast_in_dim3A_746 = vector.broadcast %sub3A_718 : i32 to vector<16xi32>
        %gather3A_747 = tpu.vector_load_idx %arg11[%broadcast_in_dim3A_742, %add3A_745, %broadcast_in_dim3A_746] : memref<2x64x513xf32, #tpu.memory_space<vmem>>[vector<16xi32>, vector<16xi32>, vector<16xi32>], vector<16xf32>,
        %swap3A_748 = arith.index_cast %select_n3A_734 : i32 to index
        %swap3A_749 = arith.constant 16 : index
        %swap3A_750 = tpu.vector_load %arg12[%swap3A_748, %swap3A_749] {strides = array<i32>} : memref<256x128xf32, #tpu.memory_space<vmem>>, vector<16xf32>,
        tpu.vector_store %arg12[%swap3A_748, %swap3A_749], %gather3A_747 {strides = array<i32>} : memref<256x128xf32, #tpu.memory_space<vmem>>, vector<16xf32>,
        %broadcast_in_dim3A_751 = vector.broadcast %select_n3A_456 : i32 to vector<16xi32>
        %add3A_752 = arith.constant 32 : i32
        %add3A_753 = vector.broadcast %add3A_752 : i32 to vector<16xi32>
        %add3A_754 = arith.addi %add3A_753, %iota3A : vector<16xi32>
        %broadcast_in_dim3A_755 = vector.broadcast %sub3A_718 : i32 to vector<16xi32>
        %gather3A_756 = tpu.vector_load_idx %arg11[%broadcast_in_dim3A_751, %add3A_754, %broadcast_in_dim3A_755] : memref<2x64x513xf32, #tpu.memory_space<vmem>>[vector<16xi32>, vector<16xi32>, vector<16xi32>], vector<16xf32>,
        %swap3A_757 = arith.index_cast %select_n3A_734 : i32 to index
        %swap3A_758 = arith.constant 32 : index
        %swap3A_759 = tpu.vector_load %arg12[%swap3A_757, %swap3A_758] {strides = array<i32>} : memref<256x128xf32, #tpu.memory_space<vmem>>, vector<16xf32>,
        tpu.vector_store %arg12[%swap3A_757, %swap3A_758], %gather3A_756 {strides = array<i32>} : memref<256x128xf32, #tpu.memory_space<vmem>>, vector<16xf32>,
        %broadcast_in_dim3A_760 = vector.broadcast %select_n3A_456 : i32 to vector<16xi32>
        %add3A_761 = arith.constant 48 : i32
        %add3A_762 = vector.broadcast %add3A_761 : i32 to vector<16xi32>
        %add3A_763 = arith.addi %add3A_762, %iota3A : vector<16xi32>
        %broadcast_in_dim3A_764 = vector.broadcast %sub3A_718 : i32 to vector<16xi32>
        %gather3A_765 = tpu.vector_load_idx %arg11[%broadcast_in_dim3A_760, %add3A_763, %broadcast_in_dim3A_764] : memref<2x64x513xf32, #tpu.memory_space<vmem>>[vector<16xi32>, vector<16xi32>, vector<16xi32>], vector<16xf32>,
        %swap3A_766 = arith.index_cast %select_n3A_734 : i32 to index
        %swap3A_767 = arith.constant 48 : index
        %swap3A_768 = tpu.vector_load %arg12[%swap3A_766, %swap3A_767] {strides = array<i32>} : memref<256x128xf32, #tpu.memory_space<vmem>>, vector<16xf32>,
        tpu.vector_store %arg12[%swap3A_766, %swap3A_767], %gather3A_765 {strides = array<i32>} : memref<256x128xf32, #tpu.memory_space<vmem>>, vector<16xf32>,
        %jit3A_769 = arith.constant 16 : i32
        %div3A_770 = arith.divsi %while3A_713, %jit3A_769 : i32
        %sign3A_771 = arith.constant 0 : i32
        %sign3A_772 = arith.cmpi sgt, %while3A_713, %sign3A_771 : i32
        %sign3A_773 = arith.extui %sign3A_772 : i1 to i32
        %sign3A_774 = arith.constant 0 : i32
        %sign3A_775 = arith.cmpi slt, %while3A_713, %sign3A_774 : i32
        %sign3A_776 = arith.extui %sign3A_775 : i1 to i32
        %sign3A_777 = arith.subi %sign3A_773, %sign3A_776 : i32
        %sign3A_778 = arith.constant 0 : i32
        %sign3A_779 = arith.cmpi sgt, %jit3A_769, %sign3A_778 : i32
        %sign3A_780 = arith.extui %sign3A_779 : i1 to i32
        %sign3A_781 = arith.constant 0 : i32
        %sign3A_782 = arith.cmpi slt, %jit3A_769, %sign3A_781 : i32
        %sign3A_783 = arith.extui %sign3A_782 : i1 to i32
        %sign3A_784 = arith.subi %sign3A_780, %sign3A_783 : i32
        %ne3A_785 = arith.cmpi ne, %sign3A_777, %sign3A_784 : i32
        %rem3A_786 = arith.remsi %while3A_713, %jit3A_769 : i32
        %ne3A_787 = arith.constant 0 : i32
        %ne3A_788 = arith.cmpi ne, %rem3A_786, %ne3A_787 : i32
        %and3A_789 = arith.andi %ne3A_785, %ne3A_788 : i1
        %sub3A_790 = arith.constant 1 : i32
        %sub3A_791 = arith.subi %div3A_770, %sub3A_790 : i32
        %select_n3A_792 = arith.select %and3A_789, %sub3A_791, %div3A_770 : i32
        %mul3A_793 = arith.constant 16 : i32
        %mul3A_794 = arith.muli %select_n3A_792, %mul3A_793 : i32
        %get3A_795 = arith.index_cast %mul3A_794 : i32 to index
        %get3A_796 = tpu.vector_load %arg9[%get3A_795] {strides = array<i32>} : memref<1304xi32, #tpu.memory_space<vmem>>, vector<16xi32>,
        %jit3A_797 = arith.constant 256 : i32
        %eq3A_798 = arith.constant 0 : i32
        %eq3A_799 = arith.cmpi eq, %jit3A_797, %eq3A_798 : i32
        %jit3A_800 = arith.constant 1 : i32
        %select_n3A_801 = arith.select %eq3A_799, %jit3A_800, %jit3A_797 : i32
        %rem3A_802 = arith.remsi %while3A_713, %select_n3A_801 : i32
        %ne3A_803 = arith.constant 0 : i32
        %ne3A_804 = arith.cmpi ne, %rem3A_802, %ne3A_803 : i32
        %lt3A_805 = arith.constant 0 : i32
        %lt3A_806 = arith.cmpi slt, %rem3A_802, %lt3A_805 : i32
        %lt3A_807 = arith.constant 0 : i32
        %lt3A_808 = arith.cmpi slt, %select_n3A_801, %lt3A_807 : i32
        %ne3A_809 = arith.xori %lt3A_806, %lt3A_808 : i1
        %and3A_810 = arith.andi %ne3A_809, %ne3A_804 : i1
        %add3A_811 = arith.addi %rem3A_802, %select_n3A_801 : i32
        %select_n3A_812 = arith.select %and3A_810, %add3A_811, %rem3A_802 : i32
        %jit3A_813 = arith.constant 128 : i32
        %div3A_814 = arith.divsi %select_n3A_812, %jit3A_813 : i32
        %sign3A_815 = arith.constant 0 : i32
        %sign3A_816 = arith.cmpi sgt, %select_n3A_812, %sign3A_815 : i32
        %sign3A_817 = arith.extui %sign3A_816 : i1 to i32
        %sign3A_818 = arith.constant 0 : i32
        %sign3A_819 = arith.cmpi slt, %select_n3A_812, %sign3A_818 : i32
        %sign3A_820 = arith.extui %sign3A_819 : i1 to i32
        %sign3A_821 = arith.subi %sign3A_817, %sign3A_820 : i32
        %sign3A_822 = arith.constant 0 : i32
        %sign3A_823 = arith.cmpi sgt, %jit3A_813, %sign3A_822 : i32
        %sign3A_824 = arith.extui %sign3A_823 : i1 to i32
        %sign3A_825 = arith.constant 0 : i32
        %sign3A_826 = arith.cmpi slt, %jit3A_813, %sign3A_825 : i32
        %sign3A_827 = arith.extui %sign3A_826 : i1 to i32
        %sign3A_828 = arith.subi %sign3A_824, %sign3A_827 : i32
        %ne3A_829 = arith.cmpi ne, %sign3A_821, %sign3A_828 : i32
        %rem3A_830 = arith.remsi %select_n3A_812, %jit3A_813 : i32
        %ne3A_831 = arith.constant 0 : i32
        %ne3A_832 = arith.cmpi ne, %rem3A_830, %ne3A_831 : i32
        %and3A_833 = arith.andi %ne3A_829, %ne3A_832 : i1
        %sub3A_834 = arith.constant 1 : i32
        %sub3A_835 = arith.subi %div3A_814, %sub3A_834 : i32
        %select_n3A_836 = arith.select %and3A_833, %sub3A_835, %div3A_814 : i32
        %broadcast_in_dim3A_837 = vector.broadcast %select_n3A_836 : i32 to vector<16xi32>
        %jit3A_838 = arith.constant 128 : i32
        %eq3A_839 = arith.constant 0 : i32
        %eq3A_840 = arith.cmpi eq, %jit3A_838, %eq3A_839 : i32
        %jit3A_841 = arith.constant 1 : i32
        %select_n3A_842 = arith.select %eq3A_840, %jit3A_841, %jit3A_838 : i32
        %rem3A_843 = arith.remsi %select_n3A_812, %select_n3A_842 : i32
        %ne3A_844 = arith.constant 0 : i32
        %ne3A_845 = arith.cmpi ne, %rem3A_843, %ne3A_844 : i32
        %lt3A_846 = arith.constant 0 : i32
        %lt3A_847 = arith.cmpi slt, %rem3A_843, %lt3A_846 : i32
        %lt3A_848 = arith.constant 0 : i32
        %lt3A_849 = arith.cmpi slt, %select_n3A_842, %lt3A_848 : i32
        %ne3A_850 = arith.xori %lt3A_847, %lt3A_849 : i1
        %and3A_851 = arith.andi %ne3A_850, %ne3A_845 : i1
        %add3A_852 = arith.addi %rem3A_843, %select_n3A_842 : i32
        %select_n3A_853 = arith.select %and3A_851, %add3A_852, %rem3A_843 : i32
        %broadcast_in_dim3A_854 = vector.broadcast %select_n3A_853 : i32 to vector<16xi32>
        %jit3A_855 = arith.constant 16 : i32
        %eq3A_856 = arith.constant 0 : i32
        %eq3A_857 = arith.cmpi eq, %jit3A_855, %eq3A_856 : i32
        %jit3A_858 = arith.constant 1 : i32
        %select_n3A_859 = arith.select %eq3A_857, %jit3A_858, %jit3A_855 : i32
        %rem3A_860 = arith.remsi %while3A_713, %select_n3A_859 : i32
        %ne3A_861 = arith.constant 0 : i32
        %ne3A_862 = arith.cmpi ne, %rem3A_860, %ne3A_861 : i32
        %lt3A_863 = arith.constant 0 : i32
        %lt3A_864 = arith.cmpi slt, %rem3A_860, %lt3A_863 : i32
        %lt3A_865 = arith.constant 0 : i32
        %lt3A_866 = arith.cmpi slt, %select_n3A_859, %lt3A_865 : i32
        %ne3A_867 = arith.xori %lt3A_864, %lt3A_866 : i1
        %and3A_868 = arith.andi %ne3A_867, %ne3A_862 : i1
        %add3A_869 = arith.addi %rem3A_860, %select_n3A_859 : i32
        %select_n3A_870 = arith.select %and3A_868, %add3A_869, %rem3A_860 : i32
        %eq3A_871 = vector.broadcast %select_n3A_870 : i32 to vector<16xi32>
        %eq3A_872 = arith.cmpi eq, %iota3A, %eq3A_871 : vector<16xi32>
        tpu.vector_store_idx %arg13[%broadcast_in_dim3A_837, %broadcast_in_dim3A_854], %get3A_796 masked %eq3A_872 : memref<2x128xi32, #tpu.memory_space<vmem>>[vector<16xi32>, vector<16xi32>], vector<16xi32>, vector<16xi1>
        %add3A_873 = arith.constant 1 : i32
        %add3A_874 = arith.addi %while3A_713, %add3A_873 : i32
        %add3A_875 = arith.constant 1 : i32
        %add3A_876 = arith.addi %while3A_713, %add3A_875 : i32
        %jit3A_877 = arith.constant 16 : i32
        %div3A_878 = arith.divsi %add3A_876, %jit3A_877 : i32
        %sign3A_879 = arith.constant 0 : i32
        %sign3A_880 = arith.cmpi sgt, %add3A_876, %sign3A_879 : i32
        %sign3A_881 = arith.extui %sign3A_880 : i1 to i32
        %sign3A_882 = arith.constant 0 : i32
        %sign3A_883 = arith.cmpi slt, %add3A_876, %sign3A_882 : i32
        %sign3A_884 = arith.extui %sign3A_883 : i1 to i32
        %sign3A_885 = arith.subi %sign3A_881, %sign3A_884 : i32
        %sign3A_886 = arith.constant 0 : i32
        %sign3A_887 = arith.cmpi sgt, %jit3A_877, %sign3A_886 : i32
        %sign3A_888 = arith.extui %sign3A_887 : i1 to i32
        %sign3A_889 = arith.constant 0 : i32
        %sign3A_890 = arith.cmpi slt, %jit3A_877, %sign3A_889 : i32
        %sign3A_891 = arith.extui %sign3A_890 : i1 to i32
        %sign3A_892 = arith.subi %sign3A_888, %sign3A_891 : i32
        %ne3A_893 = arith.cmpi ne, %sign3A_885, %sign3A_892 : i32
        %rem3A_894 = arith.remsi %add3A_876, %jit3A_877 : i32
        %ne3A_895 = arith.constant 0 : i32
        %ne3A_896 = arith.cmpi ne, %rem3A_894, %ne3A_895 : i32
        %and3A_897 = arith.andi %ne3A_893, %ne3A_896 : i1
        %sub3A_898 = arith.constant 1 : i32
        %sub3A_899 = arith.subi %div3A_878, %sub3A_898 : i32
        %select_n3A_900 = arith.select %and3A_897, %sub3A_899, %div3A_878 : i32
        %mul3A_901 = arith.constant 16 : i32
        %mul3A_902 = arith.muli %select_n3A_900, %mul3A_901 : i32
        %get3A_903 = arith.index_cast %mul3A_902 : i32 to index
        %get3A_904 = tpu.vector_load %arg8[%get3A_903] {strides = array<i32>} : memref<1304xi32, #tpu.memory_space<vmem>>, vector<16xi32>,
        %jit3A_905 = arith.constant 16 : i32
        %eq3A_906 = arith.constant 0 : i32
        %eq3A_907 = arith.cmpi eq, %jit3A_905, %eq3A_906 : i32
        %jit3A_908 = arith.constant 1 : i32
        %select_n3A_909 = arith.select %eq3A_907, %jit3A_908, %jit3A_905 : i32
        %rem3A_910 = arith.remsi %add3A_876, %select_n3A_909 : i32
        %ne3A_911 = arith.constant 0 : i32
        %ne3A_912 = arith.cmpi ne, %rem3A_910, %ne3A_911 : i32
        %lt3A_913 = arith.constant 0 : i32
        %lt3A_914 = arith.cmpi slt, %rem3A_910, %lt3A_913 : i32
        %lt3A_915 = arith.constant 0 : i32
        %lt3A_916 = arith.cmpi slt, %select_n3A_909, %lt3A_915 : i32
        %ne3A_917 = arith.xori %lt3A_914, %lt3A_916 : i1
        %and3A_918 = arith.andi %ne3A_917, %ne3A_912 : i1
        %add3A_919 = arith.addi %rem3A_910, %select_n3A_909 : i32
        %select_n3A_920 = arith.select %and3A_918, %add3A_919, %rem3A_910 : i32
        %eq3A_921 = vector.broadcast %select_n3A_920 : i32 to vector<16xi32>
        %eq3A_922 = arith.cmpi eq, %iota3A, %eq3A_921 : vector<16xi32>
        %jit3A_923 = arith.constant 0 : i32
        %broadcast_in_dim3A_924 = vector.broadcast %jit3A_923 : i32 to vector<16xi32>
        %select_n3A_925 = arith.select %eq3A_922, %get3A_904, %broadcast_in_dim3A_924 : vector<16xi1>, vector<16xi32>
        %reduce_sum3A_926 = arith.constant true
        %reduce_sum3A_927 = vector.broadcast %reduce_sum3A_926 : i1 to vector<16xi1>
        %reduce_sum3A_928 = tpu.scan <sum>, %select_n3A_925 masked %reduce_sum3A_927 : vector<16xi32>, vector<16xi1> -> vector<16xi32>
        %reduce_sum3A_929 = vector.extract %reduce_sum3A_928[15] : i32 from vector<16xi32>
        scf.yield %add3A_874, %reduce_sum3A_929 : i32, i32
      }
      %while3A_712:2 = scf.while (%while3A_713 = %while3A_711#0, %while3A_714 = %scan3A_440) : (i32, i32) -> (i32, i32) {
        %add3A_715 = arith.constant 128 : i32
        %add3A_716 = arith.addi %while3A_714, %add3A_715 : i32
        %le3A = arith.cmpi sle, %add3A_716, %while3A_713 : i32
        scf.condition(%le3A) %while3A_713, %while3A_714 : i32, i32
      } do {
      ^bb0(%while3A_713: i32, %while3A_714: i32):
        %jit3A_715 = arith.constant 256 : i32
        %eq3A_716 = arith.constant 0 : i32
        %eq3A_717 = arith.cmpi eq, %jit3A_715, %eq3A_716 : i32
        %jit3A_718 = arith.constant 1 : i32
        %select_n3A_719 = arith.select %eq3A_717, %jit3A_718, %jit3A_715 : i32
        %rem3A_720 = arith.remsi %while3A_714, %select_n3A_719 : i32
        %ne3A_721 = arith.constant 0 : i32
        %ne3A_722 = arith.cmpi ne, %rem3A_720, %ne3A_721 : i32
        %lt3A_723 = arith.constant 0 : i32
        %lt3A_724 = arith.cmpi slt, %rem3A_720, %lt3A_723 : i32
        %lt3A_725 = arith.constant 0 : i32
        %lt3A_726 = arith.cmpi slt, %select_n3A_719, %lt3A_725 : i32
        %ne3A_727 = arith.xori %lt3A_724, %lt3A_726 : i1
        %and3A_728 = arith.andi %ne3A_727, %ne3A_722 : i1
        %add3A_729 = arith.addi %rem3A_720, %select_n3A_719 : i32
        %select_n3A_730 = arith.select %and3A_728, %add3A_729, %rem3A_720 : i32
        %multiple_of3A_731 = tpu.assume_multiple %select_n3A_730, 128 : i32
        %jit3A_732 = arith.constant 128 : i32
        %div3A_733 = arith.divsi %select_n3A_730, %jit3A_732 : i32
        %sign3A_734 = arith.constant 0 : i32
        %sign3A_735 = arith.cmpi sgt, %select_n3A_730, %sign3A_734 : i32
        %sign3A_736 = arith.extui %sign3A_735 : i1 to i32
        %sign3A_737 = arith.constant 0 : i32
        %sign3A_738 = arith.cmpi slt, %select_n3A_730, %sign3A_737 : i32
        %sign3A_739 = arith.extui %sign3A_738 : i1 to i32
        %sign3A_740 = arith.subi %sign3A_736, %sign3A_739 : i32
        %sign3A_741 = arith.constant 0 : i32
        %sign3A_742 = arith.cmpi sgt, %jit3A_732, %sign3A_741 : i32
        %sign3A_743 = arith.extui %sign3A_742 : i1 to i32
        %sign3A_744 = arith.constant 0 : i32
        %sign3A_745 = arith.cmpi slt, %jit3A_732, %sign3A_744 : i32
        %sign3A_746 = arith.extui %sign3A_745 : i1 to i32
        %sign3A_747 = arith.subi %sign3A_743, %sign3A_746 : i32
        %ne3A_748 = arith.cmpi ne, %sign3A_740, %sign3A_747 : i32
        %rem3A_749 = arith.remsi %select_n3A_730, %jit3A_732 : i32
        %ne3A_750 = arith.constant 0 : i32
        %ne3A_751 = arith.cmpi ne, %rem3A_749, %ne3A_750 : i32
        %and3A_752 = arith.andi %ne3A_748, %ne3A_751 : i1
        %sub3A_753 = arith.constant 1 : i32
        %sub3A_754 = arith.subi %div3A_733, %sub3A_753 : i32
        %select_n3A_755 = arith.select %and3A_752, %sub3A_754, %div3A_733 : i32
        "tpu.region"() ({
          %run_scoped3A = tpu.sem_alloc : memref<!tpu.dma_semaphore, #tpu.memory_space<semaphore_mem>>
          %dma_start3A_764 = arith.constant 0 : i32
          %dma_start3A_765 = tpu.memref_slice %arg12[%multiple_of3A_731, %dma_start3A_764] : memref<256x128xf32, #tpu.memory_space<vmem>> -> memref<128x128xf32, #tpu.memory_space<vmem>>
          %dma_start3A_766 = arith.constant 0 : i32
          %dma_start3A_767 = tpu.memref_slice %arg13[%select_n3A_755, %dma_start3A_766] : memref<2x128xi32, #tpu.memory_space<vmem>> -> memref<1x128xi32, #tpu.memory_space<vmem>>
          %dma_start3A_768 = tpu.memref_squeeze %dma_start3A_767 : memref<1x128xi32, #tpu.memory_space<vmem>> -> memref<128xi32, #tpu.memory_space<vmem>>
          %dma_start3A_769 = arith.constant 0 : i32
          %dma_start3A_770 = arith.constant 0 : i32
          %dma_start3A_771 = tpu.memref_slice %arg7[%dma_start3A_769, %dma_start3A_770] : memref<32776x128xf32, #tpu.memory_space<hbm>> -> memref<32776x128xf32, #tpu.memory_space<hbm>>
          tpu.enqueue_indirect_dma source(%dma_start3A_765 : memref<128x128xf32, #tpu.memory_space<vmem>>) target(%dma_start3A_771 : memref<32776x128xf32, #tpu.memory_space<hbm>>) offsets(%dma_start3A_768 : memref<128xi32, #tpu.memory_space<vmem>>) semaphore(%run_scoped3A : memref<!tpu.dma_semaphore, #tpu.memory_space<semaphore_mem>>)
          %dma_wait3A_772 = arith.constant 0 : i32
          %dma_wait3A_773 = tpu.memref_slice %arg12[%multiple_of3A_731, %dma_wait3A_772] : memref<256x128xf32, #tpu.memory_space<vmem>> -> memref<128x128xf32, #tpu.memory_space<vmem>>
          %dma_wait3A_774 = arith.constant 0 : i32
          %dma_wait3A_775 = tpu.memref_slice %arg13[%select_n3A_755, %dma_wait3A_774] : memref<2x128xi32, #tpu.memory_space<vmem>> -> memref<1x128xi32, #tpu.memory_space<vmem>>
          %dma_wait3A_776 = tpu.memref_squeeze %dma_wait3A_775 : memref<1x128xi32, #tpu.memory_space<vmem>> -> memref<128xi32, #tpu.memory_space<vmem>>
          %dma_wait3A_777 = arith.constant 0 : i32
          %dma_wait3A_778 = arith.constant 0 : i32
          %dma_wait3A_779 = tpu.memref_slice %arg7[%dma_wait3A_777, %dma_wait3A_778] : memref<32776x128xf32, #tpu.memory_space<hbm>> -> memref<32776x128xf32, #tpu.memory_space<hbm>>
          tpu.wait_indirect_dma semaphore(%run_scoped3A : memref<!tpu.dma_semaphore, #tpu.memory_space<semaphore_mem>>) src(%dma_wait3A_773 : memref<128x128xf32, #tpu.memory_space<vmem>>) dst(%dma_wait3A_779 : memref<32776x128xf32, #tpu.memory_space<hbm>>)
          tpu.yield
        }) : () -> ()
        %scan3A_756 = arith.constant 0 : i32
        %scan3A_757 = arith.constant 0 : i32
        %scan3A_758 = arith.constant 8 : i32
        %scan3A_759 = arith.addi %scan3A_757, %scan3A_758 : i32
        %scan3A_760 = arith.constant 1 : i32
        scf.for %scan3A_764 = %scan3A_757 to %scan3A_759 step %scan3A_760  : i32 {
          %jit3A_765 = arith.constant 128 : i32
          %div3A_766 = arith.divsi %select_n3A_730, %jit3A_765 : i32
          %sign3A_767 = arith.constant 0 : i32
          %sign3A_768 = arith.cmpi sgt, %select_n3A_730, %sign3A_767 : i32
          %sign3A_769 = arith.extui %sign3A_768 : i1 to i32
          %sign3A_770 = arith.constant 0 : i32
          %sign3A_771 = arith.cmpi slt, %select_n3A_730, %sign3A_770 : i32
          %sign3A_772 = arith.extui %sign3A_771 : i1 to i32
          %sign3A_773 = arith.subi %sign3A_769, %sign3A_772 : i32
          %sign3A_774 = arith.constant 0 : i32
          %sign3A_775 = arith.cmpi sgt, %jit3A_765, %sign3A_774 : i32
          %sign3A_776 = arith.extui %sign3A_775 : i1 to i32
          %sign3A_777 = arith.constant 0 : i32
          %sign3A_778 = arith.cmpi slt, %jit3A_765, %sign3A_777 : i32
          %sign3A_779 = arith.extui %sign3A_778 : i1 to i32
          %sign3A_780 = arith.subi %sign3A_776, %sign3A_779 : i32
          %ne3A_781 = arith.cmpi ne, %sign3A_773, %sign3A_780 : i32
          %rem3A_782 = arith.remsi %select_n3A_730, %jit3A_765 : i32
          %ne3A_783 = arith.constant 0 : i32
          %ne3A_784 = arith.cmpi ne, %rem3A_782, %ne3A_783 : i32
          %and3A_785 = arith.andi %ne3A_781, %ne3A_784 : i1
          %sub3A_786 = arith.constant 1 : i32
          %sub3A_787 = arith.subi %div3A_766, %sub3A_786 : i32
          %select_n3A_788 = arith.select %and3A_785, %sub3A_787, %div3A_766 : i32
          %broadcast_in_dim3A_789 = vector.broadcast %select_n3A_788 : i32 to vector<16xi32>
          %mul3A_790 = arith.constant 16 : i32
          %mul3A_791 = arith.muli %scan3A_764, %mul3A_790 : i32
          %add3A_792 = vector.broadcast %mul3A_791 : i32 to vector<16xi32>
          %add3A_793 = arith.addi %add3A_792, %iota3A : vector<16xi32>
          tpu.vector_store_idx %arg13[%broadcast_in_dim3A_789, %add3A_793], %broadcast_in_dim3A_1 : memref<2x128xi32, #tpu.memory_space<vmem>>[vector<16xi32>, vector<16xi32>], vector<16xi32>,
        }
        %scan3A_761 = arith.constant 8 : i32
        %add3A_762 = arith.constant 128 : i32
        %add3A_763 = arith.addi %while3A_714, %add3A_762 : i32
        scf.yield %while3A_713, %add3A_763 : i32, i32
      }
      scf.yield %while3A_712#0, %while3A_711#1, %while3A_712#1 : i32, i32, i32
    }
    %scan3A_308 = arith.constant 62 : i32
    %dma_wait3A = arith.constant 0 : i32
    %dma_wait3A_309 = arith.constant 0 : i32
    %dma_wait3A_310 = arith.constant 0 : i32
    %dma_wait3A_311 = tpu.memref_slice %arg11[%dma_wait3A, %dma_wait3A_309, %dma_wait3A_310] : memref<2x64x513xf32, #tpu.memory_space<vmem>> -> memref<1x8x512xf32, #tpu.memory_space<vmem>>
    %dma_wait3A_312 = tpu.memref_squeeze %dma_wait3A_311 : memref<1x8x512xf32, #tpu.memory_space<vmem>> -> memref<8x512xf32, #tpu.memory_space<vmem>>
    %dma_wait3A_313 = arith.constant 0 : i32
    %dma_wait3A_314 = arith.constant 0 : i32
    %dma_wait3A_315 = tpu.memref_slice %arg2[%dma_wait3A_313, %dma_wait3A_314] : memref<64x1000000xf32, #tpu.memory_space<hbm>> -> memref<8x512xf32, #tpu.memory_space<hbm>>
    %dma_wait3A_316 = arith.constant 0 : i32
    %dma_wait3A_317 = arith.constant 0 : i32
    %dma_wait3A_318 = tpu.memref_slice %arg11[%dma_wait3A, %dma_wait3A_316, %dma_wait3A_317] : memref<2x64x513xf32, #tpu.memory_space<vmem>> -> memref<1x8x512xf32, #tpu.memory_space<vmem>>
    %dma_wait3A_319 = tpu.memref_squeeze %dma_wait3A_318 : memref<1x8x512xf32, #tpu.memory_space<vmem>> -> memref<8x512xf32, #tpu.memory_space<vmem>>
    %dma_wait3A_320 = arith.constant 0 : i32
    %dma_wait3A_321 = arith.constant 0 : i32
    %dma_wait3A_322 = tpu.memref_slice %arg2[%dma_wait3A_320, %dma_wait3A_321] : memref<64x1000000xf32, #tpu.memory_space<hbm>> -> memref<8x512xf32, #tpu.memory_space<hbm>>
    tpu.wait_dma2 semaphore(%arg15 : memref<!tpu.dma_semaphore, #tpu.memory_space<semaphore_mem>>) src(%dma_wait3A_322 : memref<8x512xf32, #tpu.memory_space<hbm>>) dst(%dma_wait3A_319 : memref<8x512xf32, #tpu.memory_space<vmem>>)
    %dma_wait3A_323 = arith.constant 0 : i32
    %dma_wait3A_324 = arith.constant 8 : i32
    %dma_wait3A_325 = arith.constant 0 : i32
    %dma_wait3A_326 = tpu.memref_slice %arg11[%dma_wait3A_323, %dma_wait3A_324, %dma_wait3A_325] : memref<2x64x513xf32, #tpu.memory_space<vmem>> -> memref<1x8x512xf32, #tpu.memory_space<vmem>>
    %dma_wait3A_327 = tpu.memref_squeeze %dma_wait3A_326 : memref<1x8x512xf32, #tpu.memory_space<vmem>> -> memref<8x512xf32, #tpu.memory_space<vmem>>
    %dma_wait3A_328 = arith.constant 0 : i32
    %dma_wait3A_329 = arith.constant 0 : i32
    %dma_wait3A_330 = tpu.memref_slice %arg2[%dma_wait3A_328, %dma_wait3A_329] : memref<64x1000000xf32, #tpu.memory_space<hbm>> -> memref<8x512xf32, #tpu.memory_space<hbm>>
    %dma_wait3A_331 = arith.constant 8 : i32
    %dma_wait3A_332 = arith.constant 0 : i32
    %dma_wait3A_333 = tpu.memref_slice %arg11[%dma_wait3A_323, %dma_wait3A_331, %dma_wait3A_332] : memref<2x64x513xf32, #tpu.memory_space<vmem>> -> memref<1x8x512xf32, #tpu.memory_space<vmem>>
    %dma_wait3A_334 = tpu.memref_squeeze %dma_wait3A_333 : memref<1x8x512xf32, #tpu.memory_space<vmem>> -> memref<8x512xf32, #tpu.memory_space<vmem>>
    %dma_wait3A_335 = arith.constant 0 : i32
    %dma_wait3A_336 = arith.constant 0 : i32
    %dma_wait3A_337 = tpu.memref_slice %arg2[%dma_wait3A_335, %dma_wait3A_336] : memref<64x1000000xf32, #tpu.memory_space<hbm>> -> memref<8x512xf32, #tpu.memory_space<hbm>>
    tpu.wait_dma2 semaphore(%arg15 : memref<!tpu.dma_semaphore, #tpu.memory_space<semaphore_mem>>) src(%dma_wait3A_337 : memref<8x512xf32, #tpu.memory_space<hbm>>) dst(%dma_wait3A_334 : memref<8x512xf32, #tpu.memory_space<vmem>>)
    %dma_wait3A_338 = arith.constant 0 : i32
    %dma_wait3A_339 = arith.constant 16 : i32
    %dma_wait3A_340 = arith.constant 0 : i32
    %dma_wait3A_341 = tpu.memref_slice %arg11[%dma_wait3A_338, %dma_wait3A_339, %dma_wait3A_340] : memref<2x64x513xf32, #tpu.memory_space<vmem>> -> memref<1x8x512xf32, #tpu.memory_space<vmem>>
    %dma_wait3A_342 = tpu.memref_squeeze %dma_wait3A_341 : memref<1x8x512xf32, #tpu.memory_space<vmem>> -> memref<8x512xf32, #tpu.memory_space<vmem>>
    %dma_wait3A_343 = arith.constant 0 : i32
    %dma_wait3A_344 = arith.constant 0 : i32
    %dma_wait3A_345 = tpu.memref_slice %arg2[%dma_wait3A_343, %dma_wait3A_344] : memref<64x1000000xf32, #tpu.memory_space<hbm>> -> memref<8x512xf32, #tpu.memory_space<hbm>>
    %dma_wait3A_346 = arith.constant 16 : i32
    %dma_wait3A_347 = arith.constant 0 : i32
    %dma_wait3A_348 = tpu.memref_slice %arg11[%dma_wait3A_338, %dma_wait3A_346, %dma_wait3A_347] : memref<2x64x513xf32, #tpu.memory_space<vmem>> -> memref<1x8x512xf32, #tpu.memory_space<vmem>>
    %dma_wait3A_349 = tpu.memref_squeeze %dma_wait3A_348 : memref<1x8x512xf32, #tpu.memory_space<vmem>> -> memref<8x512xf32, #tpu.memory_space<vmem>>
    %dma_wait3A_350 = arith.constant 0 : i32
    %dma_wait3A_351 = arith.constant 0 : i32
    %dma_wait3A_352 = tpu.memref_slice %arg2[%dma_wait3A_350, %dma_wait3A_351] : memref<64x1000000xf32, #tpu.memory_space<hbm>> -> memref<8x512xf32, #tpu.memory_space<hbm>>
    tpu.wait_dma2 semaphore(%arg15 : memref<!tpu.dma_semaphore, #tpu.memory_space<semaphore_mem>>) src(%dma_wait3A_352 : memref<8x512xf32, #tpu.memory_space<hbm>>) dst(%dma_wait3A_349 : memref<8x512xf32, #tpu.memory_space<vmem>>)
    %dma_wait3A_353 = arith.constant 0 : i32
    %dma_wait3A_354 = arith.constant 24 : i32
    %dma_wait3A_355 = arith.constant 0 : i32
    %dma_wait3A_356 = tpu.memref_slice %arg11[%dma_wait3A_353, %dma_wait3A_354, %dma_wait3A_355] : memref<2x64x513xf32, #tpu.memory_space<vmem>> -> memref<1x8x512xf32, #tpu.memory_space<vmem>>
    %dma_wait3A_357 = tpu.memref_squeeze %dma_wait3A_356 : memref<1x8x512xf32, #tpu.memory_space<vmem>> -> memref<8x512xf32, #tpu.memory_space<vmem>>
    %dma_wait3A_358 = arith.constant 0 : i32
    %dma_wait3A_359 = arith.constant 0 : i32
    %dma_wait3A_360 = tpu.memref_slice %arg2[%dma_wait3A_358, %dma_wait3A_359] : memref<64x1000000xf32, #tpu.memory_space<hbm>> -> memref<8x512xf32, #tpu.memory_space<hbm>>
    %dma_wait3A_361 = arith.constant 24 : i32
    %dma_wait3A_362 = arith.constant 0 : i32
    %dma_wait3A_363 = tpu.memref_slice %arg11[%dma_wait3A_353, %dma_wait3A_361, %dma_wait3A_362] : memref<2x64x513xf32, #tpu.memory_space<vmem>> -> memref<1x8x512xf32, #tpu.memory_space<vmem>>
    %dma_wait3A_364 = tpu.memref_squeeze %dma_wait3A_363 : memref<1x8x512xf32, #tpu.memory_space<vmem>> -> memref<8x512xf32, #tpu.memory_space<vmem>>
    %dma_wait3A_365 = arith.constant 0 : i32
    %dma_wait3A_366 = arith.constant 0 : i32
    %dma_wait3A_367 = tpu.memref_slice %arg2[%dma_wait3A_365, %dma_wait3A_366] : memref<64x1000000xf32, #tpu.memory_space<hbm>> -> memref<8x512xf32, #tpu.memory_space<hbm>>
    tpu.wait_dma2 semaphore(%arg15 : memref<!tpu.dma_semaphore, #tpu.memory_space<semaphore_mem>>) src(%dma_wait3A_367 : memref<8x512xf32, #tpu.memory_space<hbm>>) dst(%dma_wait3A_364 : memref<8x512xf32, #tpu.memory_space<vmem>>)
    %dma_wait3A_368 = arith.constant 0 : i32
    %dma_wait3A_369 = arith.constant 32 : i32
    %dma_wait3A_370 = arith.constant 0 : i32
    %dma_wait3A_371 = tpu.memref_slice %arg11[%dma_wait3A_368, %dma_wait3A_369, %dma_wait3A_370] : memref<2x64x513xf32, #tpu.memory_space<vmem>> -> memref<1x8x512xf32, #tpu.memory_space<vmem>>
    %dma_wait3A_372 = tpu.memref_squeeze %dma_wait3A_371 : memref<1x8x512xf32, #tpu.memory_space<vmem>> -> memref<8x512xf32, #tpu.memory_space<vmem>>
    %dma_wait3A_373 = arith.constant 0 : i32
    %dma_wait3A_374 = arith.constant 0 : i32
    %dma_wait3A_375 = tpu.memref_slice %arg2[%dma_wait3A_373, %dma_wait3A_374] : memref<64x1000000xf32, #tpu.memory_space<hbm>> -> memref<8x512xf32, #tpu.memory_space<hbm>>
    %dma_wait3A_376 = arith.constant 32 : i32
    %dma_wait3A_377 = arith.constant 0 : i32
    %dma_wait3A_378 = tpu.memref_slice %arg11[%dma_wait3A_368, %dma_wait3A_376, %dma_wait3A_377] : memref<2x64x513xf32, #tpu.memory_space<vmem>> -> memref<1x8x512xf32, #tpu.memory_space<vmem>>
    %dma_wait3A_379 = tpu.memref_squeeze %dma_wait3A_378 : memref<1x8x512xf32, #tpu.memory_space<vmem>> -> memref<8x512xf32, #tpu.memory_space<vmem>>
    %dma_wait3A_380 = arith.constant 0 : i32
    %dma_wait3A_381 = arith.constant 0 : i32
    %dma_wait3A_382 = tpu.memref_slice %arg2[%dma_wait3A_380, %dma_wait3A_381] : memref<64x1000000xf32, #tpu.memory_space<hbm>> -> memref<8x512xf32, #tpu.memory_space<hbm>>
    tpu.wait_dma2 semaphore(%arg15 : memref<!tpu.dma_semaphore, #tpu.memory_space<semaphore_mem>>) src(%dma_wait3A_382 : memref<8x512xf32, #tpu.memory_space<hbm>>) dst(%dma_wait3A_379 : memref<8x512xf32, #tpu.memory_space<vmem>>)
    %dma_wait3A_383 = arith.constant 0 : i32
    %dma_wait3A_384 = arith.constant 40 : i32
    %dma_wait3A_385 = arith.constant 0 : i32
    %dma_wait3A_386 = tpu.memref_slice %arg11[%dma_wait3A_383, %dma_wait3A_384, %dma_wait3A_385] : memref<2x64x513xf32, #tpu.memory_space<vmem>> -> memref<1x8x512xf32, #tpu.memory_space<vmem>>
    %dma_wait3A_387 = tpu.memref_squeeze %dma_wait3A_386 : memref<1x8x512xf32, #tpu.memory_space<vmem>> -> memref<8x512xf32, #tpu.memory_space<vmem>>
    %dma_wait3A_388 = arith.constant 0 : i32
    %dma_wait3A_389 = arith.constant 0 : i32
    %dma_wait3A_390 = tpu.memref_slice %arg2[%dma_wait3A_388, %dma_wait3A_389] : memref<64x1000000xf32, #tpu.memory_space<hbm>> -> memref<8x512xf32, #tpu.memory_space<hbm>>
    %dma_wait3A_391 = arith.constant 40 : i32
    %dma_wait3A_392 = arith.constant 0 : i32
    %dma_wait3A_393 = tpu.memref_slice %arg11[%dma_wait3A_383, %dma_wait3A_391, %dma_wait3A_392] : memref<2x64x513xf32, #tpu.memory_space<vmem>> -> memref<1x8x512xf32, #tpu.memory_space<vmem>>
    %dma_wait3A_394 = tpu.memref_squeeze %dma_wait3A_393 : memref<1x8x512xf32, #tpu.memory_space<vmem>> -> memref<8x512xf32, #tpu.memory_space<vmem>>
    %dma_wait3A_395 = arith.constant 0 : i32
    %dma_wait3A_396 = arith.constant 0 : i32
    %dma_wait3A_397 = tpu.memref_slice %arg2[%dma_wait3A_395, %dma_wait3A_396] : memref<64x1000000xf32, #tpu.memory_space<hbm>> -> memref<8x512xf32, #tpu.memory_space<hbm>>
    tpu.wait_dma2 semaphore(%arg15 : memref<!tpu.dma_semaphore, #tpu.memory_space<semaphore_mem>>) src(%dma_wait3A_397 : memref<8x512xf32, #tpu.memory_space<hbm>>) dst(%dma_wait3A_394 : memref<8x512xf32, #tpu.memory_space<vmem>>)
    %dma_wait3A_398 = arith.constant 0 : i32
    %dma_wait3A_399 = arith.constant 48 : i32
    %dma_wait3A_400 = arith.constant 0 : i32
    %dma_wait3A_401 = tpu.memref_slice %arg11[%dma_wait3A_398, %dma_wait3A_399, %dma_wait3A_400] : memref<2x64x513xf32, #tpu.memory_space<vmem>> -> memref<1x8x512xf32, #tpu.memory_space<vmem>>
    %dma_wait3A_402 = tpu.memref_squeeze %dma_wait3A_401 : memref<1x8x512xf32, #tpu.memory_space<vmem>> -> memref<8x512xf32, #tpu.memory_space<vmem>>
    %dma_wait3A_403 = arith.constant 0 : i32
    %dma_wait3A_404 = arith.constant 0 : i32
    %dma_wait3A_405 = tpu.memref_slice %arg2[%dma_wait3A_403, %dma_wait3A_404] : memref<64x1000000xf32, #tpu.memory_space<hbm>> -> memref<8x512xf32, #tpu.memory_space<hbm>>
    %dma_wait3A_406 = arith.constant 48 : i32
    %dma_wait3A_407 = arith.constant 0 : i32
    %dma_wait3A_408 = tpu.memref_slice %arg11[%dma_wait3A_398, %dma_wait3A_406, %dma_wait3A_407] : memref<2x64x513xf32, #tpu.memory_space<vmem>> -> memref<1x8x512xf32, #tpu.memory_space<vmem>>
    %dma_wait3A_409 = tpu.memref_squeeze %dma_wait3A_408 : memref<1x8x512xf32, #tpu.memory_space<vmem>> -> memref<8x512xf32, #tpu.memory_space<vmem>>
    %dma_wait3A_410 = arith.constant 0 : i32
    %dma_wait3A_411 = arith.constant 0 : i32
    %dma_wait3A_412 = tpu.memref_slice %arg2[%dma_wait3A_410, %dma_wait3A_411] : memref<64x1000000xf32, #tpu.memory_space<hbm>> -> memref<8x512xf32, #tpu.memory_space<hbm>>
    tpu.wait_dma2 semaphore(%arg15 : memref<!tpu.dma_semaphore, #tpu.memory_space<semaphore_mem>>) src(%dma_wait3A_412 : memref<8x512xf32, #tpu.memory_space<hbm>>) dst(%dma_wait3A_409 : memref<8x512xf32, #tpu.memory_space<vmem>>)
    %dma_wait3A_413 = arith.constant 0 : i32
    %dma_wait3A_414 = arith.constant 56 : i32
    %dma_wait3A_415 = arith.constant 0 : i32
    %dma_wait3A_416 = tpu.memref_slice %arg11[%dma_wait3A_413, %dma_wait3A_414, %dma_wait3A_415] : memref<2x64x513xf32, #tpu.memory_space<vmem>> -> memref<1x8x512xf32, #tpu.memory_space<vmem>>
    %dma_wait3A_417 = tpu.memref_squeeze %dma_wait3A_416 : memref<1x8x512xf32, #tpu.memory_space<vmem>> -> memref<8x512xf32, #tpu.memory_space<vmem>>
    %dma_wait3A_418 = arith.constant 0 : i32
    %dma_wait3A_419 = arith.constant 0 : i32
    %dma_wait3A_420 = tpu.memref_slice %arg2[%dma_wait3A_418, %dma_wait3A_419] : memref<64x1000000xf32, #tpu.memory_space<hbm>> -> memref<8x512xf32, #tpu.memory_space<hbm>>
    %dma_wait3A_421 = arith.constant 56 : i32
    %dma_wait3A_422 = arith.constant 0 : i32
    %dma_wait3A_423 = tpu.memref_slice %arg11[%dma_wait3A_413, %dma_wait3A_421, %dma_wait3A_422] : memref<2x64x513xf32, #tpu.memory_space<vmem>> -> memref<1x8x512xf32, #tpu.memory_space<vmem>>
    %dma_wait3A_424 = tpu.memref_squeeze %dma_wait3A_423 : memref<1x8x512xf32, #tpu.memory_space<vmem>> -> memref<8x512xf32, #tpu.memory_space<vmem>>
    %dma_wait3A_425 = arith.constant 0 : i32
    %dma_wait3A_426 = arith.constant 0 : i32
    %dma_wait3A_427 = tpu.memref_slice %arg2[%dma_wait3A_425, %dma_wait3A_426] : memref<64x1000000xf32, #tpu.memory_space<hbm>> -> memref<8x512xf32, #tpu.memory_space<hbm>>
    tpu.wait_dma2 semaphore(%arg15 : memref<!tpu.dma_semaphore, #tpu.memory_space<semaphore_mem>>) src(%dma_wait3A_427 : memref<8x512xf32, #tpu.memory_space<hbm>>) dst(%dma_wait3A_424 : memref<8x512xf32, #tpu.memory_space<vmem>>)
    %while3A_428:2 = scf.while (%while3A_437 = %scan3A_307#0, %while3A_438 = %scan3A_307#1) : (i32, i32) -> (i32, i32) {
      %ge3A = arith.constant 999936 : i32
      %ge3A_439 = arith.cmpi sge, %while3A_438, %ge3A : i32
      %lt3A_440 = arith.constant 536870912 : i32
      %lt3A_441 = arith.cmpi slt, %while3A_438, %lt3A_440 : i32
      %and3A_442 = arith.andi %ge3A_439, %lt3A_441 : i1
      scf.condition(%and3A_442) %while3A_437, %while3A_438 : i32, i32
    } do {
    ^bb0(%while3A_437: i32, %while3A_438: i32):
      %sub3A_439 = arith.constant 999936 : i32
      %sub3A_440 = arith.subi %while3A_438, %sub3A_439 : i32
      %jit3A_441 = arith.constant 256 : i32
      %eq3A_442 = arith.constant 0 : i32
      %eq3A_443 = arith.cmpi eq, %jit3A_441, %eq3A_442 : i32
      %jit3A_444 = arith.constant 1 : i32
      %select_n3A_445 = arith.select %eq3A_443, %jit3A_444, %jit3A_441 : i32
      %rem3A_446 = arith.remsi %while3A_437, %select_n3A_445 : i32
      %ne3A_447 = arith.constant 0 : i32
      %ne3A_448 = arith.cmpi ne, %rem3A_446, %ne3A_447 : i32
      %lt3A_449 = arith.constant 0 : i32
      %lt3A_450 = arith.cmpi slt, %rem3A_446, %lt3A_449 : i32
      %lt3A_451 = arith.constant 0 : i32
      %lt3A_452 = arith.cmpi slt, %select_n3A_445, %lt3A_451 : i32
      %ne3A_453 = arith.xori %lt3A_450, %lt3A_452 : i1
      %and3A_454 = arith.andi %ne3A_453, %ne3A_448 : i1
      %add3A_455 = arith.addi %rem3A_446, %select_n3A_445 : i32
      %select_n3A_456 = arith.select %and3A_454, %add3A_455, %rem3A_446 : i32
      %broadcast_in_dim3A_457 = vector.broadcast %sub3A_440 : i32 to vector<16xi32>
      %add3A_458 = arith.constant 0 : i32
      %add3A_459 = vector.broadcast %add3A_458 : i32 to vector<16xi32>
      %add3A_460 = arith.addi %add3A_459, %iota3A : vector<16xi32>
      %gather3A = tpu.vector_load_idx %arg10[%broadcast_in_dim3A_457, %add3A_460] : memref<64x64xf32, #tpu.memory_space<vmem>>[vector<16xi32>, vector<16xi32>], vector<16xf32>,
      %swap3A = arith.index_cast %select_n3A_456 : i32 to index
      %swap3A_461 = arith.constant 0 : index
      %swap3A_462 = tpu.vector_load %arg12[%swap3A, %swap3A_461] {strides = array<i32>} : memref<256x128xf32, #tpu.memory_space<vmem>>, vector<16xf32>,
      tpu.vector_store %arg12[%swap3A, %swap3A_461], %gather3A {strides = array<i32>} : memref<256x128xf32, #tpu.memory_space<vmem>>, vector<16xf32>,
      %broadcast_in_dim3A_463 = vector.broadcast %sub3A_440 : i32 to vector<16xi32>
      %add3A_464 = arith.constant 16 : i32
      %add3A_465 = vector.broadcast %add3A_464 : i32 to vector<16xi32>
      %add3A_466 = arith.addi %add3A_465, %iota3A : vector<16xi32>
      %gather3A_467 = tpu.vector_load_idx %arg10[%broadcast_in_dim3A_463, %add3A_466] : memref<64x64xf32, #tpu.memory_space<vmem>>[vector<16xi32>, vector<16xi32>], vector<16xf32>,
      %swap3A_468 = arith.index_cast %select_n3A_456 : i32 to index
      %swap3A_469 = arith.constant 16 : index
      %swap3A_470 = tpu.vector_load %arg12[%swap3A_468, %swap3A_469] {strides = array<i32>} : memref<256x128xf32, #tpu.memory_space<vmem>>, vector<16xf32>,
      tpu.vector_store %arg12[%swap3A_468, %swap3A_469], %gather3A_467 {strides = array<i32>} : memref<256x128xf32, #tpu.memory_space<vmem>>, vector<16xf32>,
      %broadcast_in_dim3A_471 = vector.broadcast %sub3A_440 : i32 to vector<16xi32>
      %add3A_472 = arith.constant 32 : i32
      %add3A_473 = vector.broadcast %add3A_472 : i32 to vector<16xi32>
      %add3A_474 = arith.addi %add3A_473, %iota3A : vector<16xi32>
      %gather3A_475 = tpu.vector_load_idx %arg10[%broadcast_in_dim3A_471, %add3A_474] : memref<64x64xf32, #tpu.memory_space<vmem>>[vector<16xi32>, vector<16xi32>], vector<16xf32>,
      %swap3A_476 = arith.index_cast %select_n3A_456 : i32 to index
      %swap3A_477 = arith.constant 32 : index
      %swap3A_478 = tpu.vector_load %arg12[%swap3A_476, %swap3A_477] {strides = array<i32>} : memref<256x128xf32, #tpu.memory_space<vmem>>, vector<16xf32>,
      tpu.vector_store %arg12[%swap3A_476, %swap3A_477], %gather3A_475 {strides = array<i32>} : memref<256x128xf32, #tpu.memory_space<vmem>>, vector<16xf32>,
      %broadcast_in_dim3A_479 = vector.broadcast %sub3A_440 : i32 to vector<16xi32>
      %add3A_480 = arith.constant 48 : i32
      %add3A_481 = vector.broadcast %add3A_480 : i32 to vector<16xi32>
      %add3A_482 = arith.addi %add3A_481, %iota3A : vector<16xi32>
      %gather3A_483 = tpu.vector_load_idx %arg10[%broadcast_in_dim3A_479, %add3A_482] : memref<64x64xf32, #tpu.memory_space<vmem>>[vector<16xi32>, vector<16xi32>], vector<16xf32>,
      %swap3A_484 = arith.index_cast %select_n3A_456 : i32 to index
      %swap3A_485 = arith.constant 48 : index
      %swap3A_486 = tpu.vector_load %arg12[%swap3A_484, %swap3A_485] {strides = array<i32>} : memref<256x128xf32, #tpu.memory_space<vmem>>, vector<16xf32>,
      tpu.vector_store %arg12[%swap3A_484, %swap3A_485], %gather3A_483 {strides = array<i32>} : memref<256x128xf32, #tpu.memory_space<vmem>>, vector<16xf32>,
      %jit3A_487 = arith.constant 16 : i32
      %div3A_488 = arith.divsi %while3A_437, %jit3A_487 : i32
      %sign3A_489 = arith.constant 0 : i32
      %sign3A_490 = arith.cmpi sgt, %while3A_437, %sign3A_489 : i32
      %sign3A_491 = arith.extui %sign3A_490 : i1 to i32
      %sign3A_492 = arith.constant 0 : i32
      %sign3A_493 = arith.cmpi slt, %while3A_437, %sign3A_492 : i32
      %sign3A_494 = arith.extui %sign3A_493 : i1 to i32
      %sign3A_495 = arith.subi %sign3A_491, %sign3A_494 : i32
      %sign3A_496 = arith.constant 0 : i32
      %sign3A_497 = arith.cmpi sgt, %jit3A_487, %sign3A_496 : i32
      %sign3A_498 = arith.extui %sign3A_497 : i1 to i32
      %sign3A_499 = arith.constant 0 : i32
      %sign3A_500 = arith.cmpi slt, %jit3A_487, %sign3A_499 : i32
      %sign3A_501 = arith.extui %sign3A_500 : i1 to i32
      %sign3A_502 = arith.subi %sign3A_498, %sign3A_501 : i32
      %ne3A_503 = arith.cmpi ne, %sign3A_495, %sign3A_502 : i32
      %rem3A_504 = arith.remsi %while3A_437, %jit3A_487 : i32
      %ne3A_505 = arith.constant 0 : i32
      %ne3A_506 = arith.cmpi ne, %rem3A_504, %ne3A_505 : i32
      %and3A_507 = arith.andi %ne3A_503, %ne3A_506 : i1
      %sub3A_508 = arith.constant 1 : i32
      %sub3A_509 = arith.subi %div3A_488, %sub3A_508 : i32
      %select_n3A_510 = arith.select %and3A_507, %sub3A_509, %div3A_488 : i32
      %mul3A_511 = arith.constant 16 : i32
      %mul3A_512 = arith.muli %select_n3A_510, %mul3A_511 : i32
      %get3A_513 = arith.index_cast %mul3A_512 : i32 to index
      %get3A_514 = tpu.vector_load %arg9[%get3A_513] {strides = array<i32>} : memref<1304xi32, #tpu.memory_space<vmem>>, vector<16xi32>,
      %jit3A_515 = arith.constant 256 : i32
      %eq3A_516 = arith.constant 0 : i32
      %eq3A_517 = arith.cmpi eq, %jit3A_515, %eq3A_516 : i32
      %jit3A_518 = arith.constant 1 : i32
      %select_n3A_519 = arith.select %eq3A_517, %jit3A_518, %jit3A_515 : i32
      %rem3A_520 = arith.remsi %while3A_437, %select_n3A_519 : i32
      %ne3A_521 = arith.constant 0 : i32
      %ne3A_522 = arith.cmpi ne, %rem3A_520, %ne3A_521 : i32
      %lt3A_523 = arith.constant 0 : i32
      %lt3A_524 = arith.cmpi slt, %rem3A_520, %lt3A_523 : i32
      %lt3A_525 = arith.constant 0 : i32
      %lt3A_526 = arith.cmpi slt, %select_n3A_519, %lt3A_525 : i32
      %ne3A_527 = arith.xori %lt3A_524, %lt3A_526 : i1
      %and3A_528 = arith.andi %ne3A_527, %ne3A_522 : i1
      %add3A_529 = arith.addi %rem3A_520, %select_n3A_519 : i32
      %select_n3A_530 = arith.select %and3A_528, %add3A_529, %rem3A_520 : i32
      %jit3A_531 = arith.constant 128 : i32
      %div3A_532 = arith.divsi %select_n3A_530, %jit3A_531 : i32
      %sign3A_533 = arith.constant 0 : i32
      %sign3A_534 = arith.cmpi sgt, %select_n3A_530, %sign3A_533 : i32
      %sign3A_535 = arith.extui %sign3A_534 : i1 to i32
      %sign3A_536 = arith.constant 0 : i32
      %sign3A_537 = arith.cmpi slt, %select_n3A_530, %sign3A_536 : i32
      %sign3A_538 = arith.extui %sign3A_537 : i1 to i32
      %sign3A_539 = arith.subi %sign3A_535, %sign3A_538 : i32
      %sign3A_540 = arith.constant 0 : i32
      %sign3A_541 = arith.cmpi sgt, %jit3A_531, %sign3A_540 : i32
      %sign3A_542 = arith.extui %sign3A_541 : i1 to i32
      %sign3A_543 = arith.constant 0 : i32
      %sign3A_544 = arith.cmpi slt, %jit3A_531, %sign3A_543 : i32
      %sign3A_545 = arith.extui %sign3A_544 : i1 to i32
      %sign3A_546 = arith.subi %sign3A_542, %sign3A_545 : i32
      %ne3A_547 = arith.cmpi ne, %sign3A_539, %sign3A_546 : i32
      %rem3A_548 = arith.remsi %select_n3A_530, %jit3A_531 : i32
      %ne3A_549 = arith.constant 0 : i32
      %ne3A_550 = arith.cmpi ne, %rem3A_548, %ne3A_549 : i32
      %and3A_551 = arith.andi %ne3A_547, %ne3A_550 : i1
      %sub3A_552 = arith.constant 1 : i32
      %sub3A_553 = arith.subi %div3A_532, %sub3A_552 : i32
      %select_n3A_554 = arith.select %and3A_551, %sub3A_553, %div3A_532 : i32
      %broadcast_in_dim3A_555 = vector.broadcast %select_n3A_554 : i32 to vector<16xi32>
      %jit3A_556 = arith.constant 128 : i32
      %eq3A_557 = arith.constant 0 : i32
      %eq3A_558 = arith.cmpi eq, %jit3A_556, %eq3A_557 : i32
      %jit3A_559 = arith.constant 1 : i32
      %select_n3A_560 = arith.select %eq3A_558, %jit3A_559, %jit3A_556 : i32
      %rem3A_561 = arith.remsi %select_n3A_530, %select_n3A_560 : i32
      %ne3A_562 = arith.constant 0 : i32
      %ne3A_563 = arith.cmpi ne, %rem3A_561, %ne3A_562 : i32
      %lt3A_564 = arith.constant 0 : i32
      %lt3A_565 = arith.cmpi slt, %rem3A_561, %lt3A_564 : i32
      %lt3A_566 = arith.constant 0 : i32
      %lt3A_567 = arith.cmpi slt, %select_n3A_560, %lt3A_566 : i32
      %ne3A_568 = arith.xori %lt3A_565, %lt3A_567 : i1
      %and3A_569 = arith.andi %ne3A_568, %ne3A_563 : i1
      %add3A_570 = arith.addi %rem3A_561, %select_n3A_560 : i32
      %select_n3A_571 = arith.select %and3A_569, %add3A_570, %rem3A_561 : i32
      %broadcast_in_dim3A_572 = vector.broadcast %select_n3A_571 : i32 to vector<16xi32>
      %jit3A_573 = arith.constant 16 : i32
      %eq3A_574 = arith.constant 0 : i32
      %eq3A_575 = arith.cmpi eq, %jit3A_573, %eq3A_574 : i32
      %jit3A_576 = arith.constant 1 : i32
      %select_n3A_577 = arith.select %eq3A_575, %jit3A_576, %jit3A_573 : i32
      %rem3A_578 = arith.remsi %while3A_437, %select_n3A_577 : i32
      %ne3A_579 = arith.constant 0 : i32
      %ne3A_580 = arith.cmpi ne, %rem3A_578, %ne3A_579 : i32
      %lt3A_581 = arith.constant 0 : i32
      %lt3A_582 = arith.cmpi slt, %rem3A_578, %lt3A_581 : i32
      %lt3A_583 = arith.constant 0 : i32
      %lt3A_584 = arith.cmpi slt, %select_n3A_577, %lt3A_583 : i32
      %ne3A_585 = arith.xori %lt3A_582, %lt3A_584 : i1
      %and3A_586 = arith.andi %ne3A_585, %ne3A_580 : i1
      %add3A_587 = arith.addi %rem3A_578, %select_n3A_577 : i32
      %select_n3A_588 = arith.select %and3A_586, %add3A_587, %rem3A_578 : i32
      %eq3A_589 = vector.broadcast %select_n3A_588 : i32 to vector<16xi32>
      %eq3A_590 = arith.cmpi eq, %iota3A, %eq3A_589 : vector<16xi32>
      tpu.vector_store_idx %arg13[%broadcast_in_dim3A_555, %broadcast_in_dim3A_572], %get3A_514 masked %eq3A_590 : memref<2x128xi32, #tpu.memory_space<vmem>>[vector<16xi32>, vector<16xi32>], vector<16xi32>, vector<16xi1>
      %add3A_591 = arith.constant 1 : i32
      %add3A_592 = arith.addi %while3A_437, %add3A_591 : i32
      %add3A_593 = arith.constant 1 : i32
      %add3A_594 = arith.addi %while3A_437, %add3A_593 : i32
      %jit3A_595 = arith.constant 16 : i32
      %div3A_596 = arith.divsi %add3A_594, %jit3A_595 : i32
      %sign3A_597 = arith.constant 0 : i32
      %sign3A_598 = arith.cmpi sgt, %add3A_594, %sign3A_597 : i32
      %sign3A_599 = arith.extui %sign3A_598 : i1 to i32
      %sign3A_600 = arith.constant 0 : i32
      %sign3A_601 = arith.cmpi slt, %add3A_594, %sign3A_600 : i32
      %sign3A_602 = arith.extui %sign3A_601 : i1 to i32
      %sign3A_603 = arith.subi %sign3A_599, %sign3A_602 : i32
      %sign3A_604 = arith.constant 0 : i32
      %sign3A_605 = arith.cmpi sgt, %jit3A_595, %sign3A_604 : i32
      %sign3A_606 = arith.extui %sign3A_605 : i1 to i32
      %sign3A_607 = arith.constant 0 : i32
      %sign3A_608 = arith.cmpi slt, %jit3A_595, %sign3A_607 : i32
      %sign3A_609 = arith.extui %sign3A_608 : i1 to i32
      %sign3A_610 = arith.subi %sign3A_606, %sign3A_609 : i32
      %ne3A_611 = arith.cmpi ne, %sign3A_603, %sign3A_610 : i32
      %rem3A_612 = arith.remsi %add3A_594, %jit3A_595 : i32
      %ne3A_613 = arith.constant 0 : i32
      %ne3A_614 = arith.cmpi ne, %rem3A_612, %ne3A_613 : i32
      %and3A_615 = arith.andi %ne3A_611, %ne3A_614 : i1
      %sub3A_616 = arith.constant 1 : i32
      %sub3A_617 = arith.subi %div3A_596, %sub3A_616 : i32
      %select_n3A_618 = arith.select %and3A_615, %sub3A_617, %div3A_596 : i32
      %mul3A_619 = arith.constant 16 : i32
      %mul3A_620 = arith.muli %select_n3A_618, %mul3A_619 : i32
      %get3A_621 = arith.index_cast %mul3A_620 : i32 to index
      %get3A_622 = tpu.vector_load %arg8[%get3A_621] {strides = array<i32>} : memref<1304xi32, #tpu.memory_space<vmem>>, vector<16xi32>,
      %jit3A_623 = arith.constant 16 : i32
      %eq3A_624 = arith.constant 0 : i32
      %eq3A_625 = arith.cmpi eq, %jit3A_623, %eq3A_624 : i32
      %jit3A_626 = arith.constant 1 : i32
      %select_n3A_627 = arith.select %eq3A_625, %jit3A_626, %jit3A_623 : i32
      %rem3A_628 = arith.remsi %add3A_594, %select_n3A_627 : i32
      %ne3A_629 = arith.constant 0 : i32
      %ne3A_630 = arith.cmpi ne, %rem3A_628, %ne3A_629 : i32
      %lt3A_631 = arith.constant 0 : i32
      %lt3A_632 = arith.cmpi slt, %rem3A_628, %lt3A_631 : i32
      %lt3A_633 = arith.constant 0 : i32
      %lt3A_634 = arith.cmpi slt, %select_n3A_627, %lt3A_633 : i32
      %ne3A_635 = arith.xori %lt3A_632, %lt3A_634 : i1
      %and3A_636 = arith.andi %ne3A_635, %ne3A_630 : i1
      %add3A_637 = arith.addi %rem3A_628, %select_n3A_627 : i32
      %select_n3A_638 = arith.select %and3A_636, %add3A_637, %rem3A_628 : i32
      %eq3A_639 = vector.broadcast %select_n3A_638 : i32 to vector<16xi32>
      %eq3A_640 = arith.cmpi eq, %iota3A, %eq3A_639 : vector<16xi32>
      %jit3A_641 = arith.constant 0 : i32
      %broadcast_in_dim3A_642 = vector.broadcast %jit3A_641 : i32 to vector<16xi32>
      %select_n3A_643 = arith.select %eq3A_640, %get3A_622, %broadcast_in_dim3A_642 : vector<16xi1>, vector<16xi32>
      %reduce_sum3A_644 = arith.constant true
      %reduce_sum3A_645 = vector.broadcast %reduce_sum3A_644 : i1 to vector<16xi1>
      %reduce_sum3A_646 = tpu.scan <sum>, %select_n3A_643 masked %reduce_sum3A_645 : vector<16xi32>, vector<16xi1> -> vector<16xi32>
      %reduce_sum3A_647 = vector.extract %reduce_sum3A_646[15] : i32 from vector<16xi32>
      scf.yield %add3A_592, %reduce_sum3A_647 : i32, i32
    }
    %lt3A_429 = arith.cmpi slt, %scan3A_307#2, %while3A_428#0 : i32
    %convert_element_type3A = arith.extui %lt3A_429 : i1 to i32
    %cond3A = arith.constant 0 : i32
    %cond3A_430 = arith.cmpi ne, %convert_element_type3A, %cond3A : i32
    scf.if %cond3A_430 {
      %jit3A_437 = arith.constant 256 : i32
      %eq3A_438 = arith.constant 0 : i32
      %eq3A_439 = arith.cmpi eq, %jit3A_437, %eq3A_438 : i32
      %jit3A_440 = arith.constant 1 : i32
      %select_n3A_441 = arith.select %eq3A_439, %jit3A_440, %jit3A_437 : i32
      %rem3A_442 = arith.remsi %scan3A_307#2, %select_n3A_441 : i32
      %ne3A_443 = arith.constant 0 : i32
      %ne3A_444 = arith.cmpi ne, %rem3A_442, %ne3A_443 : i32
      %lt3A_445 = arith.constant 0 : i32
      %lt3A_446 = arith.cmpi slt, %rem3A_442, %lt3A_445 : i32
      %lt3A_447 = arith.constant 0 : i32
      %lt3A_448 = arith.cmpi slt, %select_n3A_441, %lt3A_447 : i32
      %ne3A_449 = arith.xori %lt3A_446, %lt3A_448 : i1
      %and3A_450 = arith.andi %ne3A_449, %ne3A_444 : i1
      %add3A_451 = arith.addi %rem3A_442, %select_n3A_441 : i32
      %select_n3A_452 = arith.select %and3A_450, %add3A_451, %rem3A_442 : i32
      %multiple_of3A_453 = tpu.assume_multiple %select_n3A_452, 128 : i32
      %jit3A_454 = arith.constant 128 : i32
      %div3A_455 = arith.divsi %select_n3A_452, %jit3A_454 : i32
      %sign3A_456 = arith.constant 0 : i32
      %sign3A_457 = arith.cmpi sgt, %select_n3A_452, %sign3A_456 : i32
      %sign3A_458 = arith.extui %sign3A_457 : i1 to i32
      %sign3A_459 = arith.constant 0 : i32
      %sign3A_460 = arith.cmpi slt, %select_n3A_452, %sign3A_459 : i32
      %sign3A_461 = arith.extui %sign3A_460 : i1 to i32
      %sign3A_462 = arith.subi %sign3A_458, %sign3A_461 : i32
      %sign3A_463 = arith.constant 0 : i32
      %sign3A_464 = arith.cmpi sgt, %jit3A_454, %sign3A_463 : i32
      %sign3A_465 = arith.extui %sign3A_464 : i1 to i32
      %sign3A_466 = arith.constant 0 : i32
      %sign3A_467 = arith.cmpi slt, %jit3A_454, %sign3A_466 : i32
      %sign3A_468 = arith.extui %sign3A_467 : i1 to i32
      %sign3A_469 = arith.subi %sign3A_465, %sign3A_468 : i32
      %ne3A_470 = arith.cmpi ne, %sign3A_462, %sign3A_469 : i32
      %rem3A_471 = arith.remsi %select_n3A_452, %jit3A_454 : i32
      %ne3A_472 = arith.constant 0 : i32
      %ne3A_473 = arith.cmpi ne, %rem3A_471, %ne3A_472 : i32
      %and3A_474 = arith.andi %ne3A_470, %ne3A_473 : i1
      %sub3A_475 = arith.constant 1 : i32
      %sub3A_476 = arith.subi %div3A_455, %sub3A_475 : i32
      %select_n3A_477 = arith.select %and3A_474, %sub3A_476, %div3A_455 : i32
      "tpu.region"() ({
        %run_scoped3A = tpu.sem_alloc : memref<!tpu.dma_semaphore, #tpu.memory_space<semaphore_mem>>
        %dma_start3A_484 = arith.constant 0 : i32
        %dma_start3A_485 = tpu.memref_slice %arg12[%multiple_of3A_453, %dma_start3A_484] : memref<256x128xf32, #tpu.memory_space<vmem>> -> memref<128x128xf32, #tpu.memory_space<vmem>>
        %dma_start3A_486 = arith.constant 0 : i32
        %dma_start3A_487 = tpu.memref_slice %arg13[%select_n3A_477, %dma_start3A_486] : memref<2x128xi32, #tpu.memory_space<vmem>> -> memref<1x128xi32, #tpu.memory_space<vmem>>
        %dma_start3A_488 = tpu.memref_squeeze %dma_start3A_487 : memref<1x128xi32, #tpu.memory_space<vmem>> -> memref<128xi32, #tpu.memory_space<vmem>>
        %dma_start3A_489 = arith.constant 0 : i32
        %dma_start3A_490 = arith.constant 0 : i32
        %dma_start3A_491 = tpu.memref_slice %arg7[%dma_start3A_489, %dma_start3A_490] : memref<32776x128xf32, #tpu.memory_space<hbm>> -> memref<32776x128xf32, #tpu.memory_space<hbm>>
        tpu.enqueue_indirect_dma source(%dma_start3A_485 : memref<128x128xf32, #tpu.memory_space<vmem>>) target(%dma_start3A_491 : memref<32776x128xf32, #tpu.memory_space<hbm>>) offsets(%dma_start3A_488 : memref<128xi32, #tpu.memory_space<vmem>>) semaphore(%run_scoped3A : memref<!tpu.dma_semaphore, #tpu.memory_space<semaphore_mem>>)
        %dma_wait3A_492 = arith.constant 0 : i32
        %dma_wait3A_493 = tpu.memref_slice %arg12[%multiple_of3A_453, %dma_wait3A_492] : memref<256x128xf32, #tpu.memory_space<vmem>> -> memref<128x128xf32, #tpu.memory_space<vmem>>
        %dma_wait3A_494 = arith.constant 0 : i32
        %dma_wait3A_495 = tpu.memref_slice %arg13[%select_n3A_477, %dma_wait3A_494] : memref<2x128xi32, #tpu.memory_space<vmem>> -> memref<1x128xi32, #tpu.memory_space<vmem>>
        %dma_wait3A_496 = tpu.memref_squeeze %dma_wait3A_495 : memref<1x128xi32, #tpu.memory_space<vmem>> -> memref<128xi32, #tpu.memory_space<vmem>>
        %dma_wait3A_497 = arith.constant 0 : i32
        %dma_wait3A_498 = arith.constant 0 : i32
        %dma_wait3A_499 = tpu.memref_slice %arg7[%dma_wait3A_497, %dma_wait3A_498] : memref<32776x128xf32, #tpu.memory_space<hbm>> -> memref<32776x128xf32, #tpu.memory_space<hbm>>
        tpu.wait_indirect_dma semaphore(%run_scoped3A : memref<!tpu.dma_semaphore, #tpu.memory_space<semaphore_mem>>) src(%dma_wait3A_493 : memref<128x128xf32, #tpu.memory_space<vmem>>) dst(%dma_wait3A_499 : memref<32776x128xf32, #tpu.memory_space<hbm>>)
        tpu.yield
      }) : () -> ()
      %scan3A_478 = arith.constant 0 : i32
      %scan3A_479 = arith.constant 0 : i32
      %scan3A_480 = arith.constant 8 : i32
      %scan3A_481 = arith.addi %scan3A_479, %scan3A_480 : i32
      %scan3A_482 = arith.constant 1 : i32
      scf.for %scan3A_484 = %scan3A_479 to %scan3A_481 step %scan3A_482  : i32 {
        %jit3A_485 = arith.constant 128 : i32
        %div3A_486 = arith.divsi %select_n3A_452, %jit3A_485 : i32
        %sign3A_487 = arith.constant 0 : i32
        %sign3A_488 = arith.cmpi sgt, %select_n3A_452, %sign3A_487 : i32
        %sign3A_489 = arith.extui %sign3A_488 : i1 to i32
        %sign3A_490 = arith.constant 0 : i32
        %sign3A_491 = arith.cmpi slt, %select_n3A_452, %sign3A_490 : i32
        %sign3A_492 = arith.extui %sign3A_491 : i1 to i32
        %sign3A_493 = arith.subi %sign3A_489, %sign3A_492 : i32
        %sign3A_494 = arith.constant 0 : i32
        %sign3A_495 = arith.cmpi sgt, %jit3A_485, %sign3A_494 : i32
        %sign3A_496 = arith.extui %sign3A_495 : i1 to i32
        %sign3A_497 = arith.constant 0 : i32
        %sign3A_498 = arith.cmpi slt, %jit3A_485, %sign3A_497 : i32
        %sign3A_499 = arith.extui %sign3A_498 : i1 to i32
        %sign3A_500 = arith.subi %sign3A_496, %sign3A_499 : i32
        %ne3A_501 = arith.cmpi ne, %sign3A_493, %sign3A_500 : i32
        %rem3A_502 = arith.remsi %select_n3A_452, %jit3A_485 : i32
        %ne3A_503 = arith.constant 0 : i32
        %ne3A_504 = arith.cmpi ne, %rem3A_502, %ne3A_503 : i32
        %and3A_505 = arith.andi %ne3A_501, %ne3A_504 : i1
        %sub3A_506 = arith.constant 1 : i32
        %sub3A_507 = arith.subi %div3A_486, %sub3A_506 : i32
        %select_n3A_508 = arith.select %and3A_505, %sub3A_507, %div3A_486 : i32
        %broadcast_in_dim3A_509 = vector.broadcast %select_n3A_508 : i32 to vector<16xi32>
        %mul3A_510 = arith.constant 16 : i32
        %mul3A_511 = arith.muli %scan3A_484, %mul3A_510 : i32
        %add3A_512 = vector.broadcast %mul3A_511 : i32 to vector<16xi32>
        %add3A_513 = arith.addi %add3A_512, %iota3A : vector<16xi32>
        tpu.vector_store_idx %arg13[%broadcast_in_dim3A_509, %add3A_513], %broadcast_in_dim3A_1 : memref<2x128xi32, #tpu.memory_space<vmem>>[vector<16xi32>, vector<16xi32>], vector<16xi32>,
      }
      %scan3A_483 = arith.constant 8 : i32
    } else {
    }
    %add3A_431 = arith.constant 128 : i32
    %add3A_432 = arith.addi %scan3A_307#2, %add3A_431 : i32
    %lt3A_433 = arith.cmpi slt, %add3A_432, %while3A_428#0 : i32
    %convert_element_type3A_434 = arith.extui %lt3A_433 : i1 to i32
    %cond3A_435 = arith.constant 0 : i32
    %cond3A_436 = arith.cmpi ne, %convert_element_type3A_434, %cond3A_435 : i32
    scf.if %cond3A_436 {
      %add3A_437 = arith.constant 128 : i32
      %add3A_438 = arith.addi %scan3A_307#2, %add3A_437 : i32
      %jit3A_439 = arith.constant 256 : i32
      %eq3A_440 = arith.constant 0 : i32
      %eq3A_441 = arith.cmpi eq, %jit3A_439, %eq3A_440 : i32
      %jit3A_442 = arith.constant 1 : i32
      %select_n3A_443 = arith.select %eq3A_441, %jit3A_442, %jit3A_439 : i32
      %rem3A_444 = arith.remsi %add3A_438, %select_n3A_443 : i32
      %ne3A_445 = arith.constant 0 : i32
      %ne3A_446 = arith.cmpi ne, %rem3A_444, %ne3A_445 : i32
      %lt3A_447 = arith.constant 0 : i32
      %lt3A_448 = arith.cmpi slt, %rem3A_444, %lt3A_447 : i32
      %lt3A_449 = arith.constant 0 : i32
      %lt3A_450 = arith.cmpi slt, %select_n3A_443, %lt3A_449 : i32
      %ne3A_451 = arith.xori %lt3A_448, %lt3A_450 : i1
      %and3A_452 = arith.andi %ne3A_451, %ne3A_446 : i1
      %add3A_453 = arith.addi %rem3A_444, %select_n3A_443 : i32
      %select_n3A_454 = arith.select %and3A_452, %add3A_453, %rem3A_444 : i32
      %multiple_of3A_455 = tpu.assume_multiple %select_n3A_454, 128 : i32
      %jit3A_456 = arith.constant 128 : i32
      %div3A_457 = arith.divsi %select_n3A_454, %jit3A_456 : i32
      %sign3A_458 = arith.constant 0 : i32
      %sign3A_459 = arith.cmpi sgt, %select_n3A_454, %sign3A_458 : i32
      %sign3A_460 = arith.extui %sign3A_459 : i1 to i32
      %sign3A_461 = arith.constant 0 : i32
      %sign3A_462 = arith.cmpi slt, %select_n3A_454, %sign3A_461 : i32
      %sign3A_463 = arith.extui %sign3A_462 : i1 to i32
      %sign3A_464 = arith.subi %sign3A_460, %sign3A_463 : i32
      %sign3A_465 = arith.constant 0 : i32
      %sign3A_466 = arith.cmpi sgt, %jit3A_456, %sign3A_465 : i32
      %sign3A_467 = arith.extui %sign3A_466 : i1 to i32
      %sign3A_468 = arith.constant 0 : i32
      %sign3A_469 = arith.cmpi slt, %jit3A_456, %sign3A_468 : i32
      %sign3A_470 = arith.extui %sign3A_469 : i1 to i32
      %sign3A_471 = arith.subi %sign3A_467, %sign3A_470 : i32
      %ne3A_472 = arith.cmpi ne, %sign3A_464, %sign3A_471 : i32
      %rem3A_473 = arith.remsi %select_n3A_454, %jit3A_456 : i32
      %ne3A_474 = arith.constant 0 : i32
      %ne3A_475 = arith.cmpi ne, %rem3A_473, %ne3A_474 : i32
      %and3A_476 = arith.andi %ne3A_472, %ne3A_475 : i1
      %sub3A_477 = arith.constant 1 : i32
      %sub3A_478 = arith.subi %div3A_457, %sub3A_477 : i32
      %select_n3A_479 = arith.select %and3A_476, %sub3A_478, %div3A_457 : i32
      "tpu.region"() ({
        %run_scoped3A = tpu.sem_alloc : memref<!tpu.dma_semaphore, #tpu.memory_space<semaphore_mem>>
        %dma_start3A_486 = arith.constant 0 : i32
        %dma_start3A_487 = tpu.memref_slice %arg12[%multiple_of3A_455, %dma_start3A_486] : memref<256x128xf32, #tpu.memory_space<vmem>> -> memref<128x128xf32, #tpu.memory_space<vmem>>
        %dma_start3A_488 = arith.constant 0 : i32
        %dma_start3A_489 = tpu.memref_slice %arg13[%select_n3A_479, %dma_start3A_488] : memref<2x128xi32, #tpu.memory_space<vmem>> -> memref<1x128xi32, #tpu.memory_space<vmem>>
        %dma_start3A_490 = tpu.memref_squeeze %dma_start3A_489 : memref<1x128xi32, #tpu.memory_space<vmem>> -> memref<128xi32, #tpu.memory_space<vmem>>
        %dma_start3A_491 = arith.constant 0 : i32
        %dma_start3A_492 = arith.constant 0 : i32
        %dma_start3A_493 = tpu.memref_slice %arg7[%dma_start3A_491, %dma_start3A_492] : memref<32776x128xf32, #tpu.memory_space<hbm>> -> memref<32776x128xf32, #tpu.memory_space<hbm>>
        tpu.enqueue_indirect_dma source(%dma_start3A_487 : memref<128x128xf32, #tpu.memory_space<vmem>>) target(%dma_start3A_493 : memref<32776x128xf32, #tpu.memory_space<hbm>>) offsets(%dma_start3A_490 : memref<128xi32, #tpu.memory_space<vmem>>) semaphore(%run_scoped3A : memref<!tpu.dma_semaphore, #tpu.memory_space<semaphore_mem>>)
        %dma_wait3A_494 = arith.constant 0 : i32
        %dma_wait3A_495 = tpu.memref_slice %arg12[%multiple_of3A_455, %dma_wait3A_494] : memref<256x128xf32, #tpu.memory_space<vmem>> -> memref<128x128xf32, #tpu.memory_space<vmem>>
        %dma_wait3A_496 = arith.constant 0 : i32
        %dma_wait3A_497 = tpu.memref_slice %arg13[%select_n3A_479, %dma_wait3A_496] : memref<2x128xi32, #tpu.memory_space<vmem>> -> memref<1x128xi32, #tpu.memory_space<vmem>>
        %dma_wait3A_498 = tpu.memref_squeeze %dma_wait3A_497 : memref<1x128xi32, #tpu.memory_space<vmem>> -> memref<128xi32, #tpu.memory_space<vmem>>
        %dma_wait3A_499 = arith.constant 0 : i32
        %dma_wait3A_500 = arith.constant 0 : i32
        %dma_wait3A_501 = tpu.memref_slice %arg7[%dma_wait3A_499, %dma_wait3A_500] : memref<32776x128xf32, #tpu.memory_space<hbm>> -> memref<32776x128xf32, #tpu.memory_space<hbm>>
        tpu.wait_indirect_dma semaphore(%run_scoped3A : memref<!tpu.dma_semaphore, #tpu.memory_space<semaphore_mem>>) src(%dma_wait3A_495 : memref<128x128xf32, #tpu.memory_space<vmem>>) dst(%dma_wait3A_501 : memref<32776x128xf32, #tpu.memory_space<hbm>>)
        tpu.yield
      }) : () -> ()
      %scan3A_480 = arith.constant 0 : i32
      %scan3A_481 = arith.constant 0 : i32
      %scan3A_482 = arith.constant 8 : i32
      %scan3A_483 = arith.addi %scan3A_481, %scan3A_482 : i32
      %scan3A_484 = arith.constant 1 : i32
      scf.for %scan3A_486 = %scan3A_481 to %scan3A_483 step %scan3A_484  : i32 {
        %jit3A_487 = arith.constant 128 : i32
        %div3A_488 = arith.divsi %select_n3A_454, %jit3A_487 : i32
        %sign3A_489 = arith.constant 0 : i32
        %sign3A_490 = arith.cmpi sgt, %select_n3A_454, %sign3A_489 : i32
        %sign3A_491 = arith.extui %sign3A_490 : i1 to i32
        %sign3A_492 = arith.constant 0 : i32
        %sign3A_493 = arith.cmpi slt, %select_n3A_454, %sign3A_492 : i32
        %sign3A_494 = arith.extui %sign3A_493 : i1 to i32
        %sign3A_495 = arith.subi %sign3A_491, %sign3A_494 : i32
        %sign3A_496 = arith.constant 0 : i32
        %sign3A_497 = arith.cmpi sgt, %jit3A_487, %sign3A_496 : i32
        %sign3A_498 = arith.extui %sign3A_497 : i1 to i32
        %sign3A_499 = arith.constant 0 : i32
        %sign3A_500 = arith.cmpi slt, %jit3A_487, %sign3A_499 : i32
        %sign3A_501 = arith.extui %sign3A_500 : i1 to i32
        %sign3A_502 = arith.subi %sign3A_498, %sign3A_501 : i32
        %ne3A_503 = arith.cmpi ne, %sign3A_495, %sign3A_502 : i32
        %rem3A_504 = arith.remsi %select_n3A_454, %jit3A_487 : i32
        %ne3A_505 = arith.constant 0 : i32
        %ne3A_506 = arith.cmpi ne, %rem3A_504, %ne3A_505 : i32
        %and3A_507 = arith.andi %ne3A_503, %ne3A_506 : i1
        %sub3A_508 = arith.constant 1 : i32
        %sub3A_509 = arith.subi %div3A_488, %sub3A_508 : i32
        %select_n3A_510 = arith.select %and3A_507, %sub3A_509, %div3A_488 : i32
        %broadcast_in_dim3A_511 = vector.broadcast %select_n3A_510 : i32 to vector<16xi32>
        %mul3A_512 = arith.constant 16 : i32
        %mul3A_513 = arith.muli %scan3A_486, %mul3A_512 : i32
        %add3A_514 = vector.broadcast %mul3A_513 : i32 to vector<16xi32>
        %add3A_515 = arith.addi %add3A_514, %iota3A : vector<16xi32>
        tpu.vector_store_idx %arg13[%broadcast_in_dim3A_511, %add3A_515], %broadcast_in_dim3A_1 : memref<2x128xi32, #tpu.memory_space<vmem>>[vector<16xi32>, vector<16xi32>], vector<16xi32>,
      }
      %scan3A_485 = arith.constant 8 : i32
    } else {
    }
    return
  }
}

#map = affine_map<(d0, d1) -> (0, 0)>
#map1 = affine_map<(d0, d1) -> (0)>
module attributes {stable_mosaic.version = 14 : i64} {
  func.func @_phase_b_body(%arg0: i32, %arg1: i32, %arg2: memref<32776x128xf32, #tpu.memory_space<hbm>>, %arg3: memref<2x64xf32, #tpu.memory_space<hbm>>, %arg4: memref<16xf32, #tpu.memory_space<hbm>>, %arg5: memref<2x16384xf32, #tpu.memory_space<hbm>>, %arg6: memref<2x256x128xf32, #tpu.memory_space<vmem>>, %arg7: memref<2x64xf32, #tpu.memory_space<vmem>>, %arg8: memref<16xf32, #tpu.memory_space<vmem>>, %arg9: memref<1024xf32, #tpu.memory_space<vmem>>, %arg10: memref<!tpu.dma_semaphore, #tpu.memory_space<semaphore_mem>>) attributes {dimension_semantics = [#tpu.dimension_semantics<core_parallel>, #tpu.dimension_semantics<subcore_parallel>], iteration_bounds = array<i64: 2, 16>, scalar_prefetch = 0 : i64, scratch_operands = 5 : i64, tpu.core_type = #tpu.core_type<sc_vector_subcore>, window_params = [{transform_indices = #map}, {transform_indices = #map}, {transform_indices = #map1}, {transform_indices = #map}]} {
    %mul3A = arith.constant 2 : i32
    %mul3A_0 = arith.muli %arg1, %mul3A : i32
    %add3A = arith.addi %mul3A_0, %arg0 : i32
    "tpu.region"() ({
      %run_scoped3A_86 = tpu.sem_alloc : memref<!tpu.dma_semaphore, #tpu.memory_space<semaphore_mem>>
      tpu.enqueue_dma source(%arg3 : memref<2x64xf32, #tpu.memory_space<hbm>>) target(%arg7 : memref<2x64xf32, #tpu.memory_space<vmem>>) target_semaphore(%run_scoped3A_86 : memref<!tpu.dma_semaphore, #tpu.memory_space<semaphore_mem>>)
      tpu.wait_dma2 semaphore(%run_scoped3A_86 : memref<!tpu.dma_semaphore, #tpu.memory_space<semaphore_mem>>) src(%arg3 : memref<2x64xf32, #tpu.memory_space<hbm>>) dst(%arg7 : memref<2x64xf32, #tpu.memory_space<vmem>>)
      tpu.yield
    }) : () -> ()
    "tpu.region"() ({
      %run_scoped3A_86 = tpu.sem_alloc : memref<!tpu.dma_semaphore, #tpu.memory_space<semaphore_mem>>
      tpu.enqueue_dma source(%arg4 : memref<16xf32, #tpu.memory_space<hbm>>) target(%arg8 : memref<16xf32, #tpu.memory_space<vmem>>) target_semaphore(%run_scoped3A_86 : memref<!tpu.dma_semaphore, #tpu.memory_space<semaphore_mem>>)
      tpu.wait_dma2 semaphore(%run_scoped3A_86 : memref<!tpu.dma_semaphore, #tpu.memory_space<semaphore_mem>>) src(%arg4 : memref<16xf32, #tpu.memory_space<hbm>>) dst(%arg8 : memref<16xf32, #tpu.memory_space<vmem>>)
      tpu.yield
    }) : () -> ()
    %get3A = arith.constant 0 : index
    %get3A_1 = tpu.vector_load %arg8[%get3A] {strides = array<i32>} : memref<16xf32, #tpu.memory_space<vmem>>, vector<16xf32>,
    %get3A_2 = arith.constant 0 : i32
    %get3A_3 = arith.index_cast %get3A_2 : i32 to index
    %get3A_4 = arith.constant 0 : index
    %get3A_5 = tpu.vector_load %arg7[%get3A_3, %get3A_4] {strides = array<i32>} : memref<2x64xf32, #tpu.memory_space<vmem>>, vector<16xf32>,
    %get3A_6 = arith.constant 0 : i32
    %get3A_7 = arith.index_cast %get3A_6 : i32 to index
    %get3A_8 = arith.constant 16 : index
    %get3A_9 = tpu.vector_load %arg7[%get3A_7, %get3A_8] {strides = array<i32>} : memref<2x64xf32, #tpu.memory_space<vmem>>, vector<16xf32>,
    %get3A_10 = arith.constant 0 : i32
    %get3A_11 = arith.index_cast %get3A_10 : i32 to index
    %get3A_12 = arith.constant 32 : index
    %get3A_13 = tpu.vector_load %arg7[%get3A_11, %get3A_12] {strides = array<i32>} : memref<2x64xf32, #tpu.memory_space<vmem>>, vector<16xf32>,
    %get3A_14 = arith.constant 0 : i32
    %get3A_15 = arith.index_cast %get3A_14 : i32 to index
    %get3A_16 = arith.constant 48 : index
    %get3A_17 = tpu.vector_load %arg7[%get3A_15, %get3A_16] {strides = array<i32>} : memref<2x64xf32, #tpu.memory_space<vmem>>, vector<16xf32>,
    %get3A_18 = arith.constant 1 : i32
    %get3A_19 = arith.index_cast %get3A_18 : i32 to index
    %get3A_20 = arith.constant 0 : index
    %get3A_21 = tpu.vector_load %arg7[%get3A_19, %get3A_20] {strides = array<i32>} : memref<2x64xf32, #tpu.memory_space<vmem>>, vector<16xf32>,
    %get3A_22 = arith.constant 1 : i32
    %get3A_23 = arith.index_cast %get3A_22 : i32 to index
    %get3A_24 = arith.constant 16 : index
    %get3A_25 = tpu.vector_load %arg7[%get3A_23, %get3A_24] {strides = array<i32>} : memref<2x64xf32, #tpu.memory_space<vmem>>, vector<16xf32>,
    %get3A_26 = arith.constant 1 : i32
    %get3A_27 = arith.index_cast %get3A_26 : i32 to index
    %get3A_28 = arith.constant 32 : index
    %get3A_29 = tpu.vector_load %arg7[%get3A_27, %get3A_28] {strides = array<i32>} : memref<2x64xf32, #tpu.memory_space<vmem>>, vector<16xf32>,
    %get3A_30 = arith.constant 1 : i32
    %get3A_31 = arith.index_cast %get3A_30 : i32 to index
    %get3A_32 = arith.constant 48 : index
    %get3A_33 = tpu.vector_load %arg7[%get3A_31, %get3A_32] {strides = array<i32>} : memref<2x64xf32, #tpu.memory_space<vmem>>, vector<16xf32>,
    %slice3A = vector.extract_strided_slice %get3A_1 {offsets = [0], sizes = [1], strides = [1]} : vector<16xf32> to vector<1xf32>
    %squeeze3A = vector.extract %slice3A[0] : f32 from vector<1xf32>
    %broadcast_in_dim3A = vector.broadcast %squeeze3A : f32 to vector<16xf32>
    %slice3A_34 = vector.extract_strided_slice %get3A_1 {offsets = [1], sizes = [1], strides = [1]} : vector<16xf32> to vector<1xf32>
    %squeeze3A_35 = vector.extract %slice3A_34[0] : f32 from vector<1xf32>
    %broadcast_in_dim3A_36 = vector.broadcast %squeeze3A_35 : f32 to vector<16xf32>
    %iota3A = tpu.iota {dimensions = array<i32: 0>} : vector<16xi32>
    %eq3A = arith.constant 15 : i32
    %eq3A_37 = vector.broadcast %eq3A : i32 to vector<16xi32>
    %eq3A_38 = arith.cmpi eq, %iota3A, %eq3A_37 : vector<16xi32>
    %min3A = arith.constant 0 : i32
    %min3A_39 = arith.constant 3 : i32
    %min3A_40 = arith.minsi %min3A, %min3A_39 : i32
    %mul3A_41 = arith.constant 2 : i32
    %mul3A_42 = arith.muli %add3A, %mul3A_41 : i32
    %mul3A_43 = arith.constant 512 : i32
    %mul3A_44 = arith.muli %mul3A_42, %mul3A_43 : i32
    %mul3A_45 = arith.constant 2 : i32
    %mul3A_46 = arith.muli %min3A_40, %mul3A_45 : i32
    %mul3A_47 = arith.constant 128 : i32
    %mul3A_48 = arith.muli %mul3A_46, %mul3A_47 : i32
    %add3A_49 = arith.addi %mul3A_44, %mul3A_48 : i32
    %dma_start3A = arith.constant 0 : i32
    %dma_start3A_50 = arith.constant 0 : i32
    %dma_start3A_51 = arith.constant 0 : i32
    %dma_start3A_52 = tpu.memref_slice %arg6[%dma_start3A, %dma_start3A_50, %dma_start3A_51] : memref<2x256x128xf32, #tpu.memory_space<vmem>> -> memref<1x256x128xf32, #tpu.memory_space<vmem>>
    %dma_start3A_53 = tpu.memref_squeeze %dma_start3A_52 : memref<1x256x128xf32, #tpu.memory_space<vmem>> -> memref<256x128xf32, #tpu.memory_space<vmem>>
    %dma_start3A_54 = arith.constant 0 : i32
    %dma_start3A_55 = tpu.memref_slice %arg2[%add3A_49, %dma_start3A_54] : memref<32776x128xf32, #tpu.memory_space<hbm>> -> memref<256x128xf32, #tpu.memory_space<hbm>>
    %dma_start3A_56 = arith.constant 0 : i32
    %dma_start3A_57 = arith.constant 0 : i32
    %dma_start3A_58 = tpu.memref_slice %arg6[%dma_start3A, %dma_start3A_56, %dma_start3A_57] : memref<2x256x128xf32, #tpu.memory_space<vmem>> -> memref<1x256x128xf32, #tpu.memory_space<vmem>>
    %dma_start3A_59 = tpu.memref_squeeze %dma_start3A_58 : memref<1x256x128xf32, #tpu.memory_space<vmem>> -> memref<256x128xf32, #tpu.memory_space<vmem>>
    %dma_start3A_60 = arith.constant 0 : i32
    %dma_start3A_61 = tpu.memref_slice %arg2[%add3A_49, %dma_start3A_60] : memref<32776x128xf32, #tpu.memory_space<hbm>> -> memref<256x128xf32, #tpu.memory_space<hbm>>
    tpu.enqueue_dma source(%dma_start3A_61 : memref<256x128xf32, #tpu.memory_space<hbm>>) target(%dma_start3A_59 : memref<256x128xf32, #tpu.memory_space<vmem>>) target_semaphore(%arg10 : memref<!tpu.dma_semaphore, #tpu.memory_space<semaphore_mem>>)
    %scan3A = arith.constant 0 : i32
    %scan3A_62 = arith.constant 0 : i32
    %scan3A_63 = arith.constant 4 : i32
    %scan3A_64 = arith.addi %scan3A_62, %scan3A_63 : i32
    %scan3A_65 = arith.constant 1 : i32
    scf.for %scan3A_86 = %scan3A_62 to %scan3A_64 step %scan3A_65  : i32 {
      %jit3A = arith.constant 2 : i32
      %eq3A_87 = arith.constant 0 : i32
      %eq3A_88 = arith.cmpi eq, %jit3A, %eq3A_87 : i32
      %jit3A_89 = arith.constant 1 : i32
      %select_n3A = arith.select %eq3A_88, %jit3A_89, %jit3A : i32
      %rem3A = arith.remsi %scan3A_86, %select_n3A : i32
      %ne3A = arith.constant 0 : i32
      %ne3A_90 = arith.cmpi ne, %rem3A, %ne3A : i32
      %lt3A = arith.constant 0 : i32
      %lt3A_91 = arith.cmpi slt, %rem3A, %lt3A : i32
      %lt3A_92 = arith.constant 0 : i32
      %lt3A_93 = arith.cmpi slt, %select_n3A, %lt3A_92 : i32
      %ne3A_94 = arith.xori %lt3A_91, %lt3A_93 : i1
      %and3A = arith.andi %ne3A_94, %ne3A_90 : i1
      %add3A_95 = arith.addi %rem3A, %select_n3A : i32
      %select_n3A_96 = arith.select %and3A, %add3A_95, %rem3A : i32
      %add3A_97 = arith.constant 1 : i32
      %add3A_98 = arith.addi %scan3A_86, %add3A_97 : i32
      %add3A_99 = arith.constant 1 : i32
      %add3A_100 = arith.addi %scan3A_86, %add3A_99 : i32
      %jit3A_101 = arith.constant 2 : i32
      %eq3A_102 = arith.constant 0 : i32
      %eq3A_103 = arith.cmpi eq, %jit3A_101, %eq3A_102 : i32
      %jit3A_104 = arith.constant 1 : i32
      %select_n3A_105 = arith.select %eq3A_103, %jit3A_104, %jit3A_101 : i32
      %rem3A_106 = arith.remsi %add3A_100, %select_n3A_105 : i32
      %ne3A_107 = arith.constant 0 : i32
      %ne3A_108 = arith.cmpi ne, %rem3A_106, %ne3A_107 : i32
      %lt3A_109 = arith.constant 0 : i32
      %lt3A_110 = arith.cmpi slt, %rem3A_106, %lt3A_109 : i32
      %lt3A_111 = arith.constant 0 : i32
      %lt3A_112 = arith.cmpi slt, %select_n3A_105, %lt3A_111 : i32
      %ne3A_113 = arith.xori %lt3A_110, %lt3A_112 : i1
      %and3A_114 = arith.andi %ne3A_113, %ne3A_108 : i1
      %add3A_115 = arith.addi %rem3A_106, %select_n3A_105 : i32
      %select_n3A_116 = arith.select %and3A_114, %add3A_115, %rem3A_106 : i32
      %min3A_117 = arith.constant 3 : i32
      %min3A_118 = arith.minsi %add3A_98, %min3A_117 : i32
      %mul3A_119 = arith.constant 2 : i32
      %mul3A_120 = arith.muli %add3A, %mul3A_119 : i32
      %mul3A_121 = arith.constant 512 : i32
      %mul3A_122 = arith.muli %mul3A_120, %mul3A_121 : i32
      %mul3A_123 = arith.constant 2 : i32
      %mul3A_124 = arith.muli %min3A_118, %mul3A_123 : i32
      %mul3A_125 = arith.constant 128 : i32
      %mul3A_126 = arith.muli %mul3A_124, %mul3A_125 : i32
      %add3A_127 = arith.addi %mul3A_122, %mul3A_126 : i32
      %dma_start3A_128 = arith.constant 0 : i32
      %dma_start3A_129 = arith.constant 0 : i32
      %dma_start3A_130 = tpu.memref_slice %arg6[%select_n3A_116, %dma_start3A_128, %dma_start3A_129] : memref<2x256x128xf32, #tpu.memory_space<vmem>> -> memref<1x256x128xf32, #tpu.memory_space<vmem>>
      %dma_start3A_131 = tpu.memref_squeeze %dma_start3A_130 : memref<1x256x128xf32, #tpu.memory_space<vmem>> -> memref<256x128xf32, #tpu.memory_space<vmem>>
      %dma_start3A_132 = arith.constant 0 : i32
      %dma_start3A_133 = tpu.memref_slice %arg2[%add3A_127, %dma_start3A_132] : memref<32776x128xf32, #tpu.memory_space<hbm>> -> memref<256x128xf32, #tpu.memory_space<hbm>>
      %dma_start3A_134 = arith.constant 0 : i32
      %dma_start3A_135 = arith.constant 0 : i32
      %dma_start3A_136 = tpu.memref_slice %arg6[%select_n3A_116, %dma_start3A_134, %dma_start3A_135] : memref<2x256x128xf32, #tpu.memory_space<vmem>> -> memref<1x256x128xf32, #tpu.memory_space<vmem>>
      %dma_start3A_137 = tpu.memref_squeeze %dma_start3A_136 : memref<1x256x128xf32, #tpu.memory_space<vmem>> -> memref<256x128xf32, #tpu.memory_space<vmem>>
      %dma_start3A_138 = arith.constant 0 : i32
      %dma_start3A_139 = tpu.memref_slice %arg2[%add3A_127, %dma_start3A_138] : memref<32776x128xf32, #tpu.memory_space<hbm>> -> memref<256x128xf32, #tpu.memory_space<hbm>>
      tpu.enqueue_dma source(%dma_start3A_139 : memref<256x128xf32, #tpu.memory_space<hbm>>) target(%dma_start3A_137 : memref<256x128xf32, #tpu.memory_space<vmem>>) target_semaphore(%arg10 : memref<!tpu.dma_semaphore, #tpu.memory_space<semaphore_mem>>)
      %dma_wait3A_140 = arith.constant 0 : i32
      %dma_wait3A_141 = arith.constant 0 : i32
      %dma_wait3A_142 = tpu.memref_slice %arg6[%select_n3A_96, %dma_wait3A_140, %dma_wait3A_141] : memref<2x256x128xf32, #tpu.memory_space<vmem>> -> memref<1x256x128xf32, #tpu.memory_space<vmem>>
      %dma_wait3A_143 = tpu.memref_squeeze %dma_wait3A_142 : memref<1x256x128xf32, #tpu.memory_space<vmem>> -> memref<256x128xf32, #tpu.memory_space<vmem>>
      %dma_wait3A_144 = arith.constant 0 : i32
      %dma_wait3A_145 = arith.constant 0 : i32
      %dma_wait3A_146 = tpu.memref_slice %arg2[%dma_wait3A_144, %dma_wait3A_145] : memref<32776x128xf32, #tpu.memory_space<hbm>> -> memref<256x128xf32, #tpu.memory_space<hbm>>
      %dma_wait3A_147 = arith.constant 0 : i32
      %dma_wait3A_148 = arith.constant 0 : i32
      %dma_wait3A_149 = tpu.memref_slice %arg6[%select_n3A_96, %dma_wait3A_147, %dma_wait3A_148] : memref<2x256x128xf32, #tpu.memory_space<vmem>> -> memref<1x256x128xf32, #tpu.memory_space<vmem>>
      %dma_wait3A_150 = tpu.memref_squeeze %dma_wait3A_149 : memref<1x256x128xf32, #tpu.memory_space<vmem>> -> memref<256x128xf32, #tpu.memory_space<vmem>>
      %dma_wait3A_151 = arith.constant 0 : i32
      %dma_wait3A_152 = arith.constant 0 : i32
      %dma_wait3A_153 = tpu.memref_slice %arg2[%dma_wait3A_151, %dma_wait3A_152] : memref<32776x128xf32, #tpu.memory_space<hbm>> -> memref<256x128xf32, #tpu.memory_space<hbm>>
      tpu.wait_dma2 semaphore(%arg10 : memref<!tpu.dma_semaphore, #tpu.memory_space<semaphore_mem>>) src(%dma_wait3A_153 : memref<256x128xf32, #tpu.memory_space<hbm>>) dst(%dma_wait3A_150 : memref<256x128xf32, #tpu.memory_space<vmem>>)
      %scan3A_154 = arith.constant 0 : i32
      %scan3A_155 = arith.constant 0 : i32
      %scan3A_156 = arith.constant 8 : i32
      %scan3A_157 = arith.addi %scan3A_155, %scan3A_156 : i32
      %scan3A_158 = arith.constant 1 : i32
      scf.for %scan3A_160 = %scan3A_155 to %scan3A_157 step %scan3A_158  : i32 {
        %mul3A_161 = arith.constant 16 : i32
        %mul3A_162 = arith.muli %scan3A_160, %mul3A_161 : i32
        %add3A_163 = arith.constant 0 : i32
        %add3A_164 = arith.addi %mul3A_162, %add3A_163 : i32
        %mul3A_165 = arith.constant 2 : i32
        %mul3A_166 = arith.muli %mul3A_165, %add3A_164 : i32
        %get3A_167 = arith.index_cast %select_n3A_96 : i32 to index
        %get3A_168 = arith.index_cast %mul3A_166 : i32 to index
        %get3A_169 = arith.constant 0 : index
        %get3A_170 = tpu.vector_load %arg6[%get3A_167, %get3A_168, %get3A_169] {strides = array<i32>} : memref<2x256x128xf32, #tpu.memory_space<vmem>>, vector<16xf32>,
        %add3A_171 = arith.constant 1 : i32
        %add3A_172 = arith.addi %mul3A_166, %add3A_171 : i32
        %get3A_173 = arith.index_cast %select_n3A_96 : i32 to index
        %get3A_174 = arith.index_cast %add3A_172 : i32 to index
        %get3A_175 = arith.constant 0 : index
        %get3A_176 = tpu.vector_load %arg6[%get3A_173, %get3A_174, %get3A_175] {strides = array<i32>} : memref<2x256x128xf32, #tpu.memory_space<vmem>>, vector<16xf32>,
        %mul3A_177 = arith.mulf %get3A_170, %get3A_176 : vector<16xf32>
        %mul3A_178 = arith.mulf %mul3A_177, %get3A_5 : vector<16xf32>
        %mul3A_179 = arith.mulf %mul3A_177, %get3A_21 : vector<16xf32>
        %get3A_180 = arith.index_cast %select_n3A_96 : i32 to index
        %get3A_181 = arith.index_cast %mul3A_166 : i32 to index
        %get3A_182 = arith.constant 16 : index
        %get3A_183 = tpu.vector_load %arg6[%get3A_180, %get3A_181, %get3A_182] {strides = array<i32>} : memref<2x256x128xf32, #tpu.memory_space<vmem>>, vector<16xf32>,
        %add3A_184 = arith.constant 1 : i32
        %add3A_185 = arith.addi %mul3A_166, %add3A_184 : i32
        %get3A_186 = arith.index_cast %select_n3A_96 : i32 to index
        %get3A_187 = arith.index_cast %add3A_185 : i32 to index
        %get3A_188 = arith.constant 16 : index
        %get3A_189 = tpu.vector_load %arg6[%get3A_186, %get3A_187, %get3A_188] {strides = array<i32>} : memref<2x256x128xf32, #tpu.memory_space<vmem>>, vector<16xf32>,
        %mul3A_190 = arith.mulf %get3A_183, %get3A_189 : vector<16xf32>
        %mul3A_191 = arith.mulf %mul3A_190, %get3A_9 : vector<16xf32>
        %mul3A_192 = arith.mulf %mul3A_190, %get3A_25 : vector<16xf32>
        %add3A_193 = arith.addf %mul3A_178, %mul3A_191 : vector<16xf32>
        %add3A_194 = arith.addf %mul3A_179, %mul3A_192 : vector<16xf32>
        %get3A_195 = arith.index_cast %select_n3A_96 : i32 to index
        %get3A_196 = arith.index_cast %mul3A_166 : i32 to index
        %get3A_197 = arith.constant 32 : index
        %get3A_198 = tpu.vector_load %arg6[%get3A_195, %get3A_196, %get3A_197] {strides = array<i32>} : memref<2x256x128xf32, #tpu.memory_space<vmem>>, vector<16xf32>,
        %add3A_199 = arith.constant 1 : i32
        %add3A_200 = arith.addi %mul3A_166, %add3A_199 : i32
        %get3A_201 = arith.index_cast %select_n3A_96 : i32 to index
        %get3A_202 = arith.index_cast %add3A_200 : i32 to index
        %get3A_203 = arith.constant 32 : index
        %get3A_204 = tpu.vector_load %arg6[%get3A_201, %get3A_202, %get3A_203] {strides = array<i32>} : memref<2x256x128xf32, #tpu.memory_space<vmem>>, vector<16xf32>,
        %mul3A_205 = arith.mulf %get3A_198, %get3A_204 : vector<16xf32>
        %mul3A_206 = arith.mulf %mul3A_205, %get3A_13 : vector<16xf32>
        %mul3A_207 = arith.mulf %mul3A_205, %get3A_29 : vector<16xf32>
        %add3A_208 = arith.addf %add3A_193, %mul3A_206 : vector<16xf32>
        %add3A_209 = arith.addf %add3A_194, %mul3A_207 : vector<16xf32>
        %get3A_210 = arith.index_cast %select_n3A_96 : i32 to index
        %get3A_211 = arith.index_cast %mul3A_166 : i32 to index
        %get3A_212 = arith.constant 48 : index
        %get3A_213 = tpu.vector_load %arg6[%get3A_210, %get3A_211, %get3A_212] {strides = array<i32>} : memref<2x256x128xf32, #tpu.memory_space<vmem>>, vector<16xf32>,
        %add3A_214 = arith.constant 1 : i32
        %add3A_215 = arith.addi %mul3A_166, %add3A_214 : i32
        %get3A_216 = arith.index_cast %select_n3A_96 : i32 to index
        %get3A_217 = arith.index_cast %add3A_215 : i32 to index
        %get3A_218 = arith.constant 48 : index
        %get3A_219 = tpu.vector_load %arg6[%get3A_216, %get3A_217, %get3A_218] {strides = array<i32>} : memref<2x256x128xf32, #tpu.memory_space<vmem>>, vector<16xf32>,
        %mul3A_220 = arith.mulf %get3A_213, %get3A_219 : vector<16xf32>
        %mul3A_221 = arith.mulf %mul3A_220, %get3A_17 : vector<16xf32>
        %mul3A_222 = arith.mulf %mul3A_220, %get3A_33 : vector<16xf32>
        %add3A_223 = arith.addf %add3A_208, %mul3A_221 : vector<16xf32>
        %add3A_224 = arith.addf %add3A_209, %mul3A_222 : vector<16xf32>
        %broadcast_in_dim3A_225 = arith.constant true
        %broadcast_in_dim3A_226 = vector.broadcast %broadcast_in_dim3A_225 : i1 to vector<16xi1>
        %masked_cumsum3A = tpu.scan <sum>, %add3A_223 masked %broadcast_in_dim3A_226 : vector<16xf32>, vector<16xi1> -> vector<16xf32>
        %add3A_227 = arith.addf %masked_cumsum3A, %broadcast_in_dim3A : vector<16xf32>
        %broadcast_in_dim3A_228 = arith.constant true
        %broadcast_in_dim3A_229 = vector.broadcast %broadcast_in_dim3A_228 : i1 to vector<16xi1>
        %masked_cumsum3A_230 = tpu.scan <sum>, %add3A_224 masked %broadcast_in_dim3A_229 : vector<16xf32>, vector<16xi1> -> vector<16xf32>
        %add3A_231 = arith.addf %masked_cumsum3A_230, %broadcast_in_dim3A_36 : vector<16xf32>
        %mul3A_232 = arith.constant 128 : i32
        %mul3A_233 = arith.muli %scan3A_86, %mul3A_232 : i32
        %add3A_234 = arith.addi %mul3A_233, %mul3A_162 : i32
        %add3A_235 = arith.constant 0 : i32
        %add3A_236 = arith.addi %add3A_234, %add3A_235 : i32
        %broadcast_in_dim3A_237 = vector.broadcast %add3A_236 : i32 to vector<16xi32>
        tpu.vector_store_idx %arg9[%broadcast_in_dim3A_237], %add3A_227 masked %eq3A_38 : memref<1024xf32, #tpu.memory_space<vmem>>[vector<16xi32>], vector<16xf32>, vector<16xi1>
        %add3A_238 = arith.constant 512 : i32
        %add3A_239 = vector.broadcast %add3A_238 : i32 to vector<16xi32>
        %add3A_240 = arith.addi %broadcast_in_dim3A_237, %add3A_239 : vector<16xi32>
        tpu.vector_store_idx %arg9[%add3A_240], %add3A_231 masked %eq3A_38 : memref<1024xf32, #tpu.memory_space<vmem>>[vector<16xi32>], vector<16xf32>, vector<16xi1>
        %add3A_241 = arith.constant 1 : i32
        %add3A_242 = arith.addi %mul3A_162, %add3A_241 : i32
        %mul3A_243 = arith.constant 2 : i32
        %mul3A_244 = arith.muli %mul3A_243, %add3A_242 : i32
        %get3A_245 = arith.index_cast %select_n3A_96 : i32 to index
        %get3A_246 = arith.index_cast %mul3A_244 : i32 to index
        %get3A_247 = arith.constant 0 : index
        %get3A_248 = tpu.vector_load %arg6[%get3A_245, %get3A_246, %get3A_247] {strides = array<i32>} : memref<2x256x128xf32, #tpu.memory_space<vmem>>, vector<16xf32>,
        %add3A_249 = arith.constant 1 : i32
        %add3A_250 = arith.addi %mul3A_244, %add3A_249 : i32
        %get3A_251 = arith.index_cast %select_n3A_96 : i32 to index
        %get3A_252 = arith.index_cast %add3A_250 : i32 to index
        %get3A_253 = arith.constant 0 : index
        %get3A_254 = tpu.vector_load %arg6[%get3A_251, %get3A_252, %get3A_253] {strides = array<i32>} : memref<2x256x128xf32, #tpu.memory_space<vmem>>, vector<16xf32>,
        %mul3A_255 = arith.mulf %get3A_248, %get3A_254 : vector<16xf32>
        %mul3A_256 = arith.mulf %mul3A_255, %get3A_5 : vector<16xf32>
        %mul3A_257 = arith.mulf %mul3A_255, %get3A_21 : vector<16xf32>
        %get3A_258 = arith.index_cast %select_n3A_96 : i32 to index
        %get3A_259 = arith.index_cast %mul3A_244 : i32 to index
        %get3A_260 = arith.constant 16 : index
        %get3A_261 = tpu.vector_load %arg6[%get3A_258, %get3A_259, %get3A_260] {strides = array<i32>} : memref<2x256x128xf32, #tpu.memory_space<vmem>>, vector<16xf32>,
        %add3A_262 = arith.constant 1 : i32
        %add3A_263 = arith.addi %mul3A_244, %add3A_262 : i32
        %get3A_264 = arith.index_cast %select_n3A_96 : i32 to index
        %get3A_265 = arith.index_cast %add3A_263 : i32 to index
        %get3A_266 = arith.constant 16 : index
        %get3A_267 = tpu.vector_load %arg6[%get3A_264, %get3A_265, %get3A_266] {strides = array<i32>} : memref<2x256x128xf32, #tpu.memory_space<vmem>>, vector<16xf32>,
        %mul3A_268 = arith.mulf %get3A_261, %get3A_267 : vector<16xf32>
        %mul3A_269 = arith.mulf %mul3A_268, %get3A_9 : vector<16xf32>
        %mul3A_270 = arith.mulf %mul3A_268, %get3A_25 : vector<16xf32>
        %add3A_271 = arith.addf %mul3A_256, %mul3A_269 : vector<16xf32>
        %add3A_272 = arith.addf %mul3A_257, %mul3A_270 : vector<16xf32>
        %get3A_273 = arith.index_cast %select_n3A_96 : i32 to index
        %get3A_274 = arith.index_cast %mul3A_244 : i32 to index
        %get3A_275 = arith.constant 32 : index
        %get3A_276 = tpu.vector_load %arg6[%get3A_273, %get3A_274, %get3A_275] {strides = array<i32>} : memref<2x256x128xf32, #tpu.memory_space<vmem>>, vector<16xf32>,
        %add3A_277 = arith.constant 1 : i32
        %add3A_278 = arith.addi %mul3A_244, %add3A_277 : i32
        %get3A_279 = arith.index_cast %select_n3A_96 : i32 to index
        %get3A_280 = arith.index_cast %add3A_278 : i32 to index
        %get3A_281 = arith.constant 32 : index
        %get3A_282 = tpu.vector_load %arg6[%get3A_279, %get3A_280, %get3A_281] {strides = array<i32>} : memref<2x256x128xf32, #tpu.memory_space<vmem>>, vector<16xf32>,
        %mul3A_283 = arith.mulf %get3A_276, %get3A_282 : vector<16xf32>
        %mul3A_284 = arith.mulf %mul3A_283, %get3A_13 : vector<16xf32>
        %mul3A_285 = arith.mulf %mul3A_283, %get3A_29 : vector<16xf32>
        %add3A_286 = arith.addf %add3A_271, %mul3A_284 : vector<16xf32>
        %add3A_287 = arith.addf %add3A_272, %mul3A_285 : vector<16xf32>
        %get3A_288 = arith.index_cast %select_n3A_96 : i32 to index
        %get3A_289 = arith.index_cast %mul3A_244 : i32 to index
        %get3A_290 = arith.constant 48 : index
        %get3A_291 = tpu.vector_load %arg6[%get3A_288, %get3A_289, %get3A_290] {strides = array<i32>} : memref<2x256x128xf32, #tpu.memory_space<vmem>>, vector<16xf32>,
        %add3A_292 = arith.constant 1 : i32
        %add3A_293 = arith.addi %mul3A_244, %add3A_292 : i32
        %get3A_294 = arith.index_cast %select_n3A_96 : i32 to index
        %get3A_295 = arith.index_cast %add3A_293 : i32 to index
        %get3A_296 = arith.constant 48 : index
        %get3A_297 = tpu.vector_load %arg6[%get3A_294, %get3A_295, %get3A_296] {strides = array<i32>} : memref<2x256x128xf32, #tpu.memory_space<vmem>>, vector<16xf32>,
        %mul3A_298 = arith.mulf %get3A_291, %get3A_297 : vector<16xf32>
        %mul3A_299 = arith.mulf %mul3A_298, %get3A_17 : vector<16xf32>
        %mul3A_300 = arith.mulf %mul3A_298, %get3A_33 : vector<16xf32>
        %add3A_301 = arith.addf %add3A_286, %mul3A_299 : vector<16xf32>
        %add3A_302 = arith.addf %add3A_287, %mul3A_300 : vector<16xf32>
        %broadcast_in_dim3A_303 = arith.constant true
        %broadcast_in_dim3A_304 = vector.broadcast %broadcast_in_dim3A_303 : i1 to vector<16xi1>
        %masked_cumsum3A_305 = tpu.scan <sum>, %add3A_301 masked %broadcast_in_dim3A_304 : vector<16xf32>, vector<16xi1> -> vector<16xf32>
        %add3A_306 = arith.addf %masked_cumsum3A_305, %broadcast_in_dim3A : vector<16xf32>
        %broadcast_in_dim3A_307 = arith.constant true
        %broadcast_in_dim3A_308 = vector.broadcast %broadcast_in_dim3A_307 : i1 to vector<16xi1>
        %masked_cumsum3A_309 = tpu.scan <sum>, %add3A_302 masked %broadcast_in_dim3A_308 : vector<16xf32>, vector<16xi1> -> vector<16xf32>
        %add3A_310 = arith.addf %masked_cumsum3A_309, %broadcast_in_dim3A_36 : vector<16xf32>
        %mul3A_311 = arith.constant 128 : i32
        %mul3A_312 = arith.muli %scan3A_86, %mul3A_311 : i32
        %add3A_313 = arith.addi %mul3A_312, %mul3A_162 : i32
        %add3A_314 = arith.constant 1 : i32
        %add3A_315 = arith.addi %add3A_313, %add3A_314 : i32
        %broadcast_in_dim3A_316 = vector.broadcast %add3A_315 : i32 to vector<16xi32>
        tpu.vector_store_idx %arg9[%broadcast_in_dim3A_316], %add3A_306 masked %eq3A_38 : memref<1024xf32, #tpu.memory_space<vmem>>[vector<16xi32>], vector<16xf32>, vector<16xi1>
        %add3A_317 = arith.constant 512 : i32
        %add3A_318 = vector.broadcast %add3A_317 : i32 to vector<16xi32>
        %add3A_319 = arith.addi %broadcast_in_dim3A_316, %add3A_318 : vector<16xi32>
        tpu.vector_store_idx %arg9[%add3A_319], %add3A_310 masked %eq3A_38 : memref<1024xf32, #tpu.memory_space<vmem>>[vector<16xi32>], vector<16xf32>, vector<16xi1>
        %add3A_320 = arith.constant 2 : i32
        %add3A_321 = arith.addi %mul3A_162, %add3A_320 : i32
        %mul3A_322 = arith.constant 2 : i32
        %mul3A_323 = arith.muli %mul3A_322, %add3A_321 : i32
        %get3A_324 = arith.index_cast %select_n3A_96 : i32 to index
        %get3A_325 = arith.index_cast %mul3A_323 : i32 to index
        %get3A_326 = arith.constant 0 : index
        %get3A_327 = tpu.vector_load %arg6[%get3A_324, %get3A_325, %get3A_326] {strides = array<i32>} : memref<2x256x128xf32, #tpu.memory_space<vmem>>, vector<16xf32>,
        %add3A_328 = arith.constant 1 : i32
        %add3A_329 = arith.addi %mul3A_323, %add3A_328 : i32
        %get3A_330 = arith.index_cast %select_n3A_96 : i32 to index
        %get3A_331 = arith.index_cast %add3A_329 : i32 to index
        %get3A_332 = arith.constant 0 : index
        %get3A_333 = tpu.vector_load %arg6[%get3A_330, %get3A_331, %get3A_332] {strides = array<i32>} : memref<2x256x128xf32, #tpu.memory_space<vmem>>, vector<16xf32>,
        %mul3A_334 = arith.mulf %get3A_327, %get3A_333 : vector<16xf32>
        %mul3A_335 = arith.mulf %mul3A_334, %get3A_5 : vector<16xf32>
        %mul3A_336 = arith.mulf %mul3A_334, %get3A_21 : vector<16xf32>
        %get3A_337 = arith.index_cast %select_n3A_96 : i32 to index
        %get3A_338 = arith.index_cast %mul3A_323 : i32 to index
        %get3A_339 = arith.constant 16 : index
        %get3A_340 = tpu.vector_load %arg6[%get3A_337, %get3A_338, %get3A_339] {strides = array<i32>} : memref<2x256x128xf32, #tpu.memory_space<vmem>>, vector<16xf32>,
        %add3A_341 = arith.constant 1 : i32
        %add3A_342 = arith.addi %mul3A_323, %add3A_341 : i32
        %get3A_343 = arith.index_cast %select_n3A_96 : i32 to index
        %get3A_344 = arith.index_cast %add3A_342 : i32 to index
        %get3A_345 = arith.constant 16 : index
        %get3A_346 = tpu.vector_load %arg6[%get3A_343, %get3A_344, %get3A_345] {strides = array<i32>} : memref<2x256x128xf32, #tpu.memory_space<vmem>>, vector<16xf32>,
        %mul3A_347 = arith.mulf %get3A_340, %get3A_346 : vector<16xf32>
        %mul3A_348 = arith.mulf %mul3A_347, %get3A_9 : vector<16xf32>
        %mul3A_349 = arith.mulf %mul3A_347, %get3A_25 : vector<16xf32>
        %add3A_350 = arith.addf %mul3A_335, %mul3A_348 : vector<16xf32>
        %add3A_351 = arith.addf %mul3A_336, %mul3A_349 : vector<16xf32>
        %get3A_352 = arith.index_cast %select_n3A_96 : i32 to index
        %get3A_353 = arith.index_cast %mul3A_323 : i32 to index
        %get3A_354 = arith.constant 32 : index
        %get3A_355 = tpu.vector_load %arg6[%get3A_352, %get3A_353, %get3A_354] {strides = array<i32>} : memref<2x256x128xf32, #tpu.memory_space<vmem>>, vector<16xf32>,
        %add3A_356 = arith.constant 1 : i32
        %add3A_357 = arith.addi %mul3A_323, %add3A_356 : i32
        %get3A_358 = arith.index_cast %select_n3A_96 : i32 to index
        %get3A_359 = arith.index_cast %add3A_357 : i32 to index
        %get3A_360 = arith.constant 32 : index
        %get3A_361 = tpu.vector_load %arg6[%get3A_358, %get3A_359, %get3A_360] {strides = array<i32>} : memref<2x256x128xf32, #tpu.memory_space<vmem>>, vector<16xf32>,
        %mul3A_362 = arith.mulf %get3A_355, %get3A_361 : vector<16xf32>
        %mul3A_363 = arith.mulf %mul3A_362, %get3A_13 : vector<16xf32>
        %mul3A_364 = arith.mulf %mul3A_362, %get3A_29 : vector<16xf32>
        %add3A_365 = arith.addf %add3A_350, %mul3A_363 : vector<16xf32>
        %add3A_366 = arith.addf %add3A_351, %mul3A_364 : vector<16xf32>
        %get3A_367 = arith.index_cast %select_n3A_96 : i32 to index
        %get3A_368 = arith.index_cast %mul3A_323 : i32 to index
        %get3A_369 = arith.constant 48 : index
        %get3A_370 = tpu.vector_load %arg6[%get3A_367, %get3A_368, %get3A_369] {strides = array<i32>} : memref<2x256x128xf32, #tpu.memory_space<vmem>>, vector<16xf32>,
        %add3A_371 = arith.constant 1 : i32
        %add3A_372 = arith.addi %mul3A_323, %add3A_371 : i32
        %get3A_373 = arith.index_cast %select_n3A_96 : i32 to index
        %get3A_374 = arith.index_cast %add3A_372 : i32 to index
        %get3A_375 = arith.constant 48 : index
        %get3A_376 = tpu.vector_load %arg6[%get3A_373, %get3A_374, %get3A_375] {strides = array<i32>} : memref<2x256x128xf32, #tpu.memory_space<vmem>>, vector<16xf32>,
        %mul3A_377 = arith.mulf %get3A_370, %get3A_376 : vector<16xf32>
        %mul3A_378 = arith.mulf %mul3A_377, %get3A_17 : vector<16xf32>
        %mul3A_379 = arith.mulf %mul3A_377, %get3A_33 : vector<16xf32>
        %add3A_380 = arith.addf %add3A_365, %mul3A_378 : vector<16xf32>
        %add3A_381 = arith.addf %add3A_366, %mul3A_379 : vector<16xf32>
        %broadcast_in_dim3A_382 = arith.constant true
        %broadcast_in_dim3A_383 = vector.broadcast %broadcast_in_dim3A_382 : i1 to vector<16xi1>
        %masked_cumsum3A_384 = tpu.scan <sum>, %add3A_380 masked %broadcast_in_dim3A_383 : vector<16xf32>, vector<16xi1> -> vector<16xf32>
        %add3A_385 = arith.addf %masked_cumsum3A_384, %broadcast_in_dim3A : vector<16xf32>
        %broadcast_in_dim3A_386 = arith.constant true
        %broadcast_in_dim3A_387 = vector.broadcast %broadcast_in_dim3A_386 : i1 to vector<16xi1>
        %masked_cumsum3A_388 = tpu.scan <sum>, %add3A_381 masked %broadcast_in_dim3A_387 : vector<16xf32>, vector<16xi1> -> vector<16xf32>
        %add3A_389 = arith.addf %masked_cumsum3A_388, %broadcast_in_dim3A_36 : vector<16xf32>
        %mul3A_390 = arith.constant 128 : i32
        %mul3A_391 = arith.muli %scan3A_86, %mul3A_390 : i32
        %add3A_392 = arith.addi %mul3A_391, %mul3A_162 : i32
        %add3A_393 = arith.constant 2 : i32
        %add3A_394 = arith.addi %add3A_392, %add3A_393 : i32
        %broadcast_in_dim3A_395 = vector.broadcast %add3A_394 : i32 to vector<16xi32>
        tpu.vector_store_idx %arg9[%broadcast_in_dim3A_395], %add3A_385 masked %eq3A_38 : memref<1024xf32, #tpu.memory_space<vmem>>[vector<16xi32>], vector<16xf32>, vector<16xi1>
        %add3A_396 = arith.constant 512 : i32
        %add3A_397 = vector.broadcast %add3A_396 : i32 to vector<16xi32>
        %add3A_398 = arith.addi %broadcast_in_dim3A_395, %add3A_397 : vector<16xi32>
        tpu.vector_store_idx %arg9[%add3A_398], %add3A_389 masked %eq3A_38 : memref<1024xf32, #tpu.memory_space<vmem>>[vector<16xi32>], vector<16xf32>, vector<16xi1>
        %add3A_399 = arith.constant 3 : i32
        %add3A_400 = arith.addi %mul3A_162, %add3A_399 : i32
        %mul3A_401 = arith.constant 2 : i32
        %mul3A_402 = arith.muli %mul3A_401, %add3A_400 : i32
        %get3A_403 = arith.index_cast %select_n3A_96 : i32 to index
        %get3A_404 = arith.index_cast %mul3A_402 : i32 to index
        %get3A_405 = arith.constant 0 : index
        %get3A_406 = tpu.vector_load %arg6[%get3A_403, %get3A_404, %get3A_405] {strides = array<i32>} : memref<2x256x128xf32, #tpu.memory_space<vmem>>, vector<16xf32>,
        %add3A_407 = arith.constant 1 : i32
        %add3A_408 = arith.addi %mul3A_402, %add3A_407 : i32
        %get3A_409 = arith.index_cast %select_n3A_96 : i32 to index
        %get3A_410 = arith.index_cast %add3A_408 : i32 to index
        %get3A_411 = arith.constant 0 : index
        %get3A_412 = tpu.vector_load %arg6[%get3A_409, %get3A_410, %get3A_411] {strides = array<i32>} : memref<2x256x128xf32, #tpu.memory_space<vmem>>, vector<16xf32>,
        %mul3A_413 = arith.mulf %get3A_406, %get3A_412 : vector<16xf32>
        %mul3A_414 = arith.mulf %mul3A_413, %get3A_5 : vector<16xf32>
        %mul3A_415 = arith.mulf %mul3A_413, %get3A_21 : vector<16xf32>
        %get3A_416 = arith.index_cast %select_n3A_96 : i32 to index
        %get3A_417 = arith.index_cast %mul3A_402 : i32 to index
        %get3A_418 = arith.constant 16 : index
        %get3A_419 = tpu.vector_load %arg6[%get3A_416, %get3A_417, %get3A_418] {strides = array<i32>} : memref<2x256x128xf32, #tpu.memory_space<vmem>>, vector<16xf32>,
        %add3A_420 = arith.constant 1 : i32
        %add3A_421 = arith.addi %mul3A_402, %add3A_420 : i32
        %get3A_422 = arith.index_cast %select_n3A_96 : i32 to index
        %get3A_423 = arith.index_cast %add3A_421 : i32 to index
        %get3A_424 = arith.constant 16 : index
        %get3A_425 = tpu.vector_load %arg6[%get3A_422, %get3A_423, %get3A_424] {strides = array<i32>} : memref<2x256x128xf32, #tpu.memory_space<vmem>>, vector<16xf32>,
        %mul3A_426 = arith.mulf %get3A_419, %get3A_425 : vector<16xf32>
        %mul3A_427 = arith.mulf %mul3A_426, %get3A_9 : vector<16xf32>
        %mul3A_428 = arith.mulf %mul3A_426, %get3A_25 : vector<16xf32>
        %add3A_429 = arith.addf %mul3A_414, %mul3A_427 : vector<16xf32>
        %add3A_430 = arith.addf %mul3A_415, %mul3A_428 : vector<16xf32>
        %get3A_431 = arith.index_cast %select_n3A_96 : i32 to index
        %get3A_432 = arith.index_cast %mul3A_402 : i32 to index
        %get3A_433 = arith.constant 32 : index
        %get3A_434 = tpu.vector_load %arg6[%get3A_431, %get3A_432, %get3A_433] {strides = array<i32>} : memref<2x256x128xf32, #tpu.memory_space<vmem>>, vector<16xf32>,
        %add3A_435 = arith.constant 1 : i32
        %add3A_436 = arith.addi %mul3A_402, %add3A_435 : i32
        %get3A_437 = arith.index_cast %select_n3A_96 : i32 to index
        %get3A_438 = arith.index_cast %add3A_436 : i32 to index
        %get3A_439 = arith.constant 32 : index
        %get3A_440 = tpu.vector_load %arg6[%get3A_437, %get3A_438, %get3A_439] {strides = array<i32>} : memref<2x256x128xf32, #tpu.memory_space<vmem>>, vector<16xf32>,
        %mul3A_441 = arith.mulf %get3A_434, %get3A_440 : vector<16xf32>
        %mul3A_442 = arith.mulf %mul3A_441, %get3A_13 : vector<16xf32>
        %mul3A_443 = arith.mulf %mul3A_441, %get3A_29 : vector<16xf32>
        %add3A_444 = arith.addf %add3A_429, %mul3A_442 : vector<16xf32>
        %add3A_445 = arith.addf %add3A_430, %mul3A_443 : vector<16xf32>
        %get3A_446 = arith.index_cast %select_n3A_96 : i32 to index
        %get3A_447 = arith.index_cast %mul3A_402 : i32 to index
        %get3A_448 = arith.constant 48 : index
        %get3A_449 = tpu.vector_load %arg6[%get3A_446, %get3A_447, %get3A_448] {strides = array<i32>} : memref<2x256x128xf32, #tpu.memory_space<vmem>>, vector<16xf32>,
        %add3A_450 = arith.constant 1 : i32
        %add3A_451 = arith.addi %mul3A_402, %add3A_450 : i32
        %get3A_452 = arith.index_cast %select_n3A_96 : i32 to index
        %get3A_453 = arith.index_cast %add3A_451 : i32 to index
        %get3A_454 = arith.constant 48 : index
        %get3A_455 = tpu.vector_load %arg6[%get3A_452, %get3A_453, %get3A_454] {strides = array<i32>} : memref<2x256x128xf32, #tpu.memory_space<vmem>>, vector<16xf32>,
        %mul3A_456 = arith.mulf %get3A_449, %get3A_455 : vector<16xf32>
        %mul3A_457 = arith.mulf %mul3A_456, %get3A_17 : vector<16xf32>
        %mul3A_458 = arith.mulf %mul3A_456, %get3A_33 : vector<16xf32>
        %add3A_459 = arith.addf %add3A_444, %mul3A_457 : vector<16xf32>
        %add3A_460 = arith.addf %add3A_445, %mul3A_458 : vector<16xf32>
        %broadcast_in_dim3A_461 = arith.constant true
        %broadcast_in_dim3A_462 = vector.broadcast %broadcast_in_dim3A_461 : i1 to vector<16xi1>
        %masked_cumsum3A_463 = tpu.scan <sum>, %add3A_459 masked %broadcast_in_dim3A_462 : vector<16xf32>, vector<16xi1> -> vector<16xf32>
        %add3A_464 = arith.addf %masked_cumsum3A_463, %broadcast_in_dim3A : vector<16xf32>
        %broadcast_in_dim3A_465 = arith.constant true
        %broadcast_in_dim3A_466 = vector.broadcast %broadcast_in_dim3A_465 : i1 to vector<16xi1>
        %masked_cumsum3A_467 = tpu.scan <sum>, %add3A_460 masked %broadcast_in_dim3A_466 : vector<16xf32>, vector<16xi1> -> vector<16xf32>
        %add3A_468 = arith.addf %masked_cumsum3A_467, %broadcast_in_dim3A_36 : vector<16xf32>
        %mul3A_469 = arith.constant 128 : i32
        %mul3A_470 = arith.muli %scan3A_86, %mul3A_469 : i32
        %add3A_471 = arith.addi %mul3A_470, %mul3A_162 : i32
        %add3A_472 = arith.constant 3 : i32
        %add3A_473 = arith.addi %add3A_471, %add3A_472 : i32
        %broadcast_in_dim3A_474 = vector.broadcast %add3A_473 : i32 to vector<16xi32>
        tpu.vector_store_idx %arg9[%broadcast_in_dim3A_474], %add3A_464 masked %eq3A_38 : memref<1024xf32, #tpu.memory_space<vmem>>[vector<16xi32>], vector<16xf32>, vector<16xi1>
        %add3A_475 = arith.constant 512 : i32
        %add3A_476 = vector.broadcast %add3A_475 : i32 to vector<16xi32>
        %add3A_477 = arith.addi %broadcast_in_dim3A_474, %add3A_476 : vector<16xi32>
        tpu.vector_store_idx %arg9[%add3A_477], %add3A_468 masked %eq3A_38 : memref<1024xf32, #tpu.memory_space<vmem>>[vector<16xi32>], vector<16xf32>, vector<16xi1>
        %add3A_478 = arith.constant 4 : i32
        %add3A_479 = arith.addi %mul3A_162, %add3A_478 : i32
        %mul3A_480 = arith.constant 2 : i32
        %mul3A_481 = arith.muli %mul3A_480, %add3A_479 : i32
        %get3A_482 = arith.index_cast %select_n3A_96 : i32 to index
        %get3A_483 = arith.index_cast %mul3A_481 : i32 to index
        %get3A_484 = arith.constant 0 : index
        %get3A_485 = tpu.vector_load %arg6[%get3A_482, %get3A_483, %get3A_484] {strides = array<i32>} : memref<2x256x128xf32, #tpu.memory_space<vmem>>, vector<16xf32>,
        %add3A_486 = arith.constant 1 : i32
        %add3A_487 = arith.addi %mul3A_481, %add3A_486 : i32
        %get3A_488 = arith.index_cast %select_n3A_96 : i32 to index
        %get3A_489 = arith.index_cast %add3A_487 : i32 to index
        %get3A_490 = arith.constant 0 : index
        %get3A_491 = tpu.vector_load %arg6[%get3A_488, %get3A_489, %get3A_490] {strides = array<i32>} : memref<2x256x128xf32, #tpu.memory_space<vmem>>, vector<16xf32>,
        %mul3A_492 = arith.mulf %get3A_485, %get3A_491 : vector<16xf32>
        %mul3A_493 = arith.mulf %mul3A_492, %get3A_5 : vector<16xf32>
        %mul3A_494 = arith.mulf %mul3A_492, %get3A_21 : vector<16xf32>
        %get3A_495 = arith.index_cast %select_n3A_96 : i32 to index
        %get3A_496 = arith.index_cast %mul3A_481 : i32 to index
        %get3A_497 = arith.constant 16 : index
        %get3A_498 = tpu.vector_load %arg6[%get3A_495, %get3A_496, %get3A_497] {strides = array<i32>} : memref<2x256x128xf32, #tpu.memory_space<vmem>>, vector<16xf32>,
        %add3A_499 = arith.constant 1 : i32
        %add3A_500 = arith.addi %mul3A_481, %add3A_499 : i32
        %get3A_501 = arith.index_cast %select_n3A_96 : i32 to index
        %get3A_502 = arith.index_cast %add3A_500 : i32 to index
        %get3A_503 = arith.constant 16 : index
        %get3A_504 = tpu.vector_load %arg6[%get3A_501, %get3A_502, %get3A_503] {strides = array<i32>} : memref<2x256x128xf32, #tpu.memory_space<vmem>>, vector<16xf32>,
        %mul3A_505 = arith.mulf %get3A_498, %get3A_504 : vector<16xf32>
        %mul3A_506 = arith.mulf %mul3A_505, %get3A_9 : vector<16xf32>
        %mul3A_507 = arith.mulf %mul3A_505, %get3A_25 : vector<16xf32>
        %add3A_508 = arith.addf %mul3A_493, %mul3A_506 : vector<16xf32>
        %add3A_509 = arith.addf %mul3A_494, %mul3A_507 : vector<16xf32>
        %get3A_510 = arith.index_cast %select_n3A_96 : i32 to index
        %get3A_511 = arith.index_cast %mul3A_481 : i32 to index
        %get3A_512 = arith.constant 32 : index
        %get3A_513 = tpu.vector_load %arg6[%get3A_510, %get3A_511, %get3A_512] {strides = array<i32>} : memref<2x256x128xf32, #tpu.memory_space<vmem>>, vector<16xf32>,
        %add3A_514 = arith.constant 1 : i32
        %add3A_515 = arith.addi %mul3A_481, %add3A_514 : i32
        %get3A_516 = arith.index_cast %select_n3A_96 : i32 to index
        %get3A_517 = arith.index_cast %add3A_515 : i32 to index
        %get3A_518 = arith.constant 32 : index
        %get3A_519 = tpu.vector_load %arg6[%get3A_516, %get3A_517, %get3A_518] {strides = array<i32>} : memref<2x256x128xf32, #tpu.memory_space<vmem>>, vector<16xf32>,
        %mul3A_520 = arith.mulf %get3A_513, %get3A_519 : vector<16xf32>
        %mul3A_521 = arith.mulf %mul3A_520, %get3A_13 : vector<16xf32>
        %mul3A_522 = arith.mulf %mul3A_520, %get3A_29 : vector<16xf32>
        %add3A_523 = arith.addf %add3A_508, %mul3A_521 : vector<16xf32>
        %add3A_524 = arith.addf %add3A_509, %mul3A_522 : vector<16xf32>
        %get3A_525 = arith.index_cast %select_n3A_96 : i32 to index
        %get3A_526 = arith.index_cast %mul3A_481 : i32 to index
        %get3A_527 = arith.constant 48 : index
        %get3A_528 = tpu.vector_load %arg6[%get3A_525, %get3A_526, %get3A_527] {strides = array<i32>} : memref<2x256x128xf32, #tpu.memory_space<vmem>>, vector<16xf32>,
        %add3A_529 = arith.constant 1 : i32
        %add3A_530 = arith.addi %mul3A_481, %add3A_529 : i32
        %get3A_531 = arith.index_cast %select_n3A_96 : i32 to index
        %get3A_532 = arith.index_cast %add3A_530 : i32 to index
        %get3A_533 = arith.constant 48 : index
        %get3A_534 = tpu.vector_load %arg6[%get3A_531, %get3A_532, %get3A_533] {strides = array<i32>} : memref<2x256x128xf32, #tpu.memory_space<vmem>>, vector<16xf32>,
        %mul3A_535 = arith.mulf %get3A_528, %get3A_534 : vector<16xf32>
        %mul3A_536 = arith.mulf %mul3A_535, %get3A_17 : vector<16xf32>
        %mul3A_537 = arith.mulf %mul3A_535, %get3A_33 : vector<16xf32>
        %add3A_538 = arith.addf %add3A_523, %mul3A_536 : vector<16xf32>
        %add3A_539 = arith.addf %add3A_524, %mul3A_537 : vector<16xf32>
        %broadcast_in_dim3A_540 = arith.constant true
        %broadcast_in_dim3A_541 = vector.broadcast %broadcast_in_dim3A_540 : i1 to vector<16xi1>
        %masked_cumsum3A_542 = tpu.scan <sum>, %add3A_538 masked %broadcast_in_dim3A_541 : vector<16xf32>, vector<16xi1> -> vector<16xf32>
        %add3A_543 = arith.addf %masked_cumsum3A_542, %broadcast_in_dim3A : vector<16xf32>
        %broadcast_in_dim3A_544 = arith.constant true
        %broadcast_in_dim3A_545 = vector.broadcast %broadcast_in_dim3A_544 : i1 to vector<16xi1>
        %masked_cumsum3A_546 = tpu.scan <sum>, %add3A_539 masked %broadcast_in_dim3A_545 : vector<16xf32>, vector<16xi1> -> vector<16xf32>
        %add3A_547 = arith.addf %masked_cumsum3A_546, %broadcast_in_dim3A_36 : vector<16xf32>
        %mul3A_548 = arith.constant 128 : i32
        %mul3A_549 = arith.muli %scan3A_86, %mul3A_548 : i32
        %add3A_550 = arith.addi %mul3A_549, %mul3A_162 : i32
        %add3A_551 = arith.constant 4 : i32
        %add3A_552 = arith.addi %add3A_550, %add3A_551 : i32
        %broadcast_in_dim3A_553 = vector.broadcast %add3A_552 : i32 to vector<16xi32>
        tpu.vector_store_idx %arg9[%broadcast_in_dim3A_553], %add3A_543 masked %eq3A_38 : memref<1024xf32, #tpu.memory_space<vmem>>[vector<16xi32>], vector<16xf32>, vector<16xi1>
        %add3A_554 = arith.constant 512 : i32
        %add3A_555 = vector.broadcast %add3A_554 : i32 to vector<16xi32>
        %add3A_556 = arith.addi %broadcast_in_dim3A_553, %add3A_555 : vector<16xi32>
        tpu.vector_store_idx %arg9[%add3A_556], %add3A_547 masked %eq3A_38 : memref<1024xf32, #tpu.memory_space<vmem>>[vector<16xi32>], vector<16xf32>, vector<16xi1>
        %add3A_557 = arith.constant 5 : i32
        %add3A_558 = arith.addi %mul3A_162, %add3A_557 : i32
        %mul3A_559 = arith.constant 2 : i32
        %mul3A_560 = arith.muli %mul3A_559, %add3A_558 : i32
        %get3A_561 = arith.index_cast %select_n3A_96 : i32 to index
        %get3A_562 = arith.index_cast %mul3A_560 : i32 to index
        %get3A_563 = arith.constant 0 : index
        %get3A_564 = tpu.vector_load %arg6[%get3A_561, %get3A_562, %get3A_563] {strides = array<i32>} : memref<2x256x128xf32, #tpu.memory_space<vmem>>, vector<16xf32>,
        %add3A_565 = arith.constant 1 : i32
        %add3A_566 = arith.addi %mul3A_560, %add3A_565 : i32
        %get3A_567 = arith.index_cast %select_n3A_96 : i32 to index
        %get3A_568 = arith.index_cast %add3A_566 : i32 to index
        %get3A_569 = arith.constant 0 : index
        %get3A_570 = tpu.vector_load %arg6[%get3A_567, %get3A_568, %get3A_569] {strides = array<i32>} : memref<2x256x128xf32, #tpu.memory_space<vmem>>, vector<16xf32>,
        %mul3A_571 = arith.mulf %get3A_564, %get3A_570 : vector<16xf32>
        %mul3A_572 = arith.mulf %mul3A_571, %get3A_5 : vector<16xf32>
        %mul3A_573 = arith.mulf %mul3A_571, %get3A_21 : vector<16xf32>
        %get3A_574 = arith.index_cast %select_n3A_96 : i32 to index
        %get3A_575 = arith.index_cast %mul3A_560 : i32 to index
        %get3A_576 = arith.constant 16 : index
        %get3A_577 = tpu.vector_load %arg6[%get3A_574, %get3A_575, %get3A_576] {strides = array<i32>} : memref<2x256x128xf32, #tpu.memory_space<vmem>>, vector<16xf32>,
        %add3A_578 = arith.constant 1 : i32
        %add3A_579 = arith.addi %mul3A_560, %add3A_578 : i32
        %get3A_580 = arith.index_cast %select_n3A_96 : i32 to index
        %get3A_581 = arith.index_cast %add3A_579 : i32 to index
        %get3A_582 = arith.constant 16 : index
        %get3A_583 = tpu.vector_load %arg6[%get3A_580, %get3A_581, %get3A_582] {strides = array<i32>} : memref<2x256x128xf32, #tpu.memory_space<vmem>>, vector<16xf32>,
        %mul3A_584 = arith.mulf %get3A_577, %get3A_583 : vector<16xf32>
        %mul3A_585 = arith.mulf %mul3A_584, %get3A_9 : vector<16xf32>
        %mul3A_586 = arith.mulf %mul3A_584, %get3A_25 : vector<16xf32>
        %add3A_587 = arith.addf %mul3A_572, %mul3A_585 : vector<16xf32>
        %add3A_588 = arith.addf %mul3A_573, %mul3A_586 : vector<16xf32>
        %get3A_589 = arith.index_cast %select_n3A_96 : i32 to index
        %get3A_590 = arith.index_cast %mul3A_560 : i32 to index
        %get3A_591 = arith.constant 32 : index
        %get3A_592 = tpu.vector_load %arg6[%get3A_589, %get3A_590, %get3A_591] {strides = array<i32>} : memref<2x256x128xf32, #tpu.memory_space<vmem>>, vector<16xf32>,
        %add3A_593 = arith.constant 1 : i32
        %add3A_594 = arith.addi %mul3A_560, %add3A_593 : i32
        %get3A_595 = arith.index_cast %select_n3A_96 : i32 to index
        %get3A_596 = arith.index_cast %add3A_594 : i32 to index
        %get3A_597 = arith.constant 32 : index
        %get3A_598 = tpu.vector_load %arg6[%get3A_595, %get3A_596, %get3A_597] {strides = array<i32>} : memref<2x256x128xf32, #tpu.memory_space<vmem>>, vector<16xf32>,
        %mul3A_599 = arith.mulf %get3A_592, %get3A_598 : vector<16xf32>
        %mul3A_600 = arith.mulf %mul3A_599, %get3A_13 : vector<16xf32>
        %mul3A_601 = arith.mulf %mul3A_599, %get3A_29 : vector<16xf32>
        %add3A_602 = arith.addf %add3A_587, %mul3A_600 : vector<16xf32>
        %add3A_603 = arith.addf %add3A_588, %mul3A_601 : vector<16xf32>
        %get3A_604 = arith.index_cast %select_n3A_96 : i32 to index
        %get3A_605 = arith.index_cast %mul3A_560 : i32 to index
        %get3A_606 = arith.constant 48 : index
        %get3A_607 = tpu.vector_load %arg6[%get3A_604, %get3A_605, %get3A_606] {strides = array<i32>} : memref<2x256x128xf32, #tpu.memory_space<vmem>>, vector<16xf32>,
        %add3A_608 = arith.constant 1 : i32
        %add3A_609 = arith.addi %mul3A_560, %add3A_608 : i32
        %get3A_610 = arith.index_cast %select_n3A_96 : i32 to index
        %get3A_611 = arith.index_cast %add3A_609 : i32 to index
        %get3A_612 = arith.constant 48 : index
        %get3A_613 = tpu.vector_load %arg6[%get3A_610, %get3A_611, %get3A_612] {strides = array<i32>} : memref<2x256x128xf32, #tpu.memory_space<vmem>>, vector<16xf32>,
        %mul3A_614 = arith.mulf %get3A_607, %get3A_613 : vector<16xf32>
        %mul3A_615 = arith.mulf %mul3A_614, %get3A_17 : vector<16xf32>
        %mul3A_616 = arith.mulf %mul3A_614, %get3A_33 : vector<16xf32>
        %add3A_617 = arith.addf %add3A_602, %mul3A_615 : vector<16xf32>
        %add3A_618 = arith.addf %add3A_603, %mul3A_616 : vector<16xf32>
        %broadcast_in_dim3A_619 = arith.constant true
        %broadcast_in_dim3A_620 = vector.broadcast %broadcast_in_dim3A_619 : i1 to vector<16xi1>
        %masked_cumsum3A_621 = tpu.scan <sum>, %add3A_617 masked %broadcast_in_dim3A_620 : vector<16xf32>, vector<16xi1> -> vector<16xf32>
        %add3A_622 = arith.addf %masked_cumsum3A_621, %broadcast_in_dim3A : vector<16xf32>
        %broadcast_in_dim3A_623 = arith.constant true
        %broadcast_in_dim3A_624 = vector.broadcast %broadcast_in_dim3A_623 : i1 to vector<16xi1>
        %masked_cumsum3A_625 = tpu.scan <sum>, %add3A_618 masked %broadcast_in_dim3A_624 : vector<16xf32>, vector<16xi1> -> vector<16xf32>
        %add3A_626 = arith.addf %masked_cumsum3A_625, %broadcast_in_dim3A_36 : vector<16xf32>
        %mul3A_627 = arith.constant 128 : i32
        %mul3A_628 = arith.muli %scan3A_86, %mul3A_627 : i32
        %add3A_629 = arith.addi %mul3A_628, %mul3A_162 : i32
        %add3A_630 = arith.constant 5 : i32
        %add3A_631 = arith.addi %add3A_629, %add3A_630 : i32
        %broadcast_in_dim3A_632 = vector.broadcast %add3A_631 : i32 to vector<16xi32>
        tpu.vector_store_idx %arg9[%broadcast_in_dim3A_632], %add3A_622 masked %eq3A_38 : memref<1024xf32, #tpu.memory_space<vmem>>[vector<16xi32>], vector<16xf32>, vector<16xi1>
        %add3A_633 = arith.constant 512 : i32
        %add3A_634 = vector.broadcast %add3A_633 : i32 to vector<16xi32>
        %add3A_635 = arith.addi %broadcast_in_dim3A_632, %add3A_634 : vector<16xi32>
        tpu.vector_store_idx %arg9[%add3A_635], %add3A_626 masked %eq3A_38 : memref<1024xf32, #tpu.memory_space<vmem>>[vector<16xi32>], vector<16xf32>, vector<16xi1>
        %add3A_636 = arith.constant 6 : i32
        %add3A_637 = arith.addi %mul3A_162, %add3A_636 : i32
        %mul3A_638 = arith.constant 2 : i32
        %mul3A_639 = arith.muli %mul3A_638, %add3A_637 : i32
        %get3A_640 = arith.index_cast %select_n3A_96 : i32 to index
        %get3A_641 = arith.index_cast %mul3A_639 : i32 to index
        %get3A_642 = arith.constant 0 : index
        %get3A_643 = tpu.vector_load %arg6[%get3A_640, %get3A_641, %get3A_642] {strides = array<i32>} : memref<2x256x128xf32, #tpu.memory_space<vmem>>, vector<16xf32>,
        %add3A_644 = arith.constant 1 : i32
        %add3A_645 = arith.addi %mul3A_639, %add3A_644 : i32
        %get3A_646 = arith.index_cast %select_n3A_96 : i32 to index
        %get3A_647 = arith.index_cast %add3A_645 : i32 to index
        %get3A_648 = arith.constant 0 : index
        %get3A_649 = tpu.vector_load %arg6[%get3A_646, %get3A_647, %get3A_648] {strides = array<i32>} : memref<2x256x128xf32, #tpu.memory_space<vmem>>, vector<16xf32>,
        %mul3A_650 = arith.mulf %get3A_643, %get3A_649 : vector<16xf32>
        %mul3A_651 = arith.mulf %mul3A_650, %get3A_5 : vector<16xf32>
        %mul3A_652 = arith.mulf %mul3A_650, %get3A_21 : vector<16xf32>
        %get3A_653 = arith.index_cast %select_n3A_96 : i32 to index
        %get3A_654 = arith.index_cast %mul3A_639 : i32 to index
        %get3A_655 = arith.constant 16 : index
        %get3A_656 = tpu.vector_load %arg6[%get3A_653, %get3A_654, %get3A_655] {strides = array<i32>} : memref<2x256x128xf32, #tpu.memory_space<vmem>>, vector<16xf32>,
        %add3A_657 = arith.constant 1 : i32
        %add3A_658 = arith.addi %mul3A_639, %add3A_657 : i32
        %get3A_659 = arith.index_cast %select_n3A_96 : i32 to index
        %get3A_660 = arith.index_cast %add3A_658 : i32 to index
        %get3A_661 = arith.constant 16 : index
        %get3A_662 = tpu.vector_load %arg6[%get3A_659, %get3A_660, %get3A_661] {strides = array<i32>} : memref<2x256x128xf32, #tpu.memory_space<vmem>>, vector<16xf32>,
        %mul3A_663 = arith.mulf %get3A_656, %get3A_662 : vector<16xf32>
        %mul3A_664 = arith.mulf %mul3A_663, %get3A_9 : vector<16xf32>
        %mul3A_665 = arith.mulf %mul3A_663, %get3A_25 : vector<16xf32>
        %add3A_666 = arith.addf %mul3A_651, %mul3A_664 : vector<16xf32>
        %add3A_667 = arith.addf %mul3A_652, %mul3A_665 : vector<16xf32>
        %get3A_668 = arith.index_cast %select_n3A_96 : i32 to index
        %get3A_669 = arith.index_cast %mul3A_639 : i32 to index
        %get3A_670 = arith.constant 32 : index
        %get3A_671 = tpu.vector_load %arg6[%get3A_668, %get3A_669, %get3A_670] {strides = array<i32>} : memref<2x256x128xf32, #tpu.memory_space<vmem>>, vector<16xf32>,
        %add3A_672 = arith.constant 1 : i32
        %add3A_673 = arith.addi %mul3A_639, %add3A_672 : i32
        %get3A_674 = arith.index_cast %select_n3A_96 : i32 to index
        %get3A_675 = arith.index_cast %add3A_673 : i32 to index
        %get3A_676 = arith.constant 32 : index
        %get3A_677 = tpu.vector_load %arg6[%get3A_674, %get3A_675, %get3A_676] {strides = array<i32>} : memref<2x256x128xf32, #tpu.memory_space<vmem>>, vector<16xf32>,
        %mul3A_678 = arith.mulf %get3A_671, %get3A_677 : vector<16xf32>
        %mul3A_679 = arith.mulf %mul3A_678, %get3A_13 : vector<16xf32>
        %mul3A_680 = arith.mulf %mul3A_678, %get3A_29 : vector<16xf32>
        %add3A_681 = arith.addf %add3A_666, %mul3A_679 : vector<16xf32>
        %add3A_682 = arith.addf %add3A_667, %mul3A_680 : vector<16xf32>
        %get3A_683 = arith.index_cast %select_n3A_96 : i32 to index
        %get3A_684 = arith.index_cast %mul3A_639 : i32 to index
        %get3A_685 = arith.constant 48 : index
        %get3A_686 = tpu.vector_load %arg6[%get3A_683, %get3A_684, %get3A_685] {strides = array<i32>} : memref<2x256x128xf32, #tpu.memory_space<vmem>>, vector<16xf32>,
        %add3A_687 = arith.constant 1 : i32
        %add3A_688 = arith.addi %mul3A_639, %add3A_687 : i32
        %get3A_689 = arith.index_cast %select_n3A_96 : i32 to index
        %get3A_690 = arith.index_cast %add3A_688 : i32 to index
        %get3A_691 = arith.constant 48 : index
        %get3A_692 = tpu.vector_load %arg6[%get3A_689, %get3A_690, %get3A_691] {strides = array<i32>} : memref<2x256x128xf32, #tpu.memory_space<vmem>>, vector<16xf32>,
        %mul3A_693 = arith.mulf %get3A_686, %get3A_692 : vector<16xf32>
        %mul3A_694 = arith.mulf %mul3A_693, %get3A_17 : vector<16xf32>
        %mul3A_695 = arith.mulf %mul3A_693, %get3A_33 : vector<16xf32>
        %add3A_696 = arith.addf %add3A_681, %mul3A_694 : vector<16xf32>
        %add3A_697 = arith.addf %add3A_682, %mul3A_695 : vector<16xf32>
        %broadcast_in_dim3A_698 = arith.constant true
        %broadcast_in_dim3A_699 = vector.broadcast %broadcast_in_dim3A_698 : i1 to vector<16xi1>
        %masked_cumsum3A_700 = tpu.scan <sum>, %add3A_696 masked %broadcast_in_dim3A_699 : vector<16xf32>, vector<16xi1> -> vector<16xf32>
        %add3A_701 = arith.addf %masked_cumsum3A_700, %broadcast_in_dim3A : vector<16xf32>
        %broadcast_in_dim3A_702 = arith.constant true
        %broadcast_in_dim3A_703 = vector.broadcast %broadcast_in_dim3A_702 : i1 to vector<16xi1>
        %masked_cumsum3A_704 = tpu.scan <sum>, %add3A_697 masked %broadcast_in_dim3A_703 : vector<16xf32>, vector<16xi1> -> vector<16xf32>
        %add3A_705 = arith.addf %masked_cumsum3A_704, %broadcast_in_dim3A_36 : vector<16xf32>
        %mul3A_706 = arith.constant 128 : i32
        %mul3A_707 = arith.muli %scan3A_86, %mul3A_706 : i32
        %add3A_708 = arith.addi %mul3A_707, %mul3A_162 : i32
        %add3A_709 = arith.constant 6 : i32
        %add3A_710 = arith.addi %add3A_708, %add3A_709 : i32
        %broadcast_in_dim3A_711 = vector.broadcast %add3A_710 : i32 to vector<16xi32>
        tpu.vector_store_idx %arg9[%broadcast_in_dim3A_711], %add3A_701 masked %eq3A_38 : memref<1024xf32, #tpu.memory_space<vmem>>[vector<16xi32>], vector<16xf32>, vector<16xi1>
        %add3A_712 = arith.constant 512 : i32
        %add3A_713 = vector.broadcast %add3A_712 : i32 to vector<16xi32>
        %add3A_714 = arith.addi %broadcast_in_dim3A_711, %add3A_713 : vector<16xi32>
        tpu.vector_store_idx %arg9[%add3A_714], %add3A_705 masked %eq3A_38 : memref<1024xf32, #tpu.memory_space<vmem>>[vector<16xi32>], vector<16xf32>, vector<16xi1>
        %add3A_715 = arith.constant 7 : i32
        %add3A_716 = arith.addi %mul3A_162, %add3A_715 : i32
        %mul3A_717 = arith.constant 2 : i32
        %mul3A_718 = arith.muli %mul3A_717, %add3A_716 : i32
        %get3A_719 = arith.index_cast %select_n3A_96 : i32 to index
        %get3A_720 = arith.index_cast %mul3A_718 : i32 to index
        %get3A_721 = arith.constant 0 : index
        %get3A_722 = tpu.vector_load %arg6[%get3A_719, %get3A_720, %get3A_721] {strides = array<i32>} : memref<2x256x128xf32, #tpu.memory_space<vmem>>, vector<16xf32>,
        %add3A_723 = arith.constant 1 : i32
        %add3A_724 = arith.addi %mul3A_718, %add3A_723 : i32
        %get3A_725 = arith.index_cast %select_n3A_96 : i32 to index
        %get3A_726 = arith.index_cast %add3A_724 : i32 to index
        %get3A_727 = arith.constant 0 : index
        %get3A_728 = tpu.vector_load %arg6[%get3A_725, %get3A_726, %get3A_727] {strides = array<i32>} : memref<2x256x128xf32, #tpu.memory_space<vmem>>, vector<16xf32>,
        %mul3A_729 = arith.mulf %get3A_722, %get3A_728 : vector<16xf32>
        %mul3A_730 = arith.mulf %mul3A_729, %get3A_5 : vector<16xf32>
        %mul3A_731 = arith.mulf %mul3A_729, %get3A_21 : vector<16xf32>
        %get3A_732 = arith.index_cast %select_n3A_96 : i32 to index
        %get3A_733 = arith.index_cast %mul3A_718 : i32 to index
        %get3A_734 = arith.constant 16 : index
        %get3A_735 = tpu.vector_load %arg6[%get3A_732, %get3A_733, %get3A_734] {strides = array<i32>} : memref<2x256x128xf32, #tpu.memory_space<vmem>>, vector<16xf32>,
        %add3A_736 = arith.constant 1 : i32
        %add3A_737 = arith.addi %mul3A_718, %add3A_736 : i32
        %get3A_738 = arith.index_cast %select_n3A_96 : i32 to index
        %get3A_739 = arith.index_cast %add3A_737 : i32 to index
        %get3A_740 = arith.constant 16 : index
        %get3A_741 = tpu.vector_load %arg6[%get3A_738, %get3A_739, %get3A_740] {strides = array<i32>} : memref<2x256x128xf32, #tpu.memory_space<vmem>>, vector<16xf32>,
        %mul3A_742 = arith.mulf %get3A_735, %get3A_741 : vector<16xf32>
        %mul3A_743 = arith.mulf %mul3A_742, %get3A_9 : vector<16xf32>
        %mul3A_744 = arith.mulf %mul3A_742, %get3A_25 : vector<16xf32>
        %add3A_745 = arith.addf %mul3A_730, %mul3A_743 : vector<16xf32>
        %add3A_746 = arith.addf %mul3A_731, %mul3A_744 : vector<16xf32>
        %get3A_747 = arith.index_cast %select_n3A_96 : i32 to index
        %get3A_748 = arith.index_cast %mul3A_718 : i32 to index
        %get3A_749 = arith.constant 32 : index
        %get3A_750 = tpu.vector_load %arg6[%get3A_747, %get3A_748, %get3A_749] {strides = array<i32>} : memref<2x256x128xf32, #tpu.memory_space<vmem>>, vector<16xf32>,
        %add3A_751 = arith.constant 1 : i32
        %add3A_752 = arith.addi %mul3A_718, %add3A_751 : i32
        %get3A_753 = arith.index_cast %select_n3A_96 : i32 to index
        %get3A_754 = arith.index_cast %add3A_752 : i32 to index
        %get3A_755 = arith.constant 32 : index
        %get3A_756 = tpu.vector_load %arg6[%get3A_753, %get3A_754, %get3A_755] {strides = array<i32>} : memref<2x256x128xf32, #tpu.memory_space<vmem>>, vector<16xf32>,
        %mul3A_757 = arith.mulf %get3A_750, %get3A_756 : vector<16xf32>
        %mul3A_758 = arith.mulf %mul3A_757, %get3A_13 : vector<16xf32>
        %mul3A_759 = arith.mulf %mul3A_757, %get3A_29 : vector<16xf32>
        %add3A_760 = arith.addf %add3A_745, %mul3A_758 : vector<16xf32>
        %add3A_761 = arith.addf %add3A_746, %mul3A_759 : vector<16xf32>
        %get3A_762 = arith.index_cast %select_n3A_96 : i32 to index
        %get3A_763 = arith.index_cast %mul3A_718 : i32 to index
        %get3A_764 = arith.constant 48 : index
        %get3A_765 = tpu.vector_load %arg6[%get3A_762, %get3A_763, %get3A_764] {strides = array<i32>} : memref<2x256x128xf32, #tpu.memory_space<vmem>>, vector<16xf32>,
        %add3A_766 = arith.constant 1 : i32
        %add3A_767 = arith.addi %mul3A_718, %add3A_766 : i32
        %get3A_768 = arith.index_cast %select_n3A_96 : i32 to index
        %get3A_769 = arith.index_cast %add3A_767 : i32 to index
        %get3A_770 = arith.constant 48 : index
        %get3A_771 = tpu.vector_load %arg6[%get3A_768, %get3A_769, %get3A_770] {strides = array<i32>} : memref<2x256x128xf32, #tpu.memory_space<vmem>>, vector<16xf32>,
        %mul3A_772 = arith.mulf %get3A_765, %get3A_771 : vector<16xf32>
        %mul3A_773 = arith.mulf %mul3A_772, %get3A_17 : vector<16xf32>
        %mul3A_774 = arith.mulf %mul3A_772, %get3A_33 : vector<16xf32>
        %add3A_775 = arith.addf %add3A_760, %mul3A_773 : vector<16xf32>
        %add3A_776 = arith.addf %add3A_761, %mul3A_774 : vector<16xf32>
        %broadcast_in_dim3A_777 = arith.constant true
        %broadcast_in_dim3A_778 = vector.broadcast %broadcast_in_dim3A_777 : i1 to vector<16xi1>
        %masked_cumsum3A_779 = tpu.scan <sum>, %add3A_775 masked %broadcast_in_dim3A_778 : vector<16xf32>, vector<16xi1> -> vector<16xf32>
        %add3A_780 = arith.addf %masked_cumsum3A_779, %broadcast_in_dim3A : vector<16xf32>
        %broadcast_in_dim3A_781 = arith.constant true
        %broadcast_in_dim3A_782 = vector.broadcast %broadcast_in_dim3A_781 : i1 to vector<16xi1>
        %masked_cumsum3A_783 = tpu.scan <sum>, %add3A_776 masked %broadcast_in_dim3A_782 : vector<16xf32>, vector<16xi1> -> vector<16xf32>
        %add3A_784 = arith.addf %masked_cumsum3A_783, %broadcast_in_dim3A_36 : vector<16xf32>
        %mul3A_785 = arith.constant 128 : i32
        %mul3A_786 = arith.muli %scan3A_86, %mul3A_785 : i32
        %add3A_787 = arith.addi %mul3A_786, %mul3A_162 : i32
        %add3A_788 = arith.constant 7 : i32
        %add3A_789 = arith.addi %add3A_787, %add3A_788 : i32
        %broadcast_in_dim3A_790 = vector.broadcast %add3A_789 : i32 to vector<16xi32>
        tpu.vector_store_idx %arg9[%broadcast_in_dim3A_790], %add3A_780 masked %eq3A_38 : memref<1024xf32, #tpu.memory_space<vmem>>[vector<16xi32>], vector<16xf32>, vector<16xi1>
        %add3A_791 = arith.constant 512 : i32
        %add3A_792 = vector.broadcast %add3A_791 : i32 to vector<16xi32>
        %add3A_793 = arith.addi %broadcast_in_dim3A_790, %add3A_792 : vector<16xi32>
        tpu.vector_store_idx %arg9[%add3A_793], %add3A_784 masked %eq3A_38 : memref<1024xf32, #tpu.memory_space<vmem>>[vector<16xi32>], vector<16xf32>, vector<16xi1>
        %add3A_794 = arith.constant 8 : i32
        %add3A_795 = arith.addi %mul3A_162, %add3A_794 : i32
        %mul3A_796 = arith.constant 2 : i32
        %mul3A_797 = arith.muli %mul3A_796, %add3A_795 : i32
        %get3A_798 = arith.index_cast %select_n3A_96 : i32 to index
        %get3A_799 = arith.index_cast %mul3A_797 : i32 to index
        %get3A_800 = arith.constant 0 : index
        %get3A_801 = tpu.vector_load %arg6[%get3A_798, %get3A_799, %get3A_800] {strides = array<i32>} : memref<2x256x128xf32, #tpu.memory_space<vmem>>, vector<16xf32>,
        %add3A_802 = arith.constant 1 : i32
        %add3A_803 = arith.addi %mul3A_797, %add3A_802 : i32
        %get3A_804 = arith.index_cast %select_n3A_96 : i32 to index
        %get3A_805 = arith.index_cast %add3A_803 : i32 to index
        %get3A_806 = arith.constant 0 : index
        %get3A_807 = tpu.vector_load %arg6[%get3A_804, %get3A_805, %get3A_806] {strides = array<i32>} : memref<2x256x128xf32, #tpu.memory_space<vmem>>, vector<16xf32>,
        %mul3A_808 = arith.mulf %get3A_801, %get3A_807 : vector<16xf32>
        %mul3A_809 = arith.mulf %mul3A_808, %get3A_5 : vector<16xf32>
        %mul3A_810 = arith.mulf %mul3A_808, %get3A_21 : vector<16xf32>
        %get3A_811 = arith.index_cast %select_n3A_96 : i32 to index
        %get3A_812 = arith.index_cast %mul3A_797 : i32 to index
        %get3A_813 = arith.constant 16 : index
        %get3A_814 = tpu.vector_load %arg6[%get3A_811, %get3A_812, %get3A_813] {strides = array<i32>} : memref<2x256x128xf32, #tpu.memory_space<vmem>>, vector<16xf32>,
        %add3A_815 = arith.constant 1 : i32
        %add3A_816 = arith.addi %mul3A_797, %add3A_815 : i32
        %get3A_817 = arith.index_cast %select_n3A_96 : i32 to index
        %get3A_818 = arith.index_cast %add3A_816 : i32 to index
        %get3A_819 = arith.constant 16 : index
        %get3A_820 = tpu.vector_load %arg6[%get3A_817, %get3A_818, %get3A_819] {strides = array<i32>} : memref<2x256x128xf32, #tpu.memory_space<vmem>>, vector<16xf32>,
        %mul3A_821 = arith.mulf %get3A_814, %get3A_820 : vector<16xf32>
        %mul3A_822 = arith.mulf %mul3A_821, %get3A_9 : vector<16xf32>
        %mul3A_823 = arith.mulf %mul3A_821, %get3A_25 : vector<16xf32>
        %add3A_824 = arith.addf %mul3A_809, %mul3A_822 : vector<16xf32>
        %add3A_825 = arith.addf %mul3A_810, %mul3A_823 : vector<16xf32>
        %get3A_826 = arith.index_cast %select_n3A_96 : i32 to index
        %get3A_827 = arith.index_cast %mul3A_797 : i32 to index
        %get3A_828 = arith.constant 32 : index
        %get3A_829 = tpu.vector_load %arg6[%get3A_826, %get3A_827, %get3A_828] {strides = array<i32>} : memref<2x256x128xf32, #tpu.memory_space<vmem>>, vector<16xf32>,
        %add3A_830 = arith.constant 1 : i32
        %add3A_831 = arith.addi %mul3A_797, %add3A_830 : i32
        %get3A_832 = arith.index_cast %select_n3A_96 : i32 to index
        %get3A_833 = arith.index_cast %add3A_831 : i32 to index
        %get3A_834 = arith.constant 32 : index
        %get3A_835 = tpu.vector_load %arg6[%get3A_832, %get3A_833, %get3A_834] {strides = array<i32>} : memref<2x256x128xf32, #tpu.memory_space<vmem>>, vector<16xf32>,
        %mul3A_836 = arith.mulf %get3A_829, %get3A_835 : vector<16xf32>
        %mul3A_837 = arith.mulf %mul3A_836, %get3A_13 : vector<16xf32>
        %mul3A_838 = arith.mulf %mul3A_836, %get3A_29 : vector<16xf32>
        %add3A_839 = arith.addf %add3A_824, %mul3A_837 : vector<16xf32>
        %add3A_840 = arith.addf %add3A_825, %mul3A_838 : vector<16xf32>
        %get3A_841 = arith.index_cast %select_n3A_96 : i32 to index
        %get3A_842 = arith.index_cast %mul3A_797 : i32 to index
        %get3A_843 = arith.constant 48 : index
        %get3A_844 = tpu.vector_load %arg6[%get3A_841, %get3A_842, %get3A_843] {strides = array<i32>} : memref<2x256x128xf32, #tpu.memory_space<vmem>>, vector<16xf32>,
        %add3A_845 = arith.constant 1 : i32
        %add3A_846 = arith.addi %mul3A_797, %add3A_845 : i32
        %get3A_847 = arith.index_cast %select_n3A_96 : i32 to index
        %get3A_848 = arith.index_cast %add3A_846 : i32 to index
        %get3A_849 = arith.constant 48 : index
        %get3A_850 = tpu.vector_load %arg6[%get3A_847, %get3A_848, %get3A_849] {strides = array<i32>} : memref<2x256x128xf32, #tpu.memory_space<vmem>>, vector<16xf32>,
        %mul3A_851 = arith.mulf %get3A_844, %get3A_850 : vector<16xf32>
        %mul3A_852 = arith.mulf %mul3A_851, %get3A_17 : vector<16xf32>
        %mul3A_853 = arith.mulf %mul3A_851, %get3A_33 : vector<16xf32>
        %add3A_854 = arith.addf %add3A_839, %mul3A_852 : vector<16xf32>
        %add3A_855 = arith.addf %add3A_840, %mul3A_853 : vector<16xf32>
        %broadcast_in_dim3A_856 = arith.constant true
        %broadcast_in_dim3A_857 = vector.broadcast %broadcast_in_dim3A_856 : i1 to vector<16xi1>
        %masked_cumsum3A_858 = tpu.scan <sum>, %add3A_854 masked %broadcast_in_dim3A_857 : vector<16xf32>, vector<16xi1> -> vector<16xf32>
        %add3A_859 = arith.addf %masked_cumsum3A_858, %broadcast_in_dim3A : vector<16xf32>
        %broadcast_in_dim3A_860 = arith.constant true
        %broadcast_in_dim3A_861 = vector.broadcast %broadcast_in_dim3A_860 : i1 to vector<16xi1>
        %masked_cumsum3A_862 = tpu.scan <sum>, %add3A_855 masked %broadcast_in_dim3A_861 : vector<16xf32>, vector<16xi1> -> vector<16xf32>
        %add3A_863 = arith.addf %masked_cumsum3A_862, %broadcast_in_dim3A_36 : vector<16xf32>
        %mul3A_864 = arith.constant 128 : i32
        %mul3A_865 = arith.muli %scan3A_86, %mul3A_864 : i32
        %add3A_866 = arith.addi %mul3A_865, %mul3A_162 : i32
        %add3A_867 = arith.constant 8 : i32
        %add3A_868 = arith.addi %add3A_866, %add3A_867 : i32
        %broadcast_in_dim3A_869 = vector.broadcast %add3A_868 : i32 to vector<16xi32>
        tpu.vector_store_idx %arg9[%broadcast_in_dim3A_869], %add3A_859 masked %eq3A_38 : memref<1024xf32, #tpu.memory_space<vmem>>[vector<16xi32>], vector<16xf32>, vector<16xi1>
        %add3A_870 = arith.constant 512 : i32
        %add3A_871 = vector.broadcast %add3A_870 : i32 to vector<16xi32>
        %add3A_872 = arith.addi %broadcast_in_dim3A_869, %add3A_871 : vector<16xi32>
        tpu.vector_store_idx %arg9[%add3A_872], %add3A_863 masked %eq3A_38 : memref<1024xf32, #tpu.memory_space<vmem>>[vector<16xi32>], vector<16xf32>, vector<16xi1>
        %add3A_873 = arith.constant 9 : i32
        %add3A_874 = arith.addi %mul3A_162, %add3A_873 : i32
        %mul3A_875 = arith.constant 2 : i32
        %mul3A_876 = arith.muli %mul3A_875, %add3A_874 : i32
        %get3A_877 = arith.index_cast %select_n3A_96 : i32 to index
        %get3A_878 = arith.index_cast %mul3A_876 : i32 to index
        %get3A_879 = arith.constant 0 : index
        %get3A_880 = tpu.vector_load %arg6[%get3A_877, %get3A_878, %get3A_879] {strides = array<i32>} : memref<2x256x128xf32, #tpu.memory_space<vmem>>, vector<16xf32>,
        %add3A_881 = arith.constant 1 : i32
        %add3A_882 = arith.addi %mul3A_876, %add3A_881 : i32
        %get3A_883 = arith.index_cast %select_n3A_96 : i32 to index
        %get3A_884 = arith.index_cast %add3A_882 : i32 to index
        %get3A_885 = arith.constant 0 : index
        %get3A_886 = tpu.vector_load %arg6[%get3A_883, %get3A_884, %get3A_885] {strides = array<i32>} : memref<2x256x128xf32, #tpu.memory_space<vmem>>, vector<16xf32>,
        %mul3A_887 = arith.mulf %get3A_880, %get3A_886 : vector<16xf32>
        %mul3A_888 = arith.mulf %mul3A_887, %get3A_5 : vector<16xf32>
        %mul3A_889 = arith.mulf %mul3A_887, %get3A_21 : vector<16xf32>
        %get3A_890 = arith.index_cast %select_n3A_96 : i32 to index
        %get3A_891 = arith.index_cast %mul3A_876 : i32 to index
        %get3A_892 = arith.constant 16 : index
        %get3A_893 = tpu.vector_load %arg6[%get3A_890, %get3A_891, %get3A_892] {strides = array<i32>} : memref<2x256x128xf32, #tpu.memory_space<vmem>>, vector<16xf32>,
        %add3A_894 = arith.constant 1 : i32
        %add3A_895 = arith.addi %mul3A_876, %add3A_894 : i32
        %get3A_896 = arith.index_cast %select_n3A_96 : i32 to index
        %get3A_897 = arith.index_cast %add3A_895 : i32 to index
        %get3A_898 = arith.constant 16 : index
        %get3A_899 = tpu.vector_load %arg6[%get3A_896, %get3A_897, %get3A_898] {strides = array<i32>} : memref<2x256x128xf32, #tpu.memory_space<vmem>>, vector<16xf32>,
        %mul3A_900 = arith.mulf %get3A_893, %get3A_899 : vector<16xf32>
        %mul3A_901 = arith.mulf %mul3A_900, %get3A_9 : vector<16xf32>
        %mul3A_902 = arith.mulf %mul3A_900, %get3A_25 : vector<16xf32>
        %add3A_903 = arith.addf %mul3A_888, %mul3A_901 : vector<16xf32>
        %add3A_904 = arith.addf %mul3A_889, %mul3A_902 : vector<16xf32>
        %get3A_905 = arith.index_cast %select_n3A_96 : i32 to index
        %get3A_906 = arith.index_cast %mul3A_876 : i32 to index
        %get3A_907 = arith.constant 32 : index
        %get3A_908 = tpu.vector_load %arg6[%get3A_905, %get3A_906, %get3A_907] {strides = array<i32>} : memref<2x256x128xf32, #tpu.memory_space<vmem>>, vector<16xf32>,
        %add3A_909 = arith.constant 1 : i32
        %add3A_910 = arith.addi %mul3A_876, %add3A_909 : i32
        %get3A_911 = arith.index_cast %select_n3A_96 : i32 to index
        %get3A_912 = arith.index_cast %add3A_910 : i32 to index
        %get3A_913 = arith.constant 32 : index
        %get3A_914 = tpu.vector_load %arg6[%get3A_911, %get3A_912, %get3A_913] {strides = array<i32>} : memref<2x256x128xf32, #tpu.memory_space<vmem>>, vector<16xf32>,
        %mul3A_915 = arith.mulf %get3A_908, %get3A_914 : vector<16xf32>
        %mul3A_916 = arith.mulf %mul3A_915, %get3A_13 : vector<16xf32>
        %mul3A_917 = arith.mulf %mul3A_915, %get3A_29 : vector<16xf32>
        %add3A_918 = arith.addf %add3A_903, %mul3A_916 : vector<16xf32>
        %add3A_919 = arith.addf %add3A_904, %mul3A_917 : vector<16xf32>
        %get3A_920 = arith.index_cast %select_n3A_96 : i32 to index
        %get3A_921 = arith.index_cast %mul3A_876 : i32 to index
        %get3A_922 = arith.constant 48 : index
        %get3A_923 = tpu.vector_load %arg6[%get3A_920, %get3A_921, %get3A_922] {strides = array<i32>} : memref<2x256x128xf32, #tpu.memory_space<vmem>>, vector<16xf32>,
        %add3A_924 = arith.constant 1 : i32
        %add3A_925 = arith.addi %mul3A_876, %add3A_924 : i32
        %get3A_926 = arith.index_cast %select_n3A_96 : i32 to index
        %get3A_927 = arith.index_cast %add3A_925 : i32 to index
        %get3A_928 = arith.constant 48 : index
        %get3A_929 = tpu.vector_load %arg6[%get3A_926, %get3A_927, %get3A_928] {strides = array<i32>} : memref<2x256x128xf32, #tpu.memory_space<vmem>>, vector<16xf32>,
        %mul3A_930 = arith.mulf %get3A_923, %get3A_929 : vector<16xf32>
        %mul3A_931 = arith.mulf %mul3A_930, %get3A_17 : vector<16xf32>
        %mul3A_932 = arith.mulf %mul3A_930, %get3A_33 : vector<16xf32>
        %add3A_933 = arith.addf %add3A_918, %mul3A_931 : vector<16xf32>
        %add3A_934 = arith.addf %add3A_919, %mul3A_932 : vector<16xf32>
        %broadcast_in_dim3A_935 = arith.constant true
        %broadcast_in_dim3A_936 = vector.broadcast %broadcast_in_dim3A_935 : i1 to vector<16xi1>
        %masked_cumsum3A_937 = tpu.scan <sum>, %add3A_933 masked %broadcast_in_dim3A_936 : vector<16xf32>, vector<16xi1> -> vector<16xf32>
        %add3A_938 = arith.addf %masked_cumsum3A_937, %broadcast_in_dim3A : vector<16xf32>
        %broadcast_in_dim3A_939 = arith.constant true
        %broadcast_in_dim3A_940 = vector.broadcast %broadcast_in_dim3A_939 : i1 to vector<16xi1>
        %masked_cumsum3A_941 = tpu.scan <sum>, %add3A_934 masked %broadcast_in_dim3A_940 : vector<16xf32>, vector<16xi1> -> vector<16xf32>
        %add3A_942 = arith.addf %masked_cumsum3A_941, %broadcast_in_dim3A_36 : vector<16xf32>
        %mul3A_943 = arith.constant 128 : i32
        %mul3A_944 = arith.muli %scan3A_86, %mul3A_943 : i32
        %add3A_945 = arith.addi %mul3A_944, %mul3A_162 : i32
        %add3A_946 = arith.constant 9 : i32
        %add3A_947 = arith.addi %add3A_945, %add3A_946 : i32
        %broadcast_in_dim3A_948 = vector.broadcast %add3A_947 : i32 to vector<16xi32>
        tpu.vector_store_idx %arg9[%broadcast_in_dim3A_948], %add3A_938 masked %eq3A_38 : memref<1024xf32, #tpu.memory_space<vmem>>[vector<16xi32>], vector<16xf32>, vector<16xi1>
        %add3A_949 = arith.constant 512 : i32
        %add3A_950 = vector.broadcast %add3A_949 : i32 to vector<16xi32>
        %add3A_951 = arith.addi %broadcast_in_dim3A_948, %add3A_950 : vector<16xi32>
        tpu.vector_store_idx %arg9[%add3A_951], %add3A_942 masked %eq3A_38 : memref<1024xf32, #tpu.memory_space<vmem>>[vector<16xi32>], vector<16xf32>, vector<16xi1>
        %add3A_952 = arith.constant 10 : i32
        %add3A_953 = arith.addi %mul3A_162, %add3A_952 : i32
        %mul3A_954 = arith.constant 2 : i32
        %mul3A_955 = arith.muli %mul3A_954, %add3A_953 : i32
        %get3A_956 = arith.index_cast %select_n3A_96 : i32 to index
        %get3A_957 = arith.index_cast %mul3A_955 : i32 to index
        %get3A_958 = arith.constant 0 : index
        %get3A_959 = tpu.vector_load %arg6[%get3A_956, %get3A_957, %get3A_958] {strides = array<i32>} : memref<2x256x128xf32, #tpu.memory_space<vmem>>, vector<16xf32>,
        %add3A_960 = arith.constant 1 : i32
        %add3A_961 = arith.addi %mul3A_955, %add3A_960 : i32
        %get3A_962 = arith.index_cast %select_n3A_96 : i32 to index
        %get3A_963 = arith.index_cast %add3A_961 : i32 to index
        %get3A_964 = arith.constant 0 : index
        %get3A_965 = tpu.vector_load %arg6[%get3A_962, %get3A_963, %get3A_964] {strides = array<i32>} : memref<2x256x128xf32, #tpu.memory_space<vmem>>, vector<16xf32>,
        %mul3A_966 = arith.mulf %get3A_959, %get3A_965 : vector<16xf32>
        %mul3A_967 = arith.mulf %mul3A_966, %get3A_5 : vector<16xf32>
        %mul3A_968 = arith.mulf %mul3A_966, %get3A_21 : vector<16xf32>
        %get3A_969 = arith.index_cast %select_n3A_96 : i32 to index
        %get3A_970 = arith.index_cast %mul3A_955 : i32 to index
        %get3A_971 = arith.constant 16 : index
        %get3A_972 = tpu.vector_load %arg6[%get3A_969, %get3A_970, %get3A_971] {strides = array<i32>} : memref<2x256x128xf32, #tpu.memory_space<vmem>>, vector<16xf32>,
        %add3A_973 = arith.constant 1 : i32
        %add3A_974 = arith.addi %mul3A_955, %add3A_973 : i32
        %get3A_975 = arith.index_cast %select_n3A_96 : i32 to index
        %get3A_976 = arith.index_cast %add3A_974 : i32 to index
        %get3A_977 = arith.constant 16 : index
        %get3A_978 = tpu.vector_load %arg6[%get3A_975, %get3A_976, %get3A_977] {strides = array<i32>} : memref<2x256x128xf32, #tpu.memory_space<vmem>>, vector<16xf32>,
        %mul3A_979 = arith.mulf %get3A_972, %get3A_978 : vector<16xf32>
        %mul3A_980 = arith.mulf %mul3A_979, %get3A_9 : vector<16xf32>
        %mul3A_981 = arith.mulf %mul3A_979, %get3A_25 : vector<16xf32>
        %add3A_982 = arith.addf %mul3A_967, %mul3A_980 : vector<16xf32>
        %add3A_983 = arith.addf %mul3A_968, %mul3A_981 : vector<16xf32>
        %get3A_984 = arith.index_cast %select_n3A_96 : i32 to index
        %get3A_985 = arith.index_cast %mul3A_955 : i32 to index
        %get3A_986 = arith.constant 32 : index
        %get3A_987 = tpu.vector_load %arg6[%get3A_984, %get3A_985, %get3A_986] {strides = array<i32>} : memref<2x256x128xf32, #tpu.memory_space<vmem>>, vector<16xf32>,
        %add3A_988 = arith.constant 1 : i32
        %add3A_989 = arith.addi %mul3A_955, %add3A_988 : i32
        %get3A_990 = arith.index_cast %select_n3A_96 : i32 to index
        %get3A_991 = arith.index_cast %add3A_989 : i32 to index
        %get3A_992 = arith.constant 32 : index
        %get3A_993 = tpu.vector_load %arg6[%get3A_990, %get3A_991, %get3A_992] {strides = array<i32>} : memref<2x256x128xf32, #tpu.memory_space<vmem>>, vector<16xf32>,
        %mul3A_994 = arith.mulf %get3A_987, %get3A_993 : vector<16xf32>
        %mul3A_995 = arith.mulf %mul3A_994, %get3A_13 : vector<16xf32>
        %mul3A_996 = arith.mulf %mul3A_994, %get3A_29 : vector<16xf32>
        %add3A_997 = arith.addf %add3A_982, %mul3A_995 : vector<16xf32>
        %add3A_998 = arith.addf %add3A_983, %mul3A_996 : vector<16xf32>
        %get3A_999 = arith.index_cast %select_n3A_96 : i32 to index
        %get3A_1000 = arith.index_cast %mul3A_955 : i32 to index
        %get3A_1001 = arith.constant 48 : index
        %get3A_1002 = tpu.vector_load %arg6[%get3A_999, %get3A_1000, %get3A_1001] {strides = array<i32>} : memref<2x256x128xf32, #tpu.memory_space<vmem>>, vector<16xf32>,
        %add3A_1003 = arith.constant 1 : i32
        %add3A_1004 = arith.addi %mul3A_955, %add3A_1003 : i32
        %get3A_1005 = arith.index_cast %select_n3A_96 : i32 to index
        %get3A_1006 = arith.index_cast %add3A_1004 : i32 to index
        %get3A_1007 = arith.constant 48 : index
        %get3A_1008 = tpu.vector_load %arg6[%get3A_1005, %get3A_1006, %get3A_1007] {strides = array<i32>} : memref<2x256x128xf32, #tpu.memory_space<vmem>>, vector<16xf32>,
        %mul3A_1009 = arith.mulf %get3A_1002, %get3A_1008 : vector<16xf32>
        %mul3A_1010 = arith.mulf %mul3A_1009, %get3A_17 : vector<16xf32>
        %mul3A_1011 = arith.mulf %mul3A_1009, %get3A_33 : vector<16xf32>
        %add3A_1012 = arith.addf %add3A_997, %mul3A_1010 : vector<16xf32>
        %add3A_1013 = arith.addf %add3A_998, %mul3A_1011 : vector<16xf32>
        %broadcast_in_dim3A_1014 = arith.constant true
        %broadcast_in_dim3A_1015 = vector.broadcast %broadcast_in_dim3A_1014 : i1 to vector<16xi1>
        %masked_cumsum3A_1016 = tpu.scan <sum>, %add3A_1012 masked %broadcast_in_dim3A_1015 : vector<16xf32>, vector<16xi1> -> vector<16xf32>
        %add3A_1017 = arith.addf %masked_cumsum3A_1016, %broadcast_in_dim3A : vector<16xf32>
        %broadcast_in_dim3A_1018 = arith.constant true
        %broadcast_in_dim3A_1019 = vector.broadcast %broadcast_in_dim3A_1018 : i1 to vector<16xi1>
        %masked_cumsum3A_1020 = tpu.scan <sum>, %add3A_1013 masked %broadcast_in_dim3A_1019 : vector<16xf32>, vector<16xi1> -> vector<16xf32>
        %add3A_1021 = arith.addf %masked_cumsum3A_1020, %broadcast_in_dim3A_36 : vector<16xf32>
        %mul3A_1022 = arith.constant 128 : i32
        %mul3A_1023 = arith.muli %scan3A_86, %mul3A_1022 : i32
        %add3A_1024 = arith.addi %mul3A_1023, %mul3A_162 : i32
        %add3A_1025 = arith.constant 10 : i32
        %add3A_1026 = arith.addi %add3A_1024, %add3A_1025 : i32
        %broadcast_in_dim3A_1027 = vector.broadcast %add3A_1026 : i32 to vector<16xi32>
        tpu.vector_store_idx %arg9[%broadcast_in_dim3A_1027], %add3A_1017 masked %eq3A_38 : memref<1024xf32, #tpu.memory_space<vmem>>[vector<16xi32>], vector<16xf32>, vector<16xi1>
        %add3A_1028 = arith.constant 512 : i32
        %add3A_1029 = vector.broadcast %add3A_1028 : i32 to vector<16xi32>
        %add3A_1030 = arith.addi %broadcast_in_dim3A_1027, %add3A_1029 : vector<16xi32>
        tpu.vector_store_idx %arg9[%add3A_1030], %add3A_1021 masked %eq3A_38 : memref<1024xf32, #tpu.memory_space<vmem>>[vector<16xi32>], vector<16xf32>, vector<16xi1>
        %add3A_1031 = arith.constant 11 : i32
        %add3A_1032 = arith.addi %mul3A_162, %add3A_1031 : i32
        %mul3A_1033 = arith.constant 2 : i32
        %mul3A_1034 = arith.muli %mul3A_1033, %add3A_1032 : i32
        %get3A_1035 = arith.index_cast %select_n3A_96 : i32 to index
        %get3A_1036 = arith.index_cast %mul3A_1034 : i32 to index
        %get3A_1037 = arith.constant 0 : index
        %get3A_1038 = tpu.vector_load %arg6[%get3A_1035, %get3A_1036, %get3A_1037] {strides = array<i32>} : memref<2x256x128xf32, #tpu.memory_space<vmem>>, vector<16xf32>,
        %add3A_1039 = arith.constant 1 : i32
        %add3A_1040 = arith.addi %mul3A_1034, %add3A_1039 : i32
        %get3A_1041 = arith.index_cast %select_n3A_96 : i32 to index
        %get3A_1042 = arith.index_cast %add3A_1040 : i32 to index
        %get3A_1043 = arith.constant 0 : index
        %get3A_1044 = tpu.vector_load %arg6[%get3A_1041, %get3A_1042, %get3A_1043] {strides = array<i32>} : memref<2x256x128xf32, #tpu.memory_space<vmem>>, vector<16xf32>,
        %mul3A_1045 = arith.mulf %get3A_1038, %get3A_1044 : vector<16xf32>
        %mul3A_1046 = arith.mulf %mul3A_1045, %get3A_5 : vector<16xf32>
        %mul3A_1047 = arith.mulf %mul3A_1045, %get3A_21 : vector<16xf32>
        %get3A_1048 = arith.index_cast %select_n3A_96 : i32 to index
        %get3A_1049 = arith.index_cast %mul3A_1034 : i32 to index
        %get3A_1050 = arith.constant 16 : index
        %get3A_1051 = tpu.vector_load %arg6[%get3A_1048, %get3A_1049, %get3A_1050] {strides = array<i32>} : memref<2x256x128xf32, #tpu.memory_space<vmem>>, vector<16xf32>,
        %add3A_1052 = arith.constant 1 : i32
        %add3A_1053 = arith.addi %mul3A_1034, %add3A_1052 : i32
        %get3A_1054 = arith.index_cast %select_n3A_96 : i32 to index
        %get3A_1055 = arith.index_cast %add3A_1053 : i32 to index
        %get3A_1056 = arith.constant 16 : index
        %get3A_1057 = tpu.vector_load %arg6[%get3A_1054, %get3A_1055, %get3A_1056] {strides = array<i32>} : memref<2x256x128xf32, #tpu.memory_space<vmem>>, vector<16xf32>,
        %mul3A_1058 = arith.mulf %get3A_1051, %get3A_1057 : vector<16xf32>
        %mul3A_1059 = arith.mulf %mul3A_1058, %get3A_9 : vector<16xf32>
        %mul3A_1060 = arith.mulf %mul3A_1058, %get3A_25 : vector<16xf32>
        %add3A_1061 = arith.addf %mul3A_1046, %mul3A_1059 : vector<16xf32>
        %add3A_1062 = arith.addf %mul3A_1047, %mul3A_1060 : vector<16xf32>
        %get3A_1063 = arith.index_cast %select_n3A_96 : i32 to index
        %get3A_1064 = arith.index_cast %mul3A_1034 : i32 to index
        %get3A_1065 = arith.constant 32 : index
        %get3A_1066 = tpu.vector_load %arg6[%get3A_1063, %get3A_1064, %get3A_1065] {strides = array<i32>} : memref<2x256x128xf32, #tpu.memory_space<vmem>>, vector<16xf32>,
        %add3A_1067 = arith.constant 1 : i32
        %add3A_1068 = arith.addi %mul3A_1034, %add3A_1067 : i32
        %get3A_1069 = arith.index_cast %select_n3A_96 : i32 to index
        %get3A_1070 = arith.index_cast %add3A_1068 : i32 to index
        %get3A_1071 = arith.constant 32 : index
        %get3A_1072 = tpu.vector_load %arg6[%get3A_1069, %get3A_1070, %get3A_1071] {strides = array<i32>} : memref<2x256x128xf32, #tpu.memory_space<vmem>>, vector<16xf32>,
        %mul3A_1073 = arith.mulf %get3A_1066, %get3A_1072 : vector<16xf32>
        %mul3A_1074 = arith.mulf %mul3A_1073, %get3A_13 : vector<16xf32>
        %mul3A_1075 = arith.mulf %mul3A_1073, %get3A_29 : vector<16xf32>
        %add3A_1076 = arith.addf %add3A_1061, %mul3A_1074 : vector<16xf32>
        %add3A_1077 = arith.addf %add3A_1062, %mul3A_1075 : vector<16xf32>
        %get3A_1078 = arith.index_cast %select_n3A_96 : i32 to index
        %get3A_1079 = arith.index_cast %mul3A_1034 : i32 to index
        %get3A_1080 = arith.constant 48 : index
        %get3A_1081 = tpu.vector_load %arg6[%get3A_1078, %get3A_1079, %get3A_1080] {strides = array<i32>} : memref<2x256x128xf32, #tpu.memory_space<vmem>>, vector<16xf32>,
        %add3A_1082 = arith.constant 1 : i32
        %add3A_1083 = arith.addi %mul3A_1034, %add3A_1082 : i32
        %get3A_1084 = arith.index_cast %select_n3A_96 : i32 to index
        %get3A_1085 = arith.index_cast %add3A_1083 : i32 to index
        %get3A_1086 = arith.constant 48 : index
        %get3A_1087 = tpu.vector_load %arg6[%get3A_1084, %get3A_1085, %get3A_1086] {strides = array<i32>} : memref<2x256x128xf32, #tpu.memory_space<vmem>>, vector<16xf32>,
        %mul3A_1088 = arith.mulf %get3A_1081, %get3A_1087 : vector<16xf32>
        %mul3A_1089 = arith.mulf %mul3A_1088, %get3A_17 : vector<16xf32>
        %mul3A_1090 = arith.mulf %mul3A_1088, %get3A_33 : vector<16xf32>
        %add3A_1091 = arith.addf %add3A_1076, %mul3A_1089 : vector<16xf32>
        %add3A_1092 = arith.addf %add3A_1077, %mul3A_1090 : vector<16xf32>
        %broadcast_in_dim3A_1093 = arith.constant true
        %broadcast_in_dim3A_1094 = vector.broadcast %broadcast_in_dim3A_1093 : i1 to vector<16xi1>
        %masked_cumsum3A_1095 = tpu.scan <sum>, %add3A_1091 masked %broadcast_in_dim3A_1094 : vector<16xf32>, vector<16xi1> -> vector<16xf32>
        %add3A_1096 = arith.addf %masked_cumsum3A_1095, %broadcast_in_dim3A : vector<16xf32>
        %broadcast_in_dim3A_1097 = arith.constant true
        %broadcast_in_dim3A_1098 = vector.broadcast %broadcast_in_dim3A_1097 : i1 to vector<16xi1>
        %masked_cumsum3A_1099 = tpu.scan <sum>, %add3A_1092 masked %broadcast_in_dim3A_1098 : vector<16xf32>, vector<16xi1> -> vector<16xf32>
        %add3A_1100 = arith.addf %masked_cumsum3A_1099, %broadcast_in_dim3A_36 : vector<16xf32>
        %mul3A_1101 = arith.constant 128 : i32
        %mul3A_1102 = arith.muli %scan3A_86, %mul3A_1101 : i32
        %add3A_1103 = arith.addi %mul3A_1102, %mul3A_162 : i32
        %add3A_1104 = arith.constant 11 : i32
        %add3A_1105 = arith.addi %add3A_1103, %add3A_1104 : i32
        %broadcast_in_dim3A_1106 = vector.broadcast %add3A_1105 : i32 to vector<16xi32>
        tpu.vector_store_idx %arg9[%broadcast_in_dim3A_1106], %add3A_1096 masked %eq3A_38 : memref<1024xf32, #tpu.memory_space<vmem>>[vector<16xi32>], vector<16xf32>, vector<16xi1>
        %add3A_1107 = arith.constant 512 : i32
        %add3A_1108 = vector.broadcast %add3A_1107 : i32 to vector<16xi32>
        %add3A_1109 = arith.addi %broadcast_in_dim3A_1106, %add3A_1108 : vector<16xi32>
        tpu.vector_store_idx %arg9[%add3A_1109], %add3A_1100 masked %eq3A_38 : memref<1024xf32, #tpu.memory_space<vmem>>[vector<16xi32>], vector<16xf32>, vector<16xi1>
        %add3A_1110 = arith.constant 12 : i32
        %add3A_1111 = arith.addi %mul3A_162, %add3A_1110 : i32
        %mul3A_1112 = arith.constant 2 : i32
        %mul3A_1113 = arith.muli %mul3A_1112, %add3A_1111 : i32
        %get3A_1114 = arith.index_cast %select_n3A_96 : i32 to index
        %get3A_1115 = arith.index_cast %mul3A_1113 : i32 to index
        %get3A_1116 = arith.constant 0 : index
        %get3A_1117 = tpu.vector_load %arg6[%get3A_1114, %get3A_1115, %get3A_1116] {strides = array<i32>} : memref<2x256x128xf32, #tpu.memory_space<vmem>>, vector<16xf32>,
        %add3A_1118 = arith.constant 1 : i32
        %add3A_1119 = arith.addi %mul3A_1113, %add3A_1118 : i32
        %get3A_1120 = arith.index_cast %select_n3A_96 : i32 to index
        %get3A_1121 = arith.index_cast %add3A_1119 : i32 to index
        %get3A_1122 = arith.constant 0 : index
        %get3A_1123 = tpu.vector_load %arg6[%get3A_1120, %get3A_1121, %get3A_1122] {strides = array<i32>} : memref<2x256x128xf32, #tpu.memory_space<vmem>>, vector<16xf32>,
        %mul3A_1124 = arith.mulf %get3A_1117, %get3A_1123 : vector<16xf32>
        %mul3A_1125 = arith.mulf %mul3A_1124, %get3A_5 : vector<16xf32>
        %mul3A_1126 = arith.mulf %mul3A_1124, %get3A_21 : vector<16xf32>
        %get3A_1127 = arith.index_cast %select_n3A_96 : i32 to index
        %get3A_1128 = arith.index_cast %mul3A_1113 : i32 to index
        %get3A_1129 = arith.constant 16 : index
        %get3A_1130 = tpu.vector_load %arg6[%get3A_1127, %get3A_1128, %get3A_1129] {strides = array<i32>} : memref<2x256x128xf32, #tpu.memory_space<vmem>>, vector<16xf32>,
        %add3A_1131 = arith.constant 1 : i32
        %add3A_1132 = arith.addi %mul3A_1113, %add3A_1131 : i32
        %get3A_1133 = arith.index_cast %select_n3A_96 : i32 to index
        %get3A_1134 = arith.index_cast %add3A_1132 : i32 to index
        %get3A_1135 = arith.constant 16 : index
        %get3A_1136 = tpu.vector_load %arg6[%get3A_1133, %get3A_1134, %get3A_1135] {strides = array<i32>} : memref<2x256x128xf32, #tpu.memory_space<vmem>>, vector<16xf32>,
        %mul3A_1137 = arith.mulf %get3A_1130, %get3A_1136 : vector<16xf32>
        %mul3A_1138 = arith.mulf %mul3A_1137, %get3A_9 : vector<16xf32>
        %mul3A_1139 = arith.mulf %mul3A_1137, %get3A_25 : vector<16xf32>
        %add3A_1140 = arith.addf %mul3A_1125, %mul3A_1138 : vector<16xf32>
        %add3A_1141 = arith.addf %mul3A_1126, %mul3A_1139 : vector<16xf32>
        %get3A_1142 = arith.index_cast %select_n3A_96 : i32 to index
        %get3A_1143 = arith.index_cast %mul3A_1113 : i32 to index
        %get3A_1144 = arith.constant 32 : index
        %get3A_1145 = tpu.vector_load %arg6[%get3A_1142, %get3A_1143, %get3A_1144] {strides = array<i32>} : memref<2x256x128xf32, #tpu.memory_space<vmem>>, vector<16xf32>,
        %add3A_1146 = arith.constant 1 : i32
        %add3A_1147 = arith.addi %mul3A_1113, %add3A_1146 : i32
        %get3A_1148 = arith.index_cast %select_n3A_96 : i32 to index
        %get3A_1149 = arith.index_cast %add3A_1147 : i32 to index
        %get3A_1150 = arith.constant 32 : index
        %get3A_1151 = tpu.vector_load %arg6[%get3A_1148, %get3A_1149, %get3A_1150] {strides = array<i32>} : memref<2x256x128xf32, #tpu.memory_space<vmem>>, vector<16xf32>,
        %mul3A_1152 = arith.mulf %get3A_1145, %get3A_1151 : vector<16xf32>
        %mul3A_1153 = arith.mulf %mul3A_1152, %get3A_13 : vector<16xf32>
        %mul3A_1154 = arith.mulf %mul3A_1152, %get3A_29 : vector<16xf32>
        %add3A_1155 = arith.addf %add3A_1140, %mul3A_1153 : vector<16xf32>
        %add3A_1156 = arith.addf %add3A_1141, %mul3A_1154 : vector<16xf32>
        %get3A_1157 = arith.index_cast %select_n3A_96 : i32 to index
        %get3A_1158 = arith.index_cast %mul3A_1113 : i32 to index
        %get3A_1159 = arith.constant 48 : index
        %get3A_1160 = tpu.vector_load %arg6[%get3A_1157, %get3A_1158, %get3A_1159] {strides = array<i32>} : memref<2x256x128xf32, #tpu.memory_space<vmem>>, vector<16xf32>,
        %add3A_1161 = arith.constant 1 : i32
        %add3A_1162 = arith.addi %mul3A_1113, %add3A_1161 : i32
        %get3A_1163 = arith.index_cast %select_n3A_96 : i32 to index
        %get3A_1164 = arith.index_cast %add3A_1162 : i32 to index
        %get3A_1165 = arith.constant 48 : index
        %get3A_1166 = tpu.vector_load %arg6[%get3A_1163, %get3A_1164, %get3A_1165] {strides = array<i32>} : memref<2x256x128xf32, #tpu.memory_space<vmem>>, vector<16xf32>,
        %mul3A_1167 = arith.mulf %get3A_1160, %get3A_1166 : vector<16xf32>
        %mul3A_1168 = arith.mulf %mul3A_1167, %get3A_17 : vector<16xf32>
        %mul3A_1169 = arith.mulf %mul3A_1167, %get3A_33 : vector<16xf32>
        %add3A_1170 = arith.addf %add3A_1155, %mul3A_1168 : vector<16xf32>
        %add3A_1171 = arith.addf %add3A_1156, %mul3A_1169 : vector<16xf32>
        %broadcast_in_dim3A_1172 = arith.constant true
        %broadcast_in_dim3A_1173 = vector.broadcast %broadcast_in_dim3A_1172 : i1 to vector<16xi1>
        %masked_cumsum3A_1174 = tpu.scan <sum>, %add3A_1170 masked %broadcast_in_dim3A_1173 : vector<16xf32>, vector<16xi1> -> vector<16xf32>
        %add3A_1175 = arith.addf %masked_cumsum3A_1174, %broadcast_in_dim3A : vector<16xf32>
        %broadcast_in_dim3A_1176 = arith.constant true
        %broadcast_in_dim3A_1177 = vector.broadcast %broadcast_in_dim3A_1176 : i1 to vector<16xi1>
        %masked_cumsum3A_1178 = tpu.scan <sum>, %add3A_1171 masked %broadcast_in_dim3A_1177 : vector<16xf32>, vector<16xi1> -> vector<16xf32>
        %add3A_1179 = arith.addf %masked_cumsum3A_1178, %broadcast_in_dim3A_36 : vector<16xf32>
        %mul3A_1180 = arith.constant 128 : i32
        %mul3A_1181 = arith.muli %scan3A_86, %mul3A_1180 : i32
        %add3A_1182 = arith.addi %mul3A_1181, %mul3A_162 : i32
        %add3A_1183 = arith.constant 12 : i32
        %add3A_1184 = arith.addi %add3A_1182, %add3A_1183 : i32
        %broadcast_in_dim3A_1185 = vector.broadcast %add3A_1184 : i32 to vector<16xi32>
        tpu.vector_store_idx %arg9[%broadcast_in_dim3A_1185], %add3A_1175 masked %eq3A_38 : memref<1024xf32, #tpu.memory_space<vmem>>[vector<16xi32>], vector<16xf32>, vector<16xi1>
        %add3A_1186 = arith.constant 512 : i32
        %add3A_1187 = vector.broadcast %add3A_1186 : i32 to vector<16xi32>
        %add3A_1188 = arith.addi %broadcast_in_dim3A_1185, %add3A_1187 : vector<16xi32>
        tpu.vector_store_idx %arg9[%add3A_1188], %add3A_1179 masked %eq3A_38 : memref<1024xf32, #tpu.memory_space<vmem>>[vector<16xi32>], vector<16xf32>, vector<16xi1>
        %add3A_1189 = arith.constant 13 : i32
        %add3A_1190 = arith.addi %mul3A_162, %add3A_1189 : i32
        %mul3A_1191 = arith.constant 2 : i32
        %mul3A_1192 = arith.muli %mul3A_1191, %add3A_1190 : i32
        %get3A_1193 = arith.index_cast %select_n3A_96 : i32 to index
        %get3A_1194 = arith.index_cast %mul3A_1192 : i32 to index
        %get3A_1195 = arith.constant 0 : index
        %get3A_1196 = tpu.vector_load %arg6[%get3A_1193, %get3A_1194, %get3A_1195] {strides = array<i32>} : memref<2x256x128xf32, #tpu.memory_space<vmem>>, vector<16xf32>,
        %add3A_1197 = arith.constant 1 : i32
        %add3A_1198 = arith.addi %mul3A_1192, %add3A_1197 : i32
        %get3A_1199 = arith.index_cast %select_n3A_96 : i32 to index
        %get3A_1200 = arith.index_cast %add3A_1198 : i32 to index
        %get3A_1201 = arith.constant 0 : index
        %get3A_1202 = tpu.vector_load %arg6[%get3A_1199, %get3A_1200, %get3A_1201] {strides = array<i32>} : memref<2x256x128xf32, #tpu.memory_space<vmem>>, vector<16xf32>,
        %mul3A_1203 = arith.mulf %get3A_1196, %get3A_1202 : vector<16xf32>
        %mul3A_1204 = arith.mulf %mul3A_1203, %get3A_5 : vector<16xf32>
        %mul3A_1205 = arith.mulf %mul3A_1203, %get3A_21 : vector<16xf32>
        %get3A_1206 = arith.index_cast %select_n3A_96 : i32 to index
        %get3A_1207 = arith.index_cast %mul3A_1192 : i32 to index
        %get3A_1208 = arith.constant 16 : index
        %get3A_1209 = tpu.vector_load %arg6[%get3A_1206, %get3A_1207, %get3A_1208] {strides = array<i32>} : memref<2x256x128xf32, #tpu.memory_space<vmem>>, vector<16xf32>,
        %add3A_1210 = arith.constant 1 : i32
        %add3A_1211 = arith.addi %mul3A_1192, %add3A_1210 : i32
        %get3A_1212 = arith.index_cast %select_n3A_96 : i32 to index
        %get3A_1213 = arith.index_cast %add3A_1211 : i32 to index
        %get3A_1214 = arith.constant 16 : index
        %get3A_1215 = tpu.vector_load %arg6[%get3A_1212, %get3A_1213, %get3A_1214] {strides = array<i32>} : memref<2x256x128xf32, #tpu.memory_space<vmem>>, vector<16xf32>,
        %mul3A_1216 = arith.mulf %get3A_1209, %get3A_1215 : vector<16xf32>
        %mul3A_1217 = arith.mulf %mul3A_1216, %get3A_9 : vector<16xf32>
        %mul3A_1218 = arith.mulf %mul3A_1216, %get3A_25 : vector<16xf32>
        %add3A_1219 = arith.addf %mul3A_1204, %mul3A_1217 : vector<16xf32>
        %add3A_1220 = arith.addf %mul3A_1205, %mul3A_1218 : vector<16xf32>
        %get3A_1221 = arith.index_cast %select_n3A_96 : i32 to index
        %get3A_1222 = arith.index_cast %mul3A_1192 : i32 to index
        %get3A_1223 = arith.constant 32 : index
        %get3A_1224 = tpu.vector_load %arg6[%get3A_1221, %get3A_1222, %get3A_1223] {strides = array<i32>} : memref<2x256x128xf32, #tpu.memory_space<vmem>>, vector<16xf32>,
        %add3A_1225 = arith.constant 1 : i32
        %add3A_1226 = arith.addi %mul3A_1192, %add3A_1225 : i32
        %get3A_1227 = arith.index_cast %select_n3A_96 : i32 to index
        %get3A_1228 = arith.index_cast %add3A_1226 : i32 to index
        %get3A_1229 = arith.constant 32 : index
        %get3A_1230 = tpu.vector_load %arg6[%get3A_1227, %get3A_1228, %get3A_1229] {strides = array<i32>} : memref<2x256x128xf32, #tpu.memory_space<vmem>>, vector<16xf32>,
        %mul3A_1231 = arith.mulf %get3A_1224, %get3A_1230 : vector<16xf32>
        %mul3A_1232 = arith.mulf %mul3A_1231, %get3A_13 : vector<16xf32>
        %mul3A_1233 = arith.mulf %mul3A_1231, %get3A_29 : vector<16xf32>
        %add3A_1234 = arith.addf %add3A_1219, %mul3A_1232 : vector<16xf32>
        %add3A_1235 = arith.addf %add3A_1220, %mul3A_1233 : vector<16xf32>
        %get3A_1236 = arith.index_cast %select_n3A_96 : i32 to index
        %get3A_1237 = arith.index_cast %mul3A_1192 : i32 to index
        %get3A_1238 = arith.constant 48 : index
        %get3A_1239 = tpu.vector_load %arg6[%get3A_1236, %get3A_1237, %get3A_1238] {strides = array<i32>} : memref<2x256x128xf32, #tpu.memory_space<vmem>>, vector<16xf32>,
        %add3A_1240 = arith.constant 1 : i32
        %add3A_1241 = arith.addi %mul3A_1192, %add3A_1240 : i32
        %get3A_1242 = arith.index_cast %select_n3A_96 : i32 to index
        %get3A_1243 = arith.index_cast %add3A_1241 : i32 to index
        %get3A_1244 = arith.constant 48 : index
        %get3A_1245 = tpu.vector_load %arg6[%get3A_1242, %get3A_1243, %get3A_1244] {strides = array<i32>} : memref<2x256x128xf32, #tpu.memory_space<vmem>>, vector<16xf32>,
        %mul3A_1246 = arith.mulf %get3A_1239, %get3A_1245 : vector<16xf32>
        %mul3A_1247 = arith.mulf %mul3A_1246, %get3A_17 : vector<16xf32>
        %mul3A_1248 = arith.mulf %mul3A_1246, %get3A_33 : vector<16xf32>
        %add3A_1249 = arith.addf %add3A_1234, %mul3A_1247 : vector<16xf32>
        %add3A_1250 = arith.addf %add3A_1235, %mul3A_1248 : vector<16xf32>
        %broadcast_in_dim3A_1251 = arith.constant true
        %broadcast_in_dim3A_1252 = vector.broadcast %broadcast_in_dim3A_1251 : i1 to vector<16xi1>
        %masked_cumsum3A_1253 = tpu.scan <sum>, %add3A_1249 masked %broadcast_in_dim3A_1252 : vector<16xf32>, vector<16xi1> -> vector<16xf32>
        %add3A_1254 = arith.addf %masked_cumsum3A_1253, %broadcast_in_dim3A : vector<16xf32>
        %broadcast_in_dim3A_1255 = arith.constant true
        %broadcast_in_dim3A_1256 = vector.broadcast %broadcast_in_dim3A_1255 : i1 to vector<16xi1>
        %masked_cumsum3A_1257 = tpu.scan <sum>, %add3A_1250 masked %broadcast_in_dim3A_1256 : vector<16xf32>, vector<16xi1> -> vector<16xf32>
        %add3A_1258 = arith.addf %masked_cumsum3A_1257, %broadcast_in_dim3A_36 : vector<16xf32>
        %mul3A_1259 = arith.constant 128 : i32
        %mul3A_1260 = arith.muli %scan3A_86, %mul3A_1259 : i32
        %add3A_1261 = arith.addi %mul3A_1260, %mul3A_162 : i32
        %add3A_1262 = arith.constant 13 : i32
        %add3A_1263 = arith.addi %add3A_1261, %add3A_1262 : i32
        %broadcast_in_dim3A_1264 = vector.broadcast %add3A_1263 : i32 to vector<16xi32>
        tpu.vector_store_idx %arg9[%broadcast_in_dim3A_1264], %add3A_1254 masked %eq3A_38 : memref<1024xf32, #tpu.memory_space<vmem>>[vector<16xi32>], vector<16xf32>, vector<16xi1>
        %add3A_1265 = arith.constant 512 : i32
        %add3A_1266 = vector.broadcast %add3A_1265 : i32 to vector<16xi32>
        %add3A_1267 = arith.addi %broadcast_in_dim3A_1264, %add3A_1266 : vector<16xi32>
        tpu.vector_store_idx %arg9[%add3A_1267], %add3A_1258 masked %eq3A_38 : memref<1024xf32, #tpu.memory_space<vmem>>[vector<16xi32>], vector<16xf32>, vector<16xi1>
        %add3A_1268 = arith.constant 14 : i32
        %add3A_1269 = arith.addi %mul3A_162, %add3A_1268 : i32
        %mul3A_1270 = arith.constant 2 : i32
        %mul3A_1271 = arith.muli %mul3A_1270, %add3A_1269 : i32
        %get3A_1272 = arith.index_cast %select_n3A_96 : i32 to index
        %get3A_1273 = arith.index_cast %mul3A_1271 : i32 to index
        %get3A_1274 = arith.constant 0 : index
        %get3A_1275 = tpu.vector_load %arg6[%get3A_1272, %get3A_1273, %get3A_1274] {strides = array<i32>} : memref<2x256x128xf32, #tpu.memory_space<vmem>>, vector<16xf32>,
        %add3A_1276 = arith.constant 1 : i32
        %add3A_1277 = arith.addi %mul3A_1271, %add3A_1276 : i32
        %get3A_1278 = arith.index_cast %select_n3A_96 : i32 to index
        %get3A_1279 = arith.index_cast %add3A_1277 : i32 to index
        %get3A_1280 = arith.constant 0 : index
        %get3A_1281 = tpu.vector_load %arg6[%get3A_1278, %get3A_1279, %get3A_1280] {strides = array<i32>} : memref<2x256x128xf32, #tpu.memory_space<vmem>>, vector<16xf32>,
        %mul3A_1282 = arith.mulf %get3A_1275, %get3A_1281 : vector<16xf32>
        %mul3A_1283 = arith.mulf %mul3A_1282, %get3A_5 : vector<16xf32>
        %mul3A_1284 = arith.mulf %mul3A_1282, %get3A_21 : vector<16xf32>
        %get3A_1285 = arith.index_cast %select_n3A_96 : i32 to index
        %get3A_1286 = arith.index_cast %mul3A_1271 : i32 to index
        %get3A_1287 = arith.constant 16 : index
        %get3A_1288 = tpu.vector_load %arg6[%get3A_1285, %get3A_1286, %get3A_1287] {strides = array<i32>} : memref<2x256x128xf32, #tpu.memory_space<vmem>>, vector<16xf32>,
        %add3A_1289 = arith.constant 1 : i32
        %add3A_1290 = arith.addi %mul3A_1271, %add3A_1289 : i32
        %get3A_1291 = arith.index_cast %select_n3A_96 : i32 to index
        %get3A_1292 = arith.index_cast %add3A_1290 : i32 to index
        %get3A_1293 = arith.constant 16 : index
        %get3A_1294 = tpu.vector_load %arg6[%get3A_1291, %get3A_1292, %get3A_1293] {strides = array<i32>} : memref<2x256x128xf32, #tpu.memory_space<vmem>>, vector<16xf32>,
        %mul3A_1295 = arith.mulf %get3A_1288, %get3A_1294 : vector<16xf32>
        %mul3A_1296 = arith.mulf %mul3A_1295, %get3A_9 : vector<16xf32>
        %mul3A_1297 = arith.mulf %mul3A_1295, %get3A_25 : vector<16xf32>
        %add3A_1298 = arith.addf %mul3A_1283, %mul3A_1296 : vector<16xf32>
        %add3A_1299 = arith.addf %mul3A_1284, %mul3A_1297 : vector<16xf32>
        %get3A_1300 = arith.index_cast %select_n3A_96 : i32 to index
        %get3A_1301 = arith.index_cast %mul3A_1271 : i32 to index
        %get3A_1302 = arith.constant 32 : index
        %get3A_1303 = tpu.vector_load %arg6[%get3A_1300, %get3A_1301, %get3A_1302] {strides = array<i32>} : memref<2x256x128xf32, #tpu.memory_space<vmem>>, vector<16xf32>,
        %add3A_1304 = arith.constant 1 : i32
        %add3A_1305 = arith.addi %mul3A_1271, %add3A_1304 : i32
        %get3A_1306 = arith.index_cast %select_n3A_96 : i32 to index
        %get3A_1307 = arith.index_cast %add3A_1305 : i32 to index
        %get3A_1308 = arith.constant 32 : index
        %get3A_1309 = tpu.vector_load %arg6[%get3A_1306, %get3A_1307, %get3A_1308] {strides = array<i32>} : memref<2x256x128xf32, #tpu.memory_space<vmem>>, vector<16xf32>,
        %mul3A_1310 = arith.mulf %get3A_1303, %get3A_1309 : vector<16xf32>
        %mul3A_1311 = arith.mulf %mul3A_1310, %get3A_13 : vector<16xf32>
        %mul3A_1312 = arith.mulf %mul3A_1310, %get3A_29 : vector<16xf32>
        %add3A_1313 = arith.addf %add3A_1298, %mul3A_1311 : vector<16xf32>
        %add3A_1314 = arith.addf %add3A_1299, %mul3A_1312 : vector<16xf32>
        %get3A_1315 = arith.index_cast %select_n3A_96 : i32 to index
        %get3A_1316 = arith.index_cast %mul3A_1271 : i32 to index
        %get3A_1317 = arith.constant 48 : index
        %get3A_1318 = tpu.vector_load %arg6[%get3A_1315, %get3A_1316, %get3A_1317] {strides = array<i32>} : memref<2x256x128xf32, #tpu.memory_space<vmem>>, vector<16xf32>,
        %add3A_1319 = arith.constant 1 : i32
        %add3A_1320 = arith.addi %mul3A_1271, %add3A_1319 : i32
        %get3A_1321 = arith.index_cast %select_n3A_96 : i32 to index
        %get3A_1322 = arith.index_cast %add3A_1320 : i32 to index
        %get3A_1323 = arith.constant 48 : index
        %get3A_1324 = tpu.vector_load %arg6[%get3A_1321, %get3A_1322, %get3A_1323] {strides = array<i32>} : memref<2x256x128xf32, #tpu.memory_space<vmem>>, vector<16xf32>,
        %mul3A_1325 = arith.mulf %get3A_1318, %get3A_1324 : vector<16xf32>
        %mul3A_1326 = arith.mulf %mul3A_1325, %get3A_17 : vector<16xf32>
        %mul3A_1327 = arith.mulf %mul3A_1325, %get3A_33 : vector<16xf32>
        %add3A_1328 = arith.addf %add3A_1313, %mul3A_1326 : vector<16xf32>
        %add3A_1329 = arith.addf %add3A_1314, %mul3A_1327 : vector<16xf32>
        %broadcast_in_dim3A_1330 = arith.constant true
        %broadcast_in_dim3A_1331 = vector.broadcast %broadcast_in_dim3A_1330 : i1 to vector<16xi1>
        %masked_cumsum3A_1332 = tpu.scan <sum>, %add3A_1328 masked %broadcast_in_dim3A_1331 : vector<16xf32>, vector<16xi1> -> vector<16xf32>
        %add3A_1333 = arith.addf %masked_cumsum3A_1332, %broadcast_in_dim3A : vector<16xf32>
        %broadcast_in_dim3A_1334 = arith.constant true
        %broadcast_in_dim3A_1335 = vector.broadcast %broadcast_in_dim3A_1334 : i1 to vector<16xi1>
        %masked_cumsum3A_1336 = tpu.scan <sum>, %add3A_1329 masked %broadcast_in_dim3A_1335 : vector<16xf32>, vector<16xi1> -> vector<16xf32>
        %add3A_1337 = arith.addf %masked_cumsum3A_1336, %broadcast_in_dim3A_36 : vector<16xf32>
        %mul3A_1338 = arith.constant 128 : i32
        %mul3A_1339 = arith.muli %scan3A_86, %mul3A_1338 : i32
        %add3A_1340 = arith.addi %mul3A_1339, %mul3A_162 : i32
        %add3A_1341 = arith.constant 14 : i32
        %add3A_1342 = arith.addi %add3A_1340, %add3A_1341 : i32
        %broadcast_in_dim3A_1343 = vector.broadcast %add3A_1342 : i32 to vector<16xi32>
        tpu.vector_store_idx %arg9[%broadcast_in_dim3A_1343], %add3A_1333 masked %eq3A_38 : memref<1024xf32, #tpu.memory_space<vmem>>[vector<16xi32>], vector<16xf32>, vector<16xi1>
        %add3A_1344 = arith.constant 512 : i32
        %add3A_1345 = vector.broadcast %add3A_1344 : i32 to vector<16xi32>
        %add3A_1346 = arith.addi %broadcast_in_dim3A_1343, %add3A_1345 : vector<16xi32>
        tpu.vector_store_idx %arg9[%add3A_1346], %add3A_1337 masked %eq3A_38 : memref<1024xf32, #tpu.memory_space<vmem>>[vector<16xi32>], vector<16xf32>, vector<16xi1>
        %add3A_1347 = arith.constant 15 : i32
        %add3A_1348 = arith.addi %mul3A_162, %add3A_1347 : i32
        %mul3A_1349 = arith.constant 2 : i32
        %mul3A_1350 = arith.muli %mul3A_1349, %add3A_1348 : i32
        %get3A_1351 = arith.index_cast %select_n3A_96 : i32 to index
        %get3A_1352 = arith.index_cast %mul3A_1350 : i32 to index
        %get3A_1353 = arith.constant 0 : index
        %get3A_1354 = tpu.vector_load %arg6[%get3A_1351, %get3A_1352, %get3A_1353] {strides = array<i32>} : memref<2x256x128xf32, #tpu.memory_space<vmem>>, vector<16xf32>,
        %add3A_1355 = arith.constant 1 : i32
        %add3A_1356 = arith.addi %mul3A_1350, %add3A_1355 : i32
        %get3A_1357 = arith.index_cast %select_n3A_96 : i32 to index
        %get3A_1358 = arith.index_cast %add3A_1356 : i32 to index
        %get3A_1359 = arith.constant 0 : index
        %get3A_1360 = tpu.vector_load %arg6[%get3A_1357, %get3A_1358, %get3A_1359] {strides = array<i32>} : memref<2x256x128xf32, #tpu.memory_space<vmem>>, vector<16xf32>,
        %mul3A_1361 = arith.mulf %get3A_1354, %get3A_1360 : vector<16xf32>
        %mul3A_1362 = arith.mulf %mul3A_1361, %get3A_5 : vector<16xf32>
        %mul3A_1363 = arith.mulf %mul3A_1361, %get3A_21 : vector<16xf32>
        %get3A_1364 = arith.index_cast %select_n3A_96 : i32 to index
        %get3A_1365 = arith.index_cast %mul3A_1350 : i32 to index
        %get3A_1366 = arith.constant 16 : index
        %get3A_1367 = tpu.vector_load %arg6[%get3A_1364, %get3A_1365, %get3A_1366] {strides = array<i32>} : memref<2x256x128xf32, #tpu.memory_space<vmem>>, vector<16xf32>,
        %add3A_1368 = arith.constant 1 : i32
        %add3A_1369 = arith.addi %mul3A_1350, %add3A_1368 : i32
        %get3A_1370 = arith.index_cast %select_n3A_96 : i32 to index
        %get3A_1371 = arith.index_cast %add3A_1369 : i32 to index
        %get3A_1372 = arith.constant 16 : index
        %get3A_1373 = tpu.vector_load %arg6[%get3A_1370, %get3A_1371, %get3A_1372] {strides = array<i32>} : memref<2x256x128xf32, #tpu.memory_space<vmem>>, vector<16xf32>,
        %mul3A_1374 = arith.mulf %get3A_1367, %get3A_1373 : vector<16xf32>
        %mul3A_1375 = arith.mulf %mul3A_1374, %get3A_9 : vector<16xf32>
        %mul3A_1376 = arith.mulf %mul3A_1374, %get3A_25 : vector<16xf32>
        %add3A_1377 = arith.addf %mul3A_1362, %mul3A_1375 : vector<16xf32>
        %add3A_1378 = arith.addf %mul3A_1363, %mul3A_1376 : vector<16xf32>
        %get3A_1379 = arith.index_cast %select_n3A_96 : i32 to index
        %get3A_1380 = arith.index_cast %mul3A_1350 : i32 to index
        %get3A_1381 = arith.constant 32 : index
        %get3A_1382 = tpu.vector_load %arg6[%get3A_1379, %get3A_1380, %get3A_1381] {strides = array<i32>} : memref<2x256x128xf32, #tpu.memory_space<vmem>>, vector<16xf32>,
        %add3A_1383 = arith.constant 1 : i32
        %add3A_1384 = arith.addi %mul3A_1350, %add3A_1383 : i32
        %get3A_1385 = arith.index_cast %select_n3A_96 : i32 to index
        %get3A_1386 = arith.index_cast %add3A_1384 : i32 to index
        %get3A_1387 = arith.constant 32 : index
        %get3A_1388 = tpu.vector_load %arg6[%get3A_1385, %get3A_1386, %get3A_1387] {strides = array<i32>} : memref<2x256x128xf32, #tpu.memory_space<vmem>>, vector<16xf32>,
        %mul3A_1389 = arith.mulf %get3A_1382, %get3A_1388 : vector<16xf32>
        %mul3A_1390 = arith.mulf %mul3A_1389, %get3A_13 : vector<16xf32>
        %mul3A_1391 = arith.mulf %mul3A_1389, %get3A_29 : vector<16xf32>
        %add3A_1392 = arith.addf %add3A_1377, %mul3A_1390 : vector<16xf32>
        %add3A_1393 = arith.addf %add3A_1378, %mul3A_1391 : vector<16xf32>
        %get3A_1394 = arith.index_cast %select_n3A_96 : i32 to index
        %get3A_1395 = arith.index_cast %mul3A_1350 : i32 to index
        %get3A_1396 = arith.constant 48 : index
        %get3A_1397 = tpu.vector_load %arg6[%get3A_1394, %get3A_1395, %get3A_1396] {strides = array<i32>} : memref<2x256x128xf32, #tpu.memory_space<vmem>>, vector<16xf32>,
        %add3A_1398 = arith.constant 1 : i32
        %add3A_1399 = arith.addi %mul3A_1350, %add3A_1398 : i32
        %get3A_1400 = arith.index_cast %select_n3A_96 : i32 to index
        %get3A_1401 = arith.index_cast %add3A_1399 : i32 to index
        %get3A_1402 = arith.constant 48 : index
        %get3A_1403 = tpu.vector_load %arg6[%get3A_1400, %get3A_1401, %get3A_1402] {strides = array<i32>} : memref<2x256x128xf32, #tpu.memory_space<vmem>>, vector<16xf32>,
        %mul3A_1404 = arith.mulf %get3A_1397, %get3A_1403 : vector<16xf32>
        %mul3A_1405 = arith.mulf %mul3A_1404, %get3A_17 : vector<16xf32>
        %mul3A_1406 = arith.mulf %mul3A_1404, %get3A_33 : vector<16xf32>
        %add3A_1407 = arith.addf %add3A_1392, %mul3A_1405 : vector<16xf32>
        %add3A_1408 = arith.addf %add3A_1393, %mul3A_1406 : vector<16xf32>
        %broadcast_in_dim3A_1409 = arith.constant true
        %broadcast_in_dim3A_1410 = vector.broadcast %broadcast_in_dim3A_1409 : i1 to vector<16xi1>
        %masked_cumsum3A_1411 = tpu.scan <sum>, %add3A_1407 masked %broadcast_in_dim3A_1410 : vector<16xf32>, vector<16xi1> -> vector<16xf32>
        %add3A_1412 = arith.addf %masked_cumsum3A_1411, %broadcast_in_dim3A : vector<16xf32>
        %broadcast_in_dim3A_1413 = arith.constant true
        %broadcast_in_dim3A_1414 = vector.broadcast %broadcast_in_dim3A_1413 : i1 to vector<16xi1>
        %masked_cumsum3A_1415 = tpu.scan <sum>, %add3A_1408 masked %broadcast_in_dim3A_1414 : vector<16xf32>, vector<16xi1> -> vector<16xf32>
        %add3A_1416 = arith.addf %masked_cumsum3A_1415, %broadcast_in_dim3A_36 : vector<16xf32>
        %mul3A_1417 = arith.constant 128 : i32
        %mul3A_1418 = arith.muli %scan3A_86, %mul3A_1417 : i32
        %add3A_1419 = arith.addi %mul3A_1418, %mul3A_162 : i32
        %add3A_1420 = arith.constant 15 : i32
        %add3A_1421 = arith.addi %add3A_1419, %add3A_1420 : i32
        %broadcast_in_dim3A_1422 = vector.broadcast %add3A_1421 : i32 to vector<16xi32>
        tpu.vector_store_idx %arg9[%broadcast_in_dim3A_1422], %add3A_1412 masked %eq3A_38 : memref<1024xf32, #tpu.memory_space<vmem>>[vector<16xi32>], vector<16xf32>, vector<16xi1>
        %add3A_1423 = arith.constant 512 : i32
        %add3A_1424 = vector.broadcast %add3A_1423 : i32 to vector<16xi32>
        %add3A_1425 = arith.addi %broadcast_in_dim3A_1422, %add3A_1424 : vector<16xi32>
        tpu.vector_store_idx %arg9[%add3A_1425], %add3A_1416 masked %eq3A_38 : memref<1024xf32, #tpu.memory_space<vmem>>[vector<16xi32>], vector<16xf32>, vector<16xi1>
      }
      %scan3A_159 = arith.constant 8 : i32
    }
    %scan3A_66 = arith.constant 4 : i32
    %dma_wait3A = arith.constant 0 : i32
    %dma_wait3A_67 = arith.constant 0 : i32
    %dma_wait3A_68 = arith.constant 0 : i32
    %dma_wait3A_69 = tpu.memref_slice %arg6[%dma_wait3A, %dma_wait3A_67, %dma_wait3A_68] : memref<2x256x128xf32, #tpu.memory_space<vmem>> -> memref<1x256x128xf32, #tpu.memory_space<vmem>>
    %dma_wait3A_70 = tpu.memref_squeeze %dma_wait3A_69 : memref<1x256x128xf32, #tpu.memory_space<vmem>> -> memref<256x128xf32, #tpu.memory_space<vmem>>
    %dma_wait3A_71 = arith.constant 0 : i32
    %dma_wait3A_72 = arith.constant 0 : i32
    %dma_wait3A_73 = tpu.memref_slice %arg2[%dma_wait3A_71, %dma_wait3A_72] : memref<32776x128xf32, #tpu.memory_space<hbm>> -> memref<256x128xf32, #tpu.memory_space<hbm>>
    %dma_wait3A_74 = arith.constant 0 : i32
    %dma_wait3A_75 = arith.constant 0 : i32
    %dma_wait3A_76 = tpu.memref_slice %arg6[%dma_wait3A, %dma_wait3A_74, %dma_wait3A_75] : memref<2x256x128xf32, #tpu.memory_space<vmem>> -> memref<1x256x128xf32, #tpu.memory_space<vmem>>
    %dma_wait3A_77 = tpu.memref_squeeze %dma_wait3A_76 : memref<1x256x128xf32, #tpu.memory_space<vmem>> -> memref<256x128xf32, #tpu.memory_space<vmem>>
    %dma_wait3A_78 = arith.constant 0 : i32
    %dma_wait3A_79 = arith.constant 0 : i32
    %dma_wait3A_80 = tpu.memref_slice %arg2[%dma_wait3A_78, %dma_wait3A_79] : memref<32776x128xf32, #tpu.memory_space<hbm>> -> memref<256x128xf32, #tpu.memory_space<hbm>>
    tpu.wait_dma2 semaphore(%arg10 : memref<!tpu.dma_semaphore, #tpu.memory_space<semaphore_mem>>) src(%dma_wait3A_80 : memref<256x128xf32, #tpu.memory_space<hbm>>) dst(%dma_wait3A_77 : memref<256x128xf32, #tpu.memory_space<vmem>>)
    %mul3A_81 = arith.constant 512 : i32
    %mul3A_82 = arith.muli %add3A, %mul3A_81 : i32
    %run_scoped3A = arith.constant 0 : i32
    "tpu.region"() ({
      %run_scoped3A_86 = tpu.sem_alloc : memref<!tpu.dma_semaphore, #tpu.memory_space<semaphore_mem>>
      %dma_start3A_87 = arith.constant 0 : i32
      %dma_start3A_88 = tpu.memref_slice %arg9[%dma_start3A_87] : memref<1024xf32, #tpu.memory_space<vmem>> -> memref<512xf32, #tpu.memory_space<vmem>>
      %dma_start3A_89 = tpu.memref_slice %arg5[%run_scoped3A, %mul3A_82] : memref<2x16384xf32, #tpu.memory_space<hbm>> -> memref<1x512xf32, #tpu.memory_space<hbm>>
      %dma_start3A_90 = tpu.memref_squeeze %dma_start3A_89 : memref<1x512xf32, #tpu.memory_space<hbm>> -> memref<512xf32, #tpu.memory_space<hbm>>
      %dma_start3A_91 = tpu.memref_slice %arg5[%run_scoped3A, %mul3A_82] : memref<2x16384xf32, #tpu.memory_space<hbm>> -> memref<1x512xf32, #tpu.memory_space<hbm>>
      %dma_start3A_92 = tpu.memref_squeeze %dma_start3A_91 : memref<1x512xf32, #tpu.memory_space<hbm>> -> memref<512xf32, #tpu.memory_space<hbm>>
      %dma_start3A_93 = arith.constant 0 : i32
      %dma_start3A_94 = tpu.memref_slice %arg9[%dma_start3A_93] : memref<1024xf32, #tpu.memory_space<vmem>> -> memref<512xf32, #tpu.memory_space<vmem>>
      tpu.enqueue_dma source(%dma_start3A_94 : memref<512xf32, #tpu.memory_space<vmem>>) target(%dma_start3A_92 : memref<512xf32, #tpu.memory_space<hbm>>) target_semaphore(%run_scoped3A_86 : memref<!tpu.dma_semaphore, #tpu.memory_space<semaphore_mem>>)
      %dma_wait3A_95 = arith.constant 0 : i32
      %dma_wait3A_96 = tpu.memref_slice %arg9[%dma_wait3A_95] : memref<1024xf32, #tpu.memory_space<vmem>> -> memref<512xf32, #tpu.memory_space<vmem>>
      %dma_wait3A_97 = tpu.memref_slice %arg5[%run_scoped3A, %mul3A_82] : memref<2x16384xf32, #tpu.memory_space<hbm>> -> memref<1x512xf32, #tpu.memory_space<hbm>>
      %dma_wait3A_98 = tpu.memref_squeeze %dma_wait3A_97 : memref<1x512xf32, #tpu.memory_space<hbm>> -> memref<512xf32, #tpu.memory_space<hbm>>
      %dma_wait3A_99 = tpu.memref_slice %arg5[%run_scoped3A, %mul3A_82] : memref<2x16384xf32, #tpu.memory_space<hbm>> -> memref<1x512xf32, #tpu.memory_space<hbm>>
      %dma_wait3A_100 = tpu.memref_squeeze %dma_wait3A_99 : memref<1x512xf32, #tpu.memory_space<hbm>> -> memref<512xf32, #tpu.memory_space<hbm>>
      %dma_wait3A_101 = arith.constant 0 : i32
      %dma_wait3A_102 = tpu.memref_slice %arg9[%dma_wait3A_101] : memref<1024xf32, #tpu.memory_space<vmem>> -> memref<512xf32, #tpu.memory_space<vmem>>
      tpu.wait_dma2 semaphore(%run_scoped3A_86 : memref<!tpu.dma_semaphore, #tpu.memory_space<semaphore_mem>>) src(%dma_wait3A_102 : memref<512xf32, #tpu.memory_space<vmem>>) dst(%dma_wait3A_100 : memref<512xf32, #tpu.memory_space<hbm>>)
      tpu.yield
    }) : () -> ()
    %mul3A_83 = arith.constant 512 : i32
    %mul3A_84 = arith.muli %add3A, %mul3A_83 : i32
    %run_scoped3A_85 = arith.constant 1 : i32
    "tpu.region"() ({
      %run_scoped3A_86 = tpu.sem_alloc : memref<!tpu.dma_semaphore, #tpu.memory_space<semaphore_mem>>
      %dma_start3A_87 = arith.constant 512 : i32
      %dma_start3A_88 = tpu.memref_slice %arg9[%dma_start3A_87] : memref<1024xf32, #tpu.memory_space<vmem>> -> memref<512xf32, #tpu.memory_space<vmem>>
      %dma_start3A_89 = tpu.memref_slice %arg5[%run_scoped3A_85, %mul3A_84] : memref<2x16384xf32, #tpu.memory_space<hbm>> -> memref<1x512xf32, #tpu.memory_space<hbm>>
      %dma_start3A_90 = tpu.memref_squeeze %dma_start3A_89 : memref<1x512xf32, #tpu.memory_space<hbm>> -> memref<512xf32, #tpu.memory_space<hbm>>
      %dma_start3A_91 = tpu.memref_slice %arg5[%run_scoped3A_85, %mul3A_84] : memref<2x16384xf32, #tpu.memory_space<hbm>> -> memref<1x512xf32, #tpu.memory_space<hbm>>
      %dma_start3A_92 = tpu.memref_squeeze %dma_start3A_91 : memref<1x512xf32, #tpu.memory_space<hbm>> -> memref<512xf32, #tpu.memory_space<hbm>>
      %dma_start3A_93 = arith.constant 512 : i32
      %dma_start3A_94 = tpu.memref_slice %arg9[%dma_start3A_93] : memref<1024xf32, #tpu.memory_space<vmem>> -> memref<512xf32, #tpu.memory_space<vmem>>
      tpu.enqueue_dma source(%dma_start3A_94 : memref<512xf32, #tpu.memory_space<vmem>>) target(%dma_start3A_92 : memref<512xf32, #tpu.memory_space<hbm>>) target_semaphore(%run_scoped3A_86 : memref<!tpu.dma_semaphore, #tpu.memory_space<semaphore_mem>>)
      %dma_wait3A_95 = arith.constant 512 : i32
      %dma_wait3A_96 = tpu.memref_slice %arg9[%dma_wait3A_95] : memref<1024xf32, #tpu.memory_space<vmem>> -> memref<512xf32, #tpu.memory_space<vmem>>
      %dma_wait3A_97 = tpu.memref_slice %arg5[%run_scoped3A_85, %mul3A_84] : memref<2x16384xf32, #tpu.memory_space<hbm>> -> memref<1x512xf32, #tpu.memory_space<hbm>>
      %dma_wait3A_98 = tpu.memref_squeeze %dma_wait3A_97 : memref<1x512xf32, #tpu.memory_space<hbm>> -> memref<512xf32, #tpu.memory_space<hbm>>
      %dma_wait3A_99 = tpu.memref_slice %arg5[%run_scoped3A_85, %mul3A_84] : memref<2x16384xf32, #tpu.memory_space<hbm>> -> memref<1x512xf32, #tpu.memory_space<hbm>>
      %dma_wait3A_100 = tpu.memref_squeeze %dma_wait3A_99 : memref<1x512xf32, #tpu.memory_space<hbm>> -> memref<512xf32, #tpu.memory_space<hbm>>
      %dma_wait3A_101 = arith.constant 512 : i32
      %dma_wait3A_102 = tpu.memref_slice %arg9[%dma_wait3A_101] : memref<1024xf32, #tpu.memory_space<vmem>> -> memref<512xf32, #tpu.memory_space<vmem>>
      tpu.wait_dma2 semaphore(%run_scoped3A_86 : memref<!tpu.dma_semaphore, #tpu.memory_space<semaphore_mem>>) src(%dma_wait3A_102 : memref<512xf32, #tpu.memory_space<vmem>>) dst(%dma_wait3A_100 : memref<512xf32, #tpu.memory_space<hbm>>)
      tpu.yield
    }) : () -> ()
    return
  }
}

</mosaic_0001>

<sc_bundles>
// kernel: kernel.4.cloned.1.call-start
scs
__scs_entry_jumppad:
0x0: {  	(pc) =	sbr.rel $0x88, $3  }
0x1: {  	(tag) =	ssettag $0x0;
	lr =	simm.s32 $0x1  }
0x2: {  	[smem:$0x3F9C] =	sst lr;
	_ =	strace $0xD0000000  }
0x3: {  	_ = 	snop  }
0x4: {  	_ = 	snop  }
0x5: {  	_ = 	snop  }
0x6: {  	_ = 	snop  }
0x7: {  	_ = 	snop  }
__scs_overlays_trampoline_lowered:
0x8: {  	[smem:$0x3FAB] =	sst s0  }
0x9: {  	[smem:$0x3FAC] =	sst s1  }
0xa: {  	[smem:$0x3FAD] =	sst s2  }
0xb: {  	[smem:$0x3FAE] =	sst s3  }
0xc: {  	[smem:$0x3FAF] =	sst s4  }
0xd: {  	[smem:$0x3FB0] =	sst s5  }
0xe: {  	[smem:$0x3FB1] =	sst s6  }
0xf: {  	[smem:$0x3FB2] =	sst s7  }
0x10: {  	[smem:$0x3FB3] =	sst s8  }
0x11: {  	[smem:$0x3FB4] =	sst s9;
	s0 =	simm.s32 @!p0 $0x0  }
0x12: {  	s1 =	sld [smem:$0x3F9A];
	s0 =	simm.s32 @p0 $0x1  }
0x13: {  	[smem:$0x3FB5] =	sst s0;
	s0 =	simm.s32 @!p1 $0x0  }
0x14: {  	s2 =	sld [smem:$0x3F99];
	s0 =	simm.s32 @p1 $0x1  }
0x15: {  	[smem:$0x3FB6] =	sst s0;
	s0 =	simm.s32 @!p2 $0x0  }
0x16: {  	s3 =	sld [smem:$0x3FDB];
	s0 =	simm.s32 @p2 $0x1  }
0x17: {  	s4 =	simm.s32 $0x1BF5;
	[smem:$0x3FB8] =	sst s0  }
0x18: {  	s0 =	sld [smem:$0x3F9B];
	_ =	swait.ge [sflag:s4], $0x0  }
0x19: {  	s7 =	sld [smem:$0x3F9C]  }
0x1a: {  	s8 =	sadd.s32 $0xFFFFE003, lr  }
0x1b: {  	s9 =	sadd.s32 $0xFFFFFEF7, lr;
	s5 =	simm.s32 $0xFFFFFFFF;
	p2 =	slt.u32 s8, $0xFFFFF086  }
0x1c: {  	p1 =	slt.u32 s9, $0xF7A;
	s5 =	simm.s32 @!p2 $0x0  }
0x1d: {  	s5 =	simm.s32 @p1 $0x1;
	p0 =	seq.s32 s7, s2  }
0x1e: {  	s7 =	smul.u32 @!p0 $0xF7A, s2;
	p2 =	seq.s32 @!p0 s5, $0x0  }
0x1f: {  	s9 =	smul.u32 $0xF7A, s1;
	s8 =	simm.s32 @!p0 $0x1BF5;
	p2 =	por !p2, p0  }
0x20: {  	[sflag:s8] =	ssyncset.s32 @!p0 $0xFFFFF086;
	s6 =	sadd.s32 @!p0 s3, s7;
	s7 =	simm.s32 @!p0 $0x108  }
0x21: {  	s3 =	sadd.s32 s3, s9;
	s6 =	sadd.s32 @!p0 $0x88, s6;
	s7 =	simm.s32 @p2 $0x1082  }
0x22: {  	[simem:s7], [sflag:s8] =	dma.local @!p0 [hbm:s6], $0xF7A  }
0x23: {  	s9 =	sor.u32 $0xD0000000, s2;
	s6 =	simm.s32 $0x108;
	_ =	swait.ge @!p0 [sflag:s8], $0x0  }
0x24: {  	s3 =	sadd.s32 $0x88, s3;
	s6 =	simm.s32 @!p1 $0x1082;
	[sflag:s4] =	ssyncset.s32 $0xFFFFF086  }
0x25: {  	[simem:s6], [sflag:s4] =	dma.local [hbm:s3], $0xF7A  }
0x26: {  	[smem:$0x3F9C] =	sst s1;
	(tag) =	ssettag s2;
	_ =	strace s9  }
0x27: {  	s1 =	sld [smem:$0x3FAC]  }
0x28: {  	s2 =	sld [smem:$0x3FAD]  }
0x29: {  	s4 =	sld [smem:$0x3FAF]  }
0x2a: {  	p0 =	seq.s32 s5, $0x0;
	s5 =	sld [smem:$0x3FB0]  }
0x2b: {  	s6 =	sld [smem:$0x3FB1]  }
0x2c: {  	s7 =	sld [smem:$0x3FB2]  }
0x2d: {  	s3 =	simm.s32 $0x108;
	s8 =	sld [smem:$0x3FB3]  }
0x2e: {  	s3 =	simm.s32 @!p0 $0x1082;
	s9 =	sld [smem:$0x3FB4]  }
0x2f: {  	lr =	sadd.s32 s0, s3;
	s0 =	sld [smem:$0x3FAB]  }
0x30: {  	s3 =	sld [smem:$0x3FAE]  }
0x31: {  	[smem:$0x3FB7] =	sst s10  }
0x32: {  	s10 =	sld [smem:$0x3FB5];
	_ =	sdelay $0x3  }
0x33: {  	p0 =	seq.s32 s10, $0x1;
	s10 =	sld [smem:$0x3FB7];
	_ =	sdelay $0x3  }
0x34: {  	[smem:$0x3FB7] =	sst s10  }
0x35: {  	s10 =	sld [smem:$0x3FB6];
	_ =	sdelay $0x3  }
0x36: {  	p1 =	seq.s32 s10, $0x1;
	s10 =	sld [smem:$0x3FB7];
	_ =	sdelay $0x3  }
0x37: {  	[smem:$0x3FB7] =	sst s10  }
0x38: {  	s10 =	sld [smem:$0x3FB8]  }
0x39: {  	_ = 	snop;
	(pc) =	sbr.ind lr, $3  }
0x3a: {  	_ = 	snop  }
0x3b: {  	_ = 	snop  }
0x3c: {  	p2 =	seq.s32 s10, $0x1;
	s10 =	sld [smem:$0x3FB7]  }
0x3d: {  	_ =	shalt  }
0x3e: {  	_ =	shalt  }
0x3f: {  	_ =	shalt  }
0x40: {  	_ =	shalt  }
0x41: {  	_ =	shalt  }
0x42: {  	_ =	shalt  }
0x43: {  	_ =	shalt  }
0x44: {  	_ =	shalt  }
0x45: {  	_ =	shalt  }
0x46: {  	_ =	shalt  }
0x47: {  	_ =	shalt  }
0x48: {  	_ =	shalt  }
0x49: {  	_ =	shalt  }
0x4a: {  	_ =	shalt  }
0x4b: {  	_ =	shalt  }
0x4c: {  	_ =	shalt  }
0x4d: {  	_ =	shalt  }
0x4e: {  	_ =	shalt  }
0x4f: {  	_ =	shalt  }
0x50: {  	_ =	shalt  }
0x51: {  	_ =	shalt  }
0x52: {  	_ =	shalt  }
0x53: {  	_ =	shalt  }
0x54: {  	_ =	shalt  }
0x55: {  	_ =	shalt  }
0x56: {  	_ =	shalt  }
0x57: {  	_ =	shalt  }
0x58: {  	_ =	shalt  }
0x59: {  	_ =	shalt  }
0x5a: {  	_ =	shalt  }
0x5b: {  	_ =	shalt  }
0x5c: {  	_ =	shalt  }
0x5d: {  	_ =	shalt  }
0x5e: {  	_ =	shalt  }
0x5f: {  	_ =	shalt  }
0x60: {  	_ =	shalt  }
0x61: {  	_ =	shalt  }
0x62: {  	_ =	shalt  }
0x63: {  	_ =	shalt  }
0x64: {  	_ =	shalt  }
0x65: {  	_ =	shalt  }
0x66: {  	_ =	shalt  }
0x67: {  	_ =	shalt  }
0x68: {  	_ =	shalt  }
0x69: {  	_ =	shalt  }
0x6a: {  	_ =	shalt  }
0x6b: {  	_ =	shalt  }
0x6c: {  	_ =	shalt  }
0x6d: {  	_ =	shalt  }
0x6e: {  	_ =	shalt  }
0x6f: {  	_ =	shalt  }
0x70: {  	_ =	shalt  }
0x71: {  	_ =	shalt  }
0x72: {  	_ =	shalt  }
0x73: {  	_ =	shalt  }
0x74: {  	_ =	shalt  }
0x75: {  	_ =	shalt  }
0x76: {  	_ =	shalt  }
0x77: {  	_ =	shalt  }
0x78: {  	_ =	shalt  }
0x79: {  	_ =	shalt  }
0x7a: {  	_ =	shalt  }
0x7b: {  	_ =	shalt  }
0x7c: {  	_ =	shalt  }
0x7d: {  	_ =	shalt  }
0x7e: {  	_ =	shalt  }
0x7f: {  	_ =	shalt  }
0x80: {  	_ =	shalt  }
0x81: {  	_ =	shalt  }
0x82: {  	_ =	shalt  }
0x83: {  	_ =	shalt  }
0x84: {  	_ =	shalt  }
0x85: {  	_ =	shalt  }
0x86: {  	_ =	shalt  }
0x87: {  	_ =	shalt  }
.Lfunc_end0:
.L_simem_size_0:
called_computation_lowered:
.L_overlay_start_0:
0x88: {  	s2 =	sld [smem:$0x3FD9]  }
0x89: {  	s3 =	sld [smem:$0x3FFE];
	_ =	sdelay $0x1  }
0x8a: {  	s1 =	srdreg.scid  }
0x8b: {  	s0 =	sand.u32 $0x1, s1  }
0x8c: {  	s17 =	sshll.u32 s0, $0xA;
	s2 =	sadd.s32 s3, s2  }
0x8d: {  	s2 =	sadd.s32 s2, s17  }
0x8e: {  	[smem:$0x3FC3] =	sst s2  }
0x8f: {  	_ = 	snop  }
0x90: {  	s2 =	sld [smem:$0x3FC7]  }
0x91: {  	s18 =	sld [smem:$0x3FD0];
	(tm) =	ssettm $0x1  }
0x92: {  	s4 =	sld [smem:$0x3FFB];
	_ =	sdelay $0x3  }
0x93: {  	_ =	strace s4  }
0x94: {  	s4 =	sld [smem:$0x3FFC];
	_ =	sdelay $0x3  }
0x95: {  	_ =	strace s4  }
0x96: {  	s4 =	sld [smem:$0x3FFD];
	_ =	sdelay $0x3  }
0x97: {  	_ =	strace s4  }
0x98: {  	_ =	strace $0x8FFFFFFF  }
0x99: {  	s19 =	sld [smem:$0x3FDB];
	_ =	sdelay $0x1  }
0x9a: {  	s5 =	simm.s32 $_scs_section_size  }
0x9b: {  	s6 =	simm.s32 $_size__tile_overlayer_lowered;
	s7 =	simm.s32 $_tile_overlayer_lowered  }
0x9c: {  	s22 =	simm.s32 $0x1BFF;
	s21 =	sshll.u32 s7, $0x1;
	s4 =	sadd.s32 s5, s19  }
0x9d: {  	s8 =	simm.s32 $0x0;
	s20 =	sshll.u32 s6, $0x1;
	s6 =	sadd.s32 s21, s4  }
0x9e: {  	[timem:s8], [sflag:s22] =	dma.local [hbm:s6], s20  }
0x9f: {  	_ =	swait.ge [sflag:s22], s20  }
0xa0: {  	s5 =	ssub.s32 $0x0, s20;
	[sflag:s22] =	ssyncset.done $0x0  }
0xa1: {  	[sflag:s22] =	ssyncadd.s32 s5;
	_ =	sdelay $0x1  }
0xa2: {  	s23 =	simm.s32 $0x1B8B  }
0xa3: {  	_ =	swait.ge [sflag:s23], $0x1  }
0xa4: {  	[sflag:s23] =	ssyncset.done $0x0  }
0xa5: {  	s25 =	simm.s32 $0x1B8E;
	s24 =	sld [smem:$0x3FFE];
	[sflag:s23] =	ssyncadd.s32 $0xFFFFFFFF  }
0xa6: {  	s26 =	simm.s32 $execute0_lowered;
	[smem:$0x3FD2] =	sst s25  }
0xa7: {  	s6 =	sshll.u32 s26, $0x1;
	_ =	strace $0x80000046;
	[dreg:$0x1] =	wrdreg $0xFFFFFFFF  }
0xa8: {  	s28 =	simm.s32 $_size_execute0_lowered;
	s4 =	sadd.s32 s4, s6;
	[dreg:$0x0] =	wrdreg $0x0  }
0xa9: {  	s6 =	sshll.u32 s28, $0x1;
	[dreg:$0x2] =	wrdreg s4  }
0xaa: {  	[dreg:$0x3] =	wrdreg s6  }
0xab: {  	[dreg:$0x4] =	wrdreg $0xC0  }
0xac: {  	_ =	task [dreg:s8], $0x5FFFF  }
0xad: {  	[dreg:$0x1] =	wrdreg $0xFFFFFFFF  }
0xae: {  	[dreg:$0x0] =	wrdreg $0x60  }
0xaf: {  	[dreg:$0x2] =	wrdreg s2  }
0xb0: {  	[dreg:$0x3] =	wrdreg s18  }
0xb1: {  	[dreg:$0x4] =	wrdreg s24  }
0xb2: {  	[dreg:$0x5] =	wrdreg $0x9  }
0xb3: {  	_ =	task.clear_ibuf [dreg:s8], $0x6FFFF;
	_ =	strace $0x90000046  }
0xb4: {  	s29 =	simm.s32 $0x9;
	_ =	strace $0x80000048  }
0xb5: {  	_ =	swait.ge [sflag:s29], $0x1  }
0xb6: {  	[sflag:s29] =	ssyncadd.s32 $0xFFFFFFFF  }
0xb7: {  	_ =	strace $0x90000048  }
0xb8: {  	_ =	sfence  }
0xb9: {  	s30 =	sld [smem:$0x0];
	_ =	sdelay $0x2  }
0xba: {  	s31 =	sshll.u32 s1, $0xD;
	s1 =	sshrl.u32 s1, $0x2  }
0xbb: {  	s3 =	sand.u32 $0x4000, s31;
	s1 =	sadd.s32 s1, s30  }
0xbc: {  	s0 =	sor.u32 s3, s0;
	s1 =	sshll.u32 s1, $0x11  }
0xbd: {  	s0 =	sor.u32 s1, s0  }
0xbe: {  	s0 =	sadd.s32 $0x8F2B, s0  }
0xbf: {  	[sflag:s0] =	ssyncadd.remote.s32 $0x1  }
0xc0: {  	_ =	sfence.sel $0xFFFF  }
0xc1: {  	[dreg:$0x0] =	wrdreg $0xFFFFFFFF;
	(pc) =	sbr.abs _section_cstart, $3  }
0xc2: {  	[dreg:$0x1] =	wrdreg $0xFFFFFFFF  }
0xc3: {  	_ =	task.clear_ibuf [dreg:s8], $0x2FFFF;
	_ =	strace $0x9FFFFFFF  }
0xc4: {  	(tm) =	ssettm $0x7FFFFFFF  }
0xc5: {  	_ =	shalt  }
tec
execute0_lowered:
.L_overlay_start_1:
0x0: {  	(tag) =	ssettag $0x1  }
0x1: {  	v0 =	vimm.s32 $0x1780;
	vm15 =	vcmask $0x300  }
0x2: {  	vm14 =	vcmask $0x704;
	vm13 =	vcmask $0xB08;
	vm12 =	vcmask $0xF0C  }
0x3: {  	vm11 =	vcmask $0x1310;
	vm10 =	vcmask $0x1714;
	vm9 =	vcmask $0x1B18  }
0x4: {  	vm8 =	vcmask $0x1F1C;
	vm7 =	vcmask $0x2320;
	vm6 =	vcmask $0x2724  }
0x5: {  	vm5 =	vcmask $0x2B28;
	vm4 =	vcmask $0x2F2C;
	vm3 =	vcmask $0x3330  }
0x6: {  	vm2 =	vcmask $0x3734;
	vm1 =	vcmask $0x3B38;
	v3 =	vimm.s32 $0x3F80  }
0x7: {  	v4 =	vimm.s32 $0x6780;
	v5 =	vimm.s32 $0x8F80;
	v0 =	vsel vm15, $0x0, v0  }
0x8: {  	s0 =	srdreg.scid;
	s3 =	stileid.u32;
	v3 =	vsel vm15, $0x2800, v3;
	v4 =	vsel vm15, $0x5000, v4;
	v5 =	vsel vm15, $0x7800, v5  }
0x9: {  	s0 =	sand.u32 $0x1, s0;
	s1 =	sshll.u32 s3, $0x1;
	v0 =	vsel vm14, $0x80, v0;
	v3 =	vsel vm14, $0x2880, v3;
	v4 =	vsel vm14, $0x5080, v4  }
0xa: {  	s2 =	sor.u32 s0, s1;
	v5 =	vsel vm14, $0x7880, v5;
	v0 =	vsel vm13, $0x100, v0;
	v3 =	vsel vm13, $0x2900, v3  }
0xb: {  	s1 =	sand.u32 $0xF, s2;
	v4 =	vsel vm13, $0x5100, v4;
	v5 =	vsel vm13, $0x7900, v5;
	v0 =	vsel vm12, $0x180, v0  }
0xc: {  	v1 =	vmov s1;
	v3 =	vsel vm12, $0x2980, v3;
	v4 =	vsel vm12, $0x5180, v4  }
0xd: {  	v5 =	vsel vm12, $0x7980, v5;
	v0 =	vsel vm11, $0x200, v0;
	v3 =	vsel vm11, $0x2A00, v3  }
0xe: {  	v4 =	vsel vm11, $0x5200, v4;
	v5 =	vsel vm11, $0x7A00, v5;
	v0 =	vsel vm10, $0x280, v0  }
0xf: {  	v3 =	vsel vm10, $0x2A80, v3;
	v4 =	vsel vm10, $0x5280, v4;
	v5 =	vsel vm10, $0x7A80, v5  }
0x10: {  	v0 =	vsel vm9, $0x300, v0;
	v3 =	vsel vm9, $0x2B00, v3;
	v4 =	vsel vm9, $0x5300, v4  }
0x11: {  	s4 =	rddreg [dreg:$0x2];
	s5 =	simm.s32 $0x0;
	s21 =	simm.s32 $0x2;
	v5 =	vsel vm9, $0x7B00, v5;
	v0 =	vsel vm8, $0x380, v0;
	v3 =	vsel vm8, $0x2B80, v3  }
0x12: {  	s22 =	simm.s32 $0xB00;
	s20 =	simm.s32 $0x1EB00;
	[smem:$0x7FF] =	sst s5;
	v4 =	vsel vm8, $0x5380, v4;
	v5 =	vsel vm8, $0x7B80, v5;
	v0 =	vsel vm7, $0x1400, v0  }
0x13: {  	s25 =	sadd.s32 $0x1400, s4;
	s28 =	sadd.s32 $0x1200, s4;
	s2 =	smul.u32 $0x7A1, s2;
	v3 =	vsel vm7, $0x3C00, v3;
	v4 =	vsel vm7, $0x6400, v4;
	v5 =	vsel vm7, $0x8C00, v5  }
0x14: {  	s14 =	sadd.s32 $0x2600, s4;
	s31 =	sshll.u32 s3, $0x3;
	s4 =	simm.s32 $0x80;
	v0 =	vsel vm6, $0x1480, v0;
	v3 =	vsel vm6, $0x3C80, v3;
	v4 =	vsel vm6, $0x6480, v4  }
0x15: {  	s0 =	ssub.s32 $0x2, s0;
	s1 =	rddreg [dreg:$0x0];
	s6 =	sshrl.u32 s2, $0x5;
	v5 =	vsel vm6, $0x8C80, v5;
	v0 =	vsel vm5, $0x1500, v0;
	v3 =	vsel vm5, $0x3D00, v3  }
0x16: {  	_ =	strace $0x80000047;
	[dreg:$0x5] =	wrdreg s25;
	s7 =	sshll.u32 s6, $0x9;
	v4 =	vsel vm5, $0x6500, v4;
	v5 =	vsel vm5, $0x8D00, v5;
	v0 =	vsel vm4, $0x1580, v0  }
0x17: {  	s30 =	sshrl.u32 s0, $0x1;
	[dreg:$0x7] =	wrdreg s28;
	s8 =	sadd.s32 s1, s7;
	v3 =	vsel vm4, $0x3D80, v3;
	v4 =	vsel vm4, $0x6580, v4;
	v5 =	vsel vm4, $0x8D80, v5  }
0x18: {  	s0 =	ssub.s32 s0, s30;
	s25 =	simm.s32 $0x0;
	s24 =	sadd.s32 $0x1E8500, s8;
	v2 =	vsel vm3, $0x1600, v0;
	v0 =	vlaneseq.u32;
	v3 =	vsel vm3, $0x3E00, v3  }
.Ltmp0:
0x19: {  	s2 =	sand.u32 $0x40, s31;
	s26 =	sadd.s32 $0x2DC780, s8;
	v4 =	vsel vm3, $0x6600, v4;
	v5 =	vsel vm3, $0x8E00, v5;
	v2 =	vsel vm2, $0x1680, v2;
	(pc) =	sbr.rel .LBB2_1-.Ltmp0, $4  }
0x1a: {  	s19 =	smax.u32 s0, $0x1;
	s29 =	sadd.s32 $0x3D0A00, s8;
	s15 =	sadd.s32 $0x4C4C80, s8;
	vm0 =	veq.s32 v1, v0;
	v1 =	vimm.s32 $0x8000;
	v3 =	vsel vm2, $0x3E80, v3  }
0x1b: {  	s23 =	sshrl.u32 s2, $0x2;
	s16 =	sadd.s32 $0x5B8F00, s8;
	[dreg:$0x4] =	wrdreg s24;
	v4 =	vsel vm2, $0x6680, v4;
	v5 =	vsel vm2, $0x8E80, v5;
	v6 =	vor.u32 $0x10, v0  }
0x1c: {  	s17 =	sadd.s32 $0xF4280, s8;
	s18 =	sadd.s32 $0x6AD180, s8;
	[dreg:$0x6] =	wrdreg s26;
	v7 =	vor.u32 $0x20, v0;
	v8 =	vor.u32 $0x30, v0;
	v2 =	vsel vm1, $0x1700, v2  }
0x1d: {  	[dreg:$0x8] =	wrdreg s29;
	s24 =	simm.s32 $0x1;
	s26 =	simm.s32 $0x2B00;
	v3 =	vsel vm1, $0x3F00, v3;
	v4 =	vsel vm1, $0x6700, v4;
	v5 =	vsel vm1, $0x8F00, v5  }
.LBB2_16:
0x1e: {  	p0 =	sge.s32 s29, s28  }
0x1f: {  	s0 =	sand.u32 @!p0 $0x80, s29  }
0x20: {  	v9 =	vmov @!p0 s0  }
0x21: {  	v10 =	vlaneseq.u32 @!p0;
	v11 =	vor.u32 @!p0 $0x10, v9  }
0x22: {  	s9 =	simm.s32 @!p0 $0x80;
	v14 =	vimm.s32 @!p0 $0x8000;
	s2 =	sshll.u32 @!p0 s0, $0x7;
	v13 =	vor.u32 @!p0 $0x20, v9;
	v11 =	vbroadcast @!p0 v11, $0x0  }
0x23: {  	s3 =	sor.u32 @!p0 $0x1EB00, s0;
	v12 =	vor.u32 @!p0 s0, v10;
	s0 =	simm.s32 @!p0 $0x2;
	s2 =	sadd.s32 @!p0 $0x16B00, s2;
	v15 =	vor.u32 @!p0 $0x30, v9;
	v13 =	vbroadcast @!p0 v13, $0x0  }
0x24: {  	v16 =	vor.u32 @!p0 $0x40, v9;
	[hbm4b:s14+s9] =	stream.indirect.scatter @!p0 [tilespmem:s2], [sflag:$0x2], $0x80, s3, s9, $0xb8;
	v15 =	vbroadcast @!p0 v15, $0x0;
	v11 =	vor.u32 @!p0 v10, v11;
	[tilespmem:$0x1EC80] =	vst v63  }
0x25: {  	v17 =	vor.u32 @!p0 $0x50, v9;
	v16 =	vbroadcast @!p0 v16, $0x0;
	_ =	swait.ge @!p0 [sflag:s0], $0x4000;
	v13 =	vor.u32 @!p0 v10, v13  }
0x26: {  	v18 =	vor.u32 @!p0 $0x60, v9;
	v17 =	vbroadcast @!p0 v17, $0x0;
	[sflag:s0] =	ssyncset.done @!p0 $0x0;
	v15 =	vor.u32 @!p0 v10, v15  }
0x27: {  	v9 =	vor.u32 @!p0 $0x70, v9;
	v18 =	vbroadcast @!p0 v18, $0x0;
	v16 =	vor.u32 @!p0 v10, v16;
	[sflag:s0] =	ssyncadd.s32 @!p0 $0xFFFFC000;
	s0 =	simm.s32 @!p0 $0x1EB00  }
0x28: {  	v9 =	vbroadcast @!p0 v9, $0x0;
	[tilespmem:v12+s0+$0x0] =	vst.idx.msk @!p0 $0xffff, v14;
	v12 =	vor.u32 @!p0 v10, v17  }
0x29: {  	[tilespmem:v11+s0+$0x0] =	vst.idx.msk @!p0 $0xffff, v14;
	v11 =	vor.u32 @!p0 v10, v18  }
0x2a: {  	s2 =	sadd.s32 $0x80, s29;
	v9 =	vor.u32 @!p0 v10, v9;
	[tilespmem:v13+s0+$0x0] =	vst.idx.msk @!p0 $0xffff, v14  }
0x2b: {  	p1 =	sge.s32 s2, s28;
	[tilespmem:v15+s0+$0x0] =	vst.idx.msk @!p0 $0xffff, v14  }
0x2c: {  	s2 =	sand.u32 @!p1 $0x80, s2;
	[tilespmem:v16+s0+$0x0] =	vst.idx.msk @!p0 $0xffff, v14  }
0x2d: {  	v10 =	vmov @!p1 s2;
	[tilespmem:v12+s0+$0x0] =	vst.idx.msk @!p0 $0xffff, v14  }
0x2e: {  	s3 =	sshll.u32 @!p1 s2, $0x7;
	v13 =	vor.u32 @!p1 $0x20, v10;
	v12 =	vor.u32 @!p1 $0x10, v10;
	[tilespmem:v11+s0+$0x0] =	vst.idx.msk @!p0 $0xffff, v14  }
0x2f: {  	s9 =	simm.s32 @!p1 $0x80;
	v17 =	vor.u32 @!p1 $0x50, v10;
	v11 =	vlaneseq.u32 @!p1;
	v12 =	vbroadcast @!p1 v12, $0x0;
	[tilespmem:v9+s0+$0x0] =	vst.idx.msk @!p0 $0xffff, v14;
	s0 =	sadd.s32 @!p1 $0x16B00, s3;
	s3 =	sor.u32 @!p1 $0x1EB00, s2  }
0x30: {  	v13 =	vbroadcast @!p1 v13, $0x0;
	v15 =	vor.u32 @!p1 $0x30, v10;
	v9 =	vor.u32 @!p1 s2, v11;
	[hbm4b:s14+s9] =	stream.indirect.scatter @!p1 [tilespmem:s0], [sflag:$0x2], $0x80, s3, s9, $0xb8;
	[tilespmem:$0x1EC80] =	vst v63  }
0x31: {  	v15 =	vbroadcast @!p1 v15, $0x0;
	v16 =	vor.u32 @!p1 $0x40, v10;
	s0 =	simm.s32 @!p1 $0x2;
	v12 =	vor.u32 @!p1 v11, v12  }
0x32: {  	v18 =	vor.u32 @!p1 $0x60, v10;
	v16 =	vbroadcast @!p1 v16, $0x0;
	v13 =	vor.u32 @!p1 v11, v13;
	_ =	swait.ge @!p1 [sflag:s0], $0x4000  }
0x33: {  	v17 =	vbroadcast @!p1 v17, $0x0;
	v18 =	vbroadcast @!p1 v18, $0x0;
	v15 =	vor.u32 @!p1 v11, v15;
	[sflag:s0] =	ssyncset.done @!p1 $0x0  }
0x34: {  	v10 =	vor.u32 @!p1 $0x70, v10;
	v14 =	vimm.s32 @!p1 $0x8000;
	v16 =	vor.u32 @!p1 v11, v16;
	[sflag:s0] =	ssyncadd.s32 @!p1 $0xFFFFC000;
	s0 =	simm.s32 @!p1 $0x1EB00  }
0x35: {  	v10 =	vbroadcast @!p1 v10, $0x0;
	[tilespmem:v9+s0+$0x0] =	vst.idx.msk @!p1 $0xffff, v14;
	v9 =	vor.u32 @!p1 v11, v17  }
0x36: {  	s25 =	sadd.s32 $0x1, s25;
	[tilespmem:v12+s0+$0x0] =	vst.idx.msk @!p1 $0xffff, v14;
	v12 =	vor.u32 @!p1 v11, v18  }
0x37: {  	p0 =	sne.s32 s25, s19;
	v10 =	vor.u32 @!p1 v11, v10;
	[tilespmem:v13+s0+$0x0] =	vst.idx.msk @!p1 $0xffff, v14  }
.Ltmp1:
0x38: {  	[tilespmem:v15+s0+$0x0] =	vst.idx.msk @!p1 $0xffff, v14;
	(pc) =	sbr.rel @!p0 .LBB2_17-.Ltmp1, $4  }
0x39: {  	[tilespmem:v16+s0+$0x0] =	vst.idx.msk @!p1 $0xffff, v14  }
0x3a: {  	[tilespmem:v9+s0+$0x0] =	vst.idx.msk @!p1 $0xffff, v14  }
0x3b: {  	[tilespmem:v12+s0+$0x0] =	vst.idx.msk @!p1 $0xffff, v14  }
0x3c: {  	[tilespmem:v10+s0+$0x0] =	vst.idx.msk @!p1 $0xffff, v14  }
.LBB2_1:
0x3d: {  	s0 =	rddreg [dreg:$0x7];
	s2 =	simm.s32 $0x1EC00  }
0x3e: {  	[tilespmem:s2], [sflag:$0x2] =	stream.linear.gather [hbm4b:s0+s5], $0x80, $0x38;
	[tilespmem:$0x1EC80] =	vst v63  }
0x3f: {  	_ =	swait.ge [sflag:s21], $0x80  }
0x40: {  	[sflag:s21] =	ssyncset.done $0x0  }
0x41: {  	[sflag:s21] =	ssyncadd.s32 $0xFFFFFF80  }
0x42: {  	s29 =	rddreg [dreg:$0x1]  }
0x43: {  	[tilespmem:s22], [sflag:$0x2] =	stream.linear.gather [hbm4b:s29+s5], $0x2000, $0x38;
	[tilespmem:$0x1EC80] =	vst v63  }
0x44: {  	_ =	swait.ge [sflag:s21], $0x2000  }
0x45: {  	[sflag:s21] =	ssyncset.done $0x0  }
0x46: {  	[sflag:s21] =	ssyncadd.s32 $0xFFFFE000  }
0x47: {  	v9 =	vld [tilespmem:s23+$0x1EC00];
	_ =	sdelay $0x4  }
0x48: {  	v9 =	vnsel vm0, $0x0, v9  }
0x49: {  	(xrf0) =	vadd.scan.msk.s32 $0xffff, v9;
	_ =	sdelay $0x5  }
0x4a: {  	v9, _, _ =	vpop (xrf0)  }
0x4b: {  	(v2sf) =	vpush v9, $0xF;
	_ =	sdelay $0xe  }
0x4c: {  	s30 =	spop (v2sf)  }
0x4d: {  	s10 =	sand.u32 $0x7, s30  }
0x4e: {  	s3 =	sshra.s32 s30, $0x1F;
	p0 =	slt.s32 s30, $0x1;
	p1 =	sne.s32 s10, $0x0  }
0x4f: {  	s11 =	sshrl.u32 s3, $0x1D;
	p0 =	por !p0, !p1  }
0x50: {  	s3 =	simm.s32 $0x1;
	s2 =	sadd.s32 s11, s30;
	p0 =	por !p0, !p0  }
0x51: {  	s2 =	sshra.s32 s2, $0x3;
	s3 =	simm.s32 @!p0 $0x0  }
0x52: {  	s2 =	ssub.s32 s2, s3  }
0x53: {  	s9 =	rddreg [dreg:$0x2];
	s3 =	sand.u32 $0x1FFFFFFF, s2  }
0x54: {  	s28 =	sadd.s32 s9, s3  }
0x55: {  	[tilespmem:s5], [sflag:$0x2] =	stream.linear.gather [hbm4b:s28+s5], $0x518, $0x38;
	[tilespmem:$0x1EC80] =	vst v63  }
0x56: {  	_ =	swait.ge [sflag:s21], $0x518  }
0x57: {  	[sflag:s21] =	ssyncset.done $0x0;
	s12 =	rddreg [dreg:$0x5]  }
0x58: {  	s13 =	simm.s32 $0x580;
	[sflag:s21] =	ssyncadd.s32 $0xFFFFFAE8;
	s3 =	sadd.s32 s12, s3  }
0x59: {  	[tilespmem:s13], [sflag:$0x2] =	stream.linear.gather [hbm4b:s3+s5], $0x518, $0x38;
	[tilespmem:$0x1EC80] =	vst v63  }
0x5a: {  	_ =	swait.ge [sflag:s21], $0x518  }
0x5b: {  	[sflag:s21] =	ssyncset.done $0x0  }
0x5c: {  	[sflag:s21] =	ssyncadd.s32 $0xFFFFFAE8  }
0x5d: {  	[tilespmem:$0x1EB00] =	vst v1  }
0x5e: {  	[tilespmem:$0x1EB80] =	vst v1  }
0x5f: {  	[tilespmem:$0x1EB10] =	vst v1  }
0x60: {  	s2 =	sshll.u32 s2, $0x3;
	[tilespmem:$0x1EB90] =	vst v1  }
0x61: {  	s28 =	ssub.s32 s30, s2;
	[tilespmem:$0x1EB20] =	vst v1  }
0x62: {  	s0 =	sshra.s32 s28, $0x1F;
	[tilespmem:$0x1EBA0] =	vst v1  }
0x63: {  	s0 =	sshrl.u32 s0, $0x1C;
	[tilespmem:$0x1EB30] =	vst v1  }
0x64: {  	s0 =	sadd.s32 s0, s28;
	[tilespmem:$0x1EBB0] =	vst v1  }
0x65: {  	s29 =	sand.u32 $0xFFFFFFF0, s0;
	[tilespmem:$0x1EB40] =	vst v1  }
0x66: {  	p5 =	slt.s32 s28, $0x1;
	p6 =	sne.s32 s28, s29;
	[tilespmem:$0x1EBC0] =	vst v1  }
0x67: {  	p0 =	por !p5, !p6;
	[tilespmem:$0x1EB50] =	vst v1  }
0x68: {  	s2 =	simm.s32 $0x1;
	p0 =	por !p0, !p0;
	[tilespmem:$0x1EBD0] =	vst v1  }
0x69: {  	s0 =	sshrl.u32 s0, $0x4;
	[tilespmem:$0x1EB60] =	vst v1;
	s2 =	simm.s32 @!p0 $0x0  }
0x6a: {  	[tilespmem:$0x1EBE0] =	vst v1;
	s0 =	ssub.s32 s0, s2  }
0x6b: {  	[tilespmem:$0x1EB70] =	vst v1;
	s0 =	sshll.u32 s0, $0x6  }
0x6c: {  	[tilespmem:$0x1EBF0] =	vst v1;
	s0 =	sshra.s32 s0, $0x2  }
0x6d: {  	v9 =	vld [tilespmem:s0+$0x0];
	_ =	sdelay $0x1  }
0x6e: {  	s30 =	sand.u32 $0xF, s28  }
0x6f: {  	v10 =	vmov s30  }
0x70: {  	vm1 =	veq.s32 v10, v0  }
0x71: {  	v9 =	vnsel vm1, $0x0, v9  }
0x72: {  	(xrf0) =	vadd.scan.msk.s32 $0xffff, v9;
	_ =	sdelay $0x5  }
0x73: {  	v9, _, _ =	vpop (xrf0)  }
0x74: {  	(v2sf) =	vpush v9, $0xF;
	_ =	sdelay $0xe  }
0x75: {  	s31 =	spop (v2sf)  }
0x76: {  	p0 =	sge.s32 s31, s7  }
.Ltmp2:
0x77: {  	_ = 	snop;
	(pc) =	sbr.rel @p0 .LBB2_3-.Ltmp2, $1  }
0x78: {  	_ =	sdelay $0x3  }
.LBB2_2:
0x79: {  	s0 =	sadd.s32 $0x1, s28  }
0x7a: {  	s2 =	sshra.s32 s0, $0x1F  }
0x7b: {  	p0 =	slt.u32 s28, $0x7FFFFFFF;
	s28 =	simm.s32 $0x1;
	s3 =	sshrl.u32 s2, $0x1C  }
0x7c: {  	s28 =	simm.s32 @!p0 $0x0;
	s3 =	sadd.s32 s3, s0  }
0x7d: {  	s2 =	sadd.s32 s28, s2;
	s28 =	sand.u32 $0xFFFFFFF0, s3  }
0x7e: {  	p6 =	sne.s32 s2, $0x1;
	p1 =	sne.s32 s0, s28  }
0x7f: {  	p0 =	por !p1, !p6  }
0x80: {  	s2 =	simm.s32 $0x1;
	p0 =	por !p0, !p0  }
0x81: {  	s3 =	sshrl.u32 s3, $0x4;
	s2 =	simm.s32 @!p0 $0x0  }
0x82: {  	s2 =	ssub.s32 s3, s2  }
0x83: {  	s2 =	sshll.u32 s2, $0x6  }
0x84: {  	s2 =	sshra.s32 s2, $0x2  }
0x85: {  	v9 =	vld [tilespmem:s2+$0x0];
	_ =	sdelay $0x1  }
0x86: {  	s30 =	sand.u32 $0xF, s0  }
0x87: {  	v10 =	vmov s30  }
0x88: {  	vm1 =	veq.s32 v10, v0  }
0x89: {  	v9 =	vnsel vm1, $0x0, v9  }
0x8a: {  	(xrf0) =	vadd.scan.msk.s32 $0xffff, v9;
	_ =	sdelay $0x5  }
0x8b: {  	v9, _, _ =	vpop (xrf0)  }
0x8c: {  	(v2sf) =	vpush v9, $0xF;
	_ =	sdelay $0xe  }
0x8d: {  	s31 =	spop (v2sf)  }
0x8e: {  	p0 =	slt.s32 s31, s7  }
.Ltmp3:
0x8f: {  	_ = 	snop;
	(pc) =	sbr.rel @p0 .LBB2_2-.Ltmp3, $2  }
0x90: {  	_ =	sdelay $0x2  }
0x91: {  	s28 =	smov.u32 s0  }
.LBB2_3:
0x92: {  	s2 =	simm.s32 $0x0;
	s0 =	simm.s32 $0x3F00;
	s11 =	rddreg [dreg:$0x4]  }
0x93: {  	[tilespmem:s26], [sflag:$0x1] =	stream.linear.gather [hbm4b:s8+s2], $0x1000, $0x38;
	[tilespmem:$0x1EC80] =	vst v63  }
0x94: {  	s3 =	simm.s32 $0x5300;
	s12 =	sand.u32 $0x7F, s28;
	s13 =	rddreg [dreg:$0x6]  }
0x95: {  	[tilespmem:s0], [sflag:$0x1] =	stream.linear.gather [hbm4b:s17+s2], $0x1000, $0x38;
	[tilespmem:$0x1EC80] =	vst v63  }
0x96: {  	s9 =	simm.s32 $0x6700;
	s30 =	sshra.s32 s28, $0x1F;
	p0 =	slt.s32 s28, $0x1  }
0x97: {  	[tilespmem:s3], [sflag:$0x1] =	stream.linear.gather [hbm4b:s11+s2], $0x1000, $0x38;
	[tilespmem:$0x1EC80] =	vst v63  }
0x98: {  	s10 =	simm.s32 $0x7B00;
	p1 =	sne.s32 s12, $0x0;
	s12 =	simm.s32 $0x8F00  }
0x99: {  	[tilespmem:s9], [sflag:$0x1] =	stream.linear.gather [hbm4b:s13+s2], $0x1000, $0x38;
	[tilespmem:$0x1EC80] =	vst v63  }
0x9a: {  	p0 =	por !p0, !p1;
	s11 =	sshrl.u32 s30, $0x19;
	s9 =	rddreg [dreg:$0x8]  }
0x9b: {  	[tilespmem:s10], [sflag:$0x1] =	stream.linear.gather [hbm4b:s9+s2], $0x1000, $0x38;
	[tilespmem:$0x1EC80] =	vst v63  }
0x9c: {  	p0 =	por !p0, !p0;
	s3 =	simm.s32 $0x1;
	s0 =	sadd.s32 s11, s28  }
0x9d: {  	[tilespmem:s12], [sflag:$0x1] =	stream.linear.gather [hbm4b:s15+s2], $0x1000, $0x38;
	[tilespmem:$0x1EC80] =	vst v63  }
.Ltmp4:
0x9e: {  	s3 =	simm.s32 @!p0 $0x0;
	s0 =	sshrl.u32 s0, $0x7;
	(pc) =	sbr.rel .LBB2_5-.Ltmp4, $4  }
0x9f: {  	s13 =	simm.s32 $0xA300;
	s0 =	ssub.s32 s0, s3  }
0xa0: {  	[tilespmem:s13], [sflag:$0x1] =	stream.linear.gather [hbm4b:s16+s2], $0x1000, $0x38;
	[tilespmem:$0x1EC80] =	vst v63  }
0xa1: {  	s30 =	simm.s32 $0xB700;
	s29 =	sshll.u32 s0, $0x7  }
0xa2: {  	[tilespmem:s30], [sflag:$0x1] =	stream.linear.gather [hbm4b:s18+s2], $0x1000, $0x38;
	[tilespmem:$0x1EC80] =	vst v63  }
.LBB2_10:
0xa3: {  	_ = 	snop  }
.LBB2_13:
0xa4: {  	_ =	sdelay $0x3  }
0xa5: {  	[tilespmem:v11+s20+$0x0] =	vst.idx.msk @p0 $0xffff, v1  }
0xa6: {  	v11 =	vbroadcast v14, $0x0;
	v61 =	vor.u32 v0, v15;
	[hbm4b:s14+s4] =	stream.indirect.scatter [tilespmem:s3], [sflag:$0x2], $0x80, s0, s4, $0xb8;
	[tilespmem:$0x1EC80] =	vst v63  }
0xa7: {  	v62 =	vor.u32 $0x50, v10;
	v12 =	vor.u32 v0, v12;
	v13 =	vbroadcast v13, $0x0;
	_ =	swait.ge [sflag:s21], $0x4000  }
0xa8: {  	v16 =	vor.u32 $0x60, v10;
	v15 =	vbroadcast v62, $0x0;
	v11 =	vor.u32 v0, v11;
	[sflag:s21] =	ssyncset.done $0x0  }
0xa9: {  	v10 =	vor.u32 $0x70, v10;
	v16 =	vbroadcast v16, $0x0;
	v13 =	vor.u32 v0, v13;
	[sflag:s21] =	ssyncadd.s32 $0xFFFFC000  }
0xaa: {  	v10 =	vbroadcast v10, $0x0;
	[tilespmem:v9+s20+$0x0] =	vst.idx.msk $0xffff, v1;
	v9 =	vor.u32 v0, v15  }
0xab: {  	v63 =	vor.u32 v0, v16;
	[tilespmem:v61+s20+$0x0] =	vst.idx.msk $0xffff, v1  }
0xac: {  	v10 =	vor.u32 v0, v10;
	[tilespmem:v12+s20+$0x0] =	vst.idx.msk $0xffff, v1  }
0xad: {  	[tilespmem:v11+s20+$0x0] =	vst.idx.msk $0xffff, v1  }
0xae: {  	[tilespmem:v13+s20+$0x0] =	vst.idx.msk $0xffff, v1  }
0xaf: {  	[tilespmem:v9+s20+$0x0] =	vst.idx.msk $0xffff, v1  }
0xb0: {  	[tilespmem:v63+s20+$0x0] =	vst.idx.msk $0xffff, v1  }
0xb1: {  	s29 =	sadd.s32 $0x80, s29;
	[tilespmem:v10+s20+$0x0] =	vst.idx.msk $0xffff, v1  }
.LBB2_4:
0xb2: {  	p0 =	seq.s32 s2, $0x3E  }
.Ltmp5:
0xb3: {  	_ = 	snop;
	(pc) =	sbr.rel @p0 .LBB2_14-.Ltmp5, $1  }
0xb4: {  	_ =	sdelay $0x3  }
.LBB2_5:
0xb5: {  	s30 =	smov.u32 s2;
	s2 =	sadd.s32 $0x1, s2  }
0xb6: {  	s0 =	sadd.s32 s6, s2  }
0xb7: {  	s3 =	sand.u32 $0x1, s2;
	p0 =	slt.s32 s0, $0x7A0  }
0xb8: {  	s0 =	simm.s32 @!p0 $0x7A0;
	p0 =	seq.s32 s3, $0x1;
	s3 =	simm.s32 $0xA000  }
0xb9: {  	s3 =	simm.s32 @!p0 $0x0;
	s0 =	sshll.u32 s0, $0x9  }
0xba: {  	s9 =	sadd.s32 $0x2B00, s3;
	s10 =	sadd.s32 s1, s0;
	s0 =	sand.u32 $0x1FFFFE00, s0  }
0xbb: {  	[tilespmem:s9], [sflag:$0x1] =	stream.linear.gather [hbm4b:s10+s5], $0x1000, $0x38;
	[tilespmem:$0x1EC80] =	vst v63  }
0xbc: {  	s0 =	sadd.s32 s1, s0  }
0xbd: {  	s12 =	sadd.s32 $0x3F00, s3;
	s13 =	sadd.s32 $0xF4280, s0  }
0xbe: {  	[tilespmem:s12], [sflag:$0x1] =	stream.linear.gather [hbm4b:s13+s5], $0x1000, $0x38;
	[tilespmem:$0x1EC80] =	vst v63  }
0xbf: {  	s10 =	sor.u32 $0x5300, s3;
	s11 =	sadd.s32 $0x1E8500, s0  }
0xc0: {  	[tilespmem:s10], [sflag:$0x1] =	stream.linear.gather [hbm4b:s11+s5], $0x1000, $0x38;
	[tilespmem:$0x1EC80] =	vst v63  }
0xc1: {  	s12 =	sadd.s32 $0x6700, s3;
	s13 =	sadd.s32 $0x2DC780, s0  }
0xc2: {  	[tilespmem:s12], [sflag:$0x1] =	stream.linear.gather [hbm4b:s13+s5], $0x1000, $0x38;
	[tilespmem:$0x1EC80] =	vst v63  }
0xc3: {  	s10 =	sadd.s32 $0x7B00, s3;
	s11 =	sadd.s32 $0x3D0A00, s0  }
0xc4: {  	[tilespmem:s10], [sflag:$0x1] =	stream.linear.gather [hbm4b:s11+s5], $0x1000, $0x38;
	[tilespmem:$0x1EC80] =	vst v63  }
0xc5: {  	s12 =	sadd.s32 $0x8F00, s3;
	s13 =	sadd.s32 $0x4C4C80, s0  }
0xc6: {  	[tilespmem:s12], [sflag:$0x1] =	stream.linear.gather [hbm4b:s13+s5], $0x1000, $0x38;
	[tilespmem:$0x1EC80] =	vst v63  }
0xc7: {  	s11 =	sadd.s32 $0xA300, s3;
	s12 =	sadd.s32 $0x5B8F00, s0  }
0xc8: {  	[tilespmem:s11], [sflag:$0x1] =	stream.linear.gather [hbm4b:s12+s5], $0x1000, $0x38;
	[tilespmem:$0x1EC80] =	vst v63  }
0xc9: {  	s3 =	sadd.s32 $0xB700, s3;
	s0 =	sadd.s32 $0x6AD180, s0  }
0xca: {  	[tilespmem:s3], [sflag:$0x1] =	stream.linear.gather [hbm4b:s0+s5], $0x1000, $0x38;
	[tilespmem:$0x1EC80] =	vst v63  }
0xcb: {  	_ =	swait.ge [sflag:s24], $0x1000  }
0xcc: {  	[sflag:s24] =	ssyncset.done $0x0  }
0xcd: {  	[sflag:s24] =	ssyncadd.s32 $0xFFFFF000  }
0xce: {  	_ =	swait.ge [sflag:s24], $0x1000  }
0xcf: {  	[sflag:s24] =	ssyncset.done $0x0  }
0xd0: {  	[sflag:s24] =	ssyncadd.s32 $0xFFFFF000  }
0xd1: {  	_ =	swait.ge [sflag:s24], $0x1000  }
0xd2: {  	[sflag:s24] =	ssyncset.done $0x0  }
0xd3: {  	[sflag:s24] =	ssyncadd.s32 $0xFFFFF000  }
0xd4: {  	_ =	swait.ge [sflag:s24], $0x1000  }
0xd5: {  	[sflag:s24] =	ssyncset.done $0x0  }
0xd6: {  	[sflag:s24] =	ssyncadd.s32 $0xFFFFF000  }
0xd7: {  	_ =	swait.ge [sflag:s24], $0x1000  }
0xd8: {  	[sflag:s24] =	ssyncset.done $0x0  }
0xd9: {  	[sflag:s24] =	ssyncadd.s32 $0xFFFFF000  }
0xda: {  	s13 =	sadd.s32 s6, s30;
	_ =	swait.ge [sflag:s24], $0x1000  }
0xdb: {  	s3 =	sshll.u32 s13, $0x9;
	[sflag:s24] =	ssyncset.done $0x0  }
0xdc: {  	s0 =	sadd.s32 $0x200, s3;
	[sflag:s24] =	ssyncadd.s32 $0xFFFFF000  }
0xdd: {  	p0 =	sge.s32 s31, s0;
	_ =	swait.ge [sflag:s24], $0x1000  }
.Ltmp6:
0xde: {  	[sflag:s24] =	ssyncset.done $0x0;
	(pc) =	sbr.rel @p0 .LBB2_8-.Ltmp6, $4  }
0xdf: {  	[sflag:s24] =	ssyncadd.s32 $0xFFFFF000  }
0xe0: {  	_ =	swait.ge [sflag:s24], $0x1000  }
0xe1: {  	[sflag:s24] =	ssyncset.done $0x0  }
0xe2: {  	[sflag:s24] =	ssyncadd.s32 $0xFFFFF000  }
0xe3: {  	s9 =	sand.u32 $0x1, s30  }
0xe4: {  	v9 =	vmov s9  }
0xe5: {  	v9 =	vmul.u32 $0xA000, v9;
	_ =	sdelay $0x1  }
0xe6: {  	v12 =	vbroadcast v9, $0x0;
	_ =	sdelay $0x1  }
0xe7: {  	v9 =	vor.u32 v2, v12  }
0xe8: {  	v10 =	vadd.s32 v3, v12;
	v11 =	vadd.s32 v4, v12;
	v12 =	vadd.s32 v5, v12  }
.LBB2_7:
0xe9: {  	s9 =	ssub.s32 s31, s3  }
0xea: {  	v13 =	vmov s9  }
0xeb: {  	v14 =	vshll.u32 v13, $0x3  }
0xec: {  	v14 =	vand.u32 $0xFFFFFC00, v14  }
0xed: {  	v13 =	vand.u32 $0x7F, v13;
	v15 =	vadd.s32 v9, v14  }
0xee: {  	v15 =	vor.u32 v13, v15;
	_ =	sdelay $0x4  }
0xef: {  	v16 =	vadd.s32 v10, v14;
	v15 =	vld.idx.msk [tilespmem:v15+s26+$0x0], $0xffff  }
0xf0: {  	v16 =	vor.u32 v13, v16;
	_ =	sdelay $0x1  }
0xf1: {  	s10 =	sand.u32 $0xFF, s28  }
0xf2: {  	s30 =	sshll.u32 s10, $0x7  }
0xf3: {  	[tilespmem:s30+$0x16B00] =	vst v15  }
0xf4: {  	v63 =	vadd.s32 v11, v14;
	v15 =	vld.idx.msk [tilespmem:v16+s26+$0x0], $0xffff  }
0xf5: {  	v16 =	vor.u32 v13, v63;
	_ =	sdelay $0x3  }
0xf6: {  	s9 =	smov.u32 s28;
	s28 =	sshra.s32 s28, $0x1F;
	[tilespmem:s30+$0x16B10] =	vst v15  }
0xf7: {  	s28 =	sshrl.u32 s28, $0x1C;
	v14 =	vadd.s32 v12, v14;
	v15 =	vld.idx.msk [tilespmem:v16+s26+$0x0], $0xffff  }
0xf8: {  	s28 =	sadd.s32 s28, s9;
	v13 =	vor.u32 v13, v14  }
0xf9: {  	s31 =	sand.u32 $0xFFFFFFF0, s28  }
0xfa: {  	p0 =	slt.s32 s9, $0x1;
	p1 =	sne.s32 s9, s31  }
0xfb: {  	p0 =	por !p0, !p1  }
0xfc: {  	s31 =	simm.s32 $0x1;
	p0 =	por !p0, !p0;
	[tilespmem:s30+$0x16B20] =	vst v15  }
0xfd: {  	s11 =	sshrl.u32 s28, $0x4;
	s28 =	sadd.s32 $0x1, s9;
	s31 =	simm.s32 @!p0 $0x0;
	v13 =	vld.idx.msk [tilespmem:v13+s26+$0x0], $0xffff  }
0xfe: {  	s11 =	ssub.s32 s11, s31;
	s31 =	sshra.s32 s28, $0x1F  }
0xff: {  	s13 =	simm.s32 $0x1;
	p0 =	slt.u32 s9, $0x7FFFFFFF;
	s12 =	sshrl.u32 s31, $0x1C  }
0x100: {  	s9 =	sand.u32 $0xF, s9;
	s13 =	simm.s32 @!p0 $0x0;
	s12 =	sadd.s32 s12, s28  }
0x101: {  	v14 =	vmov s9;
	s9 =	sshll.u32 s11, $0x6;
	s11 =	sadd.s32 s13, s31;
	s13 =	sand.u32 $0xFFFFFFF0, s12  }
0x102: {  	p5 =	sne.s32 s11, $0x1;
	s9 =	sshra.s32 s9, $0x2;
	vm1 =	veq.s32 v14, v0;
	p6 =	sne.s32 s28, s13;
	[tilespmem:s30+$0x16B30] =	vst v13  }
0x103: {  	v14 =	vmov s10;
	p0 =	por !p6, !p5;
	v13 =	vld [tilespmem:s9+$0x580]  }
0x104: {  	p0 =	por !p0, !p0;
	s9 =	simm.s32 $0x1  }
0x105: {  	s13 =	sshrl.u32 s12, $0x4;
	s9 =	simm.s32 @!p0 $0x0  }
0x106: {  	s9 =	ssub.s32 s13, s9  }
0x107: {  	s9 =	sshll.u32 s9, $0x6  }
0x108: {  	s9 =	sshra.s32 s9, $0x2;
	[tilespmem:v14+s20+$0x0] =	vst.idx.msk vm1, v13  }
0x109: {  	v13 =	vld [tilespmem:s9+$0x0];
	_ =	sdelay $0x1  }
0x10a: {  	s30 =	sand.u32 $0xF, s28  }
0x10b: {  	v14 =	vmov s30  }
0x10c: {  	vm1 =	veq.s32 v14, v0  }
0x10d: {  	v13 =	vnsel vm1, $0x0, v13  }
0x10e: {  	(xrf0) =	vadd.scan.msk.s32 $0xffff, v13;
	_ =	sdelay $0x5  }
0x10f: {  	v13, _, _ =	vpop (xrf0)  }
0x110: {  	(v2sf) =	vpush v13, $0xF;
	_ =	sdelay $0xe  }
0x111: {  	s31 =	spop (v2sf)  }
0x112: {  	p0 =	slt.s32 s31, s0  }
.Ltmp7:
0x113: {  	_ = 	snop;
	(pc) =	sbr.rel @p0 .LBB2_7-.Ltmp7, $1  }
0x114: {  	_ =	sdelay $0x3  }
.LBB2_8:
0x115: {  	s0 =	sadd.s32 $0x80, s29  }
0x116: {  	p0 =	sgt.s32 s0, s28  }
.Ltmp8:
0x117: {  	_ = 	snop;
	(pc) =	sbr.rel @p0 .LBB2_4-.Ltmp8, $1  }
0x118: {  	_ =	sdelay $0x3  }
0x119: {  	s3 =	sadd.s32 $0x100, s29  }
0x11a: {  	p1 =	sgt.s32 s3, s28  }
.Ltmp9:
0x11b: {  	_ = 	snop;
	(pc) =	sbr.rel @p1 .LBB2_10-.Ltmp9, $4  }
0x11c: {  	s0 =	sand.u32 $0x80, s29  }
0x11d: {  	v10 =	vmov s0;
	v9 =	vor.u32 s0, v0  }
0x11e: {  	s9 =	sshll.u32 s0, $0x7;
	v11 =	vor.u32 $0x10, v10;
	v12 =	vor.u32 $0x20, v10;
	v14 =	vor.u32 $0x30, v10  }
0x11f: {  	p0 =	por $0x0, $0x0;
	s0 =	sor.u32 $0x1EB00, s0;
	s3 =	sadd.s32 $0x16B00, s9;
	v13 =	vor.u32 $0x40, v10;
	v15 =	vbroadcast v11, $0x0;
	v12 =	vbroadcast v12, $0x0  }
0x120: {  	_ = 	snop  }
0x121: {  	v11 =	vbroadcast v14, $0x0;
	[hbm4b:s14+s4] =	stream.indirect.scatter [tilespmem:s3], [sflag:$0x2], $0x80, s0, s4, $0xb8;
	v14 =	vor.u32 v0, v15;
	[tilespmem:$0x1EC80] =	vst v63  }
0x122: {  	_ =	swait.ge [sflag:s21], $0x4000;
	v12 =	vor.u32 v0, v12  }
0x123: {  	v13 =	vbroadcast v13, $0x0;
	v15 =	vor.u32 $0x50, v10;
	[sflag:s21] =	ssyncset.done $0x0;
	v11 =	vor.u32 v0, v11  }
0x124: {  	v16 =	vor.u32 $0x60, v10;
	v15 =	vbroadcast v15, $0x0;
	[sflag:s21] =	ssyncadd.s32 $0xFFFFC000  }
0x125: {  	s29 =	sadd.s32 $0x80, s29;
	v16 =	vbroadcast v16, $0x0;
	v13 =	vor.u32 v0, v13;
	[tilespmem:v9+s20+$0x0] =	vst.idx.msk $0xffff, v1;
	v9 =	vor.u32 $0x70, v10  }
0x126: {  	s30 =	sadd.s32 $0x100, s29;
	v15 =	vor.u32 v0, v15;
	v9 =	vbroadcast v9, $0x0;
	[tilespmem:v14+s20+$0x0] =	vst.idx.msk $0xffff, v1  }
0x127: {  	p1 =	sgt.s32 s30, s28;
	v16 =	vor.u32 v0, v16;
	[tilespmem:v12+s20+$0x0] =	vst.idx.msk $0xffff, v1  }
.Ltmp10:
0x128: {  	s13 =	sand.u32 $0x80, s29;
	[tilespmem:v11+s20+$0x0] =	vst.idx.msk $0xffff, v1;
	v11 =	vor.u32 v0, v9;
	(pc) =	sbr.rel @p1 .LBB2_13-.Ltmp10, $4  }
0x129: {  	v10 =	vmov s13  }
0x12a: {  	v14 =	vor.u32 $0x30, v10;
	[tilespmem:v13+s20+$0x0] =	vst.idx.msk $0xffff, v1  }
0x12b: {  	s9 =	sshll.u32 s13, $0x7;
	v12 =	vor.u32 $0x10, v10;
	v9 =	vor.u32 s13, v0;
	v13 =	vor.u32 $0x20, v10;
	[tilespmem:v15+s20+$0x0] =	vst.idx.msk $0xffff, v1  }
0x12c: {  	p0 =	por $0x1, $0x1;
	s0 =	sor.u32 $0x1EB00, s13;
	s3 =	sadd.s32 $0x16B00, s9;
	v15 =	vbroadcast v12, $0x0;
	v12 =	vbroadcast v13, $0x0;
	v13 =	vor.u32 $0x40, v10;
	[tilespmem:v16+s20+$0x0] =	vst.idx.msk $0xffff, v1  }
.LBB2_12:
0x12d: {  	v14 =	vbroadcast v14, $0x0;
	v16 =	vor.u32 $0x50, v10;
	v17 =	vor.u32 $0x60, v10;
	[tilespmem:v11+s20+$0x0] =	vst.idx.msk $0xffff, v1  }
0x12e: {  	v11 =	vor.u32 v0, v15;
	[hbm4b:s14+s4] =	stream.indirect.scatter [tilespmem:s3], [sflag:$0x2], $0x80, s0, s4, $0xb8;
	v15 =	vbroadcast v16, $0x0;
	v16 =	vbroadcast v17, $0x0;
	[tilespmem:$0x1EC80] =	vst v63  }
0x12f: {  	v12 =	vor.u32 v0, v12;
	v13 =	vbroadcast v13, $0x0;
	v10 =	vor.u32 $0x70, v10;
	_ =	swait.ge [sflag:s21], $0x4000  }
0x130: {  	v10 =	vbroadcast v10, $0x0;
	v14 =	vor.u32 v0, v14;
	[sflag:s21] =	ssyncset.done $0x0  }
0x131: {  	s29 =	sadd.s32 $0x80, s29;
	v13 =	vor.u32 v0, v13;
	[sflag:s21] =	ssyncadd.s32 $0xFFFFC000  }
0x132: {  	s9 =	sadd.s32 $0x100, s29;
	v15 =	vor.u32 v0, v15;
	[tilespmem:v9+s20+$0x0] =	vst.idx.msk $0xffff, v1  }
0x133: {  	p1 =	sgt.s32 s9, s28;
	v16 =	vor.u32 v0, v16;
	[tilespmem:v11+s20+$0x0] =	vst.idx.msk $0xffff, v1  }
.Ltmp11:
0x134: {  	v11 =	vor.u32 v0, v10;
	[tilespmem:v12+s20+$0x0] =	vst.idx.msk $0xffff, v1;
	(pc) =	sbr.rel @!p1 .LBB2_12-.Ltmp11, $4  }
0x135: {  	s3 =	sand.u32 $0x80, s29;
	[tilespmem:v14+s20+$0x0] =	vst.idx.msk $0xffff, v1  }
0x136: {  	s10 =	sshll.u32 s3, $0x7;
	s0 =	sor.u32 $0x1EB00, s3;
	v9 =	vor.u32 s3, v0;
	v10 =	vmov s3;
	[tilespmem:v13+s20+$0x0] =	vst.idx.msk $0xffff, v1  }
0x137: {  	s3 =	sadd.s32 $0x16B00, s10;
	v12 =	vor.u32 $0x10, v10;
	v14 =	vor.u32 $0x30, v10;
	v13 =	vor.u32 $0x20, v10;
	[tilespmem:v15+s20+$0x0] =	vst.idx.msk $0xffff, v1  }
0x138: {  	v15 =	vbroadcast v12, $0x0;
	v12 =	vbroadcast v13, $0x0;
	v13 =	vor.u32 $0x40, v10;
	[tilespmem:v16+s20+$0x0] =	vst.idx.msk $0xffff, v1  }
.Ltmp12:
0x139: {  	_ = 	snop;
	(pc) =	sbr.rel .LBB2_13-.Ltmp12, $1  }
0x13a: {  	_ =	sdelay $0x3  }
.LBB2_14:
0x13b: {  	_ =	swait.ge [sflag:s24], $0x1000  }
0x13c: {  	[sflag:s24] =	ssyncset.done $0x0  }
0x13d: {  	[sflag:s24] =	ssyncadd.s32 $0xFFFFF000  }
0x13e: {  	_ =	swait.ge [sflag:s24], $0x1000  }
0x13f: {  	[sflag:s24] =	ssyncset.done $0x0  }
0x140: {  	[sflag:s24] =	ssyncadd.s32 $0xFFFFF000  }
0x141: {  	_ =	swait.ge [sflag:s24], $0x1000  }
0x142: {  	[sflag:s24] =	ssyncset.done $0x0  }
0x143: {  	[sflag:s24] =	ssyncadd.s32 $0xFFFFF000  }
0x144: {  	_ =	swait.ge [sflag:s24], $0x1000  }
0x145: {  	[sflag:s24] =	ssyncset.done $0x0  }
0x146: {  	[sflag:s24] =	ssyncadd.s32 $0xFFFFF000  }
0x147: {  	_ =	swait.ge [sflag:s24], $0x1000  }
0x148: {  	[sflag:s24] =	ssyncset.done $0x0  }
0x149: {  	[sflag:s24] =	ssyncadd.s32 $0xFFFFF000  }
0x14a: {  	_ =	swait.ge [sflag:s24], $0x1000  }
0x14b: {  	[sflag:s24] =	ssyncset.done $0x0  }
0x14c: {  	s0 =	sadd.s32 $0xFFF0BE00, s31;
	[sflag:s24] =	ssyncadd.s32 $0xFFFFF000  }
0x14d: {  	p0 =	sgt.u32 s0, $0x1FF0BDFF;
	_ =	swait.ge [sflag:s24], $0x1000  }
.Ltmp13:
0x14e: {  	[sflag:s24] =	ssyncset.done $0x0;
	(pc) =	sbr.rel @p0 .LBB2_16-.Ltmp13, $4  }
0x14f: {  	[sflag:s24] =	ssyncadd.s32 $0xFFFFF000  }
0x150: {  	_ =	swait.ge [sflag:s24], $0x1000  }
0x151: {  	[sflag:s24] =	ssyncset.done $0x0  }
0x152: {  	[sflag:s24] =	ssyncadd.s32 $0xFFFFF000  }
.LBB2_15:
0x153: {  	s0 =	sshll.u32 s0, $0x7  }
0x154: {  	v9 =	vor.u32 s0, v0;
	_ =	sdelay $0x4  }
0x155: {  	v9 =	vld.idx.msk [tilespmem:v9+s22+$0x0], $0xffff  }
0x156: {  	v10 =	vor.u32 s0, v6;
	_ =	sdelay $0x1  }
0x157: {  	s2 =	sand.u32 $0xFF, s28  }
0x158: {  	s3 =	sshll.u32 s2, $0x7  }
0x159: {  	[tilespmem:s3+$0x16B00] =	vst v9  }
0x15a: {  	v9 =	vld.idx.msk [tilespmem:v10+s22+$0x0], $0xffff  }
0x15b: {  	v10 =	vor.u32 s0, v7;
	_ =	sdelay $0x3  }
0x15c: {  	[tilespmem:s3+$0x16B10] =	vst v9  }
0x15d: {  	v9 =	vld.idx.msk [tilespmem:v10+s22+$0x0], $0xffff  }
0x15e: {  	s9 =	sshra.s32 s28, $0x1F;
	v10 =	vor.u32 s0, v8  }
0x15f: {  	s9 =	sshrl.u32 s9, $0x1C  }
0x160: {  	s13 =	sadd.s32 s9, s28  }
0x161: {  	s10 =	sadd.s32 $0x1, s28;
	s9 =	sand.u32 $0xFFFFFFF0, s13  }
0x162: {  	p0 =	slt.s32 s28, $0x1;
	s30 =	sshra.s32 s10, $0x1F;
	p1 =	sne.s32 s28, s9;
	[tilespmem:s3+$0x16B20] =	vst v9  }
0x163: {  	s12 =	simm.s32 $0x1;
	s11 =	sshrl.u32 s30, $0x1C;
	p0 =	por !p0, !p1;
	v9 =	vld.idx.msk [tilespmem:v10+s22+$0x0], $0xffff  }
0x164: {  	s11 =	sadd.s32 s11, s10;
	s9 =	simm.s32 $0x1;
	p0 =	por !p0, !p0  }
0x165: {  	s9 =	simm.s32 @!p0 $0x0;
	p0 =	slt.u32 s28, $0x7FFFFFFF;
	s0 =	sshrl.u32 s13, $0x4  }
0x166: {  	s12 =	simm.s32 @!p0 $0x0;
	s13 =	sand.u32 $0xF, s28;
	s0 =	ssub.s32 s0, s9  }
0x167: {  	s31 =	sand.u32 $0xFFFFFFF0, s11;
	s9 =	sadd.s32 s12, s30;
	s0 =	sshll.u32 s0, $0x6;
	v10 =	vmov s13  }
0x168: {  	p6 =	sne.s32 s10, s31;
	p5 =	sne.s32 s9, $0x1;
	s0 =	sshra.s32 s0, $0x2;
	vm1 =	veq.s32 v10, v0;
	[tilespmem:s3+$0x16B30] =	vst v9  }
0x169: {  	p0 =	por !p6, !p5;
	v10 =	vmov s2;
	v9 =	vld [tilespmem:s0+$0x580]  }
0x16a: {  	p0 =	por !p0, !p0;
	s0 =	simm.s32 $0x1  }
0x16b: {  	s13 =	sshrl.u32 s11, $0x4;
	s0 =	simm.s32 @!p0 $0x0  }
0x16c: {  	s0 =	ssub.s32 s13, s0  }
0x16d: {  	s0 =	sshll.u32 s0, $0x6  }
0x16e: {  	s0 =	sshra.s32 s0, $0x2;
	[tilespmem:v10+s20+$0x0] =	vst.idx.msk vm1, v9  }
0x16f: {  	v9 =	vld [tilespmem:s0+$0x0];
	_ =	sdelay $0x1  }
0x170: {  	s30 =	sand.u32 $0xF, s10  }
0x171: {  	v10 =	vmov s30  }
0x172: {  	vm1 =	veq.s32 v10, v0  }
0x173: {  	v9 =	vnsel vm1, $0x0, v9  }
0x174: {  	(xrf0) =	vadd.scan.msk.s32 $0xffff, v9;
	_ =	sdelay $0x5  }
0x175: {  	v9, _, _ =	vpop (xrf0)  }
0x176: {  	(v2sf) =	vpush v9, $0xF;
	_ =	sdelay $0xe  }
0x177: {  	s31 =	spop (v2sf)  }
0x178: {  	s0 =	sadd.s32 $0xFFF0BE00, s31  }
0x179: {  	p0 =	slt.u32 s0, $0x1FF0BE00  }
.Ltmp14:
0x17a: {  	_ = 	snop;
	(pc) =	sbr.rel @p0 .LBB2_15-.Ltmp14, $2  }
0x17b: {  	_ =	sdelay $0x2  }
0x17c: {  	s28 =	smov.u32 s10  }
.Ltmp15:
0x17d: {  	_ = 	snop;
	(pc) =	sbr.rel .LBB2_16-.Ltmp15, $1  }
0x17e: {  	_ =	sdelay $0x3  }
.LBB2_17:
0x17f: {  	_ =	sfence.sel $0x180000  }
0x180: {  	[bflag:$0x0] =	sbarrier.arrive $0xFFFF  }
0x181: {  	_ =	strace $0x90000047  }
0x182: {  	s0 =	stileid.u32;
	[bflag:$0x2] =	sbarrier.arrive $0xFFFF  }
0x183: {  	p0 =	sne.s32 s0, $0x0;
	s0 =	rddreg [dreg:$0x3]  }
0x184: {  	s0 =	sadd.s32 @!p0 $0x100000, s0  }
0x185: {  	[sflag:s0] =	ssyncadd.tile.s32 @!p0 $0x1;
	_ =	shalt  }
.Lfunc_end2:
_tile_overlayer_lowered:
.L_overlay_start_2:
0x186: {  	(tag) =	ssettag $0x2  }
0x187: {  	s0 =	rddreg [dreg:$0x0];
	s2 =	stileid.u32  }
0x188: {  	s1 =	rddreg [dreg:$0x1];
	p0 =	sne.s32 s2, $0x0  }
0x189: {  	s3 =	rddreg [dreg:$0x2];
	[bflag:$0x3] =	sbarrier.arrive $0xFFFF;
	s2 =	simm.s32 @!p0 $0x1C02  }
0x18a: {  	[timem:s3], [sflag:s2] =	dma.local @!p0 [hbm:s0], s1  }
0x18b: {  	s0 =	simm.s32 @!p0 $0x2  }
0x18c: {  	_ =	swait.ge @!p0 [sflag:s0], s1  }
0x18d: {  	s1 =	ssub.s32 @!p0 $0x0, s1;
	[sflag:s0] =	ssyncset.done @!p0 $0x0  }
0x18e: {  	[sflag:s0] =	ssyncadd.s32 @!p0 s1  }
0x18f: {  	[bflag:$0x3] =	sbarrier.arrive $0xFFFF  }
0x190: {  	_ =	shalt  }

// kernel: kernel.7.cloned.1.call-start
scs
__scs_entry_jumppad:
0x0: {  	(pc) =	sbr.rel $0x88, $3  }
0x1: {  	(tag) =	ssettag $0x0;
	lr =	simm.s32 $0x1  }
0x2: {  	[smem:$0x3F9C] =	sst lr;
	_ =	strace $0xD0000000  }
0x3: {  	_ = 	snop  }
0x4: {  	_ = 	snop  }
0x5: {  	_ = 	snop  }
0x6: {  	_ = 	snop  }
0x7: {  	_ = 	snop  }
__scs_overlays_trampoline_lowered:
0x8: {  	[smem:$0x3FAB] =	sst s0  }
0x9: {  	[smem:$0x3FAC] =	sst s1  }
0xa: {  	[smem:$0x3FAD] =	sst s2  }
0xb: {  	[smem:$0x3FAE] =	sst s3  }
0xc: {  	[smem:$0x3FAF] =	sst s4  }
0xd: {  	[smem:$0x3FB0] =	sst s5  }
0xe: {  	[smem:$0x3FB1] =	sst s6  }
0xf: {  	[smem:$0x3FB2] =	sst s7  }
0x10: {  	[smem:$0x3FB3] =	sst s8  }
0x11: {  	[smem:$0x3FB4] =	sst s9;
	s0 =	simm.s32 @!p0 $0x0  }
0x12: {  	s1 =	sld [smem:$0x3F9A];
	s0 =	simm.s32 @p0 $0x1  }
0x13: {  	[smem:$0x3FB5] =	sst s0;
	s0 =	simm.s32 @!p1 $0x0  }
0x14: {  	s2 =	sld [smem:$0x3F99];
	s0 =	simm.s32 @p1 $0x1  }
0x15: {  	[smem:$0x3FB6] =	sst s0;
	s0 =	simm.s32 @!p2 $0x0  }
0x16: {  	s3 =	sld [smem:$0x3FDB];
	s0 =	simm.s32 @p2 $0x1  }
0x17: {  	s4 =	simm.s32 $0x1BF5;
	[smem:$0x3FB8] =	sst s0  }
0x18: {  	s0 =	sld [smem:$0x3F9B];
	_ =	swait.ge [sflag:s4], $0x0  }
0x19: {  	s7 =	sld [smem:$0x3F9C]  }
0x1a: {  	s8 =	sadd.s32 $0xFFFFE003, lr  }
0x1b: {  	s9 =	sadd.s32 $0xFFFFFEF7, lr;
	s5 =	simm.s32 $0xFFFFFFFF;
	p2 =	slt.u32 s8, $0xFFFFF086  }
0x1c: {  	p1 =	slt.u32 s9, $0xF7A;
	s5 =	simm.s32 @!p2 $0x0  }
0x1d: {  	s5 =	simm.s32 @p1 $0x1;
	p0 =	seq.s32 s7, s2  }
0x1e: {  	s7 =	smul.u32 @!p0 $0xF7A, s2;
	p2 =	seq.s32 @!p0 s5, $0x0  }
0x1f: {  	s9 =	smul.u32 $0xF7A, s1;
	s8 =	simm.s32 @!p0 $0x1BF5;
	p2 =	por !p2, p0  }
0x20: {  	[sflag:s8] =	ssyncset.s32 @!p0 $0xFFFFF086;
	s6 =	sadd.s32 @!p0 s3, s7;
	s7 =	simm.s32 @!p0 $0x108  }
0x21: {  	s3 =	sadd.s32 s3, s9;
	s6 =	sadd.s32 @!p0 $0x88, s6;
	s7 =	simm.s32 @p2 $0x1082  }
0x22: {  	[simem:s7], [sflag:s8] =	dma.local @!p0 [hbm:s6], $0xF7A  }
0x23: {  	s9 =	sor.u32 $0xD0000000, s2;
	s6 =	simm.s32 $0x108;
	_ =	swait.ge @!p0 [sflag:s8], $0x0  }
0x24: {  	s3 =	sadd.s32 $0x88, s3;
	s6 =	simm.s32 @!p1 $0x1082;
	[sflag:s4] =	ssyncset.s32 $0xFFFFF086  }
0x25: {  	[simem:s6], [sflag:s4] =	dma.local [hbm:s3], $0xF7A  }
0x26: {  	[smem:$0x3F9C] =	sst s1;
	(tag) =	ssettag s2;
	_ =	strace s9  }
0x27: {  	s1 =	sld [smem:$0x3FAC]  }
0x28: {  	s2 =	sld [smem:$0x3FAD]  }
0x29: {  	s4 =	sld [smem:$0x3FAF]  }
0x2a: {  	p0 =	seq.s32 s5, $0x0;
	s5 =	sld [smem:$0x3FB0]  }
0x2b: {  	s6 =	sld [smem:$0x3FB1]  }
0x2c: {  	s7 =	sld [smem:$0x3FB2]  }
0x2d: {  	s3 =	simm.s32 $0x108;
	s8 =	sld [smem:$0x3FB3]  }
0x2e: {  	s3 =	simm.s32 @!p0 $0x1082;
	s9 =	sld [smem:$0x3FB4]  }
0x2f: {  	lr =	sadd.s32 s0, s3;
	s0 =	sld [smem:$0x3FAB]  }
0x30: {  	s3 =	sld [smem:$0x3FAE]  }
0x31: {  	[smem:$0x3FB7] =	sst s10  }
0x32: {  	s10 =	sld [smem:$0x3FB5];
	_ =	sdelay $0x3  }
0x33: {  	p0 =	seq.s32 s10, $0x1;
	s10 =	sld [smem:$0x3FB7];
	_ =	sdelay $0x3  }
0x34: {  	[smem:$0x3FB7] =	sst s10  }
0x35: {  	s10 =	sld [smem:$0x3FB6];
	_ =	sdelay $0x3  }
0x36: {  	p1 =	seq.s32 s10, $0x1;
	s10 =	sld [smem:$0x3FB7];
	_ =	sdelay $0x3  }
0x37: {  	[smem:$0x3FB7] =	sst s10  }
0x38: {  	s10 =	sld [smem:$0x3FB8]  }
0x39: {  	_ = 	snop;
	(pc) =	sbr.ind lr, $3  }
0x3a: {  	_ = 	snop  }
0x3b: {  	_ = 	snop  }
0x3c: {  	p2 =	seq.s32 s10, $0x1;
	s10 =	sld [smem:$0x3FB7]  }
0x3d: {  	_ =	shalt  }
0x3e: {  	_ =	shalt  }
0x3f: {  	_ =	shalt  }
0x40: {  	_ =	shalt  }
0x41: {  	_ =	shalt  }
0x42: {  	_ =	shalt  }
0x43: {  	_ =	shalt  }
0x44: {  	_ =	shalt  }
0x45: {  	_ =	shalt  }
0x46: {  	_ =	shalt  }
0x47: {  	_ =	shalt  }
0x48: {  	_ =	shalt  }
0x49: {  	_ =	shalt  }
0x4a: {  	_ =	shalt  }
0x4b: {  	_ =	shalt  }
0x4c: {  	_ =	shalt  }
0x4d: {  	_ =	shalt  }
0x4e: {  	_ =	shalt  }
0x4f: {  	_ =	shalt  }
0x50: {  	_ =	shalt  }
0x51: {  	_ =	shalt  }
0x52: {  	_ =	shalt  }
0x53: {  	_ =	shalt  }
0x54: {  	_ =	shalt  }
0x55: {  	_ =	shalt  }
0x56: {  	_ =	shalt  }
0x57: {  	_ =	shalt  }
0x58: {  	_ =	shalt  }
0x59: {  	_ =	shalt  }
0x5a: {  	_ =	shalt  }
0x5b: {  	_ =	shalt  }
0x5c: {  	_ =	shalt  }
0x5d: {  	_ =	shalt  }
0x5e: {  	_ =	shalt  }
0x5f: {  	_ =	shalt  }
0x60: {  	_ =	shalt  }
0x61: {  	_ =	shalt  }
0x62: {  	_ =	shalt  }
0x63: {  	_ =	shalt  }
0x64: {  	_ =	shalt  }
0x65: {  	_ =	shalt  }
0x66: {  	_ =	shalt  }
0x67: {  	_ =	shalt  }
0x68: {  	_ =	shalt  }
0x69: {  	_ =	shalt  }
0x6a: {  	_ =	shalt  }
0x6b: {  	_ =	shalt  }
0x6c: {  	_ =	shalt  }
0x6d: {  	_ =	shalt  }
0x6e: {  	_ =	shalt  }
0x6f: {  	_ =	shalt  }
0x70: {  	_ =	shalt  }
0x71: {  	_ =	shalt  }
0x72: {  	_ =	shalt  }
0x73: {  	_ =	shalt  }
0x74: {  	_ =	shalt  }
0x75: {  	_ =	shalt  }
0x76: {  	_ =	shalt  }
0x77: {  	_ =	shalt  }
0x78: {  	_ =	shalt  }
0x79: {  	_ =	shalt  }
0x7a: {  	_ =	shalt  }
0x7b: {  	_ =	shalt  }
0x7c: {  	_ =	shalt  }
0x7d: {  	_ =	shalt  }
0x7e: {  	_ =	shalt  }
0x7f: {  	_ =	shalt  }
0x80: {  	_ =	shalt  }
0x81: {  	_ =	shalt  }
0x82: {  	_ =	shalt  }
0x83: {  	_ =	shalt  }
0x84: {  	_ =	shalt  }
0x85: {  	_ =	shalt  }
0x86: {  	_ =	shalt  }
0x87: {  	_ =	shalt  }
.Lfunc_end0:
.L_simem_size_0:
called_computation.1_lowered:
.L_overlay_start_0:
0x88: {  	s2 =	sld [smem:$0x3FD9]  }
0x89: {  	s3 =	sld [smem:$0x3FFE];
	_ =	sdelay $0x1  }
0x8a: {  	s1 =	srdreg.scid  }
0x8b: {  	s0 =	sand.u32 $0x1, s1  }
0x8c: {  	s17 =	sshll.u32 s0, $0xA;
	s2 =	sadd.s32 s3, s2  }
0x8d: {  	s2 =	sadd.s32 s2, s17  }
0x8e: {  	[smem:$0x3FC3] =	sst s2  }
0x8f: {  	_ = 	snop  }
0x90: {  	s2 =	sld [smem:$0x3FC6]  }
0x91: {  	s18 =	sld [smem:$0x3FD0];
	(tm) =	ssettm $0x1  }
0x92: {  	s4 =	sld [smem:$0x3FFB];
	_ =	sdelay $0x3  }
0x93: {  	_ =	strace s4  }
0x94: {  	s4 =	sld [smem:$0x3FFC];
	_ =	sdelay $0x3  }
0x95: {  	_ =	strace s4  }
0x96: {  	s4 =	sld [smem:$0x3FFD];
	_ =	sdelay $0x3  }
0x97: {  	_ =	strace s4  }
0x98: {  	_ =	strace $0x8FFFFFFF  }
0x99: {  	s19 =	sld [smem:$0x3FDB];
	_ =	sdelay $0x1  }
0x9a: {  	s5 =	simm.s32 $_scs_section_size  }
0x9b: {  	s6 =	simm.s32 $_size__tile_overlayer_lowered;
	s7 =	simm.s32 $_tile_overlayer_lowered  }
0x9c: {  	s22 =	simm.s32 $0x1BFF;
	s21 =	sshll.u32 s7, $0x1;
	s4 =	sadd.s32 s5, s19  }
0x9d: {  	s8 =	simm.s32 $0x0;
	s20 =	sshll.u32 s6, $0x1;
	s6 =	sadd.s32 s21, s4  }
0x9e: {  	[timem:s8], [sflag:s22] =	dma.local [hbm:s6], s20  }
0x9f: {  	_ =	swait.ge [sflag:s22], s20  }
0xa0: {  	s5 =	ssub.s32 $0x0, s20;
	[sflag:s22] =	ssyncset.done $0x0  }
0xa1: {  	[sflag:s22] =	ssyncadd.s32 s5;
	_ =	sdelay $0x1  }
0xa2: {  	s23 =	simm.s32 $0x1B8B  }
0xa3: {  	_ =	swait.ge [sflag:s23], $0x1  }
0xa4: {  	[sflag:s23] =	ssyncset.done $0x0  }
0xa5: {  	s25 =	simm.s32 $0x1B8E;
	s24 =	sld [smem:$0x3FFE];
	[sflag:s23] =	ssyncadd.s32 $0xFFFFFFFF  }
0xa6: {  	s26 =	simm.s32 $execute0_lowered;
	[smem:$0x3FD2] =	sst s25  }
0xa7: {  	s6 =	sshll.u32 s26, $0x1;
	_ =	strace $0x80000049;
	[dreg:$0x1] =	wrdreg $0xFFFFFFFF  }
0xa8: {  	s28 =	simm.s32 $_size_execute0_lowered;
	s4 =	sadd.s32 s4, s6;
	[dreg:$0x0] =	wrdreg $0x0  }
0xa9: {  	s6 =	sshll.u32 s28, $0x1;
	[dreg:$0x2] =	wrdreg s4  }
0xaa: {  	[dreg:$0x3] =	wrdreg s6  }
0xab: {  	[dreg:$0x4] =	wrdreg $0xC0  }
0xac: {  	_ =	task [dreg:s8], $0x5FFFF  }
0xad: {  	[dreg:$0x1] =	wrdreg $0xFFFFFFFF  }
0xae: {  	[dreg:$0x0] =	wrdreg $0x60  }
0xaf: {  	[dreg:$0x2] =	wrdreg s24  }
0xb0: {  	[dreg:$0x3] =	wrdreg s2  }
0xb1: {  	[dreg:$0x4] =	wrdreg s18  }
0xb2: {  	[dreg:$0x5] =	wrdreg $0x9  }
0xb3: {  	_ =	task.clear_ibuf [dreg:s8], $0x6FFFF;
	_ =	strace $0x90000049  }
0xb4: {  	s29 =	simm.s32 $0x9;
	_ =	strace $0x8000004B  }
0xb5: {  	_ =	swait.ge [sflag:s29], $0x1  }
0xb6: {  	[sflag:s29] =	ssyncadd.s32 $0xFFFFFFFF  }
0xb7: {  	_ =	strace $0x9000004B  }
0xb8: {  	_ =	sfence  }
0xb9: {  	s30 =	sld [smem:$0x0];
	_ =	sdelay $0x2  }
0xba: {  	s31 =	sshll.u32 s1, $0xD;
	s1 =	sshrl.u32 s1, $0x2  }
0xbb: {  	s3 =	sand.u32 $0x4000, s31;
	s1 =	sadd.s32 s1, s30  }
0xbc: {  	s0 =	sor.u32 s3, s0;
	s1 =	sshll.u32 s1, $0x11  }
0xbd: {  	s0 =	sor.u32 s1, s0  }
0xbe: {  	s0 =	sadd.s32 $0x8F2B, s0  }
0xbf: {  	[sflag:s0] =	ssyncadd.remote.s32 $0x1  }
0xc0: {  	_ =	sfence.sel $0xFFFF  }
0xc1: {  	[dreg:$0x0] =	wrdreg $0xFFFFFFFF;
	(pc) =	sbr.abs _section_cstart, $3  }
0xc2: {  	[dreg:$0x1] =	wrdreg $0xFFFFFFFF  }
0xc3: {  	_ =	task.clear_ibuf [dreg:s8], $0x2FFFF;
	_ =	strace $0x9FFFFFFF  }
0xc4: {  	(tm) =	ssettm $0x7FFFFFFF  }
0xc5: {  	_ =	shalt  }
tec
execute0_lowered:
.L_overlay_start_1:
0x0: {  	(tag) =	ssettag $0x1  }
0x1: {  	s4 =	rddreg [dreg:$0x0]  }
0x2: {  	s2 =	rddreg [dreg:$0x1]  }
0x3: {  	s5 =	rddreg [dreg:$0x2]  }
0x4: {  	s0 =	rddreg [dreg:$0x3];
	s6 =	srdreg.scid  }
0x5: {  	s1 =	stileid.u32;
	s3 =	simm.s32 $0x0;
	s10 =	simm.s32 $0x2  }
0x6: {  	s11 =	simm.s32 $0x10100;
	s12 =	simm.s32 $0x1;
	s13 =	simm.s32 $0x10180  }
0x7: {  	s14 =	simm.s32 $0x80;
	s15 =	simm.s32 $0x100;
	s16 =	simm.s32 $0x10380  }
0x8: {  	s17 =	simm.s32 $0x0;
	s6 =	sand.u32 $0x1, s6;
	s7 =	sshll.u32 s1, $0x1  }
0x9: {  	[smem:$0x7FF] =	sst s3;
	s7 =	sor.u32 s6, s7;
	s6 =	ssub.s32 $0x2, s6  }
0xa: {  	_ =	strace $0x8000004A;
	s8 =	sshll.u32 s7, $0xE;
	s9 =	sshrl.u32 s6, $0x1  }
0xb: {  	s7 =	sshll.u32 s7, $0x7;
	s8 =	sadd.s32 s8, s4;
	s4 =	sadd.s32 $0x82800, s4  }
0xc: {  	s9 =	ssub.s32 s6, s9;
	s5 =	sadd.s32 s5, s7;
	s6 =	sadd.s32 $0x2600, s8  }
0xd: {  	vm0 =	vcmask $0x3F3C;
	s7 =	sadd.s32 $0x10, s5;
	s8 =	smax.u32 s9, $0x1;
	s9 =	simm.s32 $0x10000  }
.LBB2_1:
0xe: {  	[tilespmem:s9], [sflag:$0x2] =	stream.linear.gather [hbm4b:s2+s3], $0x100, $0x38;
	[tilespmem:$0x10580] =	vst v63  }
0xf: {  	_ =	swait.ge [sflag:s10], $0x100  }
0x10: {  	[sflag:s10] =	ssyncset.done $0x0  }
0x11: {  	[sflag:s10] =	ssyncadd.s32 $0xFFFFFF00  }
0x12: {  	[tilespmem:s11], [sflag:$0x2] =	stream.linear.gather [hbm4b:s4+s3], $0x80, $0x38;
	[tilespmem:$0x10580] =	vst v63  }
0x13: {  	_ =	swait.ge [sflag:s10], $0x80  }
0x14: {  	[sflag:s10] =	ssyncset.done $0x0  }
0x15: {  	[sflag:s10] =	ssyncadd.s32 $0xFFFFFF80  }
0x16: {  	v9 =	vld [tilespmem:$0x10100]  }
0x17: {  	v0 =	vld [tilespmem:$0x10000]  }
0x18: {  	v1 =	vld [tilespmem:$0x10010]  }
0x19: {  	v2 =	vld [tilespmem:$0x10020]  }
0x1a: {  	v3 =	vld [tilespmem:$0x10030]  }
0x1b: {  	v4 =	vld [tilespmem:$0x10080]  }
0x1c: {  	v5 =	vld [tilespmem:$0x10090]  }
0x1d: {  	p0 =	por $0x0, $0x0;
	s18 =	simm.s32 $0x0;
	s19 =	simm.s32 $0x0;
	v6 =	vld [tilespmem:$0x100A0]  }
0x1e: {  	v7 =	vld [tilespmem:$0x100B0];
	[tilespmem:s3], [sflag:$0x1] =	stream.linear.gather [hbm4b:s6+s3], $0x8000, $0x38;
	v8 =	vbroadcast v9, $0x0;
	v9 =	vbroadcast v9, $0x1  }
.LBB2_3:
0x1f: {  	s19 =	sadd.s32 $0x1, s19  }
0x20: {  	s20 =	smin.u32 s19, $0x3  }
0x21: {  	s21 =	simm.s32 $0x1;
	s22 =	sshll.u32 s19, $0xF;
	s20 =	sshll.u32 s20, $0xC  }
0x22: {  	s22 =	sand.u32 $0x8000, s22;
	s23 =	sadd.s32 s20, s6;
	s20 =	simm.s32 $0x0  }
0x23: {  	[tilespmem:s22], [sflag:$0x1] =	stream.linear.gather [hbm4b:s23+s20], $0x8000, $0x38;
	[tilespmem:$0x10580] =	vst v63  }
0x24: {  	s21 =	simm.s32 @!p0 $0x0;
	_ =	swait.ge [sflag:s12], $0x8000  }
0x25: {  	s21 =	sshll.u32 s21, $0xF;
	[sflag:s12] =	ssyncset.done $0x0  }
0x26: {  	s21 =	sor.u32 $0x800, s21;
	[sflag:s12] =	ssyncadd.s32 $0xFFFF8000  }
.LBB2_4:
0x27: {  	v10 =	vld [tilespmem:s21+$0xFFFFF800]  }
0x28: {  	v11 =	vld [tilespmem:s21+$0xFFFFF880]  }
0x29: {  	v12 =	vld [tilespmem:s21+$0xFFFFF810]  }
0x2a: {  	v13 =	vld [tilespmem:s21+$0xFFFFF890]  }
0x2b: {  	v14 =	vld [tilespmem:s21+$0xFFFFF820]  }
0x2c: {  	v15 =	vld [tilespmem:s21+$0xFFFFF8A0];
	_ =	sdelay $0x1  }
0x2d: {  	v16 =	vld [tilespmem:s21+$0xFFFFF830]  }
0x2e: {  	v10 =	vmul.f32 v11, v10;
	v11 =	vld [tilespmem:s21+$0xFFFFF8B0]  }
0x2f: {  	v12 =	vmul.f32 v13, v12  }
0x30: {  	v14 =	vmul.f32 v15, v14  }
0x31: {  	v45 =	vmul.f32 v10, v0;
	v46 =	vmul.f32 v12, v1  }
0x32: {  	v10 =	vmul.f32 v10, v4;
	v12 =	vmul.f32 v12, v5  }
0x33: {  	v47 =	vmul.f32 v14, v2;
	v13 =	vadd.f32 v46, v45;
	v11 =	vmul.f32 v11, v16  }
0x34: {  	v48 =	vmul.f32 v14, v6;
	v10 =	vadd.f32 v12, v10  }
0x35: {  	v13 =	vadd.f32 v47, v13;
	v49 =	vmul.f32 v11, v3  }
0x36: {  	v10 =	vadd.f32 v48, v10;
	v11 =	vmul.f32 v11, v7  }
0x37: {  	v50 =	vadd.f32 v49, v13  }
0x38: {  	v10 =	vadd.f32 v11, v10  }
0x39: {  	(xrf2) =	vadd.scan.msk.f32 $0xffff, v50  }
0x3a: {  	(xrf2) =	vadd.scan.msk.f32 $0xffff, v10;
	_ =	sdelay $0x5  }
0x3b: {  	s22 =	sadd.s32 s20, s18  }
0x3c: {  	v10 =	vmov s22  }
0x3d: {  	v11 =	vor.u32 $0x200, v10  }
0x3e: {  	v12, _, _ =	vpop (xrf2)  }
0x3f: {  	v12 =	vadd.f32 v12, v8;
	v51, _, _ =	vpop (xrf2)  }
0x40: {  	v13 =	vadd.f32 v51, v9  }
0x41: {  	[tilespmem:v10+s13+$0x0] =	vst.idx.msk vm0, v12  }
0x42: {  	[tilespmem:v11+s13+$0x0] =	vst.idx.msk vm0, v13  }
0x43: {  	v10 =	vld [tilespmem:s21+$0xFFFFF900]  }
0x44: {  	v11 =	vld [tilespmem:s21+$0xFFFFF980]  }
0x45: {  	v12 =	vld [tilespmem:s21+$0xFFFFF910]  }
0x46: {  	v13 =	vld [tilespmem:s21+$0xFFFFF990]  }
0x47: {  	v52 =	vld [tilespmem:s21+$0xFFFFF920]  }
0x48: {  	v53 =	vld [tilespmem:s21+$0xFFFFF9A0];
	_ =	sdelay $0x1  }
0x49: {  	v54 =	vld [tilespmem:s21+$0xFFFFF930]  }
0x4a: {  	v10 =	vmul.f32 v11, v10;
	v11 =	vld [tilespmem:s21+$0xFFFFF9B0]  }
0x4b: {  	v12 =	vmul.f32 v13, v12  }
0x4c: {  	v14 =	vmul.f32 v53, v52  }
0x4d: {  	v55 =	vmul.f32 v10, v0;
	v56 =	vmul.f32 v12, v1  }
0x4e: {  	v10 =	vmul.f32 v10, v4;
	v12 =	vmul.f32 v12, v5  }
0x4f: {  	v57 =	vmul.f32 v14, v2;
	v13 =	vadd.f32 v56, v55;
	v11 =	vmul.f32 v11, v54  }
0x50: {  	v58 =	vmul.f32 v14, v6;
	v10 =	vadd.f32 v12, v10  }
0x51: {  	v13 =	vadd.f32 v57, v13;
	v59 =	vmul.f32 v11, v3  }
0x52: {  	v10 =	vadd.f32 v58, v10;
	v11 =	vmul.f32 v11, v7  }
0x53: {  	v60 =	vadd.f32 v59, v13  }
0x54: {  	v10 =	vadd.f32 v11, v10  }
0x55: {  	(xrf2) =	vadd.scan.msk.f32 $0xffff, v60  }
0x56: {  	(xrf2) =	vadd.scan.msk.f32 $0xffff, v10;
	_ =	sdelay $0x5  }
0x57: {  	s23 =	sadd.s32 $0x1, s22  }
0x58: {  	v10 =	vmov s23  }
0x59: {  	v11 =	vor.u32 $0x200, v10  }
0x5a: {  	v12, _, _ =	vpop (xrf2)  }
0x5b: {  	v12 =	vadd.f32 v12, v8;
	v61, _, _ =	vpop (xrf2)  }
0x5c: {  	v13 =	vadd.f32 v61, v9  }
0x5d: {  	[tilespmem:v10+s13+$0x0] =	vst.idx.msk vm0, v12  }
0x5e: {  	[tilespmem:v11+s13+$0x0] =	vst.idx.msk vm0, v13  }
0x5f: {  	v10 =	vld [tilespmem:s21+$0xFFFFFA00]  }
0x60: {  	v11 =	vld [tilespmem:s21+$0xFFFFFA80]  }
0x61: {  	v12 =	vld [tilespmem:s21+$0xFFFFFA10]  }
0x62: {  	v13 =	vld [tilespmem:s21+$0xFFFFFA90]  }
0x63: {  	v62 =	vld [tilespmem:s21+$0xFFFFFA20]  }
0x64: {  	v63 =	vld [tilespmem:s21+$0xFFFFFAA0];
	_ =	sdelay $0x1  }
0x65: {  	v20 =	vld [tilespmem:s21+$0xFFFFFA30]  }
0x66: {  	v10 =	vmul.f32 v11, v10;
	v11 =	vld [tilespmem:s21+$0xFFFFFAB0]  }
0x67: {  	v12 =	vmul.f32 v13, v12  }
0x68: {  	v14 =	vmul.f32 v63, v62  }
0x69: {  	v21 =	vmul.f32 v10, v0;
	v22 =	vmul.f32 v12, v1  }
0x6a: {  	v10 =	vmul.f32 v10, v4;
	v12 =	vmul.f32 v12, v5  }
0x6b: {  	v23 =	vmul.f32 v14, v2;
	v13 =	vadd.f32 v22, v21;
	v11 =	vmul.f32 v11, v20  }
0x6c: {  	v24 =	vmul.f32 v14, v6;
	v10 =	vadd.f32 v12, v10  }
0x6d: {  	v13 =	vadd.f32 v23, v13;
	v25 =	vmul.f32 v11, v3  }
0x6e: {  	v10 =	vadd.f32 v24, v10;
	v11 =	vmul.f32 v11, v7  }
0x6f: {  	v26 =	vadd.f32 v25, v13  }
0x70: {  	v10 =	vadd.f32 v11, v10  }
0x71: {  	(xrf2) =	vadd.scan.msk.f32 $0xffff, v26  }
0x72: {  	(xrf2) =	vadd.scan.msk.f32 $0xffff, v10;
	_ =	sdelay $0x5  }
0x73: {  	s25 =	sadd.s32 $0x2, s22  }
0x74: {  	v10 =	vmov s25  }
0x75: {  	v11 =	vor.u32 $0x200, v10  }
0x76: {  	v12, _, _ =	vpop (xrf2)  }
0x77: {  	v12 =	vadd.f32 v12, v8;
	v27, _, _ =	vpop (xrf2)  }
0x78: {  	v13 =	vadd.f32 v27, v9  }
0x79: {  	[tilespmem:v10+s13+$0x0] =	vst.idx.msk vm0, v12  }
0x7a: {  	[tilespmem:v11+s13+$0x0] =	vst.idx.msk vm0, v13  }
0x7b: {  	v10 =	vld [tilespmem:s21+$0xFFFFFB00]  }
0x7c: {  	v11 =	vld [tilespmem:s21+$0xFFFFFB80]  }
0x7d: {  	v12 =	vld [tilespmem:s21+$0xFFFFFB10]  }
0x7e: {  	v13 =	vld [tilespmem:s21+$0xFFFFFB90]  }
0x7f: {  	v28 =	vld [tilespmem:s21+$0xFFFFFB20]  }
0x80: {  	v29 =	vld [tilespmem:s21+$0xFFFFFBA0];
	_ =	sdelay $0x1  }
0x81: {  	v30 =	vld [tilespmem:s21+$0xFFFFFB30]  }
0x82: {  	v10 =	vmul.f32 v11, v10;
	v11 =	vld [tilespmem:s21+$0xFFFFFBB0]  }
0x83: {  	v12 =	vmul.f32 v13, v12  }
0x84: {  	v14 =	vmul.f32 v29, v28  }
0x85: {  	v31 =	vmul.f32 v10, v0;
	v32 =	vmul.f32 v12, v1  }
0x86: {  	v10 =	vmul.f32 v10, v4;
	v12 =	vmul.f32 v12, v5  }
0x87: {  	v33 =	vmul.f32 v14, v2;
	v13 =	vadd.f32 v32, v31;
	v11 =	vmul.f32 v11, v30  }
0x88: {  	v34 =	vmul.f32 v14, v6;
	v10 =	vadd.f32 v12, v10  }
0x89: {  	v13 =	vadd.f32 v33, v13;
	v35 =	vmul.f32 v11, v3  }
0x8a: {  	v10 =	vadd.f32 v34, v10;
	v11 =	vmul.f32 v11, v7  }
0x8b: {  	v36 =	vadd.f32 v35, v13  }
0x8c: {  	v10 =	vadd.f32 v11, v10  }
0x8d: {  	(xrf2) =	vadd.scan.msk.f32 $0xffff, v36  }
0x8e: {  	(xrf2) =	vadd.scan.msk.f32 $0xffff, v10;
	_ =	sdelay $0x5  }
0x8f: {  	s26 =	sadd.s32 $0x3, s22  }
0x90: {  	v10 =	vmov s26  }
0x91: {  	v11 =	vor.u32 $0x200, v10  }
0x92: {  	v12, _, _ =	vpop (xrf2)  }
0x93: {  	v12 =	vadd.f32 v12, v8;
	v37, _, _ =	vpop (xrf2)  }
0x94: {  	v13 =	vadd.f32 v37, v9  }
0x95: {  	[tilespmem:v10+s13+$0x0] =	vst.idx.msk vm0, v12  }
0x96: {  	[tilespmem:v11+s13+$0x0] =	vst.idx.msk vm0, v13  }
0x97: {  	v10 =	vld [tilespmem:s21+$0xFFFFFC00]  }
0x98: {  	v11 =	vld [tilespmem:s21+$0xFFFFFC80]  }
0x99: {  	v12 =	vld [tilespmem:s21+$0xFFFFFC10]  }
0x9a: {  	v13 =	vld [tilespmem:s21+$0xFFFFFC90]  }
0x9b: {  	v38 =	vld [tilespmem:s21+$0xFFFFFC20]  }
0x9c: {  	v39 =	vld [tilespmem:s21+$0xFFFFFCA0];
	_ =	sdelay $0x1  }
0x9d: {  	v40 =	vld [tilespmem:s21+$0xFFFFFC30]  }
0x9e: {  	v10 =	vmul.f32 v11, v10;
	v11 =	vld [tilespmem:s21+$0xFFFFFCB0]  }
0x9f: {  	v12 =	vmul.f32 v13, v12  }
0xa0: {  	v14 =	vmul.f32 v39, v38  }
0xa1: {  	v41 =	vmul.f32 v10, v0;
	v42 =	vmul.f32 v12, v1  }
0xa2: {  	v10 =	vmul.f32 v10, v4;
	v12 =	vmul.f32 v12, v5  }
0xa3: {  	v43 =	vmul.f32 v14, v2;
	v13 =	vadd.f32 v42, v41;
	v11 =	vmul.f32 v11, v40  }
0xa4: {  	v44 =	vmul.f32 v14, v6;
	v10 =	vadd.f32 v12, v10  }
0xa5: {  	v13 =	vadd.f32 v43, v13;
	v45 =	vmul.f32 v11, v3  }
0xa6: {  	v10 =	vadd.f32 v44, v10;
	v11 =	vmul.f32 v11, v7  }
0xa7: {  	v46 =	vadd.f32 v45, v13  }
0xa8: {  	v10 =	vadd.f32 v11, v10  }
0xa9: {  	(xrf2) =	vadd.scan.msk.f32 $0xffff, v46  }
0xaa: {  	(xrf2) =	vadd.scan.msk.f32 $0xffff, v10;
	_ =	sdelay $0x5  }
0xab: {  	s28 =	sadd.s32 $0x4, s22  }
0xac: {  	v10 =	vmov s28  }
0xad: {  	v11 =	vor.u32 $0x200, v10  }
0xae: {  	v12, _, _ =	vpop (xrf2)  }
0xaf: {  	v12 =	vadd.f32 v12, v8;
	v47, _, _ =	vpop (xrf2)  }
0xb0: {  	v13 =	vadd.f32 v47, v9  }
0xb1: {  	[tilespmem:v10+s13+$0x0] =	vst.idx.msk vm0, v12  }
0xb2: {  	[tilespmem:v11+s13+$0x0] =	vst.idx.msk vm0, v13  }
0xb3: {  	v10 =	vld [tilespmem:s21+$0xFFFFFD00]  }
0xb4: {  	v11 =	vld [tilespmem:s21+$0xFFFFFD80]  }
0xb5: {  	v12 =	vld [tilespmem:s21+$0xFFFFFD10]  }
0xb6: {  	v13 =	vld [tilespmem:s21+$0xFFFFFD90]  }
0xb7: {  	v48 =	vld [tilespmem:s21+$0xFFFFFD20]  }
0xb8: {  	v49 =	vld [tilespmem:s21+$0xFFFFFDA0];
	_ =	sdelay $0x1  }
0xb9: {  	v50 =	vld [tilespmem:s21+$0xFFFFFD30]  }
0xba: {  	v10 =	vmul.f32 v11, v10;
	v11 =	vld [tilespmem:s21+$0xFFFFFDB0]  }
0xbb: {  	v12 =	vmul.f32 v13, v12  }
0xbc: {  	v14 =	vmul.f32 v49, v48  }
0xbd: {  	v51 =	vmul.f32 v10, v0;
	v52 =	vmul.f32 v12, v1  }
0xbe: {  	v10 =	vmul.f32 v10, v4;
	v12 =	vmul.f32 v12, v5  }
0xbf: {  	v53 =	vmul.f32 v14, v2;
	v13 =	vadd.f32 v52, v51;
	v11 =	vmul.f32 v11, v50  }
0xc0: {  	v54 =	vmul.f32 v14, v6;
	v10 =	vadd.f32 v12, v10  }
0xc1: {  	v13 =	vadd.f32 v53, v13;
	v55 =	vmul.f32 v11, v3  }
0xc2: {  	v10 =	vadd.f32 v54, v10;
	v11 =	vmul.f32 v11, v7  }
0xc3: {  	v56 =	vadd.f32 v55, v13  }
0xc4: {  	v10 =	vadd.f32 v11, v10  }
0xc5: {  	(xrf2) =	vadd.scan.msk.f32 $0xffff, v56  }
0xc6: {  	(xrf2) =	vadd.scan.msk.f32 $0xffff, v10;
	_ =	sdelay $0x5  }
0xc7: {  	s29 =	sadd.s32 $0x5, s22  }
0xc8: {  	v10 =	vmov s29  }
0xc9: {  	v11 =	vor.u32 $0x200, v10  }
0xca: {  	v12, _, _ =	vpop (xrf2)  }
0xcb: {  	v12 =	vadd.f32 v12, v8;
	v57, _, _ =	vpop (xrf2)  }
0xcc: {  	v13 =	vadd.f32 v57, v9  }
0xcd: {  	[tilespmem:v10+s13+$0x0] =	vst.idx.msk vm0, v12  }
0xce: {  	[tilespmem:v11+s13+$0x0] =	vst.idx.msk vm0, v13  }
0xcf: {  	v10 =	vld [tilespmem:s21+$0xFFFFFE00]  }
0xd0: {  	v11 =	vld [tilespmem:s21+$0xFFFFFE80]  }
0xd1: {  	v12 =	vld [tilespmem:s21+$0xFFFFFE10]  }
0xd2: {  	v13 =	vld [tilespmem:s21+$0xFFFFFE90]  }
0xd3: {  	v58 =	vld [tilespmem:s21+$0xFFFFFE20]  }
0xd4: {  	v59 =	vld [tilespmem:s21+$0xFFFFFEA0];
	_ =	sdelay $0x1  }
0xd5: {  	v60 =	vld [tilespmem:s21+$0xFFFFFE30]  }
0xd6: {  	v10 =	vmul.f32 v11, v10;
	v11 =	vld [tilespmem:s21+$0xFFFFFEB0]  }
0xd7: {  	v12 =	vmul.f32 v13, v12  }
0xd8: {  	v14 =	vmul.f32 v59, v58  }
0xd9: {  	v61 =	vmul.f32 v10, v0;
	v62 =	vmul.f32 v12, v1  }
0xda: {  	v10 =	vmul.f32 v10, v4;
	v12 =	vmul.f32 v12, v5  }
0xdb: {  	v63 =	vmul.f32 v14, v2;
	v13 =	vadd.f32 v62, v61;
	v11 =	vmul.f32 v11, v60  }
0xdc: {  	v16 =	vmul.f32 v14, v6;
	v10 =	vadd.f32 v12, v10  }
0xdd: {  	v13 =	vadd.f32 v63, v13;
	v17 =	vmul.f32 v11, v3  }
0xde: {  	v10 =	vadd.f32 v16, v10;
	v11 =	vmul.f32 v11, v7  }
0xdf: {  	v18 =	vadd.f32 v17, v13  }
0xe0: {  	v10 =	vadd.f32 v11, v10  }
0xe1: {  	(xrf2) =	vadd.scan.msk.f32 $0xffff, v18  }
0xe2: {  	(xrf2) =	vadd.scan.msk.f32 $0xffff, v10;
	_ =	sdelay $0x5  }
0xe3: {  	s30 =	sadd.s32 $0x6, s22  }
0xe4: {  	v10 =	vmov s30  }
0xe5: {  	v11 =	vor.u32 $0x200, v10  }
0xe6: {  	v12, _, _ =	vpop (xrf2)  }
0xe7: {  	v12 =	vadd.f32 v12, v8;
	v19, _, _ =	vpop (xrf2)  }
0xe8: {  	v13 =	vadd.f32 v19, v9  }
0xe9: {  	[tilespmem:v10+s13+$0x0] =	vst.idx.msk vm0, v12  }
0xea: {  	[tilespmem:v11+s13+$0x0] =	vst.idx.msk vm0, v13  }
0xeb: {  	v10 =	vld [tilespmem:s21+$0xFFFFFF00]  }
0xec: {  	v11 =	vld [tilespmem:s21+$0xFFFFFF80]  }
0xed: {  	v12 =	vld [tilespmem:s21+$0xFFFFFF10]  }
0xee: {  	v13 =	vld [tilespmem:s21+$0xFFFFFF90]  }
0xef: {  	v20 =	vld [tilespmem:s21+$0xFFFFFF20]  }
0xf0: {  	v21 =	vld [tilespmem:s21+$0xFFFFFFA0];
	_ =	sdelay $0x1  }
0xf1: {  	v22 =	vld [tilespmem:s21+$0xFFFFFF30]  }
0xf2: {  	v10 =	vmul.f32 v11, v10;
	v11 =	vld [tilespmem:s21+$0xFFFFFFB0]  }
0xf3: {  	v12 =	vmul.f32 v13, v12  }
0xf4: {  	v14 =	vmul.f32 v21, v20  }
0xf5: {  	v23 =	vmul.f32 v10, v0;
	v24 =	vmul.f32 v12, v1  }
0xf6: {  	v10 =	vmul.f32 v10, v4;
	v12 =	vmul.f32 v12, v5  }
0xf7: {  	v25 =	vmul.f32 v14, v2;
	v13 =	vadd.f32 v24, v23;
	v11 =	vmul.f32 v11, v22  }
0xf8: {  	v26 =	vmul.f32 v14, v6;
	v10 =	vadd.f32 v12, v10  }
0xf9: {  	v13 =	vadd.f32 v25, v13;
	v27 =	vmul.f32 v11, v3  }
0xfa: {  	v10 =	vadd.f32 v26, v10;
	v11 =	vmul.f32 v11, v7  }
0xfb: {  	v28 =	vadd.f32 v27, v13  }
0xfc: {  	v10 =	vadd.f32 v11, v10  }
0xfd: {  	(xrf2) =	vadd.scan.msk.f32 $0xffff, v28  }
0xfe: {  	(xrf2) =	vadd.scan.msk.f32 $0xffff, v10;
	_ =	sdelay $0x5  }
0xff: {  	s31 =	sadd.s32 $0x7, s22  }
0x100: {  	v10 =	vmov s31  }
0x101: {  	v11 =	vor.u32 $0x200, v10  }
0x102: {  	v12, _, _ =	vpop (xrf2)  }
0x103: {  	v12 =	vadd.f32 v12, v8;
	v29, _, _ =	vpop (xrf2)  }
0x104: {  	v13 =	vadd.f32 v29, v9  }
0x105: {  	[tilespmem:v10+s13+$0x0] =	vst.idx.msk vm0, v12  }
0x106: {  	[tilespmem:v11+s13+$0x0] =	vst.idx.msk vm0, v13  }
0x107: {  	v10 =	vld [tilespmem:s21+$0x0]  }
0x108: {  	v11 =	vld [tilespmem:s21+$0x80]  }
0x109: {  	v12 =	vld [tilespmem:s21+$0x10]  }
0x10a: {  	v13 =	vld [tilespmem:s21+$0x90]  }
0x10b: {  	v30 =	vld [tilespmem:s21+$0x20]  }
0x10c: {  	v31 =	vld [tilespmem:s21+$0xA0];
	_ =	sdelay $0x1  }
0x10d: {  	v32 =	vld [tilespmem:s21+$0x30]  }
0x10e: {  	v10 =	vmul.f32 v11, v10;
	v11 =	vld [tilespmem:s21+$0xB0]  }
0x10f: {  	v12 =	vmul.f32 v13, v12  }
0x110: {  	v14 =	vmul.f32 v31, v30  }
0x111: {  	v33 =	vmul.f32 v10, v0;
	v34 =	vmul.f32 v12, v1  }
0x112: {  	v10 =	vmul.f32 v10, v4;
	v12 =	vmul.f32 v12, v5  }
0x113: {  	v35 =	vmul.f32 v14, v2;
	v13 =	vadd.f32 v34, v33;
	v11 =	vmul.f32 v11, v32  }
0x114: {  	v36 =	vmul.f32 v14, v6;
	v10 =	vadd.f32 v12, v10  }
0x115: {  	v13 =	vadd.f32 v35, v13;
	v37 =	vmul.f32 v11, v3  }
0x116: {  	v10 =	vadd.f32 v36, v10;
	v11 =	vmul.f32 v11, v7  }
0x117: {  	v38 =	vadd.f32 v37, v13  }
0x118: {  	v10 =	vadd.f32 v11, v10  }
0x119: {  	(xrf2) =	vadd.scan.msk.f32 $0xffff, v38  }
0x11a: {  	(xrf2) =	vadd.scan.msk.f32 $0xffff, v10;
	_ =	sdelay $0x5  }
0x11b: {  	s24 =	sadd.s32 $0x8, s22  }
0x11c: {  	v10 =	vmov s24  }
0x11d: {  	v11 =	vor.u32 $0x200, v10  }
0x11e: {  	v12, _, _ =	vpop (xrf2)  }
0x11f: {  	v12 =	vadd.f32 v12, v8;
	v39, _, _ =	vpop (xrf2)  }
0x120: {  	v13 =	vadd.f32 v39, v9  }
0x121: {  	[tilespmem:v10+s13+$0x0] =	vst.idx.msk vm0, v12  }
0x122: {  	[tilespmem:v11+s13+$0x0] =	vst.idx.msk vm0, v13  }
0x123: {  	v10 =	vld [tilespmem:s21+$0x100]  }
0x124: {  	v11 =	vld [tilespmem:s21+$0x180]  }
0x125: {  	v12 =	vld [tilespmem:s21+$0x110]  }
0x126: {  	v13 =	vld [tilespmem:s21+$0x190]  }
0x127: {  	v40 =	vld [tilespmem:s21+$0x120]  }
0x128: {  	v41 =	vld [tilespmem:s21+$0x1A0];
	_ =	sdelay $0x1  }
0x129: {  	v42 =	vld [tilespmem:s21+$0x130]  }
0x12a: {  	v10 =	vmul.f32 v11, v10;
	v11 =	vld [tilespmem:s21+$0x1B0]  }
0x12b: {  	v12 =	vmul.f32 v13, v12  }
0x12c: {  	v14 =	vmul.f32 v41, v40  }
0x12d: {  	v43 =	vmul.f32 v10, v0;
	v44 =	vmul.f32 v12, v1  }
0x12e: {  	v10 =	vmul.f32 v10, v4;
	v12 =	vmul.f32 v12, v5  }
0x12f: {  	v45 =	vmul.f32 v14, v2;
	v13 =	vadd.f32 v44, v43;
	v11 =	vmul.f32 v11, v42  }
0x130: {  	v46 =	vmul.f32 v14, v6;
	v10 =	vadd.f32 v12, v10  }
0x131: {  	v13 =	vadd.f32 v45, v13;
	v47 =	vmul.f32 v11, v3  }
0x132: {  	v10 =	vadd.f32 v46, v10;
	v11 =	vmul.f32 v11, v7  }
0x133: {  	v48 =	vadd.f32 v47, v13  }
0x134: {  	v10 =	vadd.f32 v11, v10  }
0x135: {  	(xrf2) =	vadd.scan.msk.f32 $0xffff, v48  }
0x136: {  	(xrf2) =	vadd.scan.msk.f32 $0xffff, v10;
	_ =	sdelay $0x5  }
0x137: {  	s25 =	sadd.s32 $0x9, s22  }
0x138: {  	v10 =	vmov s25  }
0x139: {  	v11 =	vor.u32 $0x200, v10  }
0x13a: {  	v12, _, _ =	vpop (xrf2)  }
0x13b: {  	v12 =	vadd.f32 v12, v8;
	v49, _, _ =	vpop (xrf2)  }
0x13c: {  	v13 =	vadd.f32 v49, v9  }
0x13d: {  	[tilespmem:v10+s13+$0x0] =	vst.idx.msk vm0, v12  }
0x13e: {  	[tilespmem:v11+s13+$0x0] =	vst.idx.msk vm0, v13  }
0x13f: {  	v10 =	vld [tilespmem:s21+$0x200]  }
0x140: {  	v11 =	vld [tilespmem:s21+$0x280]  }
0x141: {  	v12 =	vld [tilespmem:s21+$0x210]  }
0x142: {  	v13 =	vld [tilespmem:s21+$0x290]  }
0x143: {  	v50 =	vld [tilespmem:s21+$0x220]  }
0x144: {  	v51 =	vld [tilespmem:s21+$0x2A0];
	_ =	sdelay $0x1  }
0x145: {  	v52 =	vld [tilespmem:s21+$0x230]  }
0x146: {  	v10 =	vmul.f32 v11, v10;
	v11 =	vld [tilespmem:s21+$0x2B0]  }
0x147: {  	v12 =	vmul.f32 v13, v12  }
0x148: {  	v14 =	vmul.f32 v51, v50  }
0x149: {  	v53 =	vmul.f32 v10, v0;
	v54 =	vmul.f32 v12, v1  }
0x14a: {  	v10 =	vmul.f32 v10, v4;
	v12 =	vmul.f32 v12, v5  }
0x14b: {  	v55 =	vmul.f32 v14, v2;
	v13 =	vadd.f32 v54, v53;
	v11 =	vmul.f32 v11, v52  }
0x14c: {  	v56 =	vmul.f32 v14, v6;
	v10 =	vadd.f32 v12, v10  }
0x14d: {  	v13 =	vadd.f32 v55, v13;
	v57 =	vmul.f32 v11, v3  }
0x14e: {  	v10 =	vadd.f32 v56, v10;
	v11 =	vmul.f32 v11, v7  }
0x14f: {  	v58 =	vadd.f32 v57, v13  }
0x150: {  	v10 =	vadd.f32 v11, v10  }
0x151: {  	(xrf2) =	vadd.scan.msk.f32 $0xffff, v58  }
0x152: {  	(xrf2) =	vadd.scan.msk.f32 $0xffff, v10;
	_ =	sdelay $0x5  }
0x153: {  	s26 =	sadd.s32 $0xA, s22  }
0x154: {  	v10 =	vmov s26  }
0x155: {  	v11 =	vor.u32 $0x200, v10  }
0x156: {  	v12, _, _ =	vpop (xrf2)  }
0x157: {  	v12 =	vadd.f32 v12, v8;
	v59, _, _ =	vpop (xrf2)  }
0x158: {  	v13 =	vadd.f32 v59, v9  }
0x159: {  	[tilespmem:v10+s13+$0x0] =	vst.idx.msk vm0, v12  }
0x15a: {  	[tilespmem:v11+s13+$0x0] =	vst.idx.msk vm0, v13  }
0x15b: {  	v10 =	vld [tilespmem:s21+$0x300]  }
0x15c: {  	v11 =	vld [tilespmem:s21+$0x380]  }
0x15d: {  	v12 =	vld [tilespmem:s21+$0x310]  }
0x15e: {  	v13 =	vld [tilespmem:s21+$0x390]  }
0x15f: {  	v60 =	vld [tilespmem:s21+$0x320]  }
0x160: {  	v61 =	vld [tilespmem:s21+$0x3A0];
	_ =	sdelay $0x1  }
0x161: {  	v62 =	vld [tilespmem:s21+$0x330]  }
0x162: {  	v10 =	vmul.f32 v11, v10;
	v11 =	vld [tilespmem:s21+$0x3B0]  }
0x163: {  	v12 =	vmul.f32 v13, v12  }
0x164: {  	v14 =	vmul.f32 v61, v60  }
0x165: {  	v63 =	vmul.f32 v10, v0;
	v18 =	vmul.f32 v12, v1  }
0x166: {  	v10 =	vmul.f32 v10, v4;
	v12 =	vmul.f32 v12, v5  }
0x167: {  	v19 =	vmul.f32 v14, v2;
	v13 =	vadd.f32 v18, v63;
	v11 =	vmul.f32 v11, v62  }
0x168: {  	v20 =	vmul.f32 v14, v6;
	v10 =	vadd.f32 v12, v10  }
0x169: {  	v13 =	vadd.f32 v19, v13;
	v21 =	vmul.f32 v11, v3  }
0x16a: {  	v10 =	vadd.f32 v20, v10;
	v11 =	vmul.f32 v11, v7  }
0x16b: {  	v22 =	vadd.f32 v21, v13  }
0x16c: {  	v10 =	vadd.f32 v11, v10  }
0x16d: {  	(xrf2) =	vadd.scan.msk.f32 $0xffff, v22  }
0x16e: {  	(xrf2) =	vadd.scan.msk.f32 $0xffff, v10;
	_ =	sdelay $0x5  }
0x16f: {  	s28 =	sadd.s32 $0xB, s22  }
0x170: {  	v10 =	vmov s28  }
0x171: {  	v11 =	vor.u32 $0x200, v10  }
0x172: {  	v12, _, _ =	vpop (xrf2)  }
0x173: {  	v12 =	vadd.f32 v12, v8;
	v23, _, _ =	vpop (xrf2)  }
0x174: {  	v13 =	vadd.f32 v23, v9  }
0x175: {  	[tilespmem:v10+s13+$0x0] =	vst.idx.msk vm0, v12  }
0x176: {  	[tilespmem:v11+s13+$0x0] =	vst.idx.msk vm0, v13  }
0x177: {  	v10 =	vld [tilespmem:s21+$0x400]  }
0x178: {  	v11 =	vld [tilespmem:s21+$0x480]  }
0x179: {  	v12 =	vld [tilespmem:s21+$0x410]  }
0x17a: {  	v13 =	vld [tilespmem:s21+$0x490]  }
0x17b: {  	v24 =	vld [tilespmem:s21+$0x420]  }
0x17c: {  	v25 =	vld [tilespmem:s21+$0x4A0];
	_ =	sdelay $0x1  }
0x17d: {  	v26 =	vld [tilespmem:s21+$0x430]  }
0x17e: {  	v10 =	vmul.f32 v11, v10;
	v11 =	vld [tilespmem:s21+$0x4B0]  }
0x17f: {  	v12 =	vmul.f32 v13, v12  }
0x180: {  	v14 =	vmul.f32 v25, v24  }
0x181: {  	v27 =	vmul.f32 v10, v0;
	v28 =	vmul.f32 v12, v1  }
0x182: {  	v10 =	vmul.f32 v10, v4;
	v12 =	vmul.f32 v12, v5  }
0x183: {  	v29 =	vmul.f32 v14, v2;
	v13 =	vadd.f32 v28, v27;
	v11 =	vmul.f32 v11, v26  }
0x184: {  	v30 =	vmul.f32 v14, v6;
	v10 =	vadd.f32 v12, v10  }
0x185: {  	v13 =	vadd.f32 v29, v13;
	v31 =	vmul.f32 v11, v3  }
0x186: {  	v10 =	vadd.f32 v30, v10;
	v11 =	vmul.f32 v11, v7  }
0x187: {  	v32 =	vadd.f32 v31, v13  }
0x188: {  	v10 =	vadd.f32 v11, v10  }
0x189: {  	(xrf2) =	vadd.scan.msk.f32 $0xffff, v32  }
0x18a: {  	(xrf2) =	vadd.scan.msk.f32 $0xffff, v10;
	_ =	sdelay $0x5  }
0x18b: {  	s29 =	sadd.s32 $0xC, s22  }
0x18c: {  	v10 =	vmov s29  }
0x18d: {  	v11 =	vor.u32 $0x200, v10  }
0x18e: {  	v12, _, _ =	vpop (xrf2)  }
0x18f: {  	v12 =	vadd.f32 v12, v8;
	v33, _, _ =	vpop (xrf2)  }
0x190: {  	v13 =	vadd.f32 v33, v9  }
0x191: {  	[tilespmem:v10+s13+$0x0] =	vst.idx.msk vm0, v12  }
0x192: {  	[tilespmem:v11+s13+$0x0] =	vst.idx.msk vm0, v13  }
0x193: {  	v10 =	vld [tilespmem:s21+$0x500]  }
0x194: {  	v11 =	vld [tilespmem:s21+$0x580]  }
0x195: {  	v12 =	vld [tilespmem:s21+$0x510]  }
0x196: {  	v13 =	vld [tilespmem:s21+$0x590]  }
0x197: {  	v34 =	vld [tilespmem:s21+$0x520]  }
0x198: {  	v35 =	vld [tilespmem:s21+$0x5A0];
	_ =	sdelay $0x1  }
0x199: {  	v36 =	vld [tilespmem:s21+$0x530]  }
0x19a: {  	v10 =	vmul.f32 v11, v10;
	v11 =	vld [tilespmem:s21+$0x5B0]  }
0x19b: {  	v12 =	vmul.f32 v13, v12  }
0x19c: {  	v14 =	vmul.f32 v35, v34  }
0x19d: {  	v37 =	vmul.f32 v10, v0;
	v38 =	vmul.f32 v12, v1  }
0x19e: {  	v10 =	vmul.f32 v10, v4;
	v12 =	vmul.f32 v12, v5  }
0x19f: {  	v39 =	vmul.f32 v14, v2;
	v13 =	vadd.f32 v38, v37;
	v11 =	vmul.f32 v11, v36  }
0x1a0: {  	v40 =	vmul.f32 v14, v6;
	v10 =	vadd.f32 v12, v10  }
0x1a1: {  	v13 =	vadd.f32 v39, v13;
	v41 =	vmul.f32 v11, v3  }
0x1a2: {  	v10 =	vadd.f32 v40, v10;
	v11 =	vmul.f32 v11, v7  }
0x1a3: {  	v42 =	vadd.f32 v41, v13  }
0x1a4: {  	v10 =	vadd.f32 v11, v10  }
0x1a5: {  	(xrf2) =	vadd.scan.msk.f32 $0xffff, v42  }
0x1a6: {  	(xrf2) =	vadd.scan.msk.f32 $0xffff, v10;
	_ =	sdelay $0x5  }
0x1a7: {  	s30 =	sadd.s32 $0xD, s22  }
0x1a8: {  	v10 =	vmov s30  }
0x1a9: {  	v11 =	vor.u32 $0x200, v10  }
0x1aa: {  	v12, _, _ =	vpop (xrf2)  }
0x1ab: {  	v12 =	vadd.f32 v12, v8;
	v43, _, _ =	vpop (xrf2)  }
0x1ac: {  	v13 =	vadd.f32 v43, v9  }
0x1ad: {  	[tilespmem:v10+s13+$0x0] =	vst.idx.msk vm0, v12  }
0x1ae: {  	[tilespmem:v11+s13+$0x0] =	vst.idx.msk vm0, v13  }
0x1af: {  	v10 =	vld [tilespmem:s21+$0x600]  }
0x1b0: {  	v11 =	vld [tilespmem:s21+$0x680]  }
0x1b1: {  	v12 =	vld [tilespmem:s21+$0x610]  }
0x1b2: {  	v13 =	vld [tilespmem:s21+$0x690]  }
0x1b3: {  	v44 =	vld [tilespmem:s21+$0x620]  }
0x1b4: {  	v45 =	vld [tilespmem:s21+$0x6A0];
	_ =	sdelay $0x1  }
0x1b5: {  	v46 =	vld [tilespmem:s21+$0x630]  }
0x1b6: {  	v10 =	vmul.f32 v11, v10;
	v11 =	vld [tilespmem:s21+$0x6B0]  }
0x1b7: {  	v12 =	vmul.f32 v13, v12  }
0x1b8: {  	v14 =	vmul.f32 v45, v44  }
0x1b9: {  	v47 =	vmul.f32 v10, v0;
	v48 =	vmul.f32 v12, v1  }
0x1ba: {  	v10 =	vmul.f32 v10, v4;
	v12 =	vmul.f32 v12, v5  }
0x1bb: {  	v49 =	vmul.f32 v14, v2;
	v13 =	vadd.f32 v48, v47;
	v11 =	vmul.f32 v11, v46  }
0x1bc: {  	v50 =	vmul.f32 v14, v6;
	v10 =	vadd.f32 v12, v10  }
0x1bd: {  	v13 =	vadd.f32 v49, v13;
	v51 =	vmul.f32 v11, v3  }
0x1be: {  	v10 =	vadd.f32 v50, v10;
	v11 =	vmul.f32 v11, v7  }
0x1bf: {  	v52 =	vadd.f32 v51, v13  }
0x1c0: {  	v10 =	vadd.f32 v11, v10  }
0x1c1: {  	(xrf2) =	vadd.scan.msk.f32 $0xffff, v52  }
0x1c2: {  	(xrf2) =	vadd.scan.msk.f32 $0xffff, v10;
	_ =	sdelay $0x5  }
0x1c3: {  	s31 =	sadd.s32 $0xE, s22  }
0x1c4: {  	v10 =	vmov s31  }
0x1c5: {  	v11 =	vor.u32 $0x200, v10  }
0x1c6: {  	v12, _, _ =	vpop (xrf2)  }
0x1c7: {  	v12 =	vadd.f32 v12, v8;
	v53, _, _ =	vpop (xrf2)  }
0x1c8: {  	v13 =	vadd.f32 v53, v9  }
0x1c9: {  	[tilespmem:v10+s13+$0x0] =	vst.idx.msk vm0, v12  }
0x1ca: {  	[tilespmem:v11+s13+$0x0] =	vst.idx.msk vm0, v13  }
0x1cb: {  	v10 =	vld [tilespmem:s21+$0x700]  }
0x1cc: {  	v11 =	vld [tilespmem:s21+$0x780]  }
0x1cd: {  	v12 =	vld [tilespmem:s21+$0x710]  }
0x1ce: {  	v13 =	vld [tilespmem:s21+$0x790]  }
0x1cf: {  	v54 =	vld [tilespmem:s21+$0x720]  }
0x1d0: {  	v55 =	vld [tilespmem:s21+$0x7A0];
	_ =	sdelay $0x1  }
0x1d1: {  	v56 =	vld [tilespmem:s21+$0x730]  }
0x1d2: {  	v10 =	vmul.f32 v11, v10;
	v11 =	vld [tilespmem:s21+$0x7B0]  }
0x1d3: {  	v12 =	vmul.f32 v13, v12  }
0x1d4: {  	v14 =	vmul.f32 v55, v54  }
0x1d5: {  	v57 =	vmul.f32 v10, v0;
	v58 =	vmul.f32 v12, v1  }
0x1d6: {  	v10 =	vmul.f32 v10, v4;
	v12 =	vmul.f32 v12, v5  }
0x1d7: {  	v59 =	vmul.f32 v14, v2;
	v13 =	vadd.f32 v58, v57;
	v11 =	vmul.f32 v11, v56  }
0x1d8: {  	v60 =	vmul.f32 v14, v6;
	v10 =	vadd.f32 v12, v10  }
0x1d9: {  	v13 =	vadd.f32 v59, v13;
	v61 =	vmul.f32 v11, v3  }
0x1da: {  	v10 =	vadd.f32 v60, v10;
	v11 =	vmul.f32 v11, v7  }
0x1db: {  	v62 =	vadd.f32 v61, v13  }
0x1dc: {  	v10 =	vadd.f32 v11, v10  }
0x1dd: {  	(xrf2) =	vadd.scan.msk.f32 $0xffff, v62  }
0x1de: {  	(xrf2) =	vadd.scan.msk.f32 $0xffff, v10;
	_ =	sdelay $0x5  }
0x1df: {  	s22 =	sadd.s32 $0xF, s22  }
0x1e0: {  	v10 =	vmov s22  }
0x1e1: {  	p1 =	seq.s32 s20, $0x70;
	v11 =	vor.u32 $0x200, v10  }
.Ltmp0:
0x1e2: {  	v12, _, _ =	vpop (xrf2);
	(pc) =	sbr.rel @!p1 .LBB2_4-.Ltmp0, $4  }
0x1e3: {  	v12 =	vadd.f32 v12, v8;
	v63, _, _ =	vpop (xrf2)  }
0x1e4: {  	v13 =	vadd.f32 v63, v9  }
0x1e5: {  	[tilespmem:v10+s13+$0x0] =	vst.idx.msk vm0, v12  }
0x1e6: {  	s20 =	sadd.s32 $0x10, s20;
	s21 =	sadd.s32 $0x1000, s21;
	[tilespmem:v11+s13+$0x0] =	vst.idx.msk vm0, v13  }
0x1e7: {  	p1 =	seq.s32 s19, $0x4  }
.Ltmp1:
0x1e8: {  	_ = 	snop;
	(pc) =	sbr.rel @!p1 .LBB2_3-.Ltmp1, $2  }
0x1e9: {  	_ =	sdelay $0x2  }
0x1ea: {  	s18 =	sadd.s32 $0x80, s18;
	p0 =	por !p0, !p0  }
0x1eb: {  	_ =	swait.ge [sflag:s12], $0x8000  }
0x1ec: {  	[sflag:s12] =	ssyncset.done $0x0  }
0x1ed: {  	[sflag:s12] =	ssyncadd.s32 $0xFFFF8000  }
0x1ee: {  	[hbm4b:s5+s14] =	stream.strided.scatter [tilespmem:s13], [sflag:$0x2], $0x200, s15, s14, $0x38;
	[tilespmem:$0x10580] =	vst v63  }
0x1ef: {  	s17 =	sadd.s32 $0x1, s17;
	_ =	swait.ge [sflag:s10], $0x200  }
0x1f0: {  	p0 =	sne.s32 s17, s8;
	[sflag:s10] =	ssyncset.done $0x0  }
.Ltmp2:
0x1f1: {  	[sflag:s10] =	ssyncadd.s32 $0xFFFFFE00;
	(pc) =	sbr.rel @p0 .LBB2_1-.Ltmp2, $4  }
0x1f2: {  	[hbm4b:s7+s14] =	stream.strided.scatter [tilespmem:s16], [sflag:$0x2], $0x200, s15, s14, $0x38;
	[tilespmem:$0x10580] =	vst v63  }
0x1f3: {  	_ =	swait.ge [sflag:s10], $0x200  }
0x1f4: {  	[sflag:s10] =	ssyncset.done $0x0  }
0x1f5: {  	[sflag:s10] =	ssyncadd.s32 $0xFFFFFE00  }
0x1f6: {  	_ =	sfence.sel $0x180000  }
0x1f7: {  	[bflag:$0x0] =	sbarrier.arrive $0xFFFF  }
0x1f8: {  	p0 =	sne.s32 s1, $0x0;
	_ =	strace $0x9000004A  }
0x1f9: {  	s0 =	sadd.s32 @!p0 $0x100000, s0;
	[bflag:$0x2] =	sbarrier.arrive $0xFFFF  }
0x1fa: {  	[sflag:s0] =	ssyncadd.tile.s32 @!p0 $0x1;
	_ =	shalt  }
.Lfunc_end2:
_tile_overlayer_lowered:
.L_overlay_start_2:
0x1fb: {  	(tag) =	ssettag $0x2  }
0x1fc: {  	s0 =	rddreg [dreg:$0x0];
	s2 =	stileid.u32  }
0x1fd: {  	s1 =	rddreg [dreg:$0x1];
	p0 =	sne.s32 s2, $0x0  }
0x1fe: {  	s3 =	rddreg [dreg:$0x2];
	[bflag:$0x3] =	sbarrier.arrive $0xFFFF;
	s2 =	simm.s32 @!p0 $0x1C02  }
0x1ff: {  	[timem:s3], [sflag:s2] =	dma.local @!p0 [hbm:s0], s1  }
0x200: {  	s0 =	simm.s32 @!p0 $0x2  }
0x201: {  	_ =	swait.ge @!p0 [sflag:s0], s1  }
0x202: {  	s1 =	ssub.s32 @!p0 $0x0, s1;
	[sflag:s0] =	ssyncset.done @!p0 $0x0  }
0x203: {  	[sflag:s0] =	ssyncadd.s32 @!p0 s1  }
0x204: {  	[bflag:$0x3] =	sbarrier.arrive $0xFFFF  }
0x205: {  	_ =	shalt  }

</sc_bundles>
